<compile_context>
chip_gen: v7x
topology: tpu7x:2x2x1
jax: 0.10.2.dev20260603
libtpu: 0.0.44.dev20260713+nightly
codegen_flags: <defaults>
</compile_context>

<pallas_src>
import functools

import jax
import jax.numpy as jnp
from jax import lax
from jax.experimental import pallas as pl
from jax.experimental.pallas import tpu as pltpu
from jax.experimental.pallas import tpu_sc as plsc

N = 10000
E = 160000
D = 256
G = 64
EPS = 1e-5

NC = 2
NS = 16
CHUNK = 125
GRP = 40
ROWS_E = E // CHUNK
RPT_AGG = ROWS_E // NS
RPT_DEG = ROWS_E // (NC * NS)
NPT = 624
TAIL0 = NS * NPT
TAILN = N - TAIL0
DEGW = 128
DEGS = 8
HALF = D // 2
BR = 5000
NBLK = N // BR

_sc_mesh = plsc.VectorSubcoreMesh(
    core_axis_name="c", subcore_axis_name="s", num_cores=NC, num_subcores=NS)


def _part_copy(src, dst, s):
    r0 = s * NPT
    pltpu.sync_copy(src.at[pl.ds(r0, NPT)], dst.at[pl.ds(r0, NPT)])

    @pl.when(s == NS - 1)
    def _():
        pltpu.sync_copy(src.at[pl.ds(TAIL0, TAILN)], dst.at[pl.ds(TAIL0, TAILN)])



@functools.partial(
    pl.kernel,
    out_type=(jax.ShapeDtypeStruct((N, DEGW), jnp.float32),
              jax.ShapeDtypeStruct((N, DEGW), jnp.float32)),
    mesh=_sc_mesh,
    scratch_types=[
        pltpu.VMEM((RPT_DEG, CHUNK), jnp.int32),
        pltpu.VMEM((CHUNK, DEGW), jnp.float32),
        pltpu.VMEM_SHARED((N, DEGW), jnp.float32),
    ],
)
def _deg_kernel(dst_hbm, zeros_hbm, ones_hbm, out0, out1, idx_v, ones_v, acc):
    c = lax.axis_index("c")
    s = lax.axis_index("s")
    w = s * NC + c
    _part_copy(zeros_hbm, acc, s)
    pltpu.sync_copy(ones_hbm, ones_v)
    pltpu.sync_copy(dst_hbm.at[pl.ds(w * RPT_DEG, RPT_DEG)], idx_v)
    plsc.subcore_barrier()

    def body(j, carry):
        pltpu.sync_copy(ones_v, acc.at[idx_v.at[j]], add=True)
        return carry

    lax.fori_loop(0, RPT_DEG, body, 0)
    plsc.subcore_barrier()

    @pl.when(c == 0)
    def _():
        _part_copy(acc, out0, s)

    @pl.when(c == 1)
    def _():
        _part_copy(acc, out1, s)


@functools.partial(
    pl.kernel,
    out_type=(jax.ShapeDtypeStruct((N, HALF), jnp.float32),
              jax.ShapeDtypeStruct((N, HALF), jnp.float32)),
    mesh=_sc_mesh,
    scratch_types=[
        pltpu.VMEM((GRP, CHUNK), jnp.int32),
        pltpu.VMEM((GRP, CHUNK), jnp.int32),
        pltpu.VMEM((2, CHUNK, HALF), jnp.float32),
        pltpu.VMEM_SHARED((N, HALF), jnp.float32),
        pltpu.SemaphoreType.DMA,
        pltpu.SemaphoreType.DMA,
    ],
)
def _agg_kernel(hs0, hs1, src_hbm, dst_hbm, out0, out1,
                src_v, dst_v, rows_v, acc, sem0, sem1):
    c = lax.axis_index("c")
    s = lax.axis_index("s")
    e0 = s * RPT_AGG

    def _start(hs_ref):
        pltpu.sync_copy(src_hbm.at[pl.ds(e0, GRP)], src_v)
        pltpu.sync_copy(dst_hbm.at[pl.ds(e0, GRP)], dst_v)
        pltpu.async_copy(hs_ref.at[src_v.at[0]], rows_v.at[0], sem0)

    @pl.when(c == 0)
    def _():
        _start(hs0)
        _part_copy(hs0, acc, s)

    @pl.when(c == 1)
    def _():
        _start(hs1)
        _part_copy(hs1, acc, s)

    plsc.subcore_barrier()

    def _pipe(hs_ref):
        def group(g, carry):
            @pl.when(g > 0)
            def _():
                pltpu.sync_copy(src_hbm.at[pl.ds(e0 + g * GRP, GRP)], src_v)
                pltpu.sync_copy(dst_hbm.at[pl.ds(e0 + g * GRP, GRP)], dst_v)
                pltpu.async_copy(hs_ref.at[src_v.at[0]], rows_v.at[0], sem0)

            def pair(p, carry2):
                j = 2 * p
                pltpu.make_async_copy(
                    hs_ref.at[src_v.at[j]], rows_v.at[0], sem0).wait()
                pltpu.async_copy(hs_ref.at[src_v.at[j + 1]], rows_v.at[1], sem1)
                pltpu.sync_copy(rows_v.at[0], acc.at[dst_v.at[j]], add=True)

                pltpu.make_async_copy(
                    hs_ref.at[src_v.at[j + 1]], rows_v.at[1], sem1).wait()

                @pl.when(p < GRP // 2 - 1)
                def _():
                    pltpu.async_copy(
                        hs_ref.at[src_v.at[j + 2]], rows_v.at[0], sem0)

                pltpu.sync_copy(rows_v.at[1], acc.at[dst_v.at[j + 1]], add=True)
                return carry2

            lax.fori_loop(0, GRP // 2, pair, 0)
            return carry

        lax.fori_loop(0, RPT_AGG // GRP, group, 0)

    @pl.when(c == 0)
    def _():
        _pipe(hs0)

    @pl.when(c == 1)
    def _():
        _pipe(hs1)

    plsc.subcore_barrier()

    @pl.when(c == 0)
    def _():
        _part_copy(acc, out0, s)

    @pl.when(c == 1)
    def _():
        _part_copy(acc, out1, s)



def _dot(a, b):
    return jnp.dot(a, b, preferred_element_type=jnp.float32)


def _dinv_of(dA_ref, dB_ref):
    deg = dA_ref[:, :1] + dB_ref[:, :1] + 1.0
    return lax.rsqrt(deg)


def _mm1_body(x_ref, w_ref, dA_ref, dB_ref, o0_ref, o1_ref):
    dinv = _dinv_of(dA_ref, dB_ref)
    h = _dot(x_ref[...], w_ref[...])
    hs = h * dinv
    o0_ref[...] = hs[:, :HALF]
    o1_ref[...] = hs[:, HALF:]


def _mm1(x, W, dA, dB):
    return pl.pallas_call(
        _mm1_body,
        grid=(NBLK,),
        in_specs=[
            pl.BlockSpec((BR, D), lambda i: (i, 0)),
            pl.BlockSpec((D, D), lambda i: (0, 0)),
            pl.BlockSpec((BR, DEGS), lambda i: (i, 0)),
            pl.BlockSpec((BR, DEGS), lambda i: (i, 0)),
        ],
        out_specs=[pl.BlockSpec((BR, HALF), lambda i: (i, 0))] * 2,
        out_shape=[jax.ShapeDtypeStruct((N, HALF), jnp.float32)] * 2,
    )(x, W, dA, dB)


def _z_of(a0_ref, a1_ref, dinv, b_ref):
    z = jnp.concatenate([a0_ref[...], a1_ref[...]], axis=1)
    return z * dinv + b_ref[...]


def _stats_part(z):
    ps = jnp.sum(z, axis=0, keepdims=True)
    pss = jnp.sum(z * z, axis=0, keepdims=True)
    return jnp.concatenate([ps, pss, jnp.zeros((6, D), jnp.float32)], axis=0)


def _accum_stats(i, z, st_acc):
    @pl.when(i == 0)
    def _():
        st_acc[...] = _stats_part(z)

    @pl.when((i > 0) & (i < NBLK))
    def _():
        st_acc[...] += _stats_part(z)


def _bn_relu(z, g_ref, be_ref, st):
    m = st[0:1, :] * (1.0 / N)
    v = st[1:2, :] * (1.0 / N) - m * m
    return jnp.maximum(g_ref[...] * (z - m) * lax.rsqrt(v + EPS) + be_ref[...], 0.0)


def _mmn_body(a0_ref, a1_ref, dA_ref, dB_ref, b_ref, g_ref, be_ref,
              w_ref, o0_ref, o1_ref, st_acc):
    i = pl.program_id(0)
    dinv = _dinv_of(dA_ref, dB_ref)
    z = _z_of(a0_ref, a1_ref, dinv, b_ref)
    _accum_stats(i, z, st_acc)

    @pl.when(i >= NBLK)
    def _():
        y = _bn_relu(z, g_ref, be_ref, st_acc[...])
        h = _dot(y, w_ref[...])
        hs = h * dinv
        o0_ref[...] = hs[:, :HALF]
        o1_ref[...] = hs[:, HALF:]


def _mmn(a0, a1, dA, dB, b, g, be, W):
    return pl.pallas_call(
        _mmn_body,
        grid=(2 * NBLK,),
        in_specs=[
            pl.BlockSpec((BR, HALF), lambda i: (i % NBLK, 0)),
            pl.BlockSpec((BR, HALF), lambda i: (i % NBLK, 0)),
            pl.BlockSpec((BR, DEGS), lambda i: (i % NBLK, 0)),
            pl.BlockSpec((BR, DEGS), lambda i: (i % NBLK, 0)),
            pl.BlockSpec((1, D), lambda i: (0, 0)),
            pl.BlockSpec((1, D), lambda i: (0, 0)),
            pl.BlockSpec((1, D), lambda i: (0, 0)),
            pl.BlockSpec((D, D), lambda i: (0, 0)),
        ],
        out_specs=[pl.BlockSpec((BR, HALF), lambda i: (i % NBLK, 0))] * 2,
        out_shape=[jax.ShapeDtypeStruct((N, HALF), jnp.float32)] * 2,
        scratch_shapes=[pltpu.VMEM((8, D), jnp.float32)],
    )(a0, a1, dA, dB, b, g, be, W)


def _head_body(a0_ref, a1_ref, dA_ref, dB_ref, b_ref, g_ref, be_ref,
               bt_ref, wf1_ref, bf1_ref, wf2_ref, bf2_ref, o_ref,
               st_acc, pool_acc, cnt_acc):
    i = pl.program_id(0)
    dinv = _dinv_of(dA_ref, dB_ref)
    z = _z_of(a0_ref, a1_ref, dinv, b_ref)
    _accum_stats(i, z, st_acc)

    @pl.when(i >= NBLK)
    def _():
        y = _bn_relu(z, g_ref, be_ref, st_acc[...])
        bt = jnp.broadcast_to(bt_ref[...][0], (G, BR))
        oh = (bt == lax.broadcasted_iota(jnp.int32, (G, BR), 0)).astype(
            jnp.float32)
        pool_part = _dot(oh, y)
        cnt_part = jnp.broadcast_to(
            jnp.sum(oh, axis=1, keepdims=True), (G, DEGS))

        @pl.when(i == NBLK)
        def _():
            pool_acc[...] = pool_part
            cnt_acc[...] = cnt_part

        @pl.when(i > NBLK)
        def _():
            pool_acc[...] += pool_part
            cnt_acc[...] += cnt_part

        @pl.when(i == 2 * NBLK - 1)
        def _():
            p = pool_acc[...] / jnp.maximum(cnt_acc[:, :1], 1.0)
            q = jnp.maximum(_dot(p, wf1_ref[...]) + bf1_ref[...], 0.0)
            o_ref[...] = _dot(q, wf2_ref[...]) + bf2_ref[...]


def _head(a0, a1, dA, dB, b, g, be, bt3, Wf1, bf1, Wf2, bf2):
    return pl.pallas_call(
        _head_body,
        grid=(2 * NBLK,),
        in_specs=[
            pl.BlockSpec((BR, HALF), lambda i: (i % NBLK, 0)),
            pl.BlockSpec((BR, HALF), lambda i: (i % NBLK, 0)),
            pl.BlockSpec((BR, DEGS), lambda i: (i % NBLK, 0)),
            pl.BlockSpec((BR, DEGS), lambda i: (i % NBLK, 0)),
            pl.BlockSpec((1, D), lambda i: (0, 0)),
            pl.BlockSpec((1, D), lambda i: (0, 0)),
            pl.BlockSpec((1, D), lambda i: (0, 0)),
            pl.BlockSpec((1, 1, BR), lambda i: (i % NBLK, 0, 0)),
            pl.BlockSpec((D, D), lambda i: (0, 0)),
            pl.BlockSpec((1, D), lambda i: (0, 0)),
            pl.BlockSpec((D, 1), lambda i: (0, 0)),
            pl.BlockSpec((1, 1), lambda i: (0, 0)),
        ],
        out_specs=pl.BlockSpec((G, 1), lambda i: (0, 0)),
        out_shape=jax.ShapeDtypeStruct((G, 1), jnp.float32),
        scratch_shapes=[
            pltpu.VMEM((8, D), jnp.float32),
            pltpu.VMEM((G, D), jnp.float32),
            pltpu.VMEM((G, DEGS), jnp.float32),
        ],
    )(a0, a1, dA, dB, b, g, be, bt3, Wf1, bf1, Wf2, bf2)



def kernel(x, edge_index, batch, W1, b1, g1, be1, W2, b2, g2, be2,
           W3, b3, g3, be3, Wf1, bf1, Wf2, bf2):
    src2d = edge_index[0].reshape(ROWS_E, CHUNK)
    dst2d = edge_index[1].reshape(ROWS_E, CHUNK)
    zeros_nd = jnp.zeros((N, DEGW), jnp.float32)
    ones_cd = jnp.ones((CHUNK, DEGW), jnp.float32)
    bt3 = batch.reshape(NBLK, 1, BR)
    b1r, g1r, be1r = b1.reshape(1, D), g1.reshape(1, D), be1.reshape(1, D)
    b2r, g2r, be2r = b2.reshape(1, D), g2.reshape(1, D), be2.reshape(1, D)
    b3r, g3r, be3r = b3.reshape(1, D), g3.reshape(1, D), be3.reshape(1, D)

    dA, dB = _deg_kernel(dst2d, zeros_nd, ones_cd)
    dA, dB = dA[:, :DEGS], dB[:, :DEGS]

    hs0, hs1 = _mm1(x, W1, dA, dB)
    a0, a1 = _agg_kernel(hs0, hs1, src2d, dst2d)

    hs0, hs1 = _mmn(a0, a1, dA, dB, b1r, g1r, be1r, W2)
    a0, a1 = _agg_kernel(hs0, hs1, src2d, dst2d)

    hs0, hs1 = _mmn(a0, a1, dA, dB, b2r, g2r, be2r, W3)
    a0, a1 = _agg_kernel(hs0, hs1, src2d, dst2d)

    return _head(a0, a1, dA, dB, b3r, g3r, be3r, bt3,
                 Wf1, bf1.reshape(1, D), Wf2, bf2.reshape(1, 1))

# --- scband reference (transcript-rebuilt; emitter-appended) ---
"""Pipeline reference for scband-gnnmodel-1632087572495 (READ-ONLY COPY).

The authoritative reference and input builder live on the scoring server;
editing this copy changes nothing except your own understanding.
"""

import jax, jax.numpy as jnp
import numpy as np

N = 10000
E = 160000
D = 256
H = 256
G = 64
EPS = 1e-5


def setup_inputs(seed: int = 0) -> dict:
    key = jax.random.key(seed)
    ks = jax.random.split(key, 24)
    x = jax.random.normal(ks[0], (N, D), dtype=jnp.float32)
    edge_index = jax.random.randint(ks[1], (2, E), 0, N, dtype=jnp.int32)
    batch = jnp.sort(jax.random.randint(ks[2], (N,), 0, G, dtype=jnp.int32))
    def lin(k, fan_in, fan_out):
        s = 1.0 / np.sqrt(fan_in)
        return jax.random.uniform(k, (fan_in, fan_out), dtype=jnp.float32, minval=-s, maxval=s)
    inp = {
        'x': x, 'edge_index': edge_index, 'batch': batch,
        'W1': lin(ks[3], D, H), 'b1': jnp.zeros((H,), jnp.float32),
        'g1': jnp.ones((H,), jnp.float32), 'be1': jnp.zeros((H,), jnp.float32),
        'W2': lin(ks[4], H, H), 'b2': jnp.zeros((H,), jnp.float32),
        'g2': jnp.ones((H,), jnp.float32), 'be2': jnp.zeros((H,), jnp.float32),
        'W3': lin(ks[5], H, H), 'b3': jnp.zeros((H,), jnp.float32),
        'g3': jnp.ones((H,), jnp.float32), 'be3': jnp.zeros((H,), jnp.float32),
        'Wf1': lin(ks[6], H, H), 'bf1': jnp.zeros((H,), jnp.float32),
        'Wf2': lin(ks[7], H, 1), 'bf2': jnp.zeros((1,), jnp.float32),
    }
    return inp


def _gcn_conv(x, W, b, src, dst):
    # PyG GCNConv: linear transform, add self loops, symmetric normalization, sum-aggregate, bias
    h = x @ W
    n = x.shape[0]
    loop = jnp.arange(n, dtype=src.dtype)
    src2 = jnp.concatenate([src, loop])
    dst2 = jnp.concatenate([dst, loop])
    ones = jnp.ones_like(src2, dtype=jnp.float32)
    deg = jax.ops.segment_sum(ones, dst2, num_segments=n)
    dinv = jnp.where(deg > 0, 1.0 / jnp.sqrt(deg), 0.0)
    norm = dinv[src2] * dinv[dst2]
    msg = h[src2] * norm[:, None]
    out = jax.ops.segment_sum(msg, dst2, num_segments=n)
    return out + b


def _bn(x, g, be):
    # BatchNorm1d in training mode (batch statistics)
    m = jnp.mean(x, axis=0)
    v = jnp.var(x, axis=0)
    return g * (x - m) / jnp.sqrt(v + EPS) + be


def _global_mean_pool(x, batch, num_graphs):
    sums = jax.ops.segment_sum(x, batch, num_segments=num_graphs)
    cnt = jax.ops.segment_sum(jnp.ones((x.shape[0],), jnp.float32), batch, num_segments=num_graphs)
    return sums / jnp.clip(cnt, 1.0)[:, None]


def reference(x, edge_index, batch, W1, b1, g1, be1, W2, b2, g2, be2, W3, b3, g3, be3, Wf1, bf1, Wf2, bf2):
    src, dst = edge_index[0], edge_index[1]
    h = _gcn_conv(x, W1, b1, src, dst)
    h = jax.nn.relu(_bn(h, g1, be1))
    # dropout is identity in eval / deterministic reference
    h = _gcn_conv(h, W2, b2, src, dst)
    h = jax.nn.relu(_bn(h, g2, be2))
    h = _gcn_conv(h, W3, b3, src, dst)
    h = jax.nn.relu(_bn(h, g3, be3))
    p = _global_mean_pool(h, batch, G)
    p = jax.nn.relu(p @ Wf1 + bf1)
    out = p @ Wf2 + bf2
    return out

if __name__ == "__main__":
    import jax
    _d = setup_inputs()
    print(jax.jit(kernel)(*tuple(_d.values())))

</pallas_src>

<mosaic_0001>
#map = affine_map<(d0, d1) -> (0, 0)>
module attributes {stable_mosaic.version = 14 : i64} {
  func.func @_agg_kernel(%arg0: i32, %arg1: i32, %arg2: memref<10000x128xf32, #tpu.memory_space<hbm>>, %arg3: memref<10000x128xf32, #tpu.memory_space<hbm>>, %arg4: memref<1280x125xi32, #tpu.memory_space<hbm>>, %arg5: memref<1280x125xi32, #tpu.memory_space<hbm>>, %arg6: memref<10000x128xf32, #tpu.memory_space<hbm>>, %arg7: memref<10000x128xf32, #tpu.memory_space<hbm>>, %arg8: memref<40x125xi32, #tpu.memory_space<vmem>>, %arg9: memref<40x125xi32, #tpu.memory_space<vmem>>, %arg10: memref<2x125x128xf32, #tpu.memory_space<vmem>>, %arg11: memref<10000x128xf32, #tpu.memory_space<vmem_shared>>, %arg12: memref<!tpu.dma_semaphore, #tpu.memory_space<semaphore_mem>>, %arg13: memref<!tpu.dma_semaphore, #tpu.memory_space<semaphore_mem>>) attributes {dimension_semantics = [#tpu.dimension_semantics<core_parallel>, #tpu.dimension_semantics<subcore_parallel>], iteration_bounds = array<i64: 2, 16>, scalar_prefetch = 0 : i64, scratch_operands = 6 : i64, tpu.core_type = #tpu.core_type<sc_vector_subcore>, window_params = [{transform_indices = #map}, {transform_indices = #map}, {transform_indices = #map}, {transform_indices = #map}, {transform_indices = #map}, {transform_indices = #map}]} {
    %mul3A = arith.constant 80 : i32
    %mul3A_0 = arith.muli %arg1, %mul3A : i32
    %eq3A = arith.constant 0 : i32
    %eq3A_1 = arith.cmpi eq, %arg0, %eq3A : i32
    %convert_element_type3A = arith.extui %eq3A_1 : i1 to i32
    %cond3A = arith.constant 0 : i32
    %cond3A_2 = arith.cmpi ne, %convert_element_type3A, %cond3A : i32
    scf.if %cond3A_2 {
      "tpu.region"() ({
        %run_scoped3A = tpu.sem_alloc : memref<!tpu.dma_semaphore, #tpu.memory_space<semaphore_mem>>
        %dma_start3A_47 = arith.constant 0 : i32
        %dma_start3A_48 = tpu.memref_slice %arg4[%mul3A_0, %dma_start3A_47] : memref<1280x125xi32, #tpu.memory_space<hbm>> -> memref<40x125xi32, #tpu.memory_space<hbm>>
        %dma_start3A_49 = arith.constant 0 : i32
        %dma_start3A_50 = tpu.memref_slice %arg4[%mul3A_0, %dma_start3A_49] : memref<1280x125xi32, #tpu.memory_space<hbm>> -> memref<40x125xi32, #tpu.memory_space<hbm>>
        tpu.enqueue_dma source(%dma_start3A_50 : memref<40x125xi32, #tpu.memory_space<hbm>>) target(%arg8 : memref<40x125xi32, #tpu.memory_space<vmem>>) target_semaphore(%run_scoped3A : memref<!tpu.dma_semaphore, #tpu.memory_space<semaphore_mem>>)
        %dma_wait3A = arith.constant 0 : i32
        %dma_wait3A_51 = tpu.memref_slice %arg4[%mul3A_0, %dma_wait3A] : memref<1280x125xi32, #tpu.memory_space<hbm>> -> memref<40x125xi32, #tpu.memory_space<hbm>>
        %dma_wait3A_52 = arith.constant 0 : i32
        %dma_wait3A_53 = tpu.memref_slice %arg4[%mul3A_0, %dma_wait3A_52] : memref<1280x125xi32, #tpu.memory_space<hbm>> -> memref<40x125xi32, #tpu.memory_space<hbm>>
        tpu.wait_dma2 semaphore(%run_scoped3A : memref<!tpu.dma_semaphore, #tpu.memory_space<semaphore_mem>>) src(%dma_wait3A_53 : memref<40x125xi32, #tpu.memory_space<hbm>>) dst(%arg8 : memref<40x125xi32, #tpu.memory_space<vmem>>)
        tpu.yield
      }) : () -> ()
      "tpu.region"() ({
        %run_scoped3A = tpu.sem_alloc : memref<!tpu.dma_semaphore, #tpu.memory_space<semaphore_mem>>
        %dma_start3A_47 = arith.constant 0 : i32
        %dma_start3A_48 = tpu.memref_slice %arg5[%mul3A_0, %dma_start3A_47] : memref<1280x125xi32, #tpu.memory_space<hbm>> -> memref<40x125xi32, #tpu.memory_space<hbm>>
        %dma_start3A_49 = arith.constant 0 : i32
        %dma_start3A_50 = tpu.memref_slice %arg5[%mul3A_0, %dma_start3A_49] : memref<1280x125xi32, #tpu.memory_space<hbm>> -> memref<40x125xi32, #tpu.memory_space<hbm>>
        tpu.enqueue_dma source(%dma_start3A_50 : memref<40x125xi32, #tpu.memory_space<hbm>>) target(%arg9 : memref<40x125xi32, #tpu.memory_space<vmem>>) target_semaphore(%run_scoped3A : memref<!tpu.dma_semaphore, #tpu.memory_space<semaphore_mem>>)
        %dma_wait3A = arith.constant 0 : i32
        %dma_wait3A_51 = tpu.memref_slice %arg5[%mul3A_0, %dma_wait3A] : memref<1280x125xi32, #tpu.memory_space<hbm>> -> memref<40x125xi32, #tpu.memory_space<hbm>>
        %dma_wait3A_52 = arith.constant 0 : i32
        %dma_wait3A_53 = tpu.memref_slice %arg5[%mul3A_0, %dma_wait3A_52] : memref<1280x125xi32, #tpu.memory_space<hbm>> -> memref<40x125xi32, #tpu.memory_space<hbm>>
        tpu.wait_dma2 semaphore(%run_scoped3A : memref<!tpu.dma_semaphore, #tpu.memory_space<semaphore_mem>>) src(%dma_wait3A_53 : memref<40x125xi32, #tpu.memory_space<hbm>>) dst(%arg9 : memref<40x125xi32, #tpu.memory_space<vmem>>)
        tpu.yield
      }) : () -> ()
      %dma_start3A = arith.constant 0 : i32
      %dma_start3A_29 = arith.constant 0 : i32
      %dma_start3A_30 = arith.constant 0 : i32
      %dma_start3A_31 = arith.constant 0 : i32
      %dma_start3A_32 = tpu.memref_slice %arg10[%dma_start3A_29, %dma_start3A_30, %dma_start3A_31] : memref<2x125x128xf32, #tpu.memory_space<vmem>> -> memref<1x125x128xf32, #tpu.memory_space<vmem>>
      %dma_start3A_33 = tpu.memref_squeeze %dma_start3A_32 : memref<1x125x128xf32, #tpu.memory_space<vmem>> -> memref<125x128xf32, #tpu.memory_space<vmem>>
      %dma_start3A_34 = arith.constant 0 : i32
      %dma_start3A_35 = tpu.memref_slice %arg8[%dma_start3A, %dma_start3A_34] : memref<40x125xi32, #tpu.memory_space<vmem>> -> memref<1x125xi32, #tpu.memory_space<vmem>>
      %dma_start3A_36 = tpu.memref_squeeze %dma_start3A_35 : memref<1x125xi32, #tpu.memory_space<vmem>> -> memref<125xi32, #tpu.memory_space<vmem>>
      %dma_start3A_37 = arith.constant 0 : i32
      %dma_start3A_38 = arith.constant 0 : i32
      %dma_start3A_39 = tpu.memref_slice %arg2[%dma_start3A_37, %dma_start3A_38] : memref<10000x128xf32, #tpu.memory_space<hbm>> -> memref<10000x128xf32, #tpu.memory_space<hbm>>
      tpu.enqueue_indirect_dma source(%dma_start3A_39 : memref<10000x128xf32, #tpu.memory_space<hbm>>) target(%dma_start3A_33 : memref<125x128xf32, #tpu.memory_space<vmem>>) offsets(%dma_start3A_36 : memref<125xi32, #tpu.memory_space<vmem>>) semaphore(%arg12 : memref<!tpu.dma_semaphore, #tpu.memory_space<semaphore_mem>>)
      %mul3A_40 = arith.constant 624 : i32
      %mul3A_41 = arith.muli %arg1, %mul3A_40 : i32
      "tpu.region"() ({
        %run_scoped3A = tpu.sem_alloc : memref<!tpu.dma_semaphore, #tpu.memory_space<semaphore_mem>>
        %dma_start3A_47 = arith.constant 0 : i32
        %dma_start3A_48 = tpu.memref_slice %arg11[%mul3A_41, %dma_start3A_47] : memref<10000x128xf32, #tpu.memory_space<vmem_shared>> -> memref<624x128xf32, #tpu.memory_space<vmem_shared>>
        %dma_start3A_49 = arith.constant 0 : i32
        %dma_start3A_50 = tpu.memref_slice %arg2[%mul3A_41, %dma_start3A_49] : memref<10000x128xf32, #tpu.memory_space<hbm>> -> memref<624x128xf32, #tpu.memory_space<hbm>>
        tpu.enqueue_dma source(%dma_start3A_50 : memref<624x128xf32, #tpu.memory_space<hbm>>) target(%dma_start3A_48 : memref<624x128xf32, #tpu.memory_space<vmem_shared>>) target_semaphore(%run_scoped3A : memref<!tpu.dma_semaphore, #tpu.memory_space<semaphore_mem>>)
        %dma_wait3A = arith.constant 0 : i32
        %dma_wait3A_51 = tpu.memref_slice %arg11[%mul3A_41, %dma_wait3A] : memref<10000x128xf32, #tpu.memory_space<vmem_shared>> -> memref<624x128xf32, #tpu.memory_space<vmem_shared>>
        %dma_wait3A_52 = arith.constant 0 : i32
        %dma_wait3A_53 = tpu.memref_slice %arg2[%mul3A_41, %dma_wait3A_52] : memref<10000x128xf32, #tpu.memory_space<hbm>> -> memref<624x128xf32, #tpu.memory_space<hbm>>
        tpu.wait_dma2 semaphore(%run_scoped3A : memref<!tpu.dma_semaphore, #tpu.memory_space<semaphore_mem>>) src(%dma_wait3A_53 : memref<624x128xf32, #tpu.memory_space<hbm>>) dst(%dma_wait3A_51 : memref<624x128xf32, #tpu.memory_space<vmem_shared>>)
        tpu.yield
      }) : () -> ()
      %eq3A_42 = arith.constant 15 : i32
      %eq3A_43 = arith.cmpi eq, %arg1, %eq3A_42 : i32
      %convert_element_type3A_44 = arith.extui %eq3A_43 : i1 to i32
      %cond3A_45 = arith.constant 0 : i32
      %cond3A_46 = arith.cmpi ne, %convert_element_type3A_44, %cond3A_45 : i32
      scf.if %cond3A_46 {
        "tpu.region"() ({
          %run_scoped3A = tpu.sem_alloc : memref<!tpu.dma_semaphore, #tpu.memory_space<semaphore_mem>>
          %dma_start3A_47 = arith.constant 9984 : i32
          %dma_start3A_48 = arith.constant 0 : i32
          %dma_start3A_49 = tpu.memref_slice %arg11[%dma_start3A_47, %dma_start3A_48] : memref<10000x128xf32, #tpu.memory_space<vmem_shared>> -> memref<16x128xf32, #tpu.memory_space<vmem_shared>>
          %dma_start3A_50 = arith.constant 9984 : i32
          %dma_start3A_51 = arith.constant 0 : i32
          %dma_start3A_52 = tpu.memref_slice %arg2[%dma_start3A_50, %dma_start3A_51] : memref<10000x128xf32, #tpu.memory_space<hbm>> -> memref<16x128xf32, #tpu.memory_space<hbm>>
          tpu.enqueue_dma source(%dma_start3A_52 : memref<16x128xf32, #tpu.memory_space<hbm>>) target(%dma_start3A_49 : memref<16x128xf32, #tpu.memory_space<vmem_shared>>) target_semaphore(%run_scoped3A : memref<!tpu.dma_semaphore, #tpu.memory_space<semaphore_mem>>)
          %dma_wait3A = arith.constant 9984 : i32
          %dma_wait3A_53 = arith.constant 0 : i32
          %dma_wait3A_54 = tpu.memref_slice %arg11[%dma_wait3A, %dma_wait3A_53] : memref<10000x128xf32, #tpu.memory_space<vmem_shared>> -> memref<16x128xf32, #tpu.memory_space<vmem_shared>>
          %dma_wait3A_55 = arith.constant 9984 : i32
          %dma_wait3A_56 = arith.constant 0 : i32
          %dma_wait3A_57 = tpu.memref_slice %arg2[%dma_wait3A_55, %dma_wait3A_56] : memref<10000x128xf32, #tpu.memory_space<hbm>> -> memref<16x128xf32, #tpu.memory_space<hbm>>
          tpu.wait_dma2 semaphore(%run_scoped3A : memref<!tpu.dma_semaphore, #tpu.memory_space<semaphore_mem>>) src(%dma_wait3A_57 : memref<16x128xf32, #tpu.memory_space<hbm>>) dst(%dma_wait3A_54 : memref<16x128xf32, #tpu.memory_space<vmem_shared>>)
          tpu.yield
        }) : () -> ()
      } else {
      }
    } else {
    }
    %eq3A_3 = arith.constant 1 : i32
    %eq3A_4 = arith.cmpi eq, %arg0, %eq3A_3 : i32
    %convert_element_type3A_5 = arith.extui %eq3A_4 : i1 to i32
    %cond3A_6 = arith.constant 0 : i32
    %cond3A_7 = arith.cmpi ne, %convert_element_type3A_5, %cond3A_6 : i32
    scf.if %cond3A_7 {
      "tpu.region"() ({
        %run_scoped3A = tpu.sem_alloc : memref<!tpu.dma_semaphore, #tpu.memory_space<semaphore_mem>>
        %dma_start3A_47 = arith.constant 0 : i32
        %dma_start3A_48 = tpu.memref_slice %arg4[%mul3A_0, %dma_start3A_47] : memref<1280x125xi32, #tpu.memory_space<hbm>> -> memref<40x125xi32, #tpu.memory_space<hbm>>
        %dma_start3A_49 = arith.constant 0 : i32
        %dma_start3A_50 = tpu.memref_slice %arg4[%mul3A_0, %dma_start3A_49] : memref<1280x125xi32, #tpu.memory_space<hbm>> -> memref<40x125xi32, #tpu.memory_space<hbm>>
        tpu.enqueue_dma source(%dma_start3A_50 : memref<40x125xi32, #tpu.memory_space<hbm>>) target(%arg8 : memref<40x125xi32, #tpu.memory_space<vmem>>) target_semaphore(%run_scoped3A : memref<!tpu.dma_semaphore, #tpu.memory_space<semaphore_mem>>)
        %dma_wait3A = arith.constant 0 : i32
        %dma_wait3A_51 = tpu.memref_slice %arg4[%mul3A_0, %dma_wait3A] : memref<1280x125xi32, #tpu.memory_space<hbm>> -> memref<40x125xi32, #tpu.memory_space<hbm>>
        %dma_wait3A_52 = arith.constant 0 : i32
        %dma_wait3A_53 = tpu.memref_slice %arg4[%mul3A_0, %dma_wait3A_52] : memref<1280x125xi32, #tpu.memory_space<hbm>> -> memref<40x125xi32, #tpu.memory_space<hbm>>
        tpu.wait_dma2 semaphore(%run_scoped3A : memref<!tpu.dma_semaphore, #tpu.memory_space<semaphore_mem>>) src(%dma_wait3A_53 : memref<40x125xi32, #tpu.memory_space<hbm>>) dst(%arg8 : memref<40x125xi32, #tpu.memory_space<vmem>>)
        tpu.yield
      }) : () -> ()
      "tpu.region"() ({
        %run_scoped3A = tpu.sem_alloc : memref<!tpu.dma_semaphore, #tpu.memory_space<semaphore_mem>>
        %dma_start3A_47 = arith.constant 0 : i32
        %dma_start3A_48 = tpu.memref_slice %arg5[%mul3A_0, %dma_start3A_47] : memref<1280x125xi32, #tpu.memory_space<hbm>> -> memref<40x125xi32, #tpu.memory_space<hbm>>
        %dma_start3A_49 = arith.constant 0 : i32
        %dma_start3A_50 = tpu.memref_slice %arg5[%mul3A_0, %dma_start3A_49] : memref<1280x125xi32, #tpu.memory_space<hbm>> -> memref<40x125xi32, #tpu.memory_space<hbm>>
        tpu.enqueue_dma source(%dma_start3A_50 : memref<40x125xi32, #tpu.memory_space<hbm>>) target(%arg9 : memref<40x125xi32, #tpu.memory_space<vmem>>) target_semaphore(%run_scoped3A : memref<!tpu.dma_semaphore, #tpu.memory_space<semaphore_mem>>)
        %dma_wait3A = arith.constant 0 : i32
        %dma_wait3A_51 = tpu.memref_slice %arg5[%mul3A_0, %dma_wait3A] : memref<1280x125xi32, #tpu.memory_space<hbm>> -> memref<40x125xi32, #tpu.memory_space<hbm>>
        %dma_wait3A_52 = arith.constant 0 : i32
        %dma_wait3A_53 = tpu.memref_slice %arg5[%mul3A_0, %dma_wait3A_52] : memref<1280x125xi32, #tpu.memory_space<hbm>> -> memref<40x125xi32, #tpu.memory_space<hbm>>
        tpu.wait_dma2 semaphore(%run_scoped3A : memref<!tpu.dma_semaphore, #tpu.memory_space<semaphore_mem>>) src(%dma_wait3A_53 : memref<40x125xi32, #tpu.memory_space<hbm>>) dst(%arg9 : memref<40x125xi32, #tpu.memory_space<vmem>>)
        tpu.yield
      }) : () -> ()
      %dma_start3A = arith.constant 0 : i32
      %dma_start3A_29 = arith.constant 0 : i32
      %dma_start3A_30 = arith.constant 0 : i32
      %dma_start3A_31 = arith.constant 0 : i32
      %dma_start3A_32 = tpu.memref_slice %arg10[%dma_start3A_29, %dma_start3A_30, %dma_start3A_31] : memref<2x125x128xf32, #tpu.memory_space<vmem>> -> memref<1x125x128xf32, #tpu.memory_space<vmem>>
      %dma_start3A_33 = tpu.memref_squeeze %dma_start3A_32 : memref<1x125x128xf32, #tpu.memory_space<vmem>> -> memref<125x128xf32, #tpu.memory_space<vmem>>
      %dma_start3A_34 = arith.constant 0 : i32
      %dma_start3A_35 = tpu.memref_slice %arg8[%dma_start3A, %dma_start3A_34] : memref<40x125xi32, #tpu.memory_space<vmem>> -> memref<1x125xi32, #tpu.memory_space<vmem>>
      %dma_start3A_36 = tpu.memref_squeeze %dma_start3A_35 : memref<1x125xi32, #tpu.memory_space<vmem>> -> memref<125xi32, #tpu.memory_space<vmem>>
      %dma_start3A_37 = arith.constant 0 : i32
      %dma_start3A_38 = arith.constant 0 : i32
      %dma_start3A_39 = tpu.memref_slice %arg3[%dma_start3A_37, %dma_start3A_38] : memref<10000x128xf32, #tpu.memory_space<hbm>> -> memref<10000x128xf32, #tpu.memory_space<hbm>>
      tpu.enqueue_indirect_dma source(%dma_start3A_39 : memref<10000x128xf32, #tpu.memory_space<hbm>>) target(%dma_start3A_33 : memref<125x128xf32, #tpu.memory_space<vmem>>) offsets(%dma_start3A_36 : memref<125xi32, #tpu.memory_space<vmem>>) semaphore(%arg12 : memref<!tpu.dma_semaphore, #tpu.memory_space<semaphore_mem>>)
      %mul3A_40 = arith.constant 624 : i32
      %mul3A_41 = arith.muli %arg1, %mul3A_40 : i32
      "tpu.region"() ({
        %run_scoped3A = tpu.sem_alloc : memref<!tpu.dma_semaphore, #tpu.memory_space<semaphore_mem>>
        %dma_start3A_47 = arith.constant 0 : i32
        %dma_start3A_48 = tpu.memref_slice %arg11[%mul3A_41, %dma_start3A_47] : memref<10000x128xf32, #tpu.memory_space<vmem_shared>> -> memref<624x128xf32, #tpu.memory_space<vmem_shared>>
        %dma_start3A_49 = arith.constant 0 : i32
        %dma_start3A_50 = tpu.memref_slice %arg3[%mul3A_41, %dma_start3A_49] : memref<10000x128xf32, #tpu.memory_space<hbm>> -> memref<624x128xf32, #tpu.memory_space<hbm>>
        tpu.enqueue_dma source(%dma_start3A_50 : memref<624x128xf32, #tpu.memory_space<hbm>>) target(%dma_start3A_48 : memref<624x128xf32, #tpu.memory_space<vmem_shared>>) target_semaphore(%run_scoped3A : memref<!tpu.dma_semaphore, #tpu.memory_space<semaphore_mem>>)
        %dma_wait3A = arith.constant 0 : i32
        %dma_wait3A_51 = tpu.memref_slice %arg11[%mul3A_41, %dma_wait3A] : memref<10000x128xf32, #tpu.memory_space<vmem_shared>> -> memref<624x128xf32, #tpu.memory_space<vmem_shared>>
        %dma_wait3A_52 = arith.constant 0 : i32
        %dma_wait3A_53 = tpu.memref_slice %arg3[%mul3A_41, %dma_wait3A_52] : memref<10000x128xf32, #tpu.memory_space<hbm>> -> memref<624x128xf32, #tpu.memory_space<hbm>>
        tpu.wait_dma2 semaphore(%run_scoped3A : memref<!tpu.dma_semaphore, #tpu.memory_space<semaphore_mem>>) src(%dma_wait3A_53 : memref<624x128xf32, #tpu.memory_space<hbm>>) dst(%dma_wait3A_51 : memref<624x128xf32, #tpu.memory_space<vmem_shared>>)
        tpu.yield
      }) : () -> ()
      %eq3A_42 = arith.constant 15 : i32
      %eq3A_43 = arith.cmpi eq, %arg1, %eq3A_42 : i32
      %convert_element_type3A_44 = arith.extui %eq3A_43 : i1 to i32
      %cond3A_45 = arith.constant 0 : i32
      %cond3A_46 = arith.cmpi ne, %convert_element_type3A_44, %cond3A_45 : i32
      scf.if %cond3A_46 {
        "tpu.region"() ({
          %run_scoped3A = tpu.sem_alloc : memref<!tpu.dma_semaphore, #tpu.memory_space<semaphore_mem>>
          %dma_start3A_47 = arith.constant 9984 : i32
          %dma_start3A_48 = arith.constant 0 : i32
          %dma_start3A_49 = tpu.memref_slice %arg11[%dma_start3A_47, %dma_start3A_48] : memref<10000x128xf32, #tpu.memory_space<vmem_shared>> -> memref<16x128xf32, #tpu.memory_space<vmem_shared>>
          %dma_start3A_50 = arith.constant 9984 : i32
          %dma_start3A_51 = arith.constant 0 : i32
          %dma_start3A_52 = tpu.memref_slice %arg3[%dma_start3A_50, %dma_start3A_51] : memref<10000x128xf32, #tpu.memory_space<hbm>> -> memref<16x128xf32, #tpu.memory_space<hbm>>
          tpu.enqueue_dma source(%dma_start3A_52 : memref<16x128xf32, #tpu.memory_space<hbm>>) target(%dma_start3A_49 : memref<16x128xf32, #tpu.memory_space<vmem_shared>>) target_semaphore(%run_scoped3A : memref<!tpu.dma_semaphore, #tpu.memory_space<semaphore_mem>>)
          %dma_wait3A = arith.constant 9984 : i32
          %dma_wait3A_53 = arith.constant 0 : i32
          %dma_wait3A_54 = tpu.memref_slice %arg11[%dma_wait3A, %dma_wait3A_53] : memref<10000x128xf32, #tpu.memory_space<vmem_shared>> -> memref<16x128xf32, #tpu.memory_space<vmem_shared>>
          %dma_wait3A_55 = arith.constant 9984 : i32
          %dma_wait3A_56 = arith.constant 0 : i32
          %dma_wait3A_57 = tpu.memref_slice %arg3[%dma_wait3A_55, %dma_wait3A_56] : memref<10000x128xf32, #tpu.memory_space<hbm>> -> memref<16x128xf32, #tpu.memory_space<hbm>>
          tpu.wait_dma2 semaphore(%run_scoped3A : memref<!tpu.dma_semaphore, #tpu.memory_space<semaphore_mem>>) src(%dma_wait3A_57 : memref<16x128xf32, #tpu.memory_space<hbm>>) dst(%dma_wait3A_54 : memref<16x128xf32, #tpu.memory_space<vmem_shared>>)
          tpu.yield
        }) : () -> ()
      } else {
      }
    } else {
    }
    %barrier3A = arith.constant 0 : index
    tpu.barrier barrier_id(%barrier3A)
    %eq3A_8 = arith.constant 0 : i32
    %eq3A_9 = arith.cmpi eq, %arg0, %eq3A_8 : i32
    %convert_element_type3A_10 = arith.extui %eq3A_9 : i1 to i32
    %cond3A_11 = arith.constant 0 : i32
    %cond3A_12 = arith.cmpi ne, %convert_element_type3A_10, %cond3A_11 : i32
    scf.if %cond3A_12 {
      %scan3A = arith.constant 0 : i32
      %scan3A_29 = arith.constant 0 : i32
      %scan3A_30 = arith.constant 2 : i32
      %scan3A_31 = arith.addi %scan3A_29, %scan3A_30 : i32
      %scan3A_32 = arith.constant 1 : i32
      scf.for %scan3A_34 = %scan3A_29 to %scan3A_31 step %scan3A_32  : i32 {
        %gt3A = arith.constant 0 : i32
        %gt3A_35 = arith.cmpi sgt, %scan3A_34, %gt3A : i32
        %convert_element_type3A_36 = arith.extui %gt3A_35 : i1 to i32
        %cond3A_37 = arith.constant 0 : i32
        %cond3A_38 = arith.cmpi ne, %convert_element_type3A_36, %cond3A_37 : i32
        scf.if %cond3A_38 {
          %mul3A_45 = arith.constant 40 : i32
          %mul3A_46 = arith.muli %scan3A_34, %mul3A_45 : i32
          %add3A = arith.addi %mul3A_0, %mul3A_46 : i32
          "tpu.region"() ({
            %run_scoped3A = tpu.sem_alloc : memref<!tpu.dma_semaphore, #tpu.memory_space<semaphore_mem>>
            %dma_start3A_61 = arith.constant 0 : i32
            %dma_start3A_62 = tpu.memref_slice %arg4[%add3A, %dma_start3A_61] : memref<1280x125xi32, #tpu.memory_space<hbm>> -> memref<40x125xi32, #tpu.memory_space<hbm>>
            %dma_start3A_63 = arith.constant 0 : i32
            %dma_start3A_64 = tpu.memref_slice %arg4[%add3A, %dma_start3A_63] : memref<1280x125xi32, #tpu.memory_space<hbm>> -> memref<40x125xi32, #tpu.memory_space<hbm>>
            tpu.enqueue_dma source(%dma_start3A_64 : memref<40x125xi32, #tpu.memory_space<hbm>>) target(%arg8 : memref<40x125xi32, #tpu.memory_space<vmem>>) target_semaphore(%run_scoped3A : memref<!tpu.dma_semaphore, #tpu.memory_space<semaphore_mem>>)
            %dma_wait3A = arith.constant 0 : i32
            %dma_wait3A_65 = tpu.memref_slice %arg4[%add3A, %dma_wait3A] : memref<1280x125xi32, #tpu.memory_space<hbm>> -> memref<40x125xi32, #tpu.memory_space<hbm>>
            %dma_wait3A_66 = arith.constant 0 : i32
            %dma_wait3A_67 = tpu.memref_slice %arg4[%add3A, %dma_wait3A_66] : memref<1280x125xi32, #tpu.memory_space<hbm>> -> memref<40x125xi32, #tpu.memory_space<hbm>>
            tpu.wait_dma2 semaphore(%run_scoped3A : memref<!tpu.dma_semaphore, #tpu.memory_space<semaphore_mem>>) src(%dma_wait3A_67 : memref<40x125xi32, #tpu.memory_space<hbm>>) dst(%arg8 : memref<40x125xi32, #tpu.memory_space<vmem>>)
            tpu.yield
          }) : () -> ()
          %mul3A_47 = arith.constant 40 : i32
          %mul3A_48 = arith.muli %scan3A_34, %mul3A_47 : i32
          %add3A_49 = arith.addi %mul3A_0, %mul3A_48 : i32
          "tpu.region"() ({
            %run_scoped3A = tpu.sem_alloc : memref<!tpu.dma_semaphore, #tpu.memory_space<semaphore_mem>>
            %dma_start3A_61 = arith.constant 0 : i32
            %dma_start3A_62 = tpu.memref_slice %arg5[%add3A_49, %dma_start3A_61] : memref<1280x125xi32, #tpu.memory_space<hbm>> -> memref<40x125xi32, #tpu.memory_space<hbm>>
            %dma_start3A_63 = arith.constant 0 : i32
            %dma_start3A_64 = tpu.memref_slice %arg5[%add3A_49, %dma_start3A_63] : memref<1280x125xi32, #tpu.memory_space<hbm>> -> memref<40x125xi32, #tpu.memory_space<hbm>>
            tpu.enqueue_dma source(%dma_start3A_64 : memref<40x125xi32, #tpu.memory_space<hbm>>) target(%arg9 : memref<40x125xi32, #tpu.memory_space<vmem>>) target_semaphore(%run_scoped3A : memref<!tpu.dma_semaphore, #tpu.memory_space<semaphore_mem>>)
            %dma_wait3A = arith.constant 0 : i32
            %dma_wait3A_65 = tpu.memref_slice %arg5[%add3A_49, %dma_wait3A] : memref<1280x125xi32, #tpu.memory_space<hbm>> -> memref<40x125xi32, #tpu.memory_space<hbm>>
            %dma_wait3A_66 = arith.constant 0 : i32
            %dma_wait3A_67 = tpu.memref_slice %arg5[%add3A_49, %dma_wait3A_66] : memref<1280x125xi32, #tpu.memory_space<hbm>> -> memref<40x125xi32, #tpu.memory_space<hbm>>
            tpu.wait_dma2 semaphore(%run_scoped3A : memref<!tpu.dma_semaphore, #tpu.memory_space<semaphore_mem>>) src(%dma_wait3A_67 : memref<40x125xi32, #tpu.memory_space<hbm>>) dst(%arg9 : memref<40x125xi32, #tpu.memory_space<vmem>>)
            tpu.yield
          }) : () -> ()
          %dma_start3A = arith.constant 0 : i32
          %dma_start3A_50 = arith.constant 0 : i32
          %dma_start3A_51 = arith.constant 0 : i32
          %dma_start3A_52 = arith.constant 0 : i32
          %dma_start3A_53 = tpu.memref_slice %arg10[%dma_start3A_50, %dma_start3A_51, %dma_start3A_52] : memref<2x125x128xf32, #tpu.memory_space<vmem>> -> memref<1x125x128xf32, #tpu.memory_space<vmem>>
          %dma_start3A_54 = tpu.memref_squeeze %dma_start3A_53 : memref<1x125x128xf32, #tpu.memory_space<vmem>> -> memref<125x128xf32, #tpu.memory_space<vmem>>
          %dma_start3A_55 = arith.constant 0 : i32
          %dma_start3A_56 = tpu.memref_slice %arg8[%dma_start3A, %dma_start3A_55] : memref<40x125xi32, #tpu.memory_space<vmem>> -> memref<1x125xi32, #tpu.memory_space<vmem>>
          %dma_start3A_57 = tpu.memref_squeeze %dma_start3A_56 : memref<1x125xi32, #tpu.memory_space<vmem>> -> memref<125xi32, #tpu.memory_space<vmem>>
          %dma_start3A_58 = arith.constant 0 : i32
          %dma_start3A_59 = arith.constant 0 : i32
          %dma_start3A_60 = tpu.memref_slice %arg2[%dma_start3A_58, %dma_start3A_59] : memref<10000x128xf32, #tpu.memory_space<hbm>> -> memref<10000x128xf32, #tpu.memory_space<hbm>>
          tpu.enqueue_indirect_dma source(%dma_start3A_60 : memref<10000x128xf32, #tpu.memory_space<hbm>>) target(%dma_start3A_54 : memref<125x128xf32, #tpu.memory_space<vmem>>) offsets(%dma_start3A_57 : memref<125xi32, #tpu.memory_space<vmem>>) semaphore(%arg12 : memref<!tpu.dma_semaphore, #tpu.memory_space<semaphore_mem>>)
        } else {
        }
        %scan3A_39 = arith.constant 0 : i32
        %scan3A_40 = arith.constant 0 : i32
        %scan3A_41 = arith.constant 20 : i32
        %scan3A_42 = arith.addi %scan3A_40, %scan3A_41 : i32
        %scan3A_43 = arith.constant 1 : i32
        scf.for %scan3A_45 = %scan3A_40 to %scan3A_42 step %scan3A_43  : i32 {
          %mul3A_46 = arith.constant 2 : i32
          %mul3A_47 = arith.muli %mul3A_46, %scan3A_45 : i32
          %dma_wait3A = arith.constant 0 : i32
          %dma_wait3A_48 = arith.constant 0 : i32
          %dma_wait3A_49 = arith.constant 0 : i32
          %dma_wait3A_50 = tpu.memref_slice %arg10[%dma_wait3A, %dma_wait3A_48, %dma_wait3A_49] : memref<2x125x128xf32, #tpu.memory_space<vmem>> -> memref<1x125x128xf32, #tpu.memory_space<vmem>>
          %dma_wait3A_51 = tpu.memref_squeeze %dma_wait3A_50 : memref<1x125x128xf32, #tpu.memory_space<vmem>> -> memref<125x128xf32, #tpu.memory_space<vmem>>
          %dma_wait3A_52 = arith.constant 0 : i32
          %dma_wait3A_53 = tpu.memref_slice %arg8[%mul3A_47, %dma_wait3A_52] : memref<40x125xi32, #tpu.memory_space<vmem>> -> memref<1x125xi32, #tpu.memory_space<vmem>>
          %dma_wait3A_54 = tpu.memref_squeeze %dma_wait3A_53 : memref<1x125xi32, #tpu.memory_space<vmem>> -> memref<125xi32, #tpu.memory_space<vmem>>
          %dma_wait3A_55 = arith.constant 0 : i32
          %dma_wait3A_56 = arith.constant 0 : i32
          %dma_wait3A_57 = tpu.memref_slice %arg2[%dma_wait3A_55, %dma_wait3A_56] : memref<10000x128xf32, #tpu.memory_space<hbm>> -> memref<10000x128xf32, #tpu.memory_space<hbm>>
          tpu.wait_indirect_dma semaphore(%arg12 : memref<!tpu.dma_semaphore, #tpu.memory_space<semaphore_mem>>) src(%dma_wait3A_57 : memref<10000x128xf32, #tpu.memory_space<hbm>>) dst(%dma_wait3A_51 : memref<125x128xf32, #tpu.memory_space<vmem>>)
          %add3A = arith.constant 1 : i32
          %add3A_58 = arith.addi %mul3A_47, %add3A : i32
          %dma_start3A = arith.constant 1 : i32
          %dma_start3A_59 = arith.constant 0 : i32
          %dma_start3A_60 = arith.constant 0 : i32
          %dma_start3A_61 = tpu.memref_slice %arg10[%dma_start3A, %dma_start3A_59, %dma_start3A_60] : memref<2x125x128xf32, #tpu.memory_space<vmem>> -> memref<1x125x128xf32, #tpu.memory_space<vmem>>
          %dma_start3A_62 = tpu.memref_squeeze %dma_start3A_61 : memref<1x125x128xf32, #tpu.memory_space<vmem>> -> memref<125x128xf32, #tpu.memory_space<vmem>>
          %dma_start3A_63 = arith.constant 0 : i32
          %dma_start3A_64 = tpu.memref_slice %arg8[%add3A_58, %dma_start3A_63] : memref<40x125xi32, #tpu.memory_space<vmem>> -> memref<1x125xi32, #tpu.memory_space<vmem>>
          %dma_start3A_65 = tpu.memref_squeeze %dma_start3A_64 : memref<1x125xi32, #tpu.memory_space<vmem>> -> memref<125xi32, #tpu.memory_space<vmem>>
          %dma_start3A_66 = arith.constant 0 : i32
          %dma_start3A_67 = arith.constant 0 : i32
          %dma_start3A_68 = tpu.memref_slice %arg2[%dma_start3A_66, %dma_start3A_67] : memref<10000x128xf32, #tpu.memory_space<hbm>> -> memref<10000x128xf32, #tpu.memory_space<hbm>>
          tpu.enqueue_indirect_dma source(%dma_start3A_68 : memref<10000x128xf32, #tpu.memory_space<hbm>>) target(%dma_start3A_62 : memref<125x128xf32, #tpu.memory_space<vmem>>) offsets(%dma_start3A_65 : memref<125xi32, #tpu.memory_space<vmem>>) semaphore(%arg13 : memref<!tpu.dma_semaphore, #tpu.memory_space<semaphore_mem>>)
          %run_scoped3A = arith.constant 0 : i32
          "tpu.region"() ({
            %run_scoped3A_89 = tpu.sem_alloc : memref<!tpu.dma_semaphore, #tpu.memory_space<semaphore_mem>>
            %dma_start3A_90 = arith.constant 0 : i32
            %dma_start3A_91 = arith.constant 0 : i32
            %dma_start3A_92 = tpu.memref_slice %arg10[%run_scoped3A, %dma_start3A_90, %dma_start3A_91] : memref<2x125x128xf32, #tpu.memory_space<vmem>> -> memref<1x125x128xf32, #tpu.memory_space<vmem>>
            %dma_start3A_93 = tpu.memref_squeeze %dma_start3A_92 : memref<1x125x128xf32, #tpu.memory_space<vmem>> -> memref<125x128xf32, #tpu.memory_space<vmem>>
            %dma_start3A_94 = arith.constant 0 : i32
            %dma_start3A_95 = tpu.memref_slice %arg9[%mul3A_47, %dma_start3A_94] : memref<40x125xi32, #tpu.memory_space<vmem>> -> memref<1x125xi32, #tpu.memory_space<vmem>>
            %dma_start3A_96 = tpu.memref_squeeze %dma_start3A_95 : memref<1x125xi32, #tpu.memory_space<vmem>> -> memref<125xi32, #tpu.memory_space<vmem>>
            %dma_start3A_97 = arith.constant 0 : i32
            %dma_start3A_98 = arith.constant 0 : i32
            %dma_start3A_99 = tpu.memref_slice %arg11[%dma_start3A_97, %dma_start3A_98] : memref<10000x128xf32, #tpu.memory_space<vmem_shared>> -> memref<10000x128xf32, #tpu.memory_space<vmem_shared>>
            tpu.enqueue_indirect_dma source(%dma_start3A_93 : memref<125x128xf32, #tpu.memory_space<vmem>>) target(%dma_start3A_99 : memref<10000x128xf32, #tpu.memory_space<vmem_shared>>) offsets(%dma_start3A_96 : memref<125xi32, #tpu.memory_space<vmem>>) semaphore(%run_scoped3A_89 : memref<!tpu.dma_semaphore, #tpu.memory_space<semaphore_mem>>) {add = true}
            %dma_wait3A_100 = arith.constant 0 : i32
            %dma_wait3A_101 = arith.constant 0 : i32
            %dma_wait3A_102 = tpu.memref_slice %arg10[%run_scoped3A, %dma_wait3A_100, %dma_wait3A_101] : memref<2x125x128xf32, #tpu.memory_space<vmem>> -> memref<1x125x128xf32, #tpu.memory_space<vmem>>
            %dma_wait3A_103 = tpu.memref_squeeze %dma_wait3A_102 : memref<1x125x128xf32, #tpu.memory_space<vmem>> -> memref<125x128xf32, #tpu.memory_space<vmem>>
            %dma_wait3A_104 = arith.constant 0 : i32
            %dma_wait3A_105 = tpu.memref_slice %arg9[%mul3A_47, %dma_wait3A_104] : memref<40x125xi32, #tpu.memory_space<vmem>> -> memref<1x125xi32, #tpu.memory_space<vmem>>
            %dma_wait3A_106 = tpu.memref_squeeze %dma_wait3A_105 : memref<1x125xi32, #tpu.memory_space<vmem>> -> memref<125xi32, #tpu.memory_space<vmem>>
            %dma_wait3A_107 = arith.constant 0 : i32
            %dma_wait3A_108 = arith.constant 0 : i32
            %dma_wait3A_109 = tpu.memref_slice %arg11[%dma_wait3A_107, %dma_wait3A_108] : memref<10000x128xf32, #tpu.memory_space<vmem_shared>> -> memref<10000x128xf32, #tpu.memory_space<vmem_shared>>
            tpu.wait_indirect_dma semaphore(%run_scoped3A_89 : memref<!tpu.dma_semaphore, #tpu.memory_space<semaphore_mem>>) src(%dma_wait3A_103 : memref<125x128xf32, #tpu.memory_space<vmem>>) dst(%dma_wait3A_109 : memref<10000x128xf32, #tpu.memory_space<vmem_shared>>)
            tpu.yield
          }) : () -> ()
          %add3A_69 = arith.constant 1 : i32
          %add3A_70 = arith.addi %mul3A_47, %add3A_69 : i32
          %dma_wait3A_71 = arith.constant 1 : i32
          %dma_wait3A_72 = arith.constant 0 : i32
          %dma_wait3A_73 = arith.constant 0 : i32
          %dma_wait3A_74 = tpu.memref_slice %arg10[%dma_wait3A_71, %dma_wait3A_72, %dma_wait3A_73] : memref<2x125x128xf32, #tpu.memory_space<vmem>> -> memref<1x125x128xf32, #tpu.memory_space<vmem>>
          %dma_wait3A_75 = tpu.memref_squeeze %dma_wait3A_74 : memref<1x125x128xf32, #tpu.memory_space<vmem>> -> memref<125x128xf32, #tpu.memory_space<vmem>>
          %dma_wait3A_76 = arith.constant 0 : i32
          %dma_wait3A_77 = tpu.memref_slice %arg8[%add3A_70, %dma_wait3A_76] : memref<40x125xi32, #tpu.memory_space<vmem>> -> memref<1x125xi32, #tpu.memory_space<vmem>>
          %dma_wait3A_78 = tpu.memref_squeeze %dma_wait3A_77 : memref<1x125xi32, #tpu.memory_space<vmem>> -> memref<125xi32, #tpu.memory_space<vmem>>
          %dma_wait3A_79 = arith.constant 0 : i32
          %dma_wait3A_80 = arith.constant 0 : i32
          %dma_wait3A_81 = tpu.memref_slice %arg2[%dma_wait3A_79, %dma_wait3A_80] : memref<10000x128xf32, #tpu.memory_space<hbm>> -> memref<10000x128xf32, #tpu.memory_space<hbm>>
          tpu.wait_indirect_dma semaphore(%arg13 : memref<!tpu.dma_semaphore, #tpu.memory_space<semaphore_mem>>) src(%dma_wait3A_81 : memref<10000x128xf32, #tpu.memory_space<hbm>>) dst(%dma_wait3A_75 : memref<125x128xf32, #tpu.memory_space<vmem>>)
          %lt3A = arith.constant 19 : i32
          %lt3A_82 = arith.cmpi slt, %scan3A_45, %lt3A : i32
          %convert_element_type3A_83 = arith.extui %lt3A_82 : i1 to i32
          %cond3A_84 = arith.constant 0 : i32
          %cond3A_85 = arith.cmpi ne, %convert_element_type3A_83, %cond3A_84 : i32
          scf.if %cond3A_85 {
            %add3A_89 = arith.constant 2 : i32
            %add3A_90 = arith.addi %mul3A_47, %add3A_89 : i32
            %dma_start3A_91 = arith.constant 0 : i32
            %dma_start3A_92 = arith.constant 0 : i32
            %dma_start3A_93 = arith.constant 0 : i32
            %dma_start3A_94 = tpu.memref_slice %arg10[%dma_start3A_91, %dma_start3A_92, %dma_start3A_93] : memref<2x125x128xf32, #tpu.memory_space<vmem>> -> memref<1x125x128xf32, #tpu.memory_space<vmem>>
            %dma_start3A_95 = tpu.memref_squeeze %dma_start3A_94 : memref<1x125x128xf32, #tpu.memory_space<vmem>> -> memref<125x128xf32, #tpu.memory_space<vmem>>
            %dma_start3A_96 = arith.constant 0 : i32
            %dma_start3A_97 = tpu.memref_slice %arg8[%add3A_90, %dma_start3A_96] : memref<40x125xi32, #tpu.memory_space<vmem>> -> memref<1x125xi32, #tpu.memory_space<vmem>>
            %dma_start3A_98 = tpu.memref_squeeze %dma_start3A_97 : memref<1x125xi32, #tpu.memory_space<vmem>> -> memref<125xi32, #tpu.memory_space<vmem>>
            %dma_start3A_99 = arith.constant 0 : i32
            %dma_start3A_100 = arith.constant 0 : i32
            %dma_start3A_101 = tpu.memref_slice %arg2[%dma_start3A_99, %dma_start3A_100] : memref<10000x128xf32, #tpu.memory_space<hbm>> -> memref<10000x128xf32, #tpu.memory_space<hbm>>
            tpu.enqueue_indirect_dma source(%dma_start3A_101 : memref<10000x128xf32, #tpu.memory_space<hbm>>) target(%dma_start3A_95 : memref<125x128xf32, #tpu.memory_space<vmem>>) offsets(%dma_start3A_98 : memref<125xi32, #tpu.memory_space<vmem>>) semaphore(%arg12 : memref<!tpu.dma_semaphore, #tpu.memory_space<semaphore_mem>>)
          } else {
          }
          %add3A_86 = arith.constant 1 : i32
          %add3A_87 = arith.addi %mul3A_47, %add3A_86 : i32
          %run_scoped3A_88 = arith.constant 1 : i32
          "tpu.region"() ({
            %run_scoped3A_89 = tpu.sem_alloc : memref<!tpu.dma_semaphore, #tpu.memory_space<semaphore_mem>>
            %dma_start3A_90 = arith.constant 0 : i32
            %dma_start3A_91 = arith.constant 0 : i32
            %dma_start3A_92 = tpu.memref_slice %arg10[%run_scoped3A_88, %dma_start3A_90, %dma_start3A_91] : memref<2x125x128xf32, #tpu.memory_space<vmem>> -> memref<1x125x128xf32, #tpu.memory_space<vmem>>
            %dma_start3A_93 = tpu.memref_squeeze %dma_start3A_92 : memref<1x125x128xf32, #tpu.memory_space<vmem>> -> memref<125x128xf32, #tpu.memory_space<vmem>>
            %dma_start3A_94 = arith.constant 0 : i32
            %dma_start3A_95 = tpu.memref_slice %arg9[%add3A_87, %dma_start3A_94] : memref<40x125xi32, #tpu.memory_space<vmem>> -> memref<1x125xi32, #tpu.memory_space<vmem>>
            %dma_start3A_96 = tpu.memref_squeeze %dma_start3A_95 : memref<1x125xi32, #tpu.memory_space<vmem>> -> memref<125xi32, #tpu.memory_space<vmem>>
            %dma_start3A_97 = arith.constant 0 : i32
            %dma_start3A_98 = arith.constant 0 : i32
            %dma_start3A_99 = tpu.memref_slice %arg11[%dma_start3A_97, %dma_start3A_98] : memref<10000x128xf32, #tpu.memory_space<vmem_shared>> -> memref<10000x128xf32, #tpu.memory_space<vmem_shared>>
            tpu.enqueue_indirect_dma source(%dma_start3A_93 : memref<125x128xf32, #tpu.memory_space<vmem>>) target(%dma_start3A_99 : memref<10000x128xf32, #tpu.memory_space<vmem_shared>>) offsets(%dma_start3A_96 : memref<125xi32, #tpu.memory_space<vmem>>) semaphore(%run_scoped3A_89 : memref<!tpu.dma_semaphore, #tpu.memory_space<semaphore_mem>>) {add = true}
            %dma_wait3A_100 = arith.constant 0 : i32
            %dma_wait3A_101 = arith.constant 0 : i32
            %dma_wait3A_102 = tpu.memref_slice %arg10[%run_scoped3A_88, %dma_wait3A_100, %dma_wait3A_101] : memref<2x125x128xf32, #tpu.memory_space<vmem>> -> memref<1x125x128xf32, #tpu.memory_space<vmem>>
            %dma_wait3A_103 = tpu.memref_squeeze %dma_wait3A_102 : memref<1x125x128xf32, #tpu.memory_space<vmem>> -> memref<125x128xf32, #tpu.memory_space<vmem>>
            %dma_wait3A_104 = arith.constant 0 : i32
            %dma_wait3A_105 = tpu.memref_slice %arg9[%add3A_87, %dma_wait3A_104] : memref<40x125xi32, #tpu.memory_space<vmem>> -> memref<1x125xi32, #tpu.memory_space<vmem>>
            %dma_wait3A_106 = tpu.memref_squeeze %dma_wait3A_105 : memref<1x125xi32, #tpu.memory_space<vmem>> -> memref<125xi32, #tpu.memory_space<vmem>>
            %dma_wait3A_107 = arith.constant 0 : i32
            %dma_wait3A_108 = arith.constant 0 : i32
            %dma_wait3A_109 = tpu.memref_slice %arg11[%dma_wait3A_107, %dma_wait3A_108] : memref<10000x128xf32, #tpu.memory_space<vmem_shared>> -> memref<10000x128xf32, #tpu.memory_space<vmem_shared>>
            tpu.wait_indirect_dma semaphore(%run_scoped3A_89 : memref<!tpu.dma_semaphore, #tpu.memory_space<semaphore_mem>>) src(%dma_wait3A_103 : memref<125x128xf32, #tpu.memory_space<vmem>>) dst(%dma_wait3A_109 : memref<10000x128xf32, #tpu.memory_space<vmem_shared>>)
            tpu.yield
          }) : () -> ()
        }
        %scan3A_44 = arith.constant 20 : i32
      }
      %scan3A_33 = arith.constant 2 : i32
    } else {
    }
    %eq3A_13 = arith.constant 1 : i32
    %eq3A_14 = arith.cmpi eq, %arg0, %eq3A_13 : i32
    %convert_element_type3A_15 = arith.extui %eq3A_14 : i1 to i32
    %cond3A_16 = arith.constant 0 : i32
    %cond3A_17 = arith.cmpi ne, %convert_element_type3A_15, %cond3A_16 : i32
    scf.if %cond3A_17 {
      %scan3A = arith.constant 0 : i32
      %scan3A_29 = arith.constant 0 : i32
      %scan3A_30 = arith.constant 2 : i32
      %scan3A_31 = arith.addi %scan3A_29, %scan3A_30 : i32
      %scan3A_32 = arith.constant 1 : i32
      scf.for %scan3A_34 = %scan3A_29 to %scan3A_31 step %scan3A_32  : i32 {
        %gt3A = arith.constant 0 : i32
        %gt3A_35 = arith.cmpi sgt, %scan3A_34, %gt3A : i32
        %convert_element_type3A_36 = arith.extui %gt3A_35 : i1 to i32
        %cond3A_37 = arith.constant 0 : i32
        %cond3A_38 = arith.cmpi ne, %convert_element_type3A_36, %cond3A_37 : i32
        scf.if %cond3A_38 {
          %mul3A_45 = arith.constant 40 : i32
          %mul3A_46 = arith.muli %scan3A_34, %mul3A_45 : i32
          %add3A = arith.addi %mul3A_0, %mul3A_46 : i32
          "tpu.region"() ({
            %run_scoped3A = tpu.sem_alloc : memref<!tpu.dma_semaphore, #tpu.memory_space<semaphore_mem>>
            %dma_start3A_61 = arith.constant 0 : i32
            %dma_start3A_62 = tpu.memref_slice %arg4[%add3A, %dma_start3A_61] : memref<1280x125xi32, #tpu.memory_space<hbm>> -> memref<40x125xi32, #tpu.memory_space<hbm>>
            %dma_start3A_63 = arith.constant 0 : i32
            %dma_start3A_64 = tpu.memref_slice %arg4[%add3A, %dma_start3A_63] : memref<1280x125xi32, #tpu.memory_space<hbm>> -> memref<40x125xi32, #tpu.memory_space<hbm>>
            tpu.enqueue_dma source(%dma_start3A_64 : memref<40x125xi32, #tpu.memory_space<hbm>>) target(%arg8 : memref<40x125xi32, #tpu.memory_space<vmem>>) target_semaphore(%run_scoped3A : memref<!tpu.dma_semaphore, #tpu.memory_space<semaphore_mem>>)
            %dma_wait3A = arith.constant 0 : i32
            %dma_wait3A_65 = tpu.memref_slice %arg4[%add3A, %dma_wait3A] : memref<1280x125xi32, #tpu.memory_space<hbm>> -> memref<40x125xi32, #tpu.memory_space<hbm>>
            %dma_wait3A_66 = arith.constant 0 : i32
            %dma_wait3A_67 = tpu.memref_slice %arg4[%add3A, %dma_wait3A_66] : memref<1280x125xi32, #tpu.memory_space<hbm>> -> memref<40x125xi32, #tpu.memory_space<hbm>>
            tpu.wait_dma2 semaphore(%run_scoped3A : memref<!tpu.dma_semaphore, #tpu.memory_space<semaphore_mem>>) src(%dma_wait3A_67 : memref<40x125xi32, #tpu.memory_space<hbm>>) dst(%arg8 : memref<40x125xi32, #tpu.memory_space<vmem>>)
            tpu.yield
          }) : () -> ()
          %mul3A_47 = arith.constant 40 : i32
          %mul3A_48 = arith.muli %scan3A_34, %mul3A_47 : i32
          %add3A_49 = arith.addi %mul3A_0, %mul3A_48 : i32
          "tpu.region"() ({
            %run_scoped3A = tpu.sem_alloc : memref<!tpu.dma_semaphore, #tpu.memory_space<semaphore_mem>>
            %dma_start3A_61 = arith.constant 0 : i32
            %dma_start3A_62 = tpu.memref_slice %arg5[%add3A_49, %dma_start3A_61] : memref<1280x125xi32, #tpu.memory_space<hbm>> -> memref<40x125xi32, #tpu.memory_space<hbm>>
            %dma_start3A_63 = arith.constant 0 : i32
            %dma_start3A_64 = tpu.memref_slice %arg5[%add3A_49, %dma_start3A_63] : memref<1280x125xi32, #tpu.memory_space<hbm>> -> memref<40x125xi32, #tpu.memory_space<hbm>>
            tpu.enqueue_dma source(%dma_start3A_64 : memref<40x125xi32, #tpu.memory_space<hbm>>) target(%arg9 : memref<40x125xi32, #tpu.memory_space<vmem>>) target_semaphore(%run_scoped3A : memref<!tpu.dma_semaphore, #tpu.memory_space<semaphore_mem>>)
            %dma_wait3A = arith.constant 0 : i32
            %dma_wait3A_65 = tpu.memref_slice %arg5[%add3A_49, %dma_wait3A] : memref<1280x125xi32, #tpu.memory_space<hbm>> -> memref<40x125xi32, #tpu.memory_space<hbm>>
            %dma_wait3A_66 = arith.constant 0 : i32
            %dma_wait3A_67 = tpu.memref_slice %arg5[%add3A_49, %dma_wait3A_66] : memref<1280x125xi32, #tpu.memory_space<hbm>> -> memref<40x125xi32, #tpu.memory_space<hbm>>
            tpu.wait_dma2 semaphore(%run_scoped3A : memref<!tpu.dma_semaphore, #tpu.memory_space<semaphore_mem>>) src(%dma_wait3A_67 : memref<40x125xi32, #tpu.memory_space<hbm>>) dst(%arg9 : memref<40x125xi32, #tpu.memory_space<vmem>>)
            tpu.yield
          }) : () -> ()
          %dma_start3A = arith.constant 0 : i32
          %dma_start3A_50 = arith.constant 0 : i32
          %dma_start3A_51 = arith.constant 0 : i32
          %dma_start3A_52 = arith.constant 0 : i32
          %dma_start3A_53 = tpu.memref_slice %arg10[%dma_start3A_50, %dma_start3A_51, %dma_start3A_52] : memref<2x125x128xf32, #tpu.memory_space<vmem>> -> memref<1x125x128xf32, #tpu.memory_space<vmem>>
          %dma_start3A_54 = tpu.memref_squeeze %dma_start3A_53 : memref<1x125x128xf32, #tpu.memory_space<vmem>> -> memref<125x128xf32, #tpu.memory_space<vmem>>
          %dma_start3A_55 = arith.constant 0 : i32
          %dma_start3A_56 = tpu.memref_slice %arg8[%dma_start3A, %dma_start3A_55] : memref<40x125xi32, #tpu.memory_space<vmem>> -> memref<1x125xi32, #tpu.memory_space<vmem>>
          %dma_start3A_57 = tpu.memref_squeeze %dma_start3A_56 : memref<1x125xi32, #tpu.memory_space<vmem>> -> memref<125xi32, #tpu.memory_space<vmem>>
          %dma_start3A_58 = arith.constant 0 : i32
          %dma_start3A_59 = arith.constant 0 : i32
          %dma_start3A_60 = tpu.memref_slice %arg3[%dma_start3A_58, %dma_start3A_59] : memref<10000x128xf32, #tpu.memory_space<hbm>> -> memref<10000x128xf32, #tpu.memory_space<hbm>>
          tpu.enqueue_indirect_dma source(%dma_start3A_60 : memref<10000x128xf32, #tpu.memory_space<hbm>>) target(%dma_start3A_54 : memref<125x128xf32, #tpu.memory_space<vmem>>) offsets(%dma_start3A_57 : memref<125xi32, #tpu.memory_space<vmem>>) semaphore(%arg12 : memref<!tpu.dma_semaphore, #tpu.memory_space<semaphore_mem>>)
        } else {
        }
        %scan3A_39 = arith.constant 0 : i32
        %scan3A_40 = arith.constant 0 : i32
        %scan3A_41 = arith.constant 20 : i32
        %scan3A_42 = arith.addi %scan3A_40, %scan3A_41 : i32
        %scan3A_43 = arith.constant 1 : i32
        scf.for %scan3A_45 = %scan3A_40 to %scan3A_42 step %scan3A_43  : i32 {
          %mul3A_46 = arith.constant 2 : i32
          %mul3A_47 = arith.muli %mul3A_46, %scan3A_45 : i32
          %dma_wait3A = arith.constant 0 : i32
          %dma_wait3A_48 = arith.constant 0 : i32
          %dma_wait3A_49 = arith.constant 0 : i32
          %dma_wait3A_50 = tpu.memref_slice %arg10[%dma_wait3A, %dma_wait3A_48, %dma_wait3A_49] : memref<2x125x128xf32, #tpu.memory_space<vmem>> -> memref<1x125x128xf32, #tpu.memory_space<vmem>>
          %dma_wait3A_51 = tpu.memref_squeeze %dma_wait3A_50 : memref<1x125x128xf32, #tpu.memory_space<vmem>> -> memref<125x128xf32, #tpu.memory_space<vmem>>
          %dma_wait3A_52 = arith.constant 0 : i32
          %dma_wait3A_53 = tpu.memref_slice %arg8[%mul3A_47, %dma_wait3A_52] : memref<40x125xi32, #tpu.memory_space<vmem>> -> memref<1x125xi32, #tpu.memory_space<vmem>>
          %dma_wait3A_54 = tpu.memref_squeeze %dma_wait3A_53 : memref<1x125xi32, #tpu.memory_space<vmem>> -> memref<125xi32, #tpu.memory_space<vmem>>
          %dma_wait3A_55 = arith.constant 0 : i32
          %dma_wait3A_56 = arith.constant 0 : i32
          %dma_wait3A_57 = tpu.memref_slice %arg3[%dma_wait3A_55, %dma_wait3A_56] : memref<10000x128xf32, #tpu.memory_space<hbm>> -> memref<10000x128xf32, #tpu.memory_space<hbm>>
          tpu.wait_indirect_dma semaphore(%arg12 : memref<!tpu.dma_semaphore, #tpu.memory_space<semaphore_mem>>) src(%dma_wait3A_57 : memref<10000x128xf32, #tpu.memory_space<hbm>>) dst(%dma_wait3A_51 : memref<125x128xf32, #tpu.memory_space<vmem>>)
          %add3A = arith.constant 1 : i32
          %add3A_58 = arith.addi %mul3A_47, %add3A : i32
          %dma_start3A = arith.constant 1 : i32
          %dma_start3A_59 = arith.constant 0 : i32
          %dma_start3A_60 = arith.constant 0 : i32
          %dma_start3A_61 = tpu.memref_slice %arg10[%dma_start3A, %dma_start3A_59, %dma_start3A_60] : memref<2x125x128xf32, #tpu.memory_space<vmem>> -> memref<1x125x128xf32, #tpu.memory_space<vmem>>
          %dma_start3A_62 = tpu.memref_squeeze %dma_start3A_61 : memref<1x125x128xf32, #tpu.memory_space<vmem>> -> memref<125x128xf32, #tpu.memory_space<vmem>>
          %dma_start3A_63 = arith.constant 0 : i32
          %dma_start3A_64 = tpu.memref_slice %arg8[%add3A_58, %dma_start3A_63] : memref<40x125xi32, #tpu.memory_space<vmem>> -> memref<1x125xi32, #tpu.memory_space<vmem>>
          %dma_start3A_65 = tpu.memref_squeeze %dma_start3A_64 : memref<1x125xi32, #tpu.memory_space<vmem>> -> memref<125xi32, #tpu.memory_space<vmem>>
          %dma_start3A_66 = arith.constant 0 : i32
          %dma_start3A_67 = arith.constant 0 : i32
          %dma_start3A_68 = tpu.memref_slice %arg3[%dma_start3A_66, %dma_start3A_67] : memref<10000x128xf32, #tpu.memory_space<hbm>> -> memref<10000x128xf32, #tpu.memory_space<hbm>>
          tpu.enqueue_indirect_dma source(%dma_start3A_68 : memref<10000x128xf32, #tpu.memory_space<hbm>>) target(%dma_start3A_62 : memref<125x128xf32, #tpu.memory_space<vmem>>) offsets(%dma_start3A_65 : memref<125xi32, #tpu.memory_space<vmem>>) semaphore(%arg13 : memref<!tpu.dma_semaphore, #tpu.memory_space<semaphore_mem>>)
          %run_scoped3A = arith.constant 0 : i32
          "tpu.region"() ({
            %run_scoped3A_89 = tpu.sem_alloc : memref<!tpu.dma_semaphore, #tpu.memory_space<semaphore_mem>>
            %dma_start3A_90 = arith.constant 0 : i32
            %dma_start3A_91 = arith.constant 0 : i32
            %dma_start3A_92 = tpu.memref_slice %arg10[%run_scoped3A, %dma_start3A_90, %dma_start3A_91] : memref<2x125x128xf32, #tpu.memory_space<vmem>> -> memref<1x125x128xf32, #tpu.memory_space<vmem>>
            %dma_start3A_93 = tpu.memref_squeeze %dma_start3A_92 : memref<1x125x128xf32, #tpu.memory_space<vmem>> -> memref<125x128xf32, #tpu.memory_space<vmem>>
            %dma_start3A_94 = arith.constant 0 : i32
            %dma_start3A_95 = tpu.memref_slice %arg9[%mul3A_47, %dma_start3A_94] : memref<40x125xi32, #tpu.memory_space<vmem>> -> memref<1x125xi32, #tpu.memory_space<vmem>>
            %dma_start3A_96 = tpu.memref_squeeze %dma_start3A_95 : memref<1x125xi32, #tpu.memory_space<vmem>> -> memref<125xi32, #tpu.memory_space<vmem>>
            %dma_start3A_97 = arith.constant 0 : i32
            %dma_start3A_98 = arith.constant 0 : i32
            %dma_start3A_99 = tpu.memref_slice %arg11[%dma_start3A_97, %dma_start3A_98] : memref<10000x128xf32, #tpu.memory_space<vmem_shared>> -> memref<10000x128xf32, #tpu.memory_space<vmem_shared>>
            tpu.enqueue_indirect_dma source(%dma_start3A_93 : memref<125x128xf32, #tpu.memory_space<vmem>>) target(%dma_start3A_99 : memref<10000x128xf32, #tpu.memory_space<vmem_shared>>) offsets(%dma_start3A_96 : memref<125xi32, #tpu.memory_space<vmem>>) semaphore(%run_scoped3A_89 : memref<!tpu.dma_semaphore, #tpu.memory_space<semaphore_mem>>) {add = true}
            %dma_wait3A_100 = arith.constant 0 : i32
            %dma_wait3A_101 = arith.constant 0 : i32
            %dma_wait3A_102 = tpu.memref_slice %arg10[%run_scoped3A, %dma_wait3A_100, %dma_wait3A_101] : memref<2x125x128xf32, #tpu.memory_space<vmem>> -> memref<1x125x128xf32, #tpu.memory_space<vmem>>
            %dma_wait3A_103 = tpu.memref_squeeze %dma_wait3A_102 : memref<1x125x128xf32, #tpu.memory_space<vmem>> -> memref<125x128xf32, #tpu.memory_space<vmem>>
            %dma_wait3A_104 = arith.constant 0 : i32
            %dma_wait3A_105 = tpu.memref_slice %arg9[%mul3A_47, %dma_wait3A_104] : memref<40x125xi32, #tpu.memory_space<vmem>> -> memref<1x125xi32, #tpu.memory_space<vmem>>
            %dma_wait3A_106 = tpu.memref_squeeze %dma_wait3A_105 : memref<1x125xi32, #tpu.memory_space<vmem>> -> memref<125xi32, #tpu.memory_space<vmem>>
            %dma_wait3A_107 = arith.constant 0 : i32
            %dma_wait3A_108 = arith.constant 0 : i32
            %dma_wait3A_109 = tpu.memref_slice %arg11[%dma_wait3A_107, %dma_wait3A_108] : memref<10000x128xf32, #tpu.memory_space<vmem_shared>> -> memref<10000x128xf32, #tpu.memory_space<vmem_shared>>
            tpu.wait_indirect_dma semaphore(%run_scoped3A_89 : memref<!tpu.dma_semaphore, #tpu.memory_space<semaphore_mem>>) src(%dma_wait3A_103 : memref<125x128xf32, #tpu.memory_space<vmem>>) dst(%dma_wait3A_109 : memref<10000x128xf32, #tpu.memory_space<vmem_shared>>)
            tpu.yield
          }) : () -> ()
          %add3A_69 = arith.constant 1 : i32
          %add3A_70 = arith.addi %mul3A_47, %add3A_69 : i32
          %dma_wait3A_71 = arith.constant 1 : i32
          %dma_wait3A_72 = arith.constant 0 : i32
          %dma_wait3A_73 = arith.constant 0 : i32
          %dma_wait3A_74 = tpu.memref_slice %arg10[%dma_wait3A_71, %dma_wait3A_72, %dma_wait3A_73] : memref<2x125x128xf32, #tpu.memory_space<vmem>> -> memref<1x125x128xf32, #tpu.memory_space<vmem>>
          %dma_wait3A_75 = tpu.memref_squeeze %dma_wait3A_74 : memref<1x125x128xf32, #tpu.memory_space<vmem>> -> memref<125x128xf32, #tpu.memory_space<vmem>>
          %dma_wait3A_76 = arith.constant 0 : i32
          %dma_wait3A_77 = tpu.memref_slice %arg8[%add3A_70, %dma_wait3A_76] : memref<40x125xi32, #tpu.memory_space<vmem>> -> memref<1x125xi32, #tpu.memory_space<vmem>>
          %dma_wait3A_78 = tpu.memref_squeeze %dma_wait3A_77 : memref<1x125xi32, #tpu.memory_space<vmem>> -> memref<125xi32, #tpu.memory_space<vmem>>
          %dma_wait3A_79 = arith.constant 0 : i32
          %dma_wait3A_80 = arith.constant 0 : i32
          %dma_wait3A_81 = tpu.memref_slice %arg3[%dma_wait3A_79, %dma_wait3A_80] : memref<10000x128xf32, #tpu.memory_space<hbm>> -> memref<10000x128xf32, #tpu.memory_space<hbm>>
          tpu.wait_indirect_dma semaphore(%arg13 : memref<!tpu.dma_semaphore, #tpu.memory_space<semaphore_mem>>) src(%dma_wait3A_81 : memref<10000x128xf32, #tpu.memory_space<hbm>>) dst(%dma_wait3A_75 : memref<125x128xf32, #tpu.memory_space<vmem>>)
          %lt3A = arith.constant 19 : i32
          %lt3A_82 = arith.cmpi slt, %scan3A_45, %lt3A : i32
          %convert_element_type3A_83 = arith.extui %lt3A_82 : i1 to i32
          %cond3A_84 = arith.constant 0 : i32
          %cond3A_85 = arith.cmpi ne, %convert_element_type3A_83, %cond3A_84 : i32
          scf.if %cond3A_85 {
            %add3A_89 = arith.constant 2 : i32
            %add3A_90 = arith.addi %mul3A_47, %add3A_89 : i32
            %dma_start3A_91 = arith.constant 0 : i32
            %dma_start3A_92 = arith.constant 0 : i32
            %dma_start3A_93 = arith.constant 0 : i32
            %dma_start3A_94 = tpu.memref_slice %arg10[%dma_start3A_91, %dma_start3A_92, %dma_start3A_93] : memref<2x125x128xf32, #tpu.memory_space<vmem>> -> memref<1x125x128xf32, #tpu.memory_space<vmem>>
            %dma_start3A_95 = tpu.memref_squeeze %dma_start3A_94 : memref<1x125x128xf32, #tpu.memory_space<vmem>> -> memref<125x128xf32, #tpu.memory_space<vmem>>
            %dma_start3A_96 = arith.constant 0 : i32
            %dma_start3A_97 = tpu.memref_slice %arg8[%add3A_90, %dma_start3A_96] : memref<40x125xi32, #tpu.memory_space<vmem>> -> memref<1x125xi32, #tpu.memory_space<vmem>>
            %dma_start3A_98 = tpu.memref_squeeze %dma_start3A_97 : memref<1x125xi32, #tpu.memory_space<vmem>> -> memref<125xi32, #tpu.memory_space<vmem>>
            %dma_start3A_99 = arith.constant 0 : i32
            %dma_start3A_100 = arith.constant 0 : i32
            %dma_start3A_101 = tpu.memref_slice %arg3[%dma_start3A_99, %dma_start3A_100] : memref<10000x128xf32, #tpu.memory_space<hbm>> -> memref<10000x128xf32, #tpu.memory_space<hbm>>
            tpu.enqueue_indirect_dma source(%dma_start3A_101 : memref<10000x128xf32, #tpu.memory_space<hbm>>) target(%dma_start3A_95 : memref<125x128xf32, #tpu.memory_space<vmem>>) offsets(%dma_start3A_98 : memref<125xi32, #tpu.memory_space<vmem>>) semaphore(%arg12 : memref<!tpu.dma_semaphore, #tpu.memory_space<semaphore_mem>>)
          } else {
          }
          %add3A_86 = arith.constant 1 : i32
          %add3A_87 = arith.addi %mul3A_47, %add3A_86 : i32
          %run_scoped3A_88 = arith.constant 1 : i32
          "tpu.region"() ({
            %run_scoped3A_89 = tpu.sem_alloc : memref<!tpu.dma_semaphore, #tpu.memory_space<semaphore_mem>>
            %dma_start3A_90 = arith.constant 0 : i32
            %dma_start3A_91 = arith.constant 0 : i32
            %dma_start3A_92 = tpu.memref_slice %arg10[%run_scoped3A_88, %dma_start3A_90, %dma_start3A_91] : memref<2x125x128xf32, #tpu.memory_space<vmem>> -> memref<1x125x128xf32, #tpu.memory_space<vmem>>
            %dma_start3A_93 = tpu.memref_squeeze %dma_start3A_92 : memref<1x125x128xf32, #tpu.memory_space<vmem>> -> memref<125x128xf32, #tpu.memory_space<vmem>>
            %dma_start3A_94 = arith.constant 0 : i32
            %dma_start3A_95 = tpu.memref_slice %arg9[%add3A_87, %dma_start3A_94] : memref<40x125xi32, #tpu.memory_space<vmem>> -> memref<1x125xi32, #tpu.memory_space<vmem>>
            %dma_start3A_96 = tpu.memref_squeeze %dma_start3A_95 : memref<1x125xi32, #tpu.memory_space<vmem>> -> memref<125xi32, #tpu.memory_space<vmem>>
            %dma_start3A_97 = arith.constant 0 : i32
            %dma_start3A_98 = arith.constant 0 : i32
            %dma_start3A_99 = tpu.memref_slice %arg11[%dma_start3A_97, %dma_start3A_98] : memref<10000x128xf32, #tpu.memory_space<vmem_shared>> -> memref<10000x128xf32, #tpu.memory_space<vmem_shared>>
            tpu.enqueue_indirect_dma source(%dma_start3A_93 : memref<125x128xf32, #tpu.memory_space<vmem>>) target(%dma_start3A_99 : memref<10000x128xf32, #tpu.memory_space<vmem_shared>>) offsets(%dma_start3A_96 : memref<125xi32, #tpu.memory_space<vmem>>) semaphore(%run_scoped3A_89 : memref<!tpu.dma_semaphore, #tpu.memory_space<semaphore_mem>>) {add = true}
            %dma_wait3A_100 = arith.constant 0 : i32
            %dma_wait3A_101 = arith.constant 0 : i32
            %dma_wait3A_102 = tpu.memref_slice %arg10[%run_scoped3A_88, %dma_wait3A_100, %dma_wait3A_101] : memref<2x125x128xf32, #tpu.memory_space<vmem>> -> memref<1x125x128xf32, #tpu.memory_space<vmem>>
            %dma_wait3A_103 = tpu.memref_squeeze %dma_wait3A_102 : memref<1x125x128xf32, #tpu.memory_space<vmem>> -> memref<125x128xf32, #tpu.memory_space<vmem>>
            %dma_wait3A_104 = arith.constant 0 : i32
            %dma_wait3A_105 = tpu.memref_slice %arg9[%add3A_87, %dma_wait3A_104] : memref<40x125xi32, #tpu.memory_space<vmem>> -> memref<1x125xi32, #tpu.memory_space<vmem>>
            %dma_wait3A_106 = tpu.memref_squeeze %dma_wait3A_105 : memref<1x125xi32, #tpu.memory_space<vmem>> -> memref<125xi32, #tpu.memory_space<vmem>>
            %dma_wait3A_107 = arith.constant 0 : i32
            %dma_wait3A_108 = arith.constant 0 : i32
            %dma_wait3A_109 = tpu.memref_slice %arg11[%dma_wait3A_107, %dma_wait3A_108] : memref<10000x128xf32, #tpu.memory_space<vmem_shared>> -> memref<10000x128xf32, #tpu.memory_space<vmem_shared>>
            tpu.wait_indirect_dma semaphore(%run_scoped3A_89 : memref<!tpu.dma_semaphore, #tpu.memory_space<semaphore_mem>>) src(%dma_wait3A_103 : memref<125x128xf32, #tpu.memory_space<vmem>>) dst(%dma_wait3A_109 : memref<10000x128xf32, #tpu.memory_space<vmem_shared>>)
            tpu.yield
          }) : () -> ()
        }
        %scan3A_44 = arith.constant 20 : i32
      }
      %scan3A_33 = arith.constant 2 : i32
    } else {
    }
    %barrier3A_18 = arith.constant 0 : index
    tpu.barrier barrier_id(%barrier3A_18)
    %eq3A_19 = arith.constant 0 : i32
    %eq3A_20 = arith.cmpi eq, %arg0, %eq3A_19 : i32
    %convert_element_type3A_21 = arith.extui %eq3A_20 : i1 to i32
    %cond3A_22 = arith.constant 0 : i32
    %cond3A_23 = arith.cmpi ne, %convert_element_type3A_21, %cond3A_22 : i32
    scf.if %cond3A_23 {
      %mul3A_29 = arith.constant 624 : i32
      %mul3A_30 = arith.muli %arg1, %mul3A_29 : i32
      "tpu.region"() ({
        %run_scoped3A = tpu.sem_alloc : memref<!tpu.dma_semaphore, #tpu.memory_space<semaphore_mem>>
        %dma_start3A = arith.constant 0 : i32
        %dma_start3A_36 = tpu.memref_slice %arg6[%mul3A_30, %dma_start3A] : memref<10000x128xf32, #tpu.memory_space<hbm>> -> memref<624x128xf32, #tpu.memory_space<hbm>>
        %dma_start3A_37 = arith.constant 0 : i32
        %dma_start3A_38 = tpu.memref_slice %arg11[%mul3A_30, %dma_start3A_37] : memref<10000x128xf32, #tpu.memory_space<vmem_shared>> -> memref<624x128xf32, #tpu.memory_space<vmem_shared>>
        tpu.enqueue_dma source(%dma_start3A_38 : memref<624x128xf32, #tpu.memory_space<vmem_shared>>) target(%dma_start3A_36 : memref<624x128xf32, #tpu.memory_space<hbm>>) target_semaphore(%run_scoped3A : memref<!tpu.dma_semaphore, #tpu.memory_space<semaphore_mem>>)
        %dma_wait3A = arith.constant 0 : i32
        %dma_wait3A_39 = tpu.memref_slice %arg6[%mul3A_30, %dma_wait3A] : memref<10000x128xf32, #tpu.memory_space<hbm>> -> memref<624x128xf32, #tpu.memory_space<hbm>>
        %dma_wait3A_40 = arith.constant 0 : i32
        %dma_wait3A_41 = tpu.memref_slice %arg11[%mul3A_30, %dma_wait3A_40] : memref<10000x128xf32, #tpu.memory_space<vmem_shared>> -> memref<624x128xf32, #tpu.memory_space<vmem_shared>>
        tpu.wait_dma2 semaphore(%run_scoped3A : memref<!tpu.dma_semaphore, #tpu.memory_space<semaphore_mem>>) src(%dma_wait3A_41 : memref<624x128xf32, #tpu.memory_space<vmem_shared>>) dst(%dma_wait3A_39 : memref<624x128xf32, #tpu.memory_space<hbm>>)
        tpu.yield
      }) : () -> ()
      %eq3A_31 = arith.constant 15 : i32
      %eq3A_32 = arith.cmpi eq, %arg1, %eq3A_31 : i32
      %convert_element_type3A_33 = arith.extui %eq3A_32 : i1 to i32
      %cond3A_34 = arith.constant 0 : i32
      %cond3A_35 = arith.cmpi ne, %convert_element_type3A_33, %cond3A_34 : i32
      scf.if %cond3A_35 {
        "tpu.region"() ({
          %run_scoped3A = tpu.sem_alloc : memref<!tpu.dma_semaphore, #tpu.memory_space<semaphore_mem>>
          %dma_start3A = arith.constant 9984 : i32
          %dma_start3A_36 = arith.constant 0 : i32
          %dma_start3A_37 = tpu.memref_slice %arg6[%dma_start3A, %dma_start3A_36] : memref<10000x128xf32, #tpu.memory_space<hbm>> -> memref<16x128xf32, #tpu.memory_space<hbm>>
          %dma_start3A_38 = arith.constant 9984 : i32
          %dma_start3A_39 = arith.constant 0 : i32
          %dma_start3A_40 = tpu.memref_slice %arg11[%dma_start3A_38, %dma_start3A_39] : memref<10000x128xf32, #tpu.memory_space<vmem_shared>> -> memref<16x128xf32, #tpu.memory_space<vmem_shared>>
          tpu.enqueue_dma source(%dma_start3A_40 : memref<16x128xf32, #tpu.memory_space<vmem_shared>>) target(%dma_start3A_37 : memref<16x128xf32, #tpu.memory_space<hbm>>) target_semaphore(%run_scoped3A : memref<!tpu.dma_semaphore, #tpu.memory_space<semaphore_mem>>)
          %dma_wait3A = arith.constant 9984 : i32
          %dma_wait3A_41 = arith.constant 0 : i32
          %dma_wait3A_42 = tpu.memref_slice %arg6[%dma_wait3A, %dma_wait3A_41] : memref<10000x128xf32, #tpu.memory_space<hbm>> -> memref<16x128xf32, #tpu.memory_space<hbm>>
          %dma_wait3A_43 = arith.constant 9984 : i32
          %dma_wait3A_44 = arith.constant 0 : i32
          %dma_wait3A_45 = tpu.memref_slice %arg11[%dma_wait3A_43, %dma_wait3A_44] : memref<10000x128xf32, #tpu.memory_space<vmem_shared>> -> memref<16x128xf32, #tpu.memory_space<vmem_shared>>
          tpu.wait_dma2 semaphore(%run_scoped3A : memref<!tpu.dma_semaphore, #tpu.memory_space<semaphore_mem>>) src(%dma_wait3A_45 : memref<16x128xf32, #tpu.memory_space<vmem_shared>>) dst(%dma_wait3A_42 : memref<16x128xf32, #tpu.memory_space<hbm>>)
          tpu.yield
        }) : () -> ()
      } else {
      }
    } else {
    }
    %eq3A_24 = arith.constant 1 : i32
    %eq3A_25 = arith.cmpi eq, %arg0, %eq3A_24 : i32
    %convert_element_type3A_26 = arith.extui %eq3A_25 : i1 to i32
    %cond3A_27 = arith.constant 0 : i32
    %cond3A_28 = arith.cmpi ne, %convert_element_type3A_26, %cond3A_27 : i32
    scf.if %cond3A_28 {
      %mul3A_29 = arith.constant 624 : i32
      %mul3A_30 = arith.muli %arg1, %mul3A_29 : i32
      "tpu.region"() ({
        %run_scoped3A = tpu.sem_alloc : memref<!tpu.dma_semaphore, #tpu.memory_space<semaphore_mem>>
        %dma_start3A = arith.constant 0 : i32
        %dma_start3A_36 = tpu.memref_slice %arg7[%mul3A_30, %dma_start3A] : memref<10000x128xf32, #tpu.memory_space<hbm>> -> memref<624x128xf32, #tpu.memory_space<hbm>>
        %dma_start3A_37 = arith.constant 0 : i32
        %dma_start3A_38 = tpu.memref_slice %arg11[%mul3A_30, %dma_start3A_37] : memref<10000x128xf32, #tpu.memory_space<vmem_shared>> -> memref<624x128xf32, #tpu.memory_space<vmem_shared>>
        tpu.enqueue_dma source(%dma_start3A_38 : memref<624x128xf32, #tpu.memory_space<vmem_shared>>) target(%dma_start3A_36 : memref<624x128xf32, #tpu.memory_space<hbm>>) target_semaphore(%run_scoped3A : memref<!tpu.dma_semaphore, #tpu.memory_space<semaphore_mem>>)
        %dma_wait3A = arith.constant 0 : i32
        %dma_wait3A_39 = tpu.memref_slice %arg7[%mul3A_30, %dma_wait3A] : memref<10000x128xf32, #tpu.memory_space<hbm>> -> memref<624x128xf32, #tpu.memory_space<hbm>>
        %dma_wait3A_40 = arith.constant 0 : i32
        %dma_wait3A_41 = tpu.memref_slice %arg11[%mul3A_30, %dma_wait3A_40] : memref<10000x128xf32, #tpu.memory_space<vmem_shared>> -> memref<624x128xf32, #tpu.memory_space<vmem_shared>>
        tpu.wait_dma2 semaphore(%run_scoped3A : memref<!tpu.dma_semaphore, #tpu.memory_space<semaphore_mem>>) src(%dma_wait3A_41 : memref<624x128xf32, #tpu.memory_space<vmem_shared>>) dst(%dma_wait3A_39 : memref<624x128xf32, #tpu.memory_space<hbm>>)
        tpu.yield
      }) : () -> ()
      %eq3A_31 = arith.constant 15 : i32
      %eq3A_32 = arith.cmpi eq, %arg1, %eq3A_31 : i32
      %convert_element_type3A_33 = arith.extui %eq3A_32 : i1 to i32
      %cond3A_34 = arith.constant 0 : i32
      %cond3A_35 = arith.cmpi ne, %convert_element_type3A_33, %cond3A_34 : i32
      scf.if %cond3A_35 {
        "tpu.region"() ({
          %run_scoped3A = tpu.sem_alloc : memref<!tpu.dma_semaphore, #tpu.memory_space<semaphore_mem>>
          %dma_start3A = arith.constant 9984 : i32
          %dma_start3A_36 = arith.constant 0 : i32
          %dma_start3A_37 = tpu.memref_slice %arg7[%dma_start3A, %dma_start3A_36] : memref<10000x128xf32, #tpu.memory_space<hbm>> -> memref<16x128xf32, #tpu.memory_space<hbm>>
          %dma_start3A_38 = arith.constant 9984 : i32
          %dma_start3A_39 = arith.constant 0 : i32
          %dma_start3A_40 = tpu.memref_slice %arg11[%dma_start3A_38, %dma_start3A_39] : memref<10000x128xf32, #tpu.memory_space<vmem_shared>> -> memref<16x128xf32, #tpu.memory_space<vmem_shared>>
          tpu.enqueue_dma source(%dma_start3A_40 : memref<16x128xf32, #tpu.memory_space<vmem_shared>>) target(%dma_start3A_37 : memref<16x128xf32, #tpu.memory_space<hbm>>) target_semaphore(%run_scoped3A : memref<!tpu.dma_semaphore, #tpu.memory_space<semaphore_mem>>)
          %dma_wait3A = arith.constant 9984 : i32
          %dma_wait3A_41 = arith.constant 0 : i32
          %dma_wait3A_42 = tpu.memref_slice %arg7[%dma_wait3A, %dma_wait3A_41] : memref<10000x128xf32, #tpu.memory_space<hbm>> -> memref<16x128xf32, #tpu.memory_space<hbm>>
          %dma_wait3A_43 = arith.constant 9984 : i32
          %dma_wait3A_44 = arith.constant 0 : i32
          %dma_wait3A_45 = tpu.memref_slice %arg11[%dma_wait3A_43, %dma_wait3A_44] : memref<10000x128xf32, #tpu.memory_space<vmem_shared>> -> memref<16x128xf32, #tpu.memory_space<vmem_shared>>
          tpu.wait_dma2 semaphore(%run_scoped3A : memref<!tpu.dma_semaphore, #tpu.memory_space<semaphore_mem>>) src(%dma_wait3A_45 : memref<16x128xf32, #tpu.memory_space<vmem_shared>>) dst(%dma_wait3A_42 : memref<16x128xf32, #tpu.memory_space<hbm>>)
          tpu.yield
        }) : () -> ()
      } else {
      }
    } else {
    }
    return
  }
}

#map = affine_map<(d0, d1) -> (0, 0)>
module attributes {stable_mosaic.version = 14 : i64} {
  func.func @_deg_kernel(%arg0: i32, %arg1: i32, %arg2: memref<1280x125xi32, #tpu.memory_space<hbm>>, %arg3: memref<10000x128xf32, #tpu.memory_space<hbm>>, %arg4: memref<125x128xf32, #tpu.memory_space<hbm>>, %arg5: memref<10000x128xf32, #tpu.memory_space<hbm>>, %arg6: memref<10000x128xf32, #tpu.memory_space<hbm>>, %arg7: memref<40x125xi32, #tpu.memory_space<vmem>>, %arg8: memref<125x128xf32, #tpu.memory_space<vmem>>, %arg9: memref<10000x128xf32, #tpu.memory_space<vmem_shared>>) attributes {dimension_semantics = [#tpu.dimension_semantics<core_parallel>, #tpu.dimension_semantics<subcore_parallel>], iteration_bounds = array<i64: 2, 16>, scalar_prefetch = 0 : i64, scratch_operands = 3 : i64, tpu.core_type = #tpu.core_type<sc_vector_subcore>, window_params = [{transform_indices = #map}, {transform_indices = #map}, {transform_indices = #map}, {transform_indices = #map}, {transform_indices = #map}]} {
    %mul3A = arith.constant 2 : i32
    %mul3A_0 = arith.muli %arg1, %mul3A : i32
    %add3A = arith.addi %mul3A_0, %arg0 : i32
    %mul3A_1 = arith.constant 624 : i32
    %mul3A_2 = arith.muli %arg1, %mul3A_1 : i32
    "tpu.region"() ({
      %run_scoped3A = tpu.sem_alloc : memref<!tpu.dma_semaphore, #tpu.memory_space<semaphore_mem>>
      %dma_start3A = arith.constant 0 : i32
      %dma_start3A_23 = tpu.memref_slice %arg9[%mul3A_2, %dma_start3A] : memref<10000x128xf32, #tpu.memory_space<vmem_shared>> -> memref<624x128xf32, #tpu.memory_space<vmem_shared>>
      %dma_start3A_24 = arith.constant 0 : i32
      %dma_start3A_25 = tpu.memref_slice %arg3[%mul3A_2, %dma_start3A_24] : memref<10000x128xf32, #tpu.memory_space<hbm>> -> memref<624x128xf32, #tpu.memory_space<hbm>>
      tpu.enqueue_dma source(%dma_start3A_25 : memref<624x128xf32, #tpu.memory_space<hbm>>) target(%dma_start3A_23 : memref<624x128xf32, #tpu.memory_space<vmem_shared>>) target_semaphore(%run_scoped3A : memref<!tpu.dma_semaphore, #tpu.memory_space<semaphore_mem>>)
      %dma_wait3A = arith.constant 0 : i32
      %dma_wait3A_26 = tpu.memref_slice %arg9[%mul3A_2, %dma_wait3A] : memref<10000x128xf32, #tpu.memory_space<vmem_shared>> -> memref<624x128xf32, #tpu.memory_space<vmem_shared>>
      %dma_wait3A_27 = arith.constant 0 : i32
      %dma_wait3A_28 = tpu.memref_slice %arg3[%mul3A_2, %dma_wait3A_27] : memref<10000x128xf32, #tpu.memory_space<hbm>> -> memref<624x128xf32, #tpu.memory_space<hbm>>
      tpu.wait_dma2 semaphore(%run_scoped3A : memref<!tpu.dma_semaphore, #tpu.memory_space<semaphore_mem>>) src(%dma_wait3A_28 : memref<624x128xf32, #tpu.memory_space<hbm>>) dst(%dma_wait3A_26 : memref<624x128xf32, #tpu.memory_space<vmem_shared>>)
      tpu.yield
    }) : () -> ()
    %eq3A = arith.constant 15 : i32
    %eq3A_3 = arith.cmpi eq, %arg1, %eq3A : i32
    %convert_element_type3A = arith.extui %eq3A_3 : i1 to i32
    %cond3A = arith.constant 0 : i32
    %cond3A_4 = arith.cmpi ne, %convert_element_type3A, %cond3A : i32
    scf.if %cond3A_4 {
      "tpu.region"() ({
        %run_scoped3A = tpu.sem_alloc : memref<!tpu.dma_semaphore, #tpu.memory_space<semaphore_mem>>
        %dma_start3A = arith.constant 9984 : i32
        %dma_start3A_23 = arith.constant 0 : i32
        %dma_start3A_24 = tpu.memref_slice %arg9[%dma_start3A, %dma_start3A_23] : memref<10000x128xf32, #tpu.memory_space<vmem_shared>> -> memref<16x128xf32, #tpu.memory_space<vmem_shared>>
        %dma_start3A_25 = arith.constant 9984 : i32
        %dma_start3A_26 = arith.constant 0 : i32
        %dma_start3A_27 = tpu.memref_slice %arg3[%dma_start3A_25, %dma_start3A_26] : memref<10000x128xf32, #tpu.memory_space<hbm>> -> memref<16x128xf32, #tpu.memory_space<hbm>>
        tpu.enqueue_dma source(%dma_start3A_27 : memref<16x128xf32, #tpu.memory_space<hbm>>) target(%dma_start3A_24 : memref<16x128xf32, #tpu.memory_space<vmem_shared>>) target_semaphore(%run_scoped3A : memref<!tpu.dma_semaphore, #tpu.memory_space<semaphore_mem>>)
        %dma_wait3A = arith.constant 9984 : i32
        %dma_wait3A_28 = arith.constant 0 : i32
        %dma_wait3A_29 = tpu.memref_slice %arg9[%dma_wait3A, %dma_wait3A_28] : memref<10000x128xf32, #tpu.memory_space<vmem_shared>> -> memref<16x128xf32, #tpu.memory_space<vmem_shared>>
        %dma_wait3A_30 = arith.constant 9984 : i32
        %dma_wait3A_31 = arith.constant 0 : i32
        %dma_wait3A_32 = tpu.memref_slice %arg3[%dma_wait3A_30, %dma_wait3A_31] : memref<10000x128xf32, #tpu.memory_space<hbm>> -> memref<16x128xf32, #tpu.memory_space<hbm>>
        tpu.wait_dma2 semaphore(%run_scoped3A : memref<!tpu.dma_semaphore, #tpu.memory_space<semaphore_mem>>) src(%dma_wait3A_32 : memref<16x128xf32, #tpu.memory_space<hbm>>) dst(%dma_wait3A_29 : memref<16x128xf32, #tpu.memory_space<vmem_shared>>)
        tpu.yield
      }) : () -> ()
    } else {
    }
    "tpu.region"() ({
      %run_scoped3A = tpu.sem_alloc : memref<!tpu.dma_semaphore, #tpu.memory_space<semaphore_mem>>
      tpu.enqueue_dma source(%arg4 : memref<125x128xf32, #tpu.memory_space<hbm>>) target(%arg8 : memref<125x128xf32, #tpu.memory_space<vmem>>) target_semaphore(%run_scoped3A : memref<!tpu.dma_semaphore, #tpu.memory_space<semaphore_mem>>)
      tpu.wait_dma2 semaphore(%run_scoped3A : memref<!tpu.dma_semaphore, #tpu.memory_space<semaphore_mem>>) src(%arg4 : memref<125x128xf32, #tpu.memory_space<hbm>>) dst(%arg8 : memref<125x128xf32, #tpu.memory_space<vmem>>)
      tpu.yield
    }) : () -> ()
    %mul3A_5 = arith.constant 40 : i32
    %mul3A_6 = arith.muli %add3A, %mul3A_5 : i32
    "tpu.region"() ({
      %run_scoped3A = tpu.sem_alloc : memref<!tpu.dma_semaphore, #tpu.memory_space<semaphore_mem>>
      %dma_start3A = arith.constant 0 : i32
      %dma_start3A_23 = tpu.memref_slice %arg2[%mul3A_6, %dma_start3A] : memref<1280x125xi32, #tpu.memory_space<hbm>> -> memref<40x125xi32, #tpu.memory_space<hbm>>
      %dma_start3A_24 = arith.constant 0 : i32
      %dma_start3A_25 = tpu.memref_slice %arg2[%mul3A_6, %dma_start3A_24] : memref<1280x125xi32, #tpu.memory_space<hbm>> -> memref<40x125xi32, #tpu.memory_space<hbm>>
      tpu.enqueue_dma source(%dma_start3A_25 : memref<40x125xi32, #tpu.memory_space<hbm>>) target(%arg7 : memref<40x125xi32, #tpu.memory_space<vmem>>) target_semaphore(%run_scoped3A : memref<!tpu.dma_semaphore, #tpu.memory_space<semaphore_mem>>)
      %dma_wait3A = arith.constant 0 : i32
      %dma_wait3A_26 = tpu.memref_slice %arg2[%mul3A_6, %dma_wait3A] : memref<1280x125xi32, #tpu.memory_space<hbm>> -> memref<40x125xi32, #tpu.memory_space<hbm>>
      %dma_wait3A_27 = arith.constant 0 : i32
      %dma_wait3A_28 = tpu.memref_slice %arg2[%mul3A_6, %dma_wait3A_27] : memref<1280x125xi32, #tpu.memory_space<hbm>> -> memref<40x125xi32, #tpu.memory_space<hbm>>
      tpu.wait_dma2 semaphore(%run_scoped3A : memref<!tpu.dma_semaphore, #tpu.memory_space<semaphore_mem>>) src(%dma_wait3A_28 : memref<40x125xi32, #tpu.memory_space<hbm>>) dst(%arg7 : memref<40x125xi32, #tpu.memory_space<vmem>>)
      tpu.yield
    }) : () -> ()
    %barrier3A = arith.constant 0 : index
    tpu.barrier barrier_id(%barrier3A)
    %scan3A = arith.constant 0 : i32
    %scan3A_7 = arith.constant 0 : i32
    %scan3A_8 = arith.constant 40 : i32
    %scan3A_9 = arith.addi %scan3A_7, %scan3A_8 : i32
    %scan3A_10 = arith.constant 1 : i32
    scf.for %scan3A_23 = %scan3A_7 to %scan3A_9 step %scan3A_10  : i32 {
      "tpu.region"() ({
        %run_scoped3A = tpu.sem_alloc : memref<!tpu.dma_semaphore, #tpu.memory_space<semaphore_mem>>
        %dma_start3A = arith.constant 0 : i32
        %dma_start3A_24 = tpu.memref_slice %arg7[%scan3A_23, %dma_start3A] : memref<40x125xi32, #tpu.memory_space<vmem>> -> memref<1x125xi32, #tpu.memory_space<vmem>>
        %dma_start3A_25 = tpu.memref_squeeze %dma_start3A_24 : memref<1x125xi32, #tpu.memory_space<vmem>> -> memref<125xi32, #tpu.memory_space<vmem>>
        %dma_start3A_26 = arith.constant 0 : i32
        %dma_start3A_27 = arith.constant 0 : i32
        %dma_start3A_28 = tpu.memref_slice %arg9[%dma_start3A_26, %dma_start3A_27] : memref<10000x128xf32, #tpu.memory_space<vmem_shared>> -> memref<10000x128xf32, #tpu.memory_space<vmem_shared>>
        tpu.enqueue_indirect_dma source(%arg8 : memref<125x128xf32, #tpu.memory_space<vmem>>) target(%dma_start3A_28 : memref<10000x128xf32, #tpu.memory_space<vmem_shared>>) offsets(%dma_start3A_25 : memref<125xi32, #tpu.memory_space<vmem>>) semaphore(%run_scoped3A : memref<!tpu.dma_semaphore, #tpu.memory_space<semaphore_mem>>) {add = true}
        %dma_wait3A = arith.constant 0 : i32
        %dma_wait3A_29 = tpu.memref_slice %arg7[%scan3A_23, %dma_wait3A] : memref<40x125xi32, #tpu.memory_space<vmem>> -> memref<1x125xi32, #tpu.memory_space<vmem>>
        %dma_wait3A_30 = tpu.memref_squeeze %dma_wait3A_29 : memref<1x125xi32, #tpu.memory_space<vmem>> -> memref<125xi32, #tpu.memory_space<vmem>>
        %dma_wait3A_31 = arith.constant 0 : i32
        %dma_wait3A_32 = arith.constant 0 : i32
        %dma_wait3A_33 = tpu.memref_slice %arg9[%dma_wait3A_31, %dma_wait3A_32] : memref<10000x128xf32, #tpu.memory_space<vmem_shared>> -> memref<10000x128xf32, #tpu.memory_space<vmem_shared>>
        tpu.wait_indirect_dma semaphore(%run_scoped3A : memref<!tpu.dma_semaphore, #tpu.memory_space<semaphore_mem>>) src(%arg8 : memref<125x128xf32, #tpu.memory_space<vmem>>) dst(%dma_wait3A_33 : memref<10000x128xf32, #tpu.memory_space<vmem_shared>>)
        tpu.yield
      }) : () -> ()
    }
    %scan3A_11 = arith.constant 40 : i32
    %barrier3A_12 = arith.constant 0 : index
    tpu.barrier barrier_id(%barrier3A_12)
    %eq3A_13 = arith.constant 0 : i32
    %eq3A_14 = arith.cmpi eq, %arg0, %eq3A_13 : i32
    %convert_element_type3A_15 = arith.extui %eq3A_14 : i1 to i32
    %cond3A_16 = arith.constant 0 : i32
    %cond3A_17 = arith.cmpi ne, %convert_element_type3A_15, %cond3A_16 : i32
    scf.if %cond3A_17 {
      %mul3A_23 = arith.constant 624 : i32
      %mul3A_24 = arith.muli %arg1, %mul3A_23 : i32
      "tpu.region"() ({
        %run_scoped3A = tpu.sem_alloc : memref<!tpu.dma_semaphore, #tpu.memory_space<semaphore_mem>>
        %dma_start3A = arith.constant 0 : i32
        %dma_start3A_30 = tpu.memref_slice %arg5[%mul3A_24, %dma_start3A] : memref<10000x128xf32, #tpu.memory_space<hbm>> -> memref<624x128xf32, #tpu.memory_space<hbm>>
        %dma_start3A_31 = arith.constant 0 : i32
        %dma_start3A_32 = tpu.memref_slice %arg9[%mul3A_24, %dma_start3A_31] : memref<10000x128xf32, #tpu.memory_space<vmem_shared>> -> memref<624x128xf32, #tpu.memory_space<vmem_shared>>
        tpu.enqueue_dma source(%dma_start3A_32 : memref<624x128xf32, #tpu.memory_space<vmem_shared>>) target(%dma_start3A_30 : memref<624x128xf32, #tpu.memory_space<hbm>>) target_semaphore(%run_scoped3A : memref<!tpu.dma_semaphore, #tpu.memory_space<semaphore_mem>>)
        %dma_wait3A = arith.constant 0 : i32
        %dma_wait3A_33 = tpu.memref_slice %arg5[%mul3A_24, %dma_wait3A] : memref<10000x128xf32, #tpu.memory_space<hbm>> -> memref<624x128xf32, #tpu.memory_space<hbm>>
        %dma_wait3A_34 = arith.constant 0 : i32
        %dma_wait3A_35 = tpu.memref_slice %arg9[%mul3A_24, %dma_wait3A_34] : memref<10000x128xf32, #tpu.memory_space<vmem_shared>> -> memref<624x128xf32, #tpu.memory_space<vmem_shared>>
        tpu.wait_dma2 semaphore(%run_scoped3A : memref<!tpu.dma_semaphore, #tpu.memory_space<semaphore_mem>>) src(%dma_wait3A_35 : memref<624x128xf32, #tpu.memory_space<vmem_shared>>) dst(%dma_wait3A_33 : memref<624x128xf32, #tpu.memory_space<hbm>>)
        tpu.yield
      }) : () -> ()
      %eq3A_25 = arith.constant 15 : i32
      %eq3A_26 = arith.cmpi eq, %arg1, %eq3A_25 : i32
      %convert_element_type3A_27 = arith.extui %eq3A_26 : i1 to i32
      %cond3A_28 = arith.constant 0 : i32
      %cond3A_29 = arith.cmpi ne, %convert_element_type3A_27, %cond3A_28 : i32
      scf.if %cond3A_29 {
        "tpu.region"() ({
          %run_scoped3A = tpu.sem_alloc : memref<!tpu.dma_semaphore, #tpu.memory_space<semaphore_mem>>
          %dma_start3A = arith.constant 9984 : i32
          %dma_start3A_30 = arith.constant 0 : i32
          %dma_start3A_31 = tpu.memref_slice %arg5[%dma_start3A, %dma_start3A_30] : memref<10000x128xf32, #tpu.memory_space<hbm>> -> memref<16x128xf32, #tpu.memory_space<hbm>>
          %dma_start3A_32 = arith.constant 9984 : i32
          %dma_start3A_33 = arith.constant 0 : i32
          %dma_start3A_34 = tpu.memref_slice %arg9[%dma_start3A_32, %dma_start3A_33] : memref<10000x128xf32, #tpu.memory_space<vmem_shared>> -> memref<16x128xf32, #tpu.memory_space<vmem_shared>>
          tpu.enqueue_dma source(%dma_start3A_34 : memref<16x128xf32, #tpu.memory_space<vmem_shared>>) target(%dma_start3A_31 : memref<16x128xf32, #tpu.memory_space<hbm>>) target_semaphore(%run_scoped3A : memref<!tpu.dma_semaphore, #tpu.memory_space<semaphore_mem>>)
          %dma_wait3A = arith.constant 9984 : i32
          %dma_wait3A_35 = arith.constant 0 : i32
          %dma_wait3A_36 = tpu.memref_slice %arg5[%dma_wait3A, %dma_wait3A_35] : memref<10000x128xf32, #tpu.memory_space<hbm>> -> memref<16x128xf32, #tpu.memory_space<hbm>>
          %dma_wait3A_37 = arith.constant 9984 : i32
          %dma_wait3A_38 = arith.constant 0 : i32
          %dma_wait3A_39 = tpu.memref_slice %arg9[%dma_wait3A_37, %dma_wait3A_38] : memref<10000x128xf32, #tpu.memory_space<vmem_shared>> -> memref<16x128xf32, #tpu.memory_space<vmem_shared>>
          tpu.wait_dma2 semaphore(%run_scoped3A : memref<!tpu.dma_semaphore, #tpu.memory_space<semaphore_mem>>) src(%dma_wait3A_39 : memref<16x128xf32, #tpu.memory_space<vmem_shared>>) dst(%dma_wait3A_36 : memref<16x128xf32, #tpu.memory_space<hbm>>)
          tpu.yield
        }) : () -> ()
      } else {
      }
    } else {
    }
    %eq3A_18 = arith.constant 1 : i32
    %eq3A_19 = arith.cmpi eq, %arg0, %eq3A_18 : i32
    %convert_element_type3A_20 = arith.extui %eq3A_19 : i1 to i32
    %cond3A_21 = arith.constant 0 : i32
    %cond3A_22 = arith.cmpi ne, %convert_element_type3A_20, %cond3A_21 : i32
    scf.if %cond3A_22 {
      %mul3A_23 = arith.constant 624 : i32
      %mul3A_24 = arith.muli %arg1, %mul3A_23 : i32
      "tpu.region"() ({
        %run_scoped3A = tpu.sem_alloc : memref<!tpu.dma_semaphore, #tpu.memory_space<semaphore_mem>>
        %dma_start3A = arith.constant 0 : i32
        %dma_start3A_30 = tpu.memref_slice %arg6[%mul3A_24, %dma_start3A] : memref<10000x128xf32, #tpu.memory_space<hbm>> -> memref<624x128xf32, #tpu.memory_space<hbm>>
        %dma_start3A_31 = arith.constant 0 : i32
        %dma_start3A_32 = tpu.memref_slice %arg9[%mul3A_24, %dma_start3A_31] : memref<10000x128xf32, #tpu.memory_space<vmem_shared>> -> memref<624x128xf32, #tpu.memory_space<vmem_shared>>
        tpu.enqueue_dma source(%dma_start3A_32 : memref<624x128xf32, #tpu.memory_space<vmem_shared>>) target(%dma_start3A_30 : memref<624x128xf32, #tpu.memory_space<hbm>>) target_semaphore(%run_scoped3A : memref<!tpu.dma_semaphore, #tpu.memory_space<semaphore_mem>>)
        %dma_wait3A = arith.constant 0 : i32
        %dma_wait3A_33 = tpu.memref_slice %arg6[%mul3A_24, %dma_wait3A] : memref<10000x128xf32, #tpu.memory_space<hbm>> -> memref<624x128xf32, #tpu.memory_space<hbm>>
        %dma_wait3A_34 = arith.constant 0 : i32
        %dma_wait3A_35 = tpu.memref_slice %arg9[%mul3A_24, %dma_wait3A_34] : memref<10000x128xf32, #tpu.memory_space<vmem_shared>> -> memref<624x128xf32, #tpu.memory_space<vmem_shared>>
        tpu.wait_dma2 semaphore(%run_scoped3A : memref<!tpu.dma_semaphore, #tpu.memory_space<semaphore_mem>>) src(%dma_wait3A_35 : memref<624x128xf32, #tpu.memory_space<vmem_shared>>) dst(%dma_wait3A_33 : memref<624x128xf32, #tpu.memory_space<hbm>>)
        tpu.yield
      }) : () -> ()
      %eq3A_25 = arith.constant 15 : i32
      %eq3A_26 = arith.cmpi eq, %arg1, %eq3A_25 : i32
      %convert_element_type3A_27 = arith.extui %eq3A_26 : i1 to i32
      %cond3A_28 = arith.constant 0 : i32
      %cond3A_29 = arith.cmpi ne, %convert_element_type3A_27, %cond3A_28 : i32
      scf.if %cond3A_29 {
        "tpu.region"() ({
          %run_scoped3A = tpu.sem_alloc : memref<!tpu.dma_semaphore, #tpu.memory_space<semaphore_mem>>
          %dma_start3A = arith.constant 9984 : i32
          %dma_start3A_30 = arith.constant 0 : i32
          %dma_start3A_31 = tpu.memref_slice %arg6[%dma_start3A, %dma_start3A_30] : memref<10000x128xf32, #tpu.memory_space<hbm>> -> memref<16x128xf32, #tpu.memory_space<hbm>>
          %dma_start3A_32 = arith.constant 9984 : i32
          %dma_start3A_33 = arith.constant 0 : i32
          %dma_start3A_34 = tpu.memref_slice %arg9[%dma_start3A_32, %dma_start3A_33] : memref<10000x128xf32, #tpu.memory_space<vmem_shared>> -> memref<16x128xf32, #tpu.memory_space<vmem_shared>>
          tpu.enqueue_dma source(%dma_start3A_34 : memref<16x128xf32, #tpu.memory_space<vmem_shared>>) target(%dma_start3A_31 : memref<16x128xf32, #tpu.memory_space<hbm>>) target_semaphore(%run_scoped3A : memref<!tpu.dma_semaphore, #tpu.memory_space<semaphore_mem>>)
          %dma_wait3A = arith.constant 9984 : i32
          %dma_wait3A_35 = arith.constant 0 : i32
          %dma_wait3A_36 = tpu.memref_slice %arg6[%dma_wait3A, %dma_wait3A_35] : memref<10000x128xf32, #tpu.memory_space<hbm>> -> memref<16x128xf32, #tpu.memory_space<hbm>>
          %dma_wait3A_37 = arith.constant 9984 : i32
          %dma_wait3A_38 = arith.constant 0 : i32
          %dma_wait3A_39 = tpu.memref_slice %arg9[%dma_wait3A_37, %dma_wait3A_38] : memref<10000x128xf32, #tpu.memory_space<vmem_shared>> -> memref<16x128xf32, #tpu.memory_space<vmem_shared>>
          tpu.wait_dma2 semaphore(%run_scoped3A : memref<!tpu.dma_semaphore, #tpu.memory_space<semaphore_mem>>) src(%dma_wait3A_39 : memref<16x128xf32, #tpu.memory_space<vmem_shared>>) dst(%dma_wait3A_36 : memref<16x128xf32, #tpu.memory_space<hbm>>)
          tpu.yield
        }) : () -> ()
      } else {
      }
    } else {
    }
    return
  }
}

#map = affine_map<(d0, d1) -> (0, 0)>
module attributes {stable_mosaic.version = 14 : i64} {
  func.func @_agg_kernel(%arg0: i32, %arg1: i32, %arg2: memref<10000x128xf32, #tpu.memory_space<hbm>>, %arg3: memref<10000x128xf32, #tpu.memory_space<hbm>>, %arg4: memref<1280x125xi32, #tpu.memory_space<hbm>>, %arg5: memref<1280x125xi32, #tpu.memory_space<hbm>>, %arg6: memref<10000x128xf32, #tpu.memory_space<hbm>>, %arg7: memref<10000x128xf32, #tpu.memory_space<hbm>>, %arg8: memref<40x125xi32, #tpu.memory_space<vmem>>, %arg9: memref<40x125xi32, #tpu.memory_space<vmem>>, %arg10: memref<2x125x128xf32, #tpu.memory_space<vmem>>, %arg11: memref<10000x128xf32, #tpu.memory_space<vmem_shared>>, %arg12: memref<!tpu.dma_semaphore, #tpu.memory_space<semaphore_mem>>, %arg13: memref<!tpu.dma_semaphore, #tpu.memory_space<semaphore_mem>>) attributes {dimension_semantics = [#tpu.dimension_semantics<core_parallel>, #tpu.dimension_semantics<subcore_parallel>], iteration_bounds = array<i64: 2, 16>, scalar_prefetch = 0 : i64, scratch_operands = 6 : i64, tpu.core_type = #tpu.core_type<sc_vector_subcore>, window_params = [{transform_indices = #map}, {transform_indices = #map}, {transform_indices = #map}, {transform_indices = #map}, {transform_indices = #map}, {transform_indices = #map}]} {
    %mul3A = arith.constant 80 : i32
    %mul3A_0 = arith.muli %arg1, %mul3A : i32
    %eq3A = arith.constant 0 : i32
    %eq3A_1 = arith.cmpi eq, %arg0, %eq3A : i32
    %convert_element_type3A = arith.extui %eq3A_1 : i1 to i32
    %cond3A = arith.constant 0 : i32
    %cond3A_2 = arith.cmpi ne, %convert_element_type3A, %cond3A : i32
    scf.if %cond3A_2 {
      "tpu.region"() ({
        %run_scoped3A = tpu.sem_alloc : memref<!tpu.dma_semaphore, #tpu.memory_space<semaphore_mem>>
        %dma_start3A_47 = arith.constant 0 : i32
        %dma_start3A_48 = tpu.memref_slice %arg4[%mul3A_0, %dma_start3A_47] : memref<1280x125xi32, #tpu.memory_space<hbm>> -> memref<40x125xi32, #tpu.memory_space<hbm>>
        %dma_start3A_49 = arith.constant 0 : i32
        %dma_start3A_50 = tpu.memref_slice %arg4[%mul3A_0, %dma_start3A_49] : memref<1280x125xi32, #tpu.memory_space<hbm>> -> memref<40x125xi32, #tpu.memory_space<hbm>>
        tpu.enqueue_dma source(%dma_start3A_50 : memref<40x125xi32, #tpu.memory_space<hbm>>) target(%arg8 : memref<40x125xi32, #tpu.memory_space<vmem>>) target_semaphore(%run_scoped3A : memref<!tpu.dma_semaphore, #tpu.memory_space<semaphore_mem>>)
        %dma_wait3A = arith.constant 0 : i32
        %dma_wait3A_51 = tpu.memref_slice %arg4[%mul3A_0, %dma_wait3A] : memref<1280x125xi32, #tpu.memory_space<hbm>> -> memref<40x125xi32, #tpu.memory_space<hbm>>
        %dma_wait3A_52 = arith.constant 0 : i32
        %dma_wait3A_53 = tpu.memref_slice %arg4[%mul3A_0, %dma_wait3A_52] : memref<1280x125xi32, #tpu.memory_space<hbm>> -> memref<40x125xi32, #tpu.memory_space<hbm>>
        tpu.wait_dma2 semaphore(%run_scoped3A : memref<!tpu.dma_semaphore, #tpu.memory_space<semaphore_mem>>) src(%dma_wait3A_53 : memref<40x125xi32, #tpu.memory_space<hbm>>) dst(%arg8 : memref<40x125xi32, #tpu.memory_space<vmem>>)
        tpu.yield
      }) : () -> ()
      "tpu.region"() ({
        %run_scoped3A = tpu.sem_alloc : memref<!tpu.dma_semaphore, #tpu.memory_space<semaphore_mem>>
        %dma_start3A_47 = arith.constant 0 : i32
        %dma_start3A_48 = tpu.memref_slice %arg5[%mul3A_0, %dma_start3A_47] : memref<1280x125xi32, #tpu.memory_space<hbm>> -> memref<40x125xi32, #tpu.memory_space<hbm>>
        %dma_start3A_49 = arith.constant 0 : i32
        %dma_start3A_50 = tpu.memref_slice %arg5[%mul3A_0, %dma_start3A_49] : memref<1280x125xi32, #tpu.memory_space<hbm>> -> memref<40x125xi32, #tpu.memory_space<hbm>>
        tpu.enqueue_dma source(%dma_start3A_50 : memref<40x125xi32, #tpu.memory_space<hbm>>) target(%arg9 : memref<40x125xi32, #tpu.memory_space<vmem>>) target_semaphore(%run_scoped3A : memref<!tpu.dma_semaphore, #tpu.memory_space<semaphore_mem>>)
        %dma_wait3A = arith.constant 0 : i32
        %dma_wait3A_51 = tpu.memref_slice %arg5[%mul3A_0, %dma_wait3A] : memref<1280x125xi32, #tpu.memory_space<hbm>> -> memref<40x125xi32, #tpu.memory_space<hbm>>
        %dma_wait3A_52 = arith.constant 0 : i32
        %dma_wait3A_53 = tpu.memref_slice %arg5[%mul3A_0, %dma_wait3A_52] : memref<1280x125xi32, #tpu.memory_space<hbm>> -> memref<40x125xi32, #tpu.memory_space<hbm>>
        tpu.wait_dma2 semaphore(%run_scoped3A : memref<!tpu.dma_semaphore, #tpu.memory_space<semaphore_mem>>) src(%dma_wait3A_53 : memref<40x125xi32, #tpu.memory_space<hbm>>) dst(%arg9 : memref<40x125xi32, #tpu.memory_space<vmem>>)
        tpu.yield
      }) : () -> ()
      %dma_start3A = arith.constant 0 : i32
      %dma_start3A_29 = arith.constant 0 : i32
      %dma_start3A_30 = arith.constant 0 : i32
      %dma_start3A_31 = arith.constant 0 : i32
      %dma_start3A_32 = tpu.memref_slice %arg10[%dma_start3A_29, %dma_start3A_30, %dma_start3A_31] : memref<2x125x128xf32, #tpu.memory_space<vmem>> -> memref<1x125x128xf32, #tpu.memory_space<vmem>>
      %dma_start3A_33 = tpu.memref_squeeze %dma_start3A_32 : memref<1x125x128xf32, #tpu.memory_space<vmem>> -> memref<125x128xf32, #tpu.memory_space<vmem>>
      %dma_start3A_34 = arith.constant 0 : i32
      %dma_start3A_35 = tpu.memref_slice %arg8[%dma_start3A, %dma_start3A_34] : memref<40x125xi32, #tpu.memory_space<vmem>> -> memref<1x125xi32, #tpu.memory_space<vmem>>
      %dma_start3A_36 = tpu.memref_squeeze %dma_start3A_35 : memref<1x125xi32, #tpu.memory_space<vmem>> -> memref<125xi32, #tpu.memory_space<vmem>>
      %dma_start3A_37 = arith.constant 0 : i32
      %dma_start3A_38 = arith.constant 0 : i32
      %dma_start3A_39 = tpu.memref_slice %arg2[%dma_start3A_37, %dma_start3A_38] : memref<10000x128xf32, #tpu.memory_space<hbm>> -> memref<10000x128xf32, #tpu.memory_space<hbm>>
      tpu.enqueue_indirect_dma source(%dma_start3A_39 : memref<10000x128xf32, #tpu.memory_space<hbm>>) target(%dma_start3A_33 : memref<125x128xf32, #tpu.memory_space<vmem>>) offsets(%dma_start3A_36 : memref<125xi32, #tpu.memory_space<vmem>>) semaphore(%arg12 : memref<!tpu.dma_semaphore, #tpu.memory_space<semaphore_mem>>)
      %mul3A_40 = arith.constant 624 : i32
      %mul3A_41 = arith.muli %arg1, %mul3A_40 : i32
      "tpu.region"() ({
        %run_scoped3A = tpu.sem_alloc : memref<!tpu.dma_semaphore, #tpu.memory_space<semaphore_mem>>
        %dma_start3A_47 = arith.constant 0 : i32
        %dma_start3A_48 = tpu.memref_slice %arg11[%mul3A_41, %dma_start3A_47] : memref<10000x128xf32, #tpu.memory_space<vmem_shared>> -> memref<624x128xf32, #tpu.memory_space<vmem_shared>>
        %dma_start3A_49 = arith.constant 0 : i32
        %dma_start3A_50 = tpu.memref_slice %arg2[%mul3A_41, %dma_start3A_49] : memref<10000x128xf32, #tpu.memory_space<hbm>> -> memref<624x128xf32, #tpu.memory_space<hbm>>
        tpu.enqueue_dma source(%dma_start3A_50 : memref<624x128xf32, #tpu.memory_space<hbm>>) target(%dma_start3A_48 : memref<624x128xf32, #tpu.memory_space<vmem_shared>>) target_semaphore(%run_scoped3A : memref<!tpu.dma_semaphore, #tpu.memory_space<semaphore_mem>>)
        %dma_wait3A = arith.constant 0 : i32
        %dma_wait3A_51 = tpu.memref_slice %arg11[%mul3A_41, %dma_wait3A] : memref<10000x128xf32, #tpu.memory_space<vmem_shared>> -> memref<624x128xf32, #tpu.memory_space<vmem_shared>>
        %dma_wait3A_52 = arith.constant 0 : i32
        %dma_wait3A_53 = tpu.memref_slice %arg2[%mul3A_41, %dma_wait3A_52] : memref<10000x128xf32, #tpu.memory_space<hbm>> -> memref<624x128xf32, #tpu.memory_space<hbm>>
        tpu.wait_dma2 semaphore(%run_scoped3A : memref<!tpu.dma_semaphore, #tpu.memory_space<semaphore_mem>>) src(%dma_wait3A_53 : memref<624x128xf32, #tpu.memory_space<hbm>>) dst(%dma_wait3A_51 : memref<624x128xf32, #tpu.memory_space<vmem_shared>>)
        tpu.yield
      }) : () -> ()
      %eq3A_42 = arith.constant 15 : i32
      %eq3A_43 = arith.cmpi eq, %arg1, %eq3A_42 : i32
      %convert_element_type3A_44 = arith.extui %eq3A_43 : i1 to i32
      %cond3A_45 = arith.constant 0 : i32
      %cond3A_46 = arith.cmpi ne, %convert_element_type3A_44, %cond3A_45 : i32
      scf.if %cond3A_46 {
        "tpu.region"() ({
          %run_scoped3A = tpu.sem_alloc : memref<!tpu.dma_semaphore, #tpu.memory_space<semaphore_mem>>
          %dma_start3A_47 = arith.constant 9984 : i32
          %dma_start3A_48 = arith.constant 0 : i32
          %dma_start3A_49 = tpu.memref_slice %arg11[%dma_start3A_47, %dma_start3A_48] : memref<10000x128xf32, #tpu.memory_space<vmem_shared>> -> memref<16x128xf32, #tpu.memory_space<vmem_shared>>
          %dma_start3A_50 = arith.constant 9984 : i32
          %dma_start3A_51 = arith.constant 0 : i32
          %dma_start3A_52 = tpu.memref_slice %arg2[%dma_start3A_50, %dma_start3A_51] : memref<10000x128xf32, #tpu.memory_space<hbm>> -> memref<16x128xf32, #tpu.memory_space<hbm>>
          tpu.enqueue_dma source(%dma_start3A_52 : memref<16x128xf32, #tpu.memory_space<hbm>>) target(%dma_start3A_49 : memref<16x128xf32, #tpu.memory_space<vmem_shared>>) target_semaphore(%run_scoped3A : memref<!tpu.dma_semaphore, #tpu.memory_space<semaphore_mem>>)
          %dma_wait3A = arith.constant 9984 : i32
          %dma_wait3A_53 = arith.constant 0 : i32
          %dma_wait3A_54 = tpu.memref_slice %arg11[%dma_wait3A, %dma_wait3A_53] : memref<10000x128xf32, #tpu.memory_space<vmem_shared>> -> memref<16x128xf32, #tpu.memory_space<vmem_shared>>
          %dma_wait3A_55 = arith.constant 9984 : i32
          %dma_wait3A_56 = arith.constant 0 : i32
          %dma_wait3A_57 = tpu.memref_slice %arg2[%dma_wait3A_55, %dma_wait3A_56] : memref<10000x128xf32, #tpu.memory_space<hbm>> -> memref<16x128xf32, #tpu.memory_space<hbm>>
          tpu.wait_dma2 semaphore(%run_scoped3A : memref<!tpu.dma_semaphore, #tpu.memory_space<semaphore_mem>>) src(%dma_wait3A_57 : memref<16x128xf32, #tpu.memory_space<hbm>>) dst(%dma_wait3A_54 : memref<16x128xf32, #tpu.memory_space<vmem_shared>>)
          tpu.yield
        }) : () -> ()
      } else {
      }
    } else {
    }
    %eq3A_3 = arith.constant 1 : i32
    %eq3A_4 = arith.cmpi eq, %arg0, %eq3A_3 : i32
    %convert_element_type3A_5 = arith.extui %eq3A_4 : i1 to i32
    %cond3A_6 = arith.constant 0 : i32
    %cond3A_7 = arith.cmpi ne, %convert_element_type3A_5, %cond3A_6 : i32
    scf.if %cond3A_7 {
      "tpu.region"() ({
        %run_scoped3A = tpu.sem_alloc : memref<!tpu.dma_semaphore, #tpu.memory_space<semaphore_mem>>
        %dma_start3A_47 = arith.constant 0 : i32
        %dma_start3A_48 = tpu.memref_slice %arg4[%mul3A_0, %dma_start3A_47] : memref<1280x125xi32, #tpu.memory_space<hbm>> -> memref<40x125xi32, #tpu.memory_space<hbm>>
        %dma_start3A_49 = arith.constant 0 : i32
        %dma_start3A_50 = tpu.memref_slice %arg4[%mul3A_0, %dma_start3A_49] : memref<1280x125xi32, #tpu.memory_space<hbm>> -> memref<40x125xi32, #tpu.memory_space<hbm>>
        tpu.enqueue_dma source(%dma_start3A_50 : memref<40x125xi32, #tpu.memory_space<hbm>>) target(%arg8 : memref<40x125xi32, #tpu.memory_space<vmem>>) target_semaphore(%run_scoped3A : memref<!tpu.dma_semaphore, #tpu.memory_space<semaphore_mem>>)
        %dma_wait3A = arith.constant 0 : i32
        %dma_wait3A_51 = tpu.memref_slice %arg4[%mul3A_0, %dma_wait3A] : memref<1280x125xi32, #tpu.memory_space<hbm>> -> memref<40x125xi32, #tpu.memory_space<hbm>>
        %dma_wait3A_52 = arith.constant 0 : i32
        %dma_wait3A_53 = tpu.memref_slice %arg4[%mul3A_0, %dma_wait3A_52] : memref<1280x125xi32, #tpu.memory_space<hbm>> -> memref<40x125xi32, #tpu.memory_space<hbm>>
        tpu.wait_dma2 semaphore(%run_scoped3A : memref<!tpu.dma_semaphore, #tpu.memory_space<semaphore_mem>>) src(%dma_wait3A_53 : memref<40x125xi32, #tpu.memory_space<hbm>>) dst(%arg8 : memref<40x125xi32, #tpu.memory_space<vmem>>)
        tpu.yield
      }) : () -> ()
      "tpu.region"() ({
        %run_scoped3A = tpu.sem_alloc : memref<!tpu.dma_semaphore, #tpu.memory_space<semaphore_mem>>
        %dma_start3A_47 = arith.constant 0 : i32
        %dma_start3A_48 = tpu.memref_slice %arg5[%mul3A_0, %dma_start3A_47] : memref<1280x125xi32, #tpu.memory_space<hbm>> -> memref<40x125xi32, #tpu.memory_space<hbm>>
        %dma_start3A_49 = arith.constant 0 : i32
        %dma_start3A_50 = tpu.memref_slice %arg5[%mul3A_0, %dma_start3A_49] : memref<1280x125xi32, #tpu.memory_space<hbm>> -> memref<40x125xi32, #tpu.memory_space<hbm>>
        tpu.enqueue_dma source(%dma_start3A_50 : memref<40x125xi32, #tpu.memory_space<hbm>>) target(%arg9 : memref<40x125xi32, #tpu.memory_space<vmem>>) target_semaphore(%run_scoped3A : memref<!tpu.dma_semaphore, #tpu.memory_space<semaphore_mem>>)
        %dma_wait3A = arith.constant 0 : i32
        %dma_wait3A_51 = tpu.memref_slice %arg5[%mul3A_0, %dma_wait3A] : memref<1280x125xi32, #tpu.memory_space<hbm>> -> memref<40x125xi32, #tpu.memory_space<hbm>>
        %dma_wait3A_52 = arith.constant 0 : i32
        %dma_wait3A_53 = tpu.memref_slice %arg5[%mul3A_0, %dma_wait3A_52] : memref<1280x125xi32, #tpu.memory_space<hbm>> -> memref<40x125xi32, #tpu.memory_space<hbm>>
        tpu.wait_dma2 semaphore(%run_scoped3A : memref<!tpu.dma_semaphore, #tpu.memory_space<semaphore_mem>>) src(%dma_wait3A_53 : memref<40x125xi32, #tpu.memory_space<hbm>>) dst(%arg9 : memref<40x125xi32, #tpu.memory_space<vmem>>)
        tpu.yield
      }) : () -> ()
      %dma_start3A = arith.constant 0 : i32
      %dma_start3A_29 = arith.constant 0 : i32
      %dma_start3A_30 = arith.constant 0 : i32
      %dma_start3A_31 = arith.constant 0 : i32
      %dma_start3A_32 = tpu.memref_slice %arg10[%dma_start3A_29, %dma_start3A_30, %dma_start3A_31] : memref<2x125x128xf32, #tpu.memory_space<vmem>> -> memref<1x125x128xf32, #tpu.memory_space<vmem>>
      %dma_start3A_33 = tpu.memref_squeeze %dma_start3A_32 : memref<1x125x128xf32, #tpu.memory_space<vmem>> -> memref<125x128xf32, #tpu.memory_space<vmem>>
      %dma_start3A_34 = arith.constant 0 : i32
      %dma_start3A_35 = tpu.memref_slice %arg8[%dma_start3A, %dma_start3A_34] : memref<40x125xi32, #tpu.memory_space<vmem>> -> memref<1x125xi32, #tpu.memory_space<vmem>>
      %dma_start3A_36 = tpu.memref_squeeze %dma_start3A_35 : memref<1x125xi32, #tpu.memory_space<vmem>> -> memref<125xi32, #tpu.memory_space<vmem>>
      %dma_start3A_37 = arith.constant 0 : i32
      %dma_start3A_38 = arith.constant 0 : i32
      %dma_start3A_39 = tpu.memref_slice %arg3[%dma_start3A_37, %dma_start3A_38] : memref<10000x128xf32, #tpu.memory_space<hbm>> -> memref<10000x128xf32, #tpu.memory_space<hbm>>
      tpu.enqueue_indirect_dma source(%dma_start3A_39 : memref<10000x128xf32, #tpu.memory_space<hbm>>) target(%dma_start3A_33 : memref<125x128xf32, #tpu.memory_space<vmem>>) offsets(%dma_start3A_36 : memref<125xi32, #tpu.memory_space<vmem>>) semaphore(%arg12 : memref<!tpu.dma_semaphore, #tpu.memory_space<semaphore_mem>>)
      %mul3A_40 = arith.constant 624 : i32
      %mul3A_41 = arith.muli %arg1, %mul3A_40 : i32
      "tpu.region"() ({
        %run_scoped3A = tpu.sem_alloc : memref<!tpu.dma_semaphore, #tpu.memory_space<semaphore_mem>>
        %dma_start3A_47 = arith.constant 0 : i32
        %dma_start3A_48 = tpu.memref_slice %arg11[%mul3A_41, %dma_start3A_47] : memref<10000x128xf32, #tpu.memory_space<vmem_shared>> -> memref<624x128xf32, #tpu.memory_space<vmem_shared>>
        %dma_start3A_49 = arith.constant 0 : i32
        %dma_start3A_50 = tpu.memref_slice %arg3[%mul3A_41, %dma_start3A_49] : memref<10000x128xf32, #tpu.memory_space<hbm>> -> memref<624x128xf32, #tpu.memory_space<hbm>>
        tpu.enqueue_dma source(%dma_start3A_50 : memref<624x128xf32, #tpu.memory_space<hbm>>) target(%dma_start3A_48 : memref<624x128xf32, #tpu.memory_space<vmem_shared>>) target_semaphore(%run_scoped3A : memref<!tpu.dma_semaphore, #tpu.memory_space<semaphore_mem>>)
        %dma_wait3A = arith.constant 0 : i32
        %dma_wait3A_51 = tpu.memref_slice %arg11[%mul3A_41, %dma_wait3A] : memref<10000x128xf32, #tpu.memory_space<vmem_shared>> -> memref<624x128xf32, #tpu.memory_space<vmem_shared>>
        %dma_wait3A_52 = arith.constant 0 : i32
        %dma_wait3A_53 = tpu.memref_slice %arg3[%mul3A_41, %dma_wait3A_52] : memref<10000x128xf32, #tpu.memory_space<hbm>> -> memref<624x128xf32, #tpu.memory_space<hbm>>
        tpu.wait_dma2 semaphore(%run_scoped3A : memref<!tpu.dma_semaphore, #tpu.memory_space<semaphore_mem>>) src(%dma_wait3A_53 : memref<624x128xf32, #tpu.memory_space<hbm>>) dst(%dma_wait3A_51 : memref<624x128xf32, #tpu.memory_space<vmem_shared>>)
        tpu.yield
      }) : () -> ()
      %eq3A_42 = arith.constant 15 : i32
      %eq3A_43 = arith.cmpi eq, %arg1, %eq3A_42 : i32
      %convert_element_type3A_44 = arith.extui %eq3A_43 : i1 to i32
      %cond3A_45 = arith.constant 0 : i32
      %cond3A_46 = arith.cmpi ne, %convert_element_type3A_44, %cond3A_45 : i32
      scf.if %cond3A_46 {
        "tpu.region"() ({
          %run_scoped3A = tpu.sem_alloc : memref<!tpu.dma_semaphore, #tpu.memory_space<semaphore_mem>>
          %dma_start3A_47 = arith.constant 9984 : i32
          %dma_start3A_48 = arith.constant 0 : i32
          %dma_start3A_49 = tpu.memref_slice %arg11[%dma_start3A_47, %dma_start3A_48] : memref<10000x128xf32, #tpu.memory_space<vmem_shared>> -> memref<16x128xf32, #tpu.memory_space<vmem_shared>>
          %dma_start3A_50 = arith.constant 9984 : i32
          %dma_start3A_51 = arith.constant 0 : i32
          %dma_start3A_52 = tpu.memref_slice %arg3[%dma_start3A_50, %dma_start3A_51] : memref<10000x128xf32, #tpu.memory_space<hbm>> -> memref<16x128xf32, #tpu.memory_space<hbm>>
          tpu.enqueue_dma source(%dma_start3A_52 : memref<16x128xf32, #tpu.memory_space<hbm>>) target(%dma_start3A_49 : memref<16x128xf32, #tpu.memory_space<vmem_shared>>) target_semaphore(%run_scoped3A : memref<!tpu.dma_semaphore, #tpu.memory_space<semaphore_mem>>)
          %dma_wait3A = arith.constant 9984 : i32
          %dma_wait3A_53 = arith.constant 0 : i32
          %dma_wait3A_54 = tpu.memref_slice %arg11[%dma_wait3A, %dma_wait3A_53] : memref<10000x128xf32, #tpu.memory_space<vmem_shared>> -> memref<16x128xf32, #tpu.memory_space<vmem_shared>>
          %dma_wait3A_55 = arith.constant 9984 : i32
          %dma_wait3A_56 = arith.constant 0 : i32
          %dma_wait3A_57 = tpu.memref_slice %arg3[%dma_wait3A_55, %dma_wait3A_56] : memref<10000x128xf32, #tpu.memory_space<hbm>> -> memref<16x128xf32, #tpu.memory_space<hbm>>
          tpu.wait_dma2 semaphore(%run_scoped3A : memref<!tpu.dma_semaphore, #tpu.memory_space<semaphore_mem>>) src(%dma_wait3A_57 : memref<16x128xf32, #tpu.memory_space<hbm>>) dst(%dma_wait3A_54 : memref<16x128xf32, #tpu.memory_space<vmem_shared>>)
          tpu.yield
        }) : () -> ()
      } else {
      }
    } else {
    }
    %barrier3A = arith.constant 0 : index
    tpu.barrier barrier_id(%barrier3A)
    %eq3A_8 = arith.constant 0 : i32
    %eq3A_9 = arith.cmpi eq, %arg0, %eq3A_8 : i32
    %convert_element_type3A_10 = arith.extui %eq3A_9 : i1 to i32
    %cond3A_11 = arith.constant 0 : i32
    %cond3A_12 = arith.cmpi ne, %convert_element_type3A_10, %cond3A_11 : i32
    scf.if %cond3A_12 {
      %scan3A = arith.constant 0 : i32
      %scan3A_29 = arith.constant 0 : i32
      %scan3A_30 = arith.constant 2 : i32
      %scan3A_31 = arith.addi %scan3A_29, %scan3A_30 : i32
      %scan3A_32 = arith.constant 1 : i32
      scf.for %scan3A_34 = %scan3A_29 to %scan3A_31 step %scan3A_32  : i32 {
        %gt3A = arith.constant 0 : i32
        %gt3A_35 = arith.cmpi sgt, %scan3A_34, %gt3A : i32
        %convert_element_type3A_36 = arith.extui %gt3A_35 : i1 to i32
        %cond3A_37 = arith.constant 0 : i32
        %cond3A_38 = arith.cmpi ne, %convert_element_type3A_36, %cond3A_37 : i32
        scf.if %cond3A_38 {
          %mul3A_45 = arith.constant 40 : i32
          %mul3A_46 = arith.muli %scan3A_34, %mul3A_45 : i32
          %add3A = arith.addi %mul3A_0, %mul3A_46 : i32
          "tpu.region"() ({
            %run_scoped3A = tpu.sem_alloc : memref<!tpu.dma_semaphore, #tpu.memory_space<semaphore_mem>>
            %dma_start3A_61 = arith.constant 0 : i32
            %dma_start3A_62 = tpu.memref_slice %arg4[%add3A, %dma_start3A_61] : memref<1280x125xi32, #tpu.memory_space<hbm>> -> memref<40x125xi32, #tpu.memory_space<hbm>>
            %dma_start3A_63 = arith.constant 0 : i32
            %dma_start3A_64 = tpu.memref_slice %arg4[%add3A, %dma_start3A_63] : memref<1280x125xi32, #tpu.memory_space<hbm>> -> memref<40x125xi32, #tpu.memory_space<hbm>>
            tpu.enqueue_dma source(%dma_start3A_64 : memref<40x125xi32, #tpu.memory_space<hbm>>) target(%arg8 : memref<40x125xi32, #tpu.memory_space<vmem>>) target_semaphore(%run_scoped3A : memref<!tpu.dma_semaphore, #tpu.memory_space<semaphore_mem>>)
            %dma_wait3A = arith.constant 0 : i32
            %dma_wait3A_65 = tpu.memref_slice %arg4[%add3A, %dma_wait3A] : memref<1280x125xi32, #tpu.memory_space<hbm>> -> memref<40x125xi32, #tpu.memory_space<hbm>>
            %dma_wait3A_66 = arith.constant 0 : i32
            %dma_wait3A_67 = tpu.memref_slice %arg4[%add3A, %dma_wait3A_66] : memref<1280x125xi32, #tpu.memory_space<hbm>> -> memref<40x125xi32, #tpu.memory_space<hbm>>
            tpu.wait_dma2 semaphore(%run_scoped3A : memref<!tpu.dma_semaphore, #tpu.memory_space<semaphore_mem>>) src(%dma_wait3A_67 : memref<40x125xi32, #tpu.memory_space<hbm>>) dst(%arg8 : memref<40x125xi32, #tpu.memory_space<vmem>>)
            tpu.yield
          }) : () -> ()
          %mul3A_47 = arith.constant 40 : i32
          %mul3A_48 = arith.muli %scan3A_34, %mul3A_47 : i32
          %add3A_49 = arith.addi %mul3A_0, %mul3A_48 : i32
          "tpu.region"() ({
            %run_scoped3A = tpu.sem_alloc : memref<!tpu.dma_semaphore, #tpu.memory_space<semaphore_mem>>
            %dma_start3A_61 = arith.constant 0 : i32
            %dma_start3A_62 = tpu.memref_slice %arg5[%add3A_49, %dma_start3A_61] : memref<1280x125xi32, #tpu.memory_space<hbm>> -> memref<40x125xi32, #tpu.memory_space<hbm>>
            %dma_start3A_63 = arith.constant 0 : i32
            %dma_start3A_64 = tpu.memref_slice %arg5[%add3A_49, %dma_start3A_63] : memref<1280x125xi32, #tpu.memory_space<hbm>> -> memref<40x125xi32, #tpu.memory_space<hbm>>
            tpu.enqueue_dma source(%dma_start3A_64 : memref<40x125xi32, #tpu.memory_space<hbm>>) target(%arg9 : memref<40x125xi32, #tpu.memory_space<vmem>>) target_semaphore(%run_scoped3A : memref<!tpu.dma_semaphore, #tpu.memory_space<semaphore_mem>>)
            %dma_wait3A = arith.constant 0 : i32
            %dma_wait3A_65 = tpu.memref_slice %arg5[%add3A_49, %dma_wait3A] : memref<1280x125xi32, #tpu.memory_space<hbm>> -> memref<40x125xi32, #tpu.memory_space<hbm>>
            %dma_wait3A_66 = arith.constant 0 : i32
            %dma_wait3A_67 = tpu.memref_slice %arg5[%add3A_49, %dma_wait3A_66] : memref<1280x125xi32, #tpu.memory_space<hbm>> -> memref<40x125xi32, #tpu.memory_space<hbm>>
            tpu.wait_dma2 semaphore(%run_scoped3A : memref<!tpu.dma_semaphore, #tpu.memory_space<semaphore_mem>>) src(%dma_wait3A_67 : memref<40x125xi32, #tpu.memory_space<hbm>>) dst(%arg9 : memref<40x125xi32, #tpu.memory_space<vmem>>)
            tpu.yield
          }) : () -> ()
          %dma_start3A = arith.constant 0 : i32
          %dma_start3A_50 = arith.constant 0 : i32
          %dma_start3A_51 = arith.constant 0 : i32
          %dma_start3A_52 = arith.constant 0 : i32
          %dma_start3A_53 = tpu.memref_slice %arg10[%dma_start3A_50, %dma_start3A_51, %dma_start3A_52] : memref<2x125x128xf32, #tpu.memory_space<vmem>> -> memref<1x125x128xf32, #tpu.memory_space<vmem>>
          %dma_start3A_54 = tpu.memref_squeeze %dma_start3A_53 : memref<1x125x128xf32, #tpu.memory_space<vmem>> -> memref<125x128xf32, #tpu.memory_space<vmem>>
          %dma_start3A_55 = arith.constant 0 : i32
          %dma_start3A_56 = tpu.memref_slice %arg8[%dma_start3A, %dma_start3A_55] : memref<40x125xi32, #tpu.memory_space<vmem>> -> memref<1x125xi32, #tpu.memory_space<vmem>>
          %dma_start3A_57 = tpu.memref_squeeze %dma_start3A_56 : memref<1x125xi32, #tpu.memory_space<vmem>> -> memref<125xi32, #tpu.memory_space<vmem>>
          %dma_start3A_58 = arith.constant 0 : i32
          %dma_start3A_59 = arith.constant 0 : i32
          %dma_start3A_60 = tpu.memref_slice %arg2[%dma_start3A_58, %dma_start3A_59] : memref<10000x128xf32, #tpu.memory_space<hbm>> -> memref<10000x128xf32, #tpu.memory_space<hbm>>
          tpu.enqueue_indirect_dma source(%dma_start3A_60 : memref<10000x128xf32, #tpu.memory_space<hbm>>) target(%dma_start3A_54 : memref<125x128xf32, #tpu.memory_space<vmem>>) offsets(%dma_start3A_57 : memref<125xi32, #tpu.memory_space<vmem>>) semaphore(%arg12 : memref<!tpu.dma_semaphore, #tpu.memory_space<semaphore_mem>>)
        } else {
        }
        %scan3A_39 = arith.constant 0 : i32
        %scan3A_40 = arith.constant 0 : i32
        %scan3A_41 = arith.constant 20 : i32
        %scan3A_42 = arith.addi %scan3A_40, %scan3A_41 : i32
        %scan3A_43 = arith.constant 1 : i32
        scf.for %scan3A_45 = %scan3A_40 to %scan3A_42 step %scan3A_43  : i32 {
          %mul3A_46 = arith.constant 2 : i32
          %mul3A_47 = arith.muli %mul3A_46, %scan3A_45 : i32
          %dma_wait3A = arith.constant 0 : i32
          %dma_wait3A_48 = arith.constant 0 : i32
          %dma_wait3A_49 = arith.constant 0 : i32
          %dma_wait3A_50 = tpu.memref_slice %arg10[%dma_wait3A, %dma_wait3A_48, %dma_wait3A_49] : memref<2x125x128xf32, #tpu.memory_space<vmem>> -> memref<1x125x128xf32, #tpu.memory_space<vmem>>
          %dma_wait3A_51 = tpu.memref_squeeze %dma_wait3A_50 : memref<1x125x128xf32, #tpu.memory_space<vmem>> -> memref<125x128xf32, #tpu.memory_space<vmem>>
          %dma_wait3A_52 = arith.constant 0 : i32
          %dma_wait3A_53 = tpu.memref_slice %arg8[%mul3A_47, %dma_wait3A_52] : memref<40x125xi32, #tpu.memory_space<vmem>> -> memref<1x125xi32, #tpu.memory_space<vmem>>
          %dma_wait3A_54 = tpu.memref_squeeze %dma_wait3A_53 : memref<1x125xi32, #tpu.memory_space<vmem>> -> memref<125xi32, #tpu.memory_space<vmem>>
          %dma_wait3A_55 = arith.constant 0 : i32
          %dma_wait3A_56 = arith.constant 0 : i32
          %dma_wait3A_57 = tpu.memref_slice %arg2[%dma_wait3A_55, %dma_wait3A_56] : memref<10000x128xf32, #tpu.memory_space<hbm>> -> memref<10000x128xf32, #tpu.memory_space<hbm>>
          tpu.wait_indirect_dma semaphore(%arg12 : memref<!tpu.dma_semaphore, #tpu.memory_space<semaphore_mem>>) src(%dma_wait3A_57 : memref<10000x128xf32, #tpu.memory_space<hbm>>) dst(%dma_wait3A_51 : memref<125x128xf32, #tpu.memory_space<vmem>>)
          %add3A = arith.constant 1 : i32
          %add3A_58 = arith.addi %mul3A_47, %add3A : i32
          %dma_start3A = arith.constant 1 : i32
          %dma_start3A_59 = arith.constant 0 : i32
          %dma_start3A_60 = arith.constant 0 : i32
          %dma_start3A_61 = tpu.memref_slice %arg10[%dma_start3A, %dma_start3A_59, %dma_start3A_60] : memref<2x125x128xf32, #tpu.memory_space<vmem>> -> memref<1x125x128xf32, #tpu.memory_space<vmem>>
          %dma_start3A_62 = tpu.memref_squeeze %dma_start3A_61 : memref<1x125x128xf32, #tpu.memory_space<vmem>> -> memref<125x128xf32, #tpu.memory_space<vmem>>
          %dma_start3A_63 = arith.constant 0 : i32
          %dma_start3A_64 = tpu.memref_slice %arg8[%add3A_58, %dma_start3A_63] : memref<40x125xi32, #tpu.memory_space<vmem>> -> memref<1x125xi32, #tpu.memory_space<vmem>>
          %dma_start3A_65 = tpu.memref_squeeze %dma_start3A_64 : memref<1x125xi32, #tpu.memory_space<vmem>> -> memref<125xi32, #tpu.memory_space<vmem>>
          %dma_start3A_66 = arith.constant 0 : i32
          %dma_start3A_67 = arith.constant 0 : i32
          %dma_start3A_68 = tpu.memref_slice %arg2[%dma_start3A_66, %dma_start3A_67] : memref<10000x128xf32, #tpu.memory_space<hbm>> -> memref<10000x128xf32, #tpu.memory_space<hbm>>
          tpu.enqueue_indirect_dma source(%dma_start3A_68 : memref<10000x128xf32, #tpu.memory_space<hbm>>) target(%dma_start3A_62 : memref<125x128xf32, #tpu.memory_space<vmem>>) offsets(%dma_start3A_65 : memref<125xi32, #tpu.memory_space<vmem>>) semaphore(%arg13 : memref<!tpu.dma_semaphore, #tpu.memory_space<semaphore_mem>>)
          %run_scoped3A = arith.constant 0 : i32
          "tpu.region"() ({
            %run_scoped3A_89 = tpu.sem_alloc : memref<!tpu.dma_semaphore, #tpu.memory_space<semaphore_mem>>
            %dma_start3A_90 = arith.constant 0 : i32
            %dma_start3A_91 = arith.constant 0 : i32
            %dma_start3A_92 = tpu.memref_slice %arg10[%run_scoped3A, %dma_start3A_90, %dma_start3A_91] : memref<2x125x128xf32, #tpu.memory_space<vmem>> -> memref<1x125x128xf32, #tpu.memory_space<vmem>>
            %dma_start3A_93 = tpu.memref_squeeze %dma_start3A_92 : memref<1x125x128xf32, #tpu.memory_space<vmem>> -> memref<125x128xf32, #tpu.memory_space<vmem>>
            %dma_start3A_94 = arith.constant 0 : i32
            %dma_start3A_95 = tpu.memref_slice %arg9[%mul3A_47, %dma_start3A_94] : memref<40x125xi32, #tpu.memory_space<vmem>> -> memref<1x125xi32, #tpu.memory_space<vmem>>
            %dma_start3A_96 = tpu.memref_squeeze %dma_start3A_95 : memref<1x125xi32, #tpu.memory_space<vmem>> -> memref<125xi32, #tpu.memory_space<vmem>>
            %dma_start3A_97 = arith.constant 0 : i32
            %dma_start3A_98 = arith.constant 0 : i32
            %dma_start3A_99 = tpu.memref_slice %arg11[%dma_start3A_97, %dma_start3A_98] : memref<10000x128xf32, #tpu.memory_space<vmem_shared>> -> memref<10000x128xf32, #tpu.memory_space<vmem_shared>>
            tpu.enqueue_indirect_dma source(%dma_start3A_93 : memref<125x128xf32, #tpu.memory_space<vmem>>) target(%dma_start3A_99 : memref<10000x128xf32, #tpu.memory_space<vmem_shared>>) offsets(%dma_start3A_96 : memref<125xi32, #tpu.memory_space<vmem>>) semaphore(%run_scoped3A_89 : memref<!tpu.dma_semaphore, #tpu.memory_space<semaphore_mem>>) {add = true}
            %dma_wait3A_100 = arith.constant 0 : i32
            %dma_wait3A_101 = arith.constant 0 : i32
            %dma_wait3A_102 = tpu.memref_slice %arg10[%run_scoped3A, %dma_wait3A_100, %dma_wait3A_101] : memref<2x125x128xf32, #tpu.memory_space<vmem>> -> memref<1x125x128xf32, #tpu.memory_space<vmem>>
            %dma_wait3A_103 = tpu.memref_squeeze %dma_wait3A_102 : memref<1x125x128xf32, #tpu.memory_space<vmem>> -> memref<125x128xf32, #tpu.memory_space<vmem>>
            %dma_wait3A_104 = arith.constant 0 : i32
            %dma_wait3A_105 = tpu.memref_slice %arg9[%mul3A_47, %dma_wait3A_104] : memref<40x125xi32, #tpu.memory_space<vmem>> -> memref<1x125xi32, #tpu.memory_space<vmem>>
            %dma_wait3A_106 = tpu.memref_squeeze %dma_wait3A_105 : memref<1x125xi32, #tpu.memory_space<vmem>> -> memref<125xi32, #tpu.memory_space<vmem>>
            %dma_wait3A_107 = arith.constant 0 : i32
            %dma_wait3A_108 = arith.constant 0 : i32
            %dma_wait3A_109 = tpu.memref_slice %arg11[%dma_wait3A_107, %dma_wait3A_108] : memref<10000x128xf32, #tpu.memory_space<vmem_shared>> -> memref<10000x128xf32, #tpu.memory_space<vmem_shared>>
            tpu.wait_indirect_dma semaphore(%run_scoped3A_89 : memref<!tpu.dma_semaphore, #tpu.memory_space<semaphore_mem>>) src(%dma_wait3A_103 : memref<125x128xf32, #tpu.memory_space<vmem>>) dst(%dma_wait3A_109 : memref<10000x128xf32, #tpu.memory_space<vmem_shared>>)
            tpu.yield
          }) : () -> ()
          %add3A_69 = arith.constant 1 : i32
          %add3A_70 = arith.addi %mul3A_47, %add3A_69 : i32
          %dma_wait3A_71 = arith.constant 1 : i32
          %dma_wait3A_72 = arith.constant 0 : i32
          %dma_wait3A_73 = arith.constant 0 : i32
          %dma_wait3A_74 = tpu.memref_slice %arg10[%dma_wait3A_71, %dma_wait3A_72, %dma_wait3A_73] : memref<2x125x128xf32, #tpu.memory_space<vmem>> -> memref<1x125x128xf32, #tpu.memory_space<vmem>>
          %dma_wait3A_75 = tpu.memref_squeeze %dma_wait3A_74 : memref<1x125x128xf32, #tpu.memory_space<vmem>> -> memref<125x128xf32, #tpu.memory_space<vmem>>
          %dma_wait3A_76 = arith.constant 0 : i32
          %dma_wait3A_77 = tpu.memref_slice %arg8[%add3A_70, %dma_wait3A_76] : memref<40x125xi32, #tpu.memory_space<vmem>> -> memref<1x125xi32, #tpu.memory_space<vmem>>
          %dma_wait3A_78 = tpu.memref_squeeze %dma_wait3A_77 : memref<1x125xi32, #tpu.memory_space<vmem>> -> memref<125xi32, #tpu.memory_space<vmem>>
          %dma_wait3A_79 = arith.constant 0 : i32
          %dma_wait3A_80 = arith.constant 0 : i32
          %dma_wait3A_81 = tpu.memref_slice %arg2[%dma_wait3A_79, %dma_wait3A_80] : memref<10000x128xf32, #tpu.memory_space<hbm>> -> memref<10000x128xf32, #tpu.memory_space<hbm>>
          tpu.wait_indirect_dma semaphore(%arg13 : memref<!tpu.dma_semaphore, #tpu.memory_space<semaphore_mem>>) src(%dma_wait3A_81 : memref<10000x128xf32, #tpu.memory_space<hbm>>) dst(%dma_wait3A_75 : memref<125x128xf32, #tpu.memory_space<vmem>>)
          %lt3A = arith.constant 19 : i32
          %lt3A_82 = arith.cmpi slt, %scan3A_45, %lt3A : i32
          %convert_element_type3A_83 = arith.extui %lt3A_82 : i1 to i32
          %cond3A_84 = arith.constant 0 : i32
          %cond3A_85 = arith.cmpi ne, %convert_element_type3A_83, %cond3A_84 : i32
          scf.if %cond3A_85 {
            %add3A_89 = arith.constant 2 : i32
            %add3A_90 = arith.addi %mul3A_47, %add3A_89 : i32
            %dma_start3A_91 = arith.constant 0 : i32
            %dma_start3A_92 = arith.constant 0 : i32
            %dma_start3A_93 = arith.constant 0 : i32
            %dma_start3A_94 = tpu.memref_slice %arg10[%dma_start3A_91, %dma_start3A_92, %dma_start3A_93] : memref<2x125x128xf32, #tpu.memory_space<vmem>> -> memref<1x125x128xf32, #tpu.memory_space<vmem>>
            %dma_start3A_95 = tpu.memref_squeeze %dma_start3A_94 : memref<1x125x128xf32, #tpu.memory_space<vmem>> -> memref<125x128xf32, #tpu.memory_space<vmem>>
            %dma_start3A_96 = arith.constant 0 : i32
            %dma_start3A_97 = tpu.memref_slice %arg8[%add3A_90, %dma_start3A_96] : memref<40x125xi32, #tpu.memory_space<vmem>> -> memref<1x125xi32, #tpu.memory_space<vmem>>
            %dma_start3A_98 = tpu.memref_squeeze %dma_start3A_97 : memref<1x125xi32, #tpu.memory_space<vmem>> -> memref<125xi32, #tpu.memory_space<vmem>>
            %dma_start3A_99 = arith.constant 0 : i32
            %dma_start3A_100 = arith.constant 0 : i32
            %dma_start3A_101 = tpu.memref_slice %arg2[%dma_start3A_99, %dma_start3A_100] : memref<10000x128xf32, #tpu.memory_space<hbm>> -> memref<10000x128xf32, #tpu.memory_space<hbm>>
            tpu.enqueue_indirect_dma source(%dma_start3A_101 : memref<10000x128xf32, #tpu.memory_space<hbm>>) target(%dma_start3A_95 : memref<125x128xf32, #tpu.memory_space<vmem>>) offsets(%dma_start3A_98 : memref<125xi32, #tpu.memory_space<vmem>>) semaphore(%arg12 : memref<!tpu.dma_semaphore, #tpu.memory_space<semaphore_mem>>)
          } else {
          }
          %add3A_86 = arith.constant 1 : i32
          %add3A_87 = arith.addi %mul3A_47, %add3A_86 : i32
          %run_scoped3A_88 = arith.constant 1 : i32
          "tpu.region"() ({
            %run_scoped3A_89 = tpu.sem_alloc : memref<!tpu.dma_semaphore, #tpu.memory_space<semaphore_mem>>
            %dma_start3A_90 = arith.constant 0 : i32
            %dma_start3A_91 = arith.constant 0 : i32
            %dma_start3A_92 = tpu.memref_slice %arg10[%run_scoped3A_88, %dma_start3A_90, %dma_start3A_91] : memref<2x125x128xf32, #tpu.memory_space<vmem>> -> memref<1x125x128xf32, #tpu.memory_space<vmem>>
            %dma_start3A_93 = tpu.memref_squeeze %dma_start3A_92 : memref<1x125x128xf32, #tpu.memory_space<vmem>> -> memref<125x128xf32, #tpu.memory_space<vmem>>
            %dma_start3A_94 = arith.constant 0 : i32
            %dma_start3A_95 = tpu.memref_slice %arg9[%add3A_87, %dma_start3A_94] : memref<40x125xi32, #tpu.memory_space<vmem>> -> memref<1x125xi32, #tpu.memory_space<vmem>>
            %dma_start3A_96 = tpu.memref_squeeze %dma_start3A_95 : memref<1x125xi32, #tpu.memory_space<vmem>> -> memref<125xi32, #tpu.memory_space<vmem>>
            %dma_start3A_97 = arith.constant 0 : i32
            %dma_start3A_98 = arith.constant 0 : i32
            %dma_start3A_99 = tpu.memref_slice %arg11[%dma_start3A_97, %dma_start3A_98] : memref<10000x128xf32, #tpu.memory_space<vmem_shared>> -> memref<10000x128xf32, #tpu.memory_space<vmem_shared>>
            tpu.enqueue_indirect_dma source(%dma_start3A_93 : memref<125x128xf32, #tpu.memory_space<vmem>>) target(%dma_start3A_99 : memref<10000x128xf32, #tpu.memory_space<vmem_shared>>) offsets(%dma_start3A_96 : memref<125xi32, #tpu.memory_space<vmem>>) semaphore(%run_scoped3A_89 : memref<!tpu.dma_semaphore, #tpu.memory_space<semaphore_mem>>) {add = true}
            %dma_wait3A_100 = arith.constant 0 : i32
            %dma_wait3A_101 = arith.constant 0 : i32
            %dma_wait3A_102 = tpu.memref_slice %arg10[%run_scoped3A_88, %dma_wait3A_100, %dma_wait3A_101] : memref<2x125x128xf32, #tpu.memory_space<vmem>> -> memref<1x125x128xf32, #tpu.memory_space<vmem>>
            %dma_wait3A_103 = tpu.memref_squeeze %dma_wait3A_102 : memref<1x125x128xf32, #tpu.memory_space<vmem>> -> memref<125x128xf32, #tpu.memory_space<vmem>>
            %dma_wait3A_104 = arith.constant 0 : i32
            %dma_wait3A_105 = tpu.memref_slice %arg9[%add3A_87, %dma_wait3A_104] : memref<40x125xi32, #tpu.memory_space<vmem>> -> memref<1x125xi32, #tpu.memory_space<vmem>>
            %dma_wait3A_106 = tpu.memref_squeeze %dma_wait3A_105 : memref<1x125xi32, #tpu.memory_space<vmem>> -> memref<125xi32, #tpu.memory_space<vmem>>
            %dma_wait3A_107 = arith.constant 0 : i32
            %dma_wait3A_108 = arith.constant 0 : i32
            %dma_wait3A_109 = tpu.memref_slice %arg11[%dma_wait3A_107, %dma_wait3A_108] : memref<10000x128xf32, #tpu.memory_space<vmem_shared>> -> memref<10000x128xf32, #tpu.memory_space<vmem_shared>>
            tpu.wait_indirect_dma semaphore(%run_scoped3A_89 : memref<!tpu.dma_semaphore, #tpu.memory_space<semaphore_mem>>) src(%dma_wait3A_103 : memref<125x128xf32, #tpu.memory_space<vmem>>) dst(%dma_wait3A_109 : memref<10000x128xf32, #tpu.memory_space<vmem_shared>>)
            tpu.yield
          }) : () -> ()
        }
        %scan3A_44 = arith.constant 20 : i32
      }
      %scan3A_33 = arith.constant 2 : i32
    } else {
    }
    %eq3A_13 = arith.constant 1 : i32
    %eq3A_14 = arith.cmpi eq, %arg0, %eq3A_13 : i32
    %convert_element_type3A_15 = arith.extui %eq3A_14 : i1 to i32
    %cond3A_16 = arith.constant 0 : i32
    %cond3A_17 = arith.cmpi ne, %convert_element_type3A_15, %cond3A_16 : i32
    scf.if %cond3A_17 {
      %scan3A = arith.constant 0 : i32
      %scan3A_29 = arith.constant 0 : i32
      %scan3A_30 = arith.constant 2 : i32
      %scan3A_31 = arith.addi %scan3A_29, %scan3A_30 : i32
      %scan3A_32 = arith.constant 1 : i32
      scf.for %scan3A_34 = %scan3A_29 to %scan3A_31 step %scan3A_32  : i32 {
        %gt3A = arith.constant 0 : i32
        %gt3A_35 = arith.cmpi sgt, %scan3A_34, %gt3A : i32
        %convert_element_type3A_36 = arith.extui %gt3A_35 : i1 to i32
        %cond3A_37 = arith.constant 0 : i32
        %cond3A_38 = arith.cmpi ne, %convert_element_type3A_36, %cond3A_37 : i32
        scf.if %cond3A_38 {
          %mul3A_45 = arith.constant 40 : i32
          %mul3A_46 = arith.muli %scan3A_34, %mul3A_45 : i32
          %add3A = arith.addi %mul3A_0, %mul3A_46 : i32
          "tpu.region"() ({
            %run_scoped3A = tpu.sem_alloc : memref<!tpu.dma_semaphore, #tpu.memory_space<semaphore_mem>>
            %dma_start3A_61 = arith.constant 0 : i32
            %dma_start3A_62 = tpu.memref_slice %arg4[%add3A, %dma_start3A_61] : memref<1280x125xi32, #tpu.memory_space<hbm>> -> memref<40x125xi32, #tpu.memory_space<hbm>>
            %dma_start3A_63 = arith.constant 0 : i32
            %dma_start3A_64 = tpu.memref_slice %arg4[%add3A, %dma_start3A_63] : memref<1280x125xi32, #tpu.memory_space<hbm>> -> memref<40x125xi32, #tpu.memory_space<hbm>>
            tpu.enqueue_dma source(%dma_start3A_64 : memref<40x125xi32, #tpu.memory_space<hbm>>) target(%arg8 : memref<40x125xi32, #tpu.memory_space<vmem>>) target_semaphore(%run_scoped3A : memref<!tpu.dma_semaphore, #tpu.memory_space<semaphore_mem>>)
            %dma_wait3A = arith.constant 0 : i32
            %dma_wait3A_65 = tpu.memref_slice %arg4[%add3A, %dma_wait3A] : memref<1280x125xi32, #tpu.memory_space<hbm>> -> memref<40x125xi32, #tpu.memory_space<hbm>>
            %dma_wait3A_66 = arith.constant 0 : i32
            %dma_wait3A_67 = tpu.memref_slice %arg4[%add3A, %dma_wait3A_66] : memref<1280x125xi32, #tpu.memory_space<hbm>> -> memref<40x125xi32, #tpu.memory_space<hbm>>
            tpu.wait_dma2 semaphore(%run_scoped3A : memref<!tpu.dma_semaphore, #tpu.memory_space<semaphore_mem>>) src(%dma_wait3A_67 : memref<40x125xi32, #tpu.memory_space<hbm>>) dst(%arg8 : memref<40x125xi32, #tpu.memory_space<vmem>>)
            tpu.yield
          }) : () -> ()
          %mul3A_47 = arith.constant 40 : i32
          %mul3A_48 = arith.muli %scan3A_34, %mul3A_47 : i32
          %add3A_49 = arith.addi %mul3A_0, %mul3A_48 : i32
          "tpu.region"() ({
            %run_scoped3A = tpu.sem_alloc : memref<!tpu.dma_semaphore, #tpu.memory_space<semaphore_mem>>
            %dma_start3A_61 = arith.constant 0 : i32
            %dma_start3A_62 = tpu.memref_slice %arg5[%add3A_49, %dma_start3A_61] : memref<1280x125xi32, #tpu.memory_space<hbm>> -> memref<40x125xi32, #tpu.memory_space<hbm>>
            %dma_start3A_63 = arith.constant 0 : i32
            %dma_start3A_64 = tpu.memref_slice %arg5[%add3A_49, %dma_start3A_63] : memref<1280x125xi32, #tpu.memory_space<hbm>> -> memref<40x125xi32, #tpu.memory_space<hbm>>
            tpu.enqueue_dma source(%dma_start3A_64 : memref<40x125xi32, #tpu.memory_space<hbm>>) target(%arg9 : memref<40x125xi32, #tpu.memory_space<vmem>>) target_semaphore(%run_scoped3A : memref<!tpu.dma_semaphore, #tpu.memory_space<semaphore_mem>>)
            %dma_wait3A = arith.constant 0 : i32
            %dma_wait3A_65 = tpu.memref_slice %arg5[%add3A_49, %dma_wait3A] : memref<1280x125xi32, #tpu.memory_space<hbm>> -> memref<40x125xi32, #tpu.memory_space<hbm>>
            %dma_wait3A_66 = arith.constant 0 : i32
            %dma_wait3A_67 = tpu.memref_slice %arg5[%add3A_49, %dma_wait3A_66] : memref<1280x125xi32, #tpu.memory_space<hbm>> -> memref<40x125xi32, #tpu.memory_space<hbm>>
            tpu.wait_dma2 semaphore(%run_scoped3A : memref<!tpu.dma_semaphore, #tpu.memory_space<semaphore_mem>>) src(%dma_wait3A_67 : memref<40x125xi32, #tpu.memory_space<hbm>>) dst(%arg9 : memref<40x125xi32, #tpu.memory_space<vmem>>)
            tpu.yield
          }) : () -> ()
          %dma_start3A = arith.constant 0 : i32
          %dma_start3A_50 = arith.constant 0 : i32
          %dma_start3A_51 = arith.constant 0 : i32
          %dma_start3A_52 = arith.constant 0 : i32
          %dma_start3A_53 = tpu.memref_slice %arg10[%dma_start3A_50, %dma_start3A_51, %dma_start3A_52] : memref<2x125x128xf32, #tpu.memory_space<vmem>> -> memref<1x125x128xf32, #tpu.memory_space<vmem>>
          %dma_start3A_54 = tpu.memref_squeeze %dma_start3A_53 : memref<1x125x128xf32, #tpu.memory_space<vmem>> -> memref<125x128xf32, #tpu.memory_space<vmem>>
          %dma_start3A_55 = arith.constant 0 : i32
          %dma_start3A_56 = tpu.memref_slice %arg8[%dma_start3A, %dma_start3A_55] : memref<40x125xi32, #tpu.memory_space<vmem>> -> memref<1x125xi32, #tpu.memory_space<vmem>>
          %dma_start3A_57 = tpu.memref_squeeze %dma_start3A_56 : memref<1x125xi32, #tpu.memory_space<vmem>> -> memref<125xi32, #tpu.memory_space<vmem>>
          %dma_start3A_58 = arith.constant 0 : i32
          %dma_start3A_59 = arith.constant 0 : i32
          %dma_start3A_60 = tpu.memref_slice %arg3[%dma_start3A_58, %dma_start3A_59] : memref<10000x128xf32, #tpu.memory_space<hbm>> -> memref<10000x128xf32, #tpu.memory_space<hbm>>
          tpu.enqueue_indirect_dma source(%dma_start3A_60 : memref<10000x128xf32, #tpu.memory_space<hbm>>) target(%dma_start3A_54 : memref<125x128xf32, #tpu.memory_space<vmem>>) offsets(%dma_start3A_57 : memref<125xi32, #tpu.memory_space<vmem>>) semaphore(%arg12 : memref<!tpu.dma_semaphore, #tpu.memory_space<semaphore_mem>>)
        } else {
        }
        %scan3A_39 = arith.constant 0 : i32
        %scan3A_40 = arith.constant 0 : i32
        %scan3A_41 = arith.constant 20 : i32
        %scan3A_42 = arith.addi %scan3A_40, %scan3A_41 : i32
        %scan3A_43 = arith.constant 1 : i32
        scf.for %scan3A_45 = %scan3A_40 to %scan3A_42 step %scan3A_43  : i32 {
          %mul3A_46 = arith.constant 2 : i32
          %mul3A_47 = arith.muli %mul3A_46, %scan3A_45 : i32
          %dma_wait3A = arith.constant 0 : i32
          %dma_wait3A_48 = arith.constant 0 : i32
          %dma_wait3A_49 = arith.constant 0 : i32
          %dma_wait3A_50 = tpu.memref_slice %arg10[%dma_wait3A, %dma_wait3A_48, %dma_wait3A_49] : memref<2x125x128xf32, #tpu.memory_space<vmem>> -> memref<1x125x128xf32, #tpu.memory_space<vmem>>
          %dma_wait3A_51 = tpu.memref_squeeze %dma_wait3A_50 : memref<1x125x128xf32, #tpu.memory_space<vmem>> -> memref<125x128xf32, #tpu.memory_space<vmem>>
          %dma_wait3A_52 = arith.constant 0 : i32
          %dma_wait3A_53 = tpu.memref_slice %arg8[%mul3A_47, %dma_wait3A_52] : memref<40x125xi32, #tpu.memory_space<vmem>> -> memref<1x125xi32, #tpu.memory_space<vmem>>
          %dma_wait3A_54 = tpu.memref_squeeze %dma_wait3A_53 : memref<1x125xi32, #tpu.memory_space<vmem>> -> memref<125xi32, #tpu.memory_space<vmem>>
          %dma_wait3A_55 = arith.constant 0 : i32
          %dma_wait3A_56 = arith.constant 0 : i32
          %dma_wait3A_57 = tpu.memref_slice %arg3[%dma_wait3A_55, %dma_wait3A_56] : memref<10000x128xf32, #tpu.memory_space<hbm>> -> memref<10000x128xf32, #tpu.memory_space<hbm>>
          tpu.wait_indirect_dma semaphore(%arg12 : memref<!tpu.dma_semaphore, #tpu.memory_space<semaphore_mem>>) src(%dma_wait3A_57 : memref<10000x128xf32, #tpu.memory_space<hbm>>) dst(%dma_wait3A_51 : memref<125x128xf32, #tpu.memory_space<vmem>>)
          %add3A = arith.constant 1 : i32
          %add3A_58 = arith.addi %mul3A_47, %add3A : i32
          %dma_start3A = arith.constant 1 : i32
          %dma_start3A_59 = arith.constant 0 : i32
          %dma_start3A_60 = arith.constant 0 : i32
          %dma_start3A_61 = tpu.memref_slice %arg10[%dma_start3A, %dma_start3A_59, %dma_start3A_60] : memref<2x125x128xf32, #tpu.memory_space<vmem>> -> memref<1x125x128xf32, #tpu.memory_space<vmem>>
          %dma_start3A_62 = tpu.memref_squeeze %dma_start3A_61 : memref<1x125x128xf32, #tpu.memory_space<vmem>> -> memref<125x128xf32, #tpu.memory_space<vmem>>
          %dma_start3A_63 = arith.constant 0 : i32
          %dma_start3A_64 = tpu.memref_slice %arg8[%add3A_58, %dma_start3A_63] : memref<40x125xi32, #tpu.memory_space<vmem>> -> memref<1x125xi32, #tpu.memory_space<vmem>>
          %dma_start3A_65 = tpu.memref_squeeze %dma_start3A_64 : memref<1x125xi32, #tpu.memory_space<vmem>> -> memref<125xi32, #tpu.memory_space<vmem>>
          %dma_start3A_66 = arith.constant 0 : i32
          %dma_start3A_67 = arith.constant 0 : i32
          %dma_start3A_68 = tpu.memref_slice %arg3[%dma_start3A_66, %dma_start3A_67] : memref<10000x128xf32, #tpu.memory_space<hbm>> -> memref<10000x128xf32, #tpu.memory_space<hbm>>
          tpu.enqueue_indirect_dma source(%dma_start3A_68 : memref<10000x128xf32, #tpu.memory_space<hbm>>) target(%dma_start3A_62 : memref<125x128xf32, #tpu.memory_space<vmem>>) offsets(%dma_start3A_65 : memref<125xi32, #tpu.memory_space<vmem>>) semaphore(%arg13 : memref<!tpu.dma_semaphore, #tpu.memory_space<semaphore_mem>>)
          %run_scoped3A = arith.constant 0 : i32
          "tpu.region"() ({
            %run_scoped3A_89 = tpu.sem_alloc : memref<!tpu.dma_semaphore, #tpu.memory_space<semaphore_mem>>
            %dma_start3A_90 = arith.constant 0 : i32
            %dma_start3A_91 = arith.constant 0 : i32
            %dma_start3A_92 = tpu.memref_slice %arg10[%run_scoped3A, %dma_start3A_90, %dma_start3A_91] : memref<2x125x128xf32, #tpu.memory_space<vmem>> -> memref<1x125x128xf32, #tpu.memory_space<vmem>>
            %dma_start3A_93 = tpu.memref_squeeze %dma_start3A_92 : memref<1x125x128xf32, #tpu.memory_space<vmem>> -> memref<125x128xf32, #tpu.memory_space<vmem>>
            %dma_start3A_94 = arith.constant 0 : i32
            %dma_start3A_95 = tpu.memref_slice %arg9[%mul3A_47, %dma_start3A_94] : memref<40x125xi32, #tpu.memory_space<vmem>> -> memref<1x125xi32, #tpu.memory_space<vmem>>
            %dma_start3A_96 = tpu.memref_squeeze %dma_start3A_95 : memref<1x125xi32, #tpu.memory_space<vmem>> -> memref<125xi32, #tpu.memory_space<vmem>>
            %dma_start3A_97 = arith.constant 0 : i32
            %dma_start3A_98 = arith.constant 0 : i32
            %dma_start3A_99 = tpu.memref_slice %arg11[%dma_start3A_97, %dma_start3A_98] : memref<10000x128xf32, #tpu.memory_space<vmem_shared>> -> memref<10000x128xf32, #tpu.memory_space<vmem_shared>>
            tpu.enqueue_indirect_dma source(%dma_start3A_93 : memref<125x128xf32, #tpu.memory_space<vmem>>) target(%dma_start3A_99 : memref<10000x128xf32, #tpu.memory_space<vmem_shared>>) offsets(%dma_start3A_96 : memref<125xi32, #tpu.memory_space<vmem>>) semaphore(%run_scoped3A_89 : memref<!tpu.dma_semaphore, #tpu.memory_space<semaphore_mem>>) {add = true}
            %dma_wait3A_100 = arith.constant 0 : i32
            %dma_wait3A_101 = arith.constant 0 : i32
            %dma_wait3A_102 = tpu.memref_slice %arg10[%run_scoped3A, %dma_wait3A_100, %dma_wait3A_101] : memref<2x125x128xf32, #tpu.memory_space<vmem>> -> memref<1x125x128xf32, #tpu.memory_space<vmem>>
            %dma_wait3A_103 = tpu.memref_squeeze %dma_wait3A_102 : memref<1x125x128xf32, #tpu.memory_space<vmem>> -> memref<125x128xf32, #tpu.memory_space<vmem>>
            %dma_wait3A_104 = arith.constant 0 : i32
            %dma_wait3A_105 = tpu.memref_slice %arg9[%mul3A_47, %dma_wait3A_104] : memref<40x125xi32, #tpu.memory_space<vmem>> -> memref<1x125xi32, #tpu.memory_space<vmem>>
            %dma_wait3A_106 = tpu.memref_squeeze %dma_wait3A_105 : memref<1x125xi32, #tpu.memory_space<vmem>> -> memref<125xi32, #tpu.memory_space<vmem>>
            %dma_wait3A_107 = arith.constant 0 : i32
            %dma_wait3A_108 = arith.constant 0 : i32
            %dma_wait3A_109 = tpu.memref_slice %arg11[%dma_wait3A_107, %dma_wait3A_108] : memref<10000x128xf32, #tpu.memory_space<vmem_shared>> -> memref<10000x128xf32, #tpu.memory_space<vmem_shared>>
            tpu.wait_indirect_dma semaphore(%run_scoped3A_89 : memref<!tpu.dma_semaphore, #tpu.memory_space<semaphore_mem>>) src(%dma_wait3A_103 : memref<125x128xf32, #tpu.memory_space<vmem>>) dst(%dma_wait3A_109 : memref<10000x128xf32, #tpu.memory_space<vmem_shared>>)
            tpu.yield
          }) : () -> ()
          %add3A_69 = arith.constant 1 : i32
          %add3A_70 = arith.addi %mul3A_47, %add3A_69 : i32
          %dma_wait3A_71 = arith.constant 1 : i32
          %dma_wait3A_72 = arith.constant 0 : i32
          %dma_wait3A_73 = arith.constant 0 : i32
          %dma_wait3A_74 = tpu.memref_slice %arg10[%dma_wait3A_71, %dma_wait3A_72, %dma_wait3A_73] : memref<2x125x128xf32, #tpu.memory_space<vmem>> -> memref<1x125x128xf32, #tpu.memory_space<vmem>>
          %dma_wait3A_75 = tpu.memref_squeeze %dma_wait3A_74 : memref<1x125x128xf32, #tpu.memory_space<vmem>> -> memref<125x128xf32, #tpu.memory_space<vmem>>
          %dma_wait3A_76 = arith.constant 0 : i32
          %dma_wait3A_77 = tpu.memref_slice %arg8[%add3A_70, %dma_wait3A_76] : memref<40x125xi32, #tpu.memory_space<vmem>> -> memref<1x125xi32, #tpu.memory_space<vmem>>
          %dma_wait3A_78 = tpu.memref_squeeze %dma_wait3A_77 : memref<1x125xi32, #tpu.memory_space<vmem>> -> memref<125xi32, #tpu.memory_space<vmem>>
          %dma_wait3A_79 = arith.constant 0 : i32
          %dma_wait3A_80 = arith.constant 0 : i32
          %dma_wait3A_81 = tpu.memref_slice %arg3[%dma_wait3A_79, %dma_wait3A_80] : memref<10000x128xf32, #tpu.memory_space<hbm>> -> memref<10000x128xf32, #tpu.memory_space<hbm>>
          tpu.wait_indirect_dma semaphore(%arg13 : memref<!tpu.dma_semaphore, #tpu.memory_space<semaphore_mem>>) src(%dma_wait3A_81 : memref<10000x128xf32, #tpu.memory_space<hbm>>) dst(%dma_wait3A_75 : memref<125x128xf32, #tpu.memory_space<vmem>>)
          %lt3A = arith.constant 19 : i32
          %lt3A_82 = arith.cmpi slt, %scan3A_45, %lt3A : i32
          %convert_element_type3A_83 = arith.extui %lt3A_82 : i1 to i32
          %cond3A_84 = arith.constant 0 : i32
          %cond3A_85 = arith.cmpi ne, %convert_element_type3A_83, %cond3A_84 : i32
          scf.if %cond3A_85 {
            %add3A_89 = arith.constant 2 : i32
            %add3A_90 = arith.addi %mul3A_47, %add3A_89 : i32
            %dma_start3A_91 = arith.constant 0 : i32
            %dma_start3A_92 = arith.constant 0 : i32
            %dma_start3A_93 = arith.constant 0 : i32
            %dma_start3A_94 = tpu.memref_slice %arg10[%dma_start3A_91, %dma_start3A_92, %dma_start3A_93] : memref<2x125x128xf32, #tpu.memory_space<vmem>> -> memref<1x125x128xf32, #tpu.memory_space<vmem>>
            %dma_start3A_95 = tpu.memref_squeeze %dma_start3A_94 : memref<1x125x128xf32, #tpu.memory_space<vmem>> -> memref<125x128xf32, #tpu.memory_space<vmem>>
            %dma_start3A_96 = arith.constant 0 : i32
            %dma_start3A_97 = tpu.memref_slice %arg8[%add3A_90, %dma_start3A_96] : memref<40x125xi32, #tpu.memory_space<vmem>> -> memref<1x125xi32, #tpu.memory_space<vmem>>
            %dma_start3A_98 = tpu.memref_squeeze %dma_start3A_97 : memref<1x125xi32, #tpu.memory_space<vmem>> -> memref<125xi32, #tpu.memory_space<vmem>>
            %dma_start3A_99 = arith.constant 0 : i32
            %dma_start3A_100 = arith.constant 0 : i32
            %dma_start3A_101 = tpu.memref_slice %arg3[%dma_start3A_99, %dma_start3A_100] : memref<10000x128xf32, #tpu.memory_space<hbm>> -> memref<10000x128xf32, #tpu.memory_space<hbm>>
            tpu.enqueue_indirect_dma source(%dma_start3A_101 : memref<10000x128xf32, #tpu.memory_space<hbm>>) target(%dma_start3A_95 : memref<125x128xf32, #tpu.memory_space<vmem>>) offsets(%dma_start3A_98 : memref<125xi32, #tpu.memory_space<vmem>>) semaphore(%arg12 : memref<!tpu.dma_semaphore, #tpu.memory_space<semaphore_mem>>)
          } else {
          }
          %add3A_86 = arith.constant 1 : i32
          %add3A_87 = arith.addi %mul3A_47, %add3A_86 : i32
          %run_scoped3A_88 = arith.constant 1 : i32
          "tpu.region"() ({
            %run_scoped3A_89 = tpu.sem_alloc : memref<!tpu.dma_semaphore, #tpu.memory_space<semaphore_mem>>
            %dma_start3A_90 = arith.constant 0 : i32
            %dma_start3A_91 = arith.constant 0 : i32
            %dma_start3A_92 = tpu.memref_slice %arg10[%run_scoped3A_88, %dma_start3A_90, %dma_start3A_91] : memref<2x125x128xf32, #tpu.memory_space<vmem>> -> memref<1x125x128xf32, #tpu.memory_space<vmem>>
            %dma_start3A_93 = tpu.memref_squeeze %dma_start3A_92 : memref<1x125x128xf32, #tpu.memory_space<vmem>> -> memref<125x128xf32, #tpu.memory_space<vmem>>
            %dma_start3A_94 = arith.constant 0 : i32
            %dma_start3A_95 = tpu.memref_slice %arg9[%add3A_87, %dma_start3A_94] : memref<40x125xi32, #tpu.memory_space<vmem>> -> memref<1x125xi32, #tpu.memory_space<vmem>>
            %dma_start3A_96 = tpu.memref_squeeze %dma_start3A_95 : memref<1x125xi32, #tpu.memory_space<vmem>> -> memref<125xi32, #tpu.memory_space<vmem>>
            %dma_start3A_97 = arith.constant 0 : i32
            %dma_start3A_98 = arith.constant 0 : i32
            %dma_start3A_99 = tpu.memref_slice %arg11[%dma_start3A_97, %dma_start3A_98] : memref<10000x128xf32, #tpu.memory_space<vmem_shared>> -> memref<10000x128xf32, #tpu.memory_space<vmem_shared>>
            tpu.enqueue_indirect_dma source(%dma_start3A_93 : memref<125x128xf32, #tpu.memory_space<vmem>>) target(%dma_start3A_99 : memref<10000x128xf32, #tpu.memory_space<vmem_shared>>) offsets(%dma_start3A_96 : memref<125xi32, #tpu.memory_space<vmem>>) semaphore(%run_scoped3A_89 : memref<!tpu.dma_semaphore, #tpu.memory_space<semaphore_mem>>) {add = true}
            %dma_wait3A_100 = arith.constant 0 : i32
            %dma_wait3A_101 = arith.constant 0 : i32
            %dma_wait3A_102 = tpu.memref_slice %arg10[%run_scoped3A_88, %dma_wait3A_100, %dma_wait3A_101] : memref<2x125x128xf32, #tpu.memory_space<vmem>> -> memref<1x125x128xf32, #tpu.memory_space<vmem>>
            %dma_wait3A_103 = tpu.memref_squeeze %dma_wait3A_102 : memref<1x125x128xf32, #tpu.memory_space<vmem>> -> memref<125x128xf32, #tpu.memory_space<vmem>>
            %dma_wait3A_104 = arith.constant 0 : i32
            %dma_wait3A_105 = tpu.memref_slice %arg9[%add3A_87, %dma_wait3A_104] : memref<40x125xi32, #tpu.memory_space<vmem>> -> memref<1x125xi32, #tpu.memory_space<vmem>>
            %dma_wait3A_106 = tpu.memref_squeeze %dma_wait3A_105 : memref<1x125xi32, #tpu.memory_space<vmem>> -> memref<125xi32, #tpu.memory_space<vmem>>
            %dma_wait3A_107 = arith.constant 0 : i32
            %dma_wait3A_108 = arith.constant 0 : i32
            %dma_wait3A_109 = tpu.memref_slice %arg11[%dma_wait3A_107, %dma_wait3A_108] : memref<10000x128xf32, #tpu.memory_space<vmem_shared>> -> memref<10000x128xf32, #tpu.memory_space<vmem_shared>>
            tpu.wait_indirect_dma semaphore(%run_scoped3A_89 : memref<!tpu.dma_semaphore, #tpu.memory_space<semaphore_mem>>) src(%dma_wait3A_103 : memref<125x128xf32, #tpu.memory_space<vmem>>) dst(%dma_wait3A_109 : memref<10000x128xf32, #tpu.memory_space<vmem_shared>>)
            tpu.yield
          }) : () -> ()
        }
        %scan3A_44 = arith.constant 20 : i32
      }
      %scan3A_33 = arith.constant 2 : i32
    } else {
    }
    %barrier3A_18 = arith.constant 0 : index
    tpu.barrier barrier_id(%barrier3A_18)
    %eq3A_19 = arith.constant 0 : i32
    %eq3A_20 = arith.cmpi eq, %arg0, %eq3A_19 : i32
    %convert_element_type3A_21 = arith.extui %eq3A_20 : i1 to i32
    %cond3A_22 = arith.constant 0 : i32
    %cond3A_23 = arith.cmpi ne, %convert_element_type3A_21, %cond3A_22 : i32
    scf.if %cond3A_23 {
      %mul3A_29 = arith.constant 624 : i32
      %mul3A_30 = arith.muli %arg1, %mul3A_29 : i32
      "tpu.region"() ({
        %run_scoped3A = tpu.sem_alloc : memref<!tpu.dma_semaphore, #tpu.memory_space<semaphore_mem>>
        %dma_start3A = arith.constant 0 : i32
        %dma_start3A_36 = tpu.memref_slice %arg6[%mul3A_30, %dma_start3A] : memref<10000x128xf32, #tpu.memory_space<hbm>> -> memref<624x128xf32, #tpu.memory_space<hbm>>
        %dma_start3A_37 = arith.constant 0 : i32
        %dma_start3A_38 = tpu.memref_slice %arg11[%mul3A_30, %dma_start3A_37] : memref<10000x128xf32, #tpu.memory_space<vmem_shared>> -> memref<624x128xf32, #tpu.memory_space<vmem_shared>>
        tpu.enqueue_dma source(%dma_start3A_38 : memref<624x128xf32, #tpu.memory_space<vmem_shared>>) target(%dma_start3A_36 : memref<624x128xf32, #tpu.memory_space<hbm>>) target_semaphore(%run_scoped3A : memref<!tpu.dma_semaphore, #tpu.memory_space<semaphore_mem>>)
        %dma_wait3A = arith.constant 0 : i32
        %dma_wait3A_39 = tpu.memref_slice %arg6[%mul3A_30, %dma_wait3A] : memref<10000x128xf32, #tpu.memory_space<hbm>> -> memref<624x128xf32, #tpu.memory_space<hbm>>
        %dma_wait3A_40 = arith.constant 0 : i32
        %dma_wait3A_41 = tpu.memref_slice %arg11[%mul3A_30, %dma_wait3A_40] : memref<10000x128xf32, #tpu.memory_space<vmem_shared>> -> memref<624x128xf32, #tpu.memory_space<vmem_shared>>
        tpu.wait_dma2 semaphore(%run_scoped3A : memref<!tpu.dma_semaphore, #tpu.memory_space<semaphore_mem>>) src(%dma_wait3A_41 : memref<624x128xf32, #tpu.memory_space<vmem_shared>>) dst(%dma_wait3A_39 : memref<624x128xf32, #tpu.memory_space<hbm>>)
        tpu.yield
      }) : () -> ()
      %eq3A_31 = arith.constant 15 : i32
      %eq3A_32 = arith.cmpi eq, %arg1, %eq3A_31 : i32
      %convert_element_type3A_33 = arith.extui %eq3A_32 : i1 to i32
      %cond3A_34 = arith.constant 0 : i32
      %cond3A_35 = arith.cmpi ne, %convert_element_type3A_33, %cond3A_34 : i32
      scf.if %cond3A_35 {
        "tpu.region"() ({
          %run_scoped3A = tpu.sem_alloc : memref<!tpu.dma_semaphore, #tpu.memory_space<semaphore_mem>>
          %dma_start3A = arith.constant 9984 : i32
          %dma_start3A_36 = arith.constant 0 : i32
          %dma_start3A_37 = tpu.memref_slice %arg6[%dma_start3A, %dma_start3A_36] : memref<10000x128xf32, #tpu.memory_space<hbm>> -> memref<16x128xf32, #tpu.memory_space<hbm>>
          %dma_start3A_38 = arith.constant 9984 : i32
          %dma_start3A_39 = arith.constant 0 : i32
          %dma_start3A_40 = tpu.memref_slice %arg11[%dma_start3A_38, %dma_start3A_39] : memref<10000x128xf32, #tpu.memory_space<vmem_shared>> -> memref<16x128xf32, #tpu.memory_space<vmem_shared>>
          tpu.enqueue_dma source(%dma_start3A_40 : memref<16x128xf32, #tpu.memory_space<vmem_shared>>) target(%dma_start3A_37 : memref<16x128xf32, #tpu.memory_space<hbm>>) target_semaphore(%run_scoped3A : memref<!tpu.dma_semaphore, #tpu.memory_space<semaphore_mem>>)
          %dma_wait3A = arith.constant 9984 : i32
          %dma_wait3A_41 = arith.constant 0 : i32
          %dma_wait3A_42 = tpu.memref_slice %arg6[%dma_wait3A, %dma_wait3A_41] : memref<10000x128xf32, #tpu.memory_space<hbm>> -> memref<16x128xf32, #tpu.memory_space<hbm>>
          %dma_wait3A_43 = arith.constant 9984 : i32
          %dma_wait3A_44 = arith.constant 0 : i32
          %dma_wait3A_45 = tpu.memref_slice %arg11[%dma_wait3A_43, %dma_wait3A_44] : memref<10000x128xf32, #tpu.memory_space<vmem_shared>> -> memref<16x128xf32, #tpu.memory_space<vmem_shared>>
          tpu.wait_dma2 semaphore(%run_scoped3A : memref<!tpu.dma_semaphore, #tpu.memory_space<semaphore_mem>>) src(%dma_wait3A_45 : memref<16x128xf32, #tpu.memory_space<vmem_shared>>) dst(%dma_wait3A_42 : memref<16x128xf32, #tpu.memory_space<hbm>>)
          tpu.yield
        }) : () -> ()
      } else {
      }
    } else {
    }
    %eq3A_24 = arith.constant 1 : i32
    %eq3A_25 = arith.cmpi eq, %arg0, %eq3A_24 : i32
    %convert_element_type3A_26 = arith.extui %eq3A_25 : i1 to i32
    %cond3A_27 = arith.constant 0 : i32
    %cond3A_28 = arith.cmpi ne, %convert_element_type3A_26, %cond3A_27 : i32
    scf.if %cond3A_28 {
      %mul3A_29 = arith.constant 624 : i32
      %mul3A_30 = arith.muli %arg1, %mul3A_29 : i32
      "tpu.region"() ({
        %run_scoped3A = tpu.sem_alloc : memref<!tpu.dma_semaphore, #tpu.memory_space<semaphore_mem>>
        %dma_start3A = arith.constant 0 : i32
        %dma_start3A_36 = tpu.memref_slice %arg7[%mul3A_30, %dma_start3A] : memref<10000x128xf32, #tpu.memory_space<hbm>> -> memref<624x128xf32, #tpu.memory_space<hbm>>
        %dma_start3A_37 = arith.constant 0 : i32
        %dma_start3A_38 = tpu.memref_slice %arg11[%mul3A_30, %dma_start3A_37] : memref<10000x128xf32, #tpu.memory_space<vmem_shared>> -> memref<624x128xf32, #tpu.memory_space<vmem_shared>>
        tpu.enqueue_dma source(%dma_start3A_38 : memref<624x128xf32, #tpu.memory_space<vmem_shared>>) target(%dma_start3A_36 : memref<624x128xf32, #tpu.memory_space<hbm>>) target_semaphore(%run_scoped3A : memref<!tpu.dma_semaphore, #tpu.memory_space<semaphore_mem>>)
        %dma_wait3A = arith.constant 0 : i32
        %dma_wait3A_39 = tpu.memref_slice %arg7[%mul3A_30, %dma_wait3A] : memref<10000x128xf32, #tpu.memory_space<hbm>> -> memref<624x128xf32, #tpu.memory_space<hbm>>
        %dma_wait3A_40 = arith.constant 0 : i32
        %dma_wait3A_41 = tpu.memref_slice %arg11[%mul3A_30, %dma_wait3A_40] : memref<10000x128xf32, #tpu.memory_space<vmem_shared>> -> memref<624x128xf32, #tpu.memory_space<vmem_shared>>
        tpu.wait_dma2 semaphore(%run_scoped3A : memref<!tpu.dma_semaphore, #tpu.memory_space<semaphore_mem>>) src(%dma_wait3A_41 : memref<624x128xf32, #tpu.memory_space<vmem_shared>>) dst(%dma_wait3A_39 : memref<624x128xf32, #tpu.memory_space<hbm>>)
        tpu.yield
      }) : () -> ()
      %eq3A_31 = arith.constant 15 : i32
      %eq3A_32 = arith.cmpi eq, %arg1, %eq3A_31 : i32
      %convert_element_type3A_33 = arith.extui %eq3A_32 : i1 to i32
      %cond3A_34 = arith.constant 0 : i32
      %cond3A_35 = arith.cmpi ne, %convert_element_type3A_33, %cond3A_34 : i32
      scf.if %cond3A_35 {
        "tpu.region"() ({
          %run_scoped3A = tpu.sem_alloc : memref<!tpu.dma_semaphore, #tpu.memory_space<semaphore_mem>>
          %dma_start3A = arith.constant 9984 : i32
          %dma_start3A_36 = arith.constant 0 : i32
          %dma_start3A_37 = tpu.memref_slice %arg7[%dma_start3A, %dma_start3A_36] : memref<10000x128xf32, #tpu.memory_space<hbm>> -> memref<16x128xf32, #tpu.memory_space<hbm>>
          %dma_start3A_38 = arith.constant 9984 : i32
          %dma_start3A_39 = arith.constant 0 : i32
          %dma_start3A_40 = tpu.memref_slice %arg11[%dma_start3A_38, %dma_start3A_39] : memref<10000x128xf32, #tpu.memory_space<vmem_shared>> -> memref<16x128xf32, #tpu.memory_space<vmem_shared>>
          tpu.enqueue_dma source(%dma_start3A_40 : memref<16x128xf32, #tpu.memory_space<vmem_shared>>) target(%dma_start3A_37 : memref<16x128xf32, #tpu.memory_space<hbm>>) target_semaphore(%run_scoped3A : memref<!tpu.dma_semaphore, #tpu.memory_space<semaphore_mem>>)
          %dma_wait3A = arith.constant 9984 : i32
          %dma_wait3A_41 = arith.constant 0 : i32
          %dma_wait3A_42 = tpu.memref_slice %arg7[%dma_wait3A, %dma_wait3A_41] : memref<10000x128xf32, #tpu.memory_space<hbm>> -> memref<16x128xf32, #tpu.memory_space<hbm>>
          %dma_wait3A_43 = arith.constant 9984 : i32
          %dma_wait3A_44 = arith.constant 0 : i32
          %dma_wait3A_45 = tpu.memref_slice %arg11[%dma_wait3A_43, %dma_wait3A_44] : memref<10000x128xf32, #tpu.memory_space<vmem_shared>> -> memref<16x128xf32, #tpu.memory_space<vmem_shared>>
          tpu.wait_dma2 semaphore(%run_scoped3A : memref<!tpu.dma_semaphore, #tpu.memory_space<semaphore_mem>>) src(%dma_wait3A_45 : memref<16x128xf32, #tpu.memory_space<vmem_shared>>) dst(%dma_wait3A_42 : memref<16x128xf32, #tpu.memory_space<hbm>>)
          tpu.yield
        }) : () -> ()
      } else {
      }
    } else {
    }
    return
  }
}

#map = affine_map<(d0, d1) -> (0, 0)>
module attributes {stable_mosaic.version = 14 : i64} {
  func.func @_agg_kernel(%arg0: i32, %arg1: i32, %arg2: memref<10000x128xf32, #tpu.memory_space<hbm>>, %arg3: memref<10000x128xf32, #tpu.memory_space<hbm>>, %arg4: memref<1280x125xi32, #tpu.memory_space<hbm>>, %arg5: memref<1280x125xi32, #tpu.memory_space<hbm>>, %arg6: memref<10000x128xf32, #tpu.memory_space<hbm>>, %arg7: memref<10000x128xf32, #tpu.memory_space<hbm>>, %arg8: memref<40x125xi32, #tpu.memory_space<vmem>>, %arg9: memref<40x125xi32, #tpu.memory_space<vmem>>, %arg10: memref<2x125x128xf32, #tpu.memory_space<vmem>>, %arg11: memref<10000x128xf32, #tpu.memory_space<vmem_shared>>, %arg12: memref<!tpu.dma_semaphore, #tpu.memory_space<semaphore_mem>>, %arg13: memref<!tpu.dma_semaphore, #tpu.memory_space<semaphore_mem>>) attributes {dimension_semantics = [#tpu.dimension_semantics<core_parallel>, #tpu.dimension_semantics<subcore_parallel>], iteration_bounds = array<i64: 2, 16>, scalar_prefetch = 0 : i64, scratch_operands = 6 : i64, tpu.core_type = #tpu.core_type<sc_vector_subcore>, window_params = [{transform_indices = #map}, {transform_indices = #map}, {transform_indices = #map}, {transform_indices = #map}, {transform_indices = #map}, {transform_indices = #map}]} {
    %mul3A = arith.constant 80 : i32
    %mul3A_0 = arith.muli %arg1, %mul3A : i32
    %eq3A = arith.constant 0 : i32
    %eq3A_1 = arith.cmpi eq, %arg0, %eq3A : i32
    %convert_element_type3A = arith.extui %eq3A_1 : i1 to i32
    %cond3A = arith.constant 0 : i32
    %cond3A_2 = arith.cmpi ne, %convert_element_type3A, %cond3A : i32
    scf.if %cond3A_2 {
      "tpu.region"() ({
        %run_scoped3A = tpu.sem_alloc : memref<!tpu.dma_semaphore, #tpu.memory_space<semaphore_mem>>
        %dma_start3A_47 = arith.constant 0 : i32
        %dma_start3A_48 = tpu.memref_slice %arg4[%mul3A_0, %dma_start3A_47] : memref<1280x125xi32, #tpu.memory_space<hbm>> -> memref<40x125xi32, #tpu.memory_space<hbm>>
        %dma_start3A_49 = arith.constant 0 : i32
        %dma_start3A_50 = tpu.memref_slice %arg4[%mul3A_0, %dma_start3A_49] : memref<1280x125xi32, #tpu.memory_space<hbm>> -> memref<40x125xi32, #tpu.memory_space<hbm>>
        tpu.enqueue_dma source(%dma_start3A_50 : memref<40x125xi32, #tpu.memory_space<hbm>>) target(%arg8 : memref<40x125xi32, #tpu.memory_space<vmem>>) target_semaphore(%run_scoped3A : memref<!tpu.dma_semaphore, #tpu.memory_space<semaphore_mem>>)
        %dma_wait3A = arith.constant 0 : i32
        %dma_wait3A_51 = tpu.memref_slice %arg4[%mul3A_0, %dma_wait3A] : memref<1280x125xi32, #tpu.memory_space<hbm>> -> memref<40x125xi32, #tpu.memory_space<hbm>>
        %dma_wait3A_52 = arith.constant 0 : i32
        %dma_wait3A_53 = tpu.memref_slice %arg4[%mul3A_0, %dma_wait3A_52] : memref<1280x125xi32, #tpu.memory_space<hbm>> -> memref<40x125xi32, #tpu.memory_space<hbm>>
        tpu.wait_dma2 semaphore(%run_scoped3A : memref<!tpu.dma_semaphore, #tpu.memory_space<semaphore_mem>>) src(%dma_wait3A_53 : memref<40x125xi32, #tpu.memory_space<hbm>>) dst(%arg8 : memref<40x125xi32, #tpu.memory_space<vmem>>)
        tpu.yield
      }) : () -> ()
      "tpu.region"() ({
        %run_scoped3A = tpu.sem_alloc : memref<!tpu.dma_semaphore, #tpu.memory_space<semaphore_mem>>
        %dma_start3A_47 = arith.constant 0 : i32
        %dma_start3A_48 = tpu.memref_slice %arg5[%mul3A_0, %dma_start3A_47] : memref<1280x125xi32, #tpu.memory_space<hbm>> -> memref<40x125xi32, #tpu.memory_space<hbm>>
        %dma_start3A_49 = arith.constant 0 : i32
        %dma_start3A_50 = tpu.memref_slice %arg5[%mul3A_0, %dma_start3A_49] : memref<1280x125xi32, #tpu.memory_space<hbm>> -> memref<40x125xi32, #tpu.memory_space<hbm>>
        tpu.enqueue_dma source(%dma_start3A_50 : memref<40x125xi32, #tpu.memory_space<hbm>>) target(%arg9 : memref<40x125xi32, #tpu.memory_space<vmem>>) target_semaphore(%run_scoped3A : memref<!tpu.dma_semaphore, #tpu.memory_space<semaphore_mem>>)
        %dma_wait3A = arith.constant 0 : i32
        %dma_wait3A_51 = tpu.memref_slice %arg5[%mul3A_0, %dma_wait3A] : memref<1280x125xi32, #tpu.memory_space<hbm>> -> memref<40x125xi32, #tpu.memory_space<hbm>>
        %dma_wait3A_52 = arith.constant 0 : i32
        %dma_wait3A_53 = tpu.memref_slice %arg5[%mul3A_0, %dma_wait3A_52] : memref<1280x125xi32, #tpu.memory_space<hbm>> -> memref<40x125xi32, #tpu.memory_space<hbm>>
        tpu.wait_dma2 semaphore(%run_scoped3A : memref<!tpu.dma_semaphore, #tpu.memory_space<semaphore_mem>>) src(%dma_wait3A_53 : memref<40x125xi32, #tpu.memory_space<hbm>>) dst(%arg9 : memref<40x125xi32, #tpu.memory_space<vmem>>)
        tpu.yield
      }) : () -> ()
      %dma_start3A = arith.constant 0 : i32
      %dma_start3A_29 = arith.constant 0 : i32
      %dma_start3A_30 = arith.constant 0 : i32
      %dma_start3A_31 = arith.constant 0 : i32
      %dma_start3A_32 = tpu.memref_slice %arg10[%dma_start3A_29, %dma_start3A_30, %dma_start3A_31] : memref<2x125x128xf32, #tpu.memory_space<vmem>> -> memref<1x125x128xf32, #tpu.memory_space<vmem>>
      %dma_start3A_33 = tpu.memref_squeeze %dma_start3A_32 : memref<1x125x128xf32, #tpu.memory_space<vmem>> -> memref<125x128xf32, #tpu.memory_space<vmem>>
      %dma_start3A_34 = arith.constant 0 : i32
      %dma_start3A_35 = tpu.memref_slice %arg8[%dma_start3A, %dma_start3A_34] : memref<40x125xi32, #tpu.memory_space<vmem>> -> memref<1x125xi32, #tpu.memory_space<vmem>>
      %dma_start3A_36 = tpu.memref_squeeze %dma_start3A_35 : memref<1x125xi32, #tpu.memory_space<vmem>> -> memref<125xi32, #tpu.memory_space<vmem>>
      %dma_start3A_37 = arith.constant 0 : i32
      %dma_start3A_38 = arith.constant 0 : i32
      %dma_start3A_39 = tpu.memref_slice %arg2[%dma_start3A_37, %dma_start3A_38] : memref<10000x128xf32, #tpu.memory_space<hbm>> -> memref<10000x128xf32, #tpu.memory_space<hbm>>
      tpu.enqueue_indirect_dma source(%dma_start3A_39 : memref<10000x128xf32, #tpu.memory_space<hbm>>) target(%dma_start3A_33 : memref<125x128xf32, #tpu.memory_space<vmem>>) offsets(%dma_start3A_36 : memref<125xi32, #tpu.memory_space<vmem>>) semaphore(%arg12 : memref<!tpu.dma_semaphore, #tpu.memory_space<semaphore_mem>>)
      %mul3A_40 = arith.constant 624 : i32
      %mul3A_41 = arith.muli %arg1, %mul3A_40 : i32
      "tpu.region"() ({
        %run_scoped3A = tpu.sem_alloc : memref<!tpu.dma_semaphore, #tpu.memory_space<semaphore_mem>>
        %dma_start3A_47 = arith.constant 0 : i32
        %dma_start3A_48 = tpu.memref_slice %arg11[%mul3A_41, %dma_start3A_47] : memref<10000x128xf32, #tpu.memory_space<vmem_shared>> -> memref<624x128xf32, #tpu.memory_space<vmem_shared>>
        %dma_start3A_49 = arith.constant 0 : i32
        %dma_start3A_50 = tpu.memref_slice %arg2[%mul3A_41, %dma_start3A_49] : memref<10000x128xf32, #tpu.memory_space<hbm>> -> memref<624x128xf32, #tpu.memory_space<hbm>>
        tpu.enqueue_dma source(%dma_start3A_50 : memref<624x128xf32, #tpu.memory_space<hbm>>) target(%dma_start3A_48 : memref<624x128xf32, #tpu.memory_space<vmem_shared>>) target_semaphore(%run_scoped3A : memref<!tpu.dma_semaphore, #tpu.memory_space<semaphore_mem>>)
        %dma_wait3A = arith.constant 0 : i32
        %dma_wait3A_51 = tpu.memref_slice %arg11[%mul3A_41, %dma_wait3A] : memref<10000x128xf32, #tpu.memory_space<vmem_shared>> -> memref<624x128xf32, #tpu.memory_space<vmem_shared>>
        %dma_wait3A_52 = arith.constant 0 : i32
        %dma_wait3A_53 = tpu.memref_slice %arg2[%mul3A_41, %dma_wait3A_52] : memref<10000x128xf32, #tpu.memory_space<hbm>> -> memref<624x128xf32, #tpu.memory_space<hbm>>
        tpu.wait_dma2 semaphore(%run_scoped3A : memref<!tpu.dma_semaphore, #tpu.memory_space<semaphore_mem>>) src(%dma_wait3A_53 : memref<624x128xf32, #tpu.memory_space<hbm>>) dst(%dma_wait3A_51 : memref<624x128xf32, #tpu.memory_space<vmem_shared>>)
        tpu.yield
      }) : () -> ()
      %eq3A_42 = arith.constant 15 : i32
      %eq3A_43 = arith.cmpi eq, %arg1, %eq3A_42 : i32
      %convert_element_type3A_44 = arith.extui %eq3A_43 : i1 to i32
      %cond3A_45 = arith.constant 0 : i32
      %cond3A_46 = arith.cmpi ne, %convert_element_type3A_44, %cond3A_45 : i32
      scf.if %cond3A_46 {
        "tpu.region"() ({
          %run_scoped3A = tpu.sem_alloc : memref<!tpu.dma_semaphore, #tpu.memory_space<semaphore_mem>>
          %dma_start3A_47 = arith.constant 9984 : i32
          %dma_start3A_48 = arith.constant 0 : i32
          %dma_start3A_49 = tpu.memref_slice %arg11[%dma_start3A_47, %dma_start3A_48] : memref<10000x128xf32, #tpu.memory_space<vmem_shared>> -> memref<16x128xf32, #tpu.memory_space<vmem_shared>>
          %dma_start3A_50 = arith.constant 9984 : i32
          %dma_start3A_51 = arith.constant 0 : i32
          %dma_start3A_52 = tpu.memref_slice %arg2[%dma_start3A_50, %dma_start3A_51] : memref<10000x128xf32, #tpu.memory_space<hbm>> -> memref<16x128xf32, #tpu.memory_space<hbm>>
          tpu.enqueue_dma source(%dma_start3A_52 : memref<16x128xf32, #tpu.memory_space<hbm>>) target(%dma_start3A_49 : memref<16x128xf32, #tpu.memory_space<vmem_shared>>) target_semaphore(%run_scoped3A : memref<!tpu.dma_semaphore, #tpu.memory_space<semaphore_mem>>)
          %dma_wait3A = arith.constant 9984 : i32
          %dma_wait3A_53 = arith.constant 0 : i32
          %dma_wait3A_54 = tpu.memref_slice %arg11[%dma_wait3A, %dma_wait3A_53] : memref<10000x128xf32, #tpu.memory_space<vmem_shared>> -> memref<16x128xf32, #tpu.memory_space<vmem_shared>>
          %dma_wait3A_55 = arith.constant 9984 : i32
          %dma_wait3A_56 = arith.constant 0 : i32
          %dma_wait3A_57 = tpu.memref_slice %arg2[%dma_wait3A_55, %dma_wait3A_56] : memref<10000x128xf32, #tpu.memory_space<hbm>> -> memref<16x128xf32, #tpu.memory_space<hbm>>
          tpu.wait_dma2 semaphore(%run_scoped3A : memref<!tpu.dma_semaphore, #tpu.memory_space<semaphore_mem>>) src(%dma_wait3A_57 : memref<16x128xf32, #tpu.memory_space<hbm>>) dst(%dma_wait3A_54 : memref<16x128xf32, #tpu.memory_space<vmem_shared>>)
          tpu.yield
        }) : () -> ()
      } else {
      }
    } else {
    }
    %eq3A_3 = arith.constant 1 : i32
    %eq3A_4 = arith.cmpi eq, %arg0, %eq3A_3 : i32
    %convert_element_type3A_5 = arith.extui %eq3A_4 : i1 to i32
    %cond3A_6 = arith.constant 0 : i32
    %cond3A_7 = arith.cmpi ne, %convert_element_type3A_5, %cond3A_6 : i32
    scf.if %cond3A_7 {
      "tpu.region"() ({
        %run_scoped3A = tpu.sem_alloc : memref<!tpu.dma_semaphore, #tpu.memory_space<semaphore_mem>>
        %dma_start3A_47 = arith.constant 0 : i32
        %dma_start3A_48 = tpu.memref_slice %arg4[%mul3A_0, %dma_start3A_47] : memref<1280x125xi32, #tpu.memory_space<hbm>> -> memref<40x125xi32, #tpu.memory_space<hbm>>
        %dma_start3A_49 = arith.constant 0 : i32
        %dma_start3A_50 = tpu.memref_slice %arg4[%mul3A_0, %dma_start3A_49] : memref<1280x125xi32, #tpu.memory_space<hbm>> -> memref<40x125xi32, #tpu.memory_space<hbm>>
        tpu.enqueue_dma source(%dma_start3A_50 : memref<40x125xi32, #tpu.memory_space<hbm>>) target(%arg8 : memref<40x125xi32, #tpu.memory_space<vmem>>) target_semaphore(%run_scoped3A : memref<!tpu.dma_semaphore, #tpu.memory_space<semaphore_mem>>)
        %dma_wait3A = arith.constant 0 : i32
        %dma_wait3A_51 = tpu.memref_slice %arg4[%mul3A_0, %dma_wait3A] : memref<1280x125xi32, #tpu.memory_space<hbm>> -> memref<40x125xi32, #tpu.memory_space<hbm>>
        %dma_wait3A_52 = arith.constant 0 : i32
        %dma_wait3A_53 = tpu.memref_slice %arg4[%mul3A_0, %dma_wait3A_52] : memref<1280x125xi32, #tpu.memory_space<hbm>> -> memref<40x125xi32, #tpu.memory_space<hbm>>
        tpu.wait_dma2 semaphore(%run_scoped3A : memref<!tpu.dma_semaphore, #tpu.memory_space<semaphore_mem>>) src(%dma_wait3A_53 : memref<40x125xi32, #tpu.memory_space<hbm>>) dst(%arg8 : memref<40x125xi32, #tpu.memory_space<vmem>>)
        tpu.yield
      }) : () -> ()
      "tpu.region"() ({
        %run_scoped3A = tpu.sem_alloc : memref<!tpu.dma_semaphore, #tpu.memory_space<semaphore_mem>>
        %dma_start3A_47 = arith.constant 0 : i32
        %dma_start3A_48 = tpu.memref_slice %arg5[%mul3A_0, %dma_start3A_47] : memref<1280x125xi32, #tpu.memory_space<hbm>> -> memref<40x125xi32, #tpu.memory_space<hbm>>
        %dma_start3A_49 = arith.constant 0 : i32
        %dma_start3A_50 = tpu.memref_slice %arg5[%mul3A_0, %dma_start3A_49] : memref<1280x125xi32, #tpu.memory_space<hbm>> -> memref<40x125xi32, #tpu.memory_space<hbm>>
        tpu.enqueue_dma source(%dma_start3A_50 : memref<40x125xi32, #tpu.memory_space<hbm>>) target(%arg9 : memref<40x125xi32, #tpu.memory_space<vmem>>) target_semaphore(%run_scoped3A : memref<!tpu.dma_semaphore, #tpu.memory_space<semaphore_mem>>)
        %dma_wait3A = arith.constant 0 : i32
        %dma_wait3A_51 = tpu.memref_slice %arg5[%mul3A_0, %dma_wait3A] : memref<1280x125xi32, #tpu.memory_space<hbm>> -> memref<40x125xi32, #tpu.memory_space<hbm>>
        %dma_wait3A_52 = arith.constant 0 : i32
        %dma_wait3A_53 = tpu.memref_slice %arg5[%mul3A_0, %dma_wait3A_52] : memref<1280x125xi32, #tpu.memory_space<hbm>> -> memref<40x125xi32, #tpu.memory_space<hbm>>
        tpu.wait_dma2 semaphore(%run_scoped3A : memref<!tpu.dma_semaphore, #tpu.memory_space<semaphore_mem>>) src(%dma_wait3A_53 : memref<40x125xi32, #tpu.memory_space<hbm>>) dst(%arg9 : memref<40x125xi32, #tpu.memory_space<vmem>>)
        tpu.yield
      }) : () -> ()
      %dma_start3A = arith.constant 0 : i32
      %dma_start3A_29 = arith.constant 0 : i32
      %dma_start3A_30 = arith.constant 0 : i32
      %dma_start3A_31 = arith.constant 0 : i32
      %dma_start3A_32 = tpu.memref_slice %arg10[%dma_start3A_29, %dma_start3A_30, %dma_start3A_31] : memref<2x125x128xf32, #tpu.memory_space<vmem>> -> memref<1x125x128xf32, #tpu.memory_space<vmem>>
      %dma_start3A_33 = tpu.memref_squeeze %dma_start3A_32 : memref<1x125x128xf32, #tpu.memory_space<vmem>> -> memref<125x128xf32, #tpu.memory_space<vmem>>
      %dma_start3A_34 = arith.constant 0 : i32
      %dma_start3A_35 = tpu.memref_slice %arg8[%dma_start3A, %dma_start3A_34] : memref<40x125xi32, #tpu.memory_space<vmem>> -> memref<1x125xi32, #tpu.memory_space<vmem>>
      %dma_start3A_36 = tpu.memref_squeeze %dma_start3A_35 : memref<1x125xi32, #tpu.memory_space<vmem>> -> memref<125xi32, #tpu.memory_space<vmem>>
      %dma_start3A_37 = arith.constant 0 : i32
      %dma_start3A_38 = arith.constant 0 : i32
      %dma_start3A_39 = tpu.memref_slice %arg3[%dma_start3A_37, %dma_start3A_38] : memref<10000x128xf32, #tpu.memory_space<hbm>> -> memref<10000x128xf32, #tpu.memory_space<hbm>>
      tpu.enqueue_indirect_dma source(%dma_start3A_39 : memref<10000x128xf32, #tpu.memory_space<hbm>>) target(%dma_start3A_33 : memref<125x128xf32, #tpu.memory_space<vmem>>) offsets(%dma_start3A_36 : memref<125xi32, #tpu.memory_space<vmem>>) semaphore(%arg12 : memref<!tpu.dma_semaphore, #tpu.memory_space<semaphore_mem>>)
      %mul3A_40 = arith.constant 624 : i32
      %mul3A_41 = arith.muli %arg1, %mul3A_40 : i32
      "tpu.region"() ({
        %run_scoped3A = tpu.sem_alloc : memref<!tpu.dma_semaphore, #tpu.memory_space<semaphore_mem>>
        %dma_start3A_47 = arith.constant 0 : i32
        %dma_start3A_48 = tpu.memref_slice %arg11[%mul3A_41, %dma_start3A_47] : memref<10000x128xf32, #tpu.memory_space<vmem_shared>> -> memref<624x128xf32, #tpu.memory_space<vmem_shared>>
        %dma_start3A_49 = arith.constant 0 : i32
        %dma_start3A_50 = tpu.memref_slice %arg3[%mul3A_41, %dma_start3A_49] : memref<10000x128xf32, #tpu.memory_space<hbm>> -> memref<624x128xf32, #tpu.memory_space<hbm>>
        tpu.enqueue_dma source(%dma_start3A_50 : memref<624x128xf32, #tpu.memory_space<hbm>>) target(%dma_start3A_48 : memref<624x128xf32, #tpu.memory_space<vmem_shared>>) target_semaphore(%run_scoped3A : memref<!tpu.dma_semaphore, #tpu.memory_space<semaphore_mem>>)
        %dma_wait3A = arith.constant 0 : i32
        %dma_wait3A_51 = tpu.memref_slice %arg11[%mul3A_41, %dma_wait3A] : memref<10000x128xf32, #tpu.memory_space<vmem_shared>> -> memref<624x128xf32, #tpu.memory_space<vmem_shared>>
        %dma_wait3A_52 = arith.constant 0 : i32
        %dma_wait3A_53 = tpu.memref_slice %arg3[%mul3A_41, %dma_wait3A_52] : memref<10000x128xf32, #tpu.memory_space<hbm>> -> memref<624x128xf32, #tpu.memory_space<hbm>>
        tpu.wait_dma2 semaphore(%run_scoped3A : memref<!tpu.dma_semaphore, #tpu.memory_space<semaphore_mem>>) src(%dma_wait3A_53 : memref<624x128xf32, #tpu.memory_space<hbm>>) dst(%dma_wait3A_51 : memref<624x128xf32, #tpu.memory_space<vmem_shared>>)
        tpu.yield
      }) : () -> ()
      %eq3A_42 = arith.constant 15 : i32
      %eq3A_43 = arith.cmpi eq, %arg1, %eq3A_42 : i32
      %convert_element_type3A_44 = arith.extui %eq3A_43 : i1 to i32
      %cond3A_45 = arith.constant 0 : i32
      %cond3A_46 = arith.cmpi ne, %convert_element_type3A_44, %cond3A_45 : i32
      scf.if %cond3A_46 {
        "tpu.region"() ({
          %run_scoped3A = tpu.sem_alloc : memref<!tpu.dma_semaphore, #tpu.memory_space<semaphore_mem>>
          %dma_start3A_47 = arith.constant 9984 : i32
          %dma_start3A_48 = arith.constant 0 : i32
          %dma_start3A_49 = tpu.memref_slice %arg11[%dma_start3A_47, %dma_start3A_48] : memref<10000x128xf32, #tpu.memory_space<vmem_shared>> -> memref<16x128xf32, #tpu.memory_space<vmem_shared>>
          %dma_start3A_50 = arith.constant 9984 : i32
          %dma_start3A_51 = arith.constant 0 : i32
          %dma_start3A_52 = tpu.memref_slice %arg3[%dma_start3A_50, %dma_start3A_51] : memref<10000x128xf32, #tpu.memory_space<hbm>> -> memref<16x128xf32, #tpu.memory_space<hbm>>
          tpu.enqueue_dma source(%dma_start3A_52 : memref<16x128xf32, #tpu.memory_space<hbm>>) target(%dma_start3A_49 : memref<16x128xf32, #tpu.memory_space<vmem_shared>>) target_semaphore(%run_scoped3A : memref<!tpu.dma_semaphore, #tpu.memory_space<semaphore_mem>>)
          %dma_wait3A = arith.constant 9984 : i32
          %dma_wait3A_53 = arith.constant 0 : i32
          %dma_wait3A_54 = tpu.memref_slice %arg11[%dma_wait3A, %dma_wait3A_53] : memref<10000x128xf32, #tpu.memory_space<vmem_shared>> -> memref<16x128xf32, #tpu.memory_space<vmem_shared>>
          %dma_wait3A_55 = arith.constant 9984 : i32
          %dma_wait3A_56 = arith.constant 0 : i32
          %dma_wait3A_57 = tpu.memref_slice %arg3[%dma_wait3A_55, %dma_wait3A_56] : memref<10000x128xf32, #tpu.memory_space<hbm>> -> memref<16x128xf32, #tpu.memory_space<hbm>>
          tpu.wait_dma2 semaphore(%run_scoped3A : memref<!tpu.dma_semaphore, #tpu.memory_space<semaphore_mem>>) src(%dma_wait3A_57 : memref<16x128xf32, #tpu.memory_space<hbm>>) dst(%dma_wait3A_54 : memref<16x128xf32, #tpu.memory_space<vmem_shared>>)
          tpu.yield
        }) : () -> ()
      } else {
      }
    } else {
    }
    %barrier3A = arith.constant 0 : index
    tpu.barrier barrier_id(%barrier3A)
    %eq3A_8 = arith.constant 0 : i32
    %eq3A_9 = arith.cmpi eq, %arg0, %eq3A_8 : i32
    %convert_element_type3A_10 = arith.extui %eq3A_9 : i1 to i32
    %cond3A_11 = arith.constant 0 : i32
    %cond3A_12 = arith.cmpi ne, %convert_element_type3A_10, %cond3A_11 : i32
    scf.if %cond3A_12 {
      %scan3A = arith.constant 0 : i32
      %scan3A_29 = arith.constant 0 : i32
      %scan3A_30 = arith.constant 2 : i32
      %scan3A_31 = arith.addi %scan3A_29, %scan3A_30 : i32
      %scan3A_32 = arith.constant 1 : i32
      scf.for %scan3A_34 = %scan3A_29 to %scan3A_31 step %scan3A_32  : i32 {
        %gt3A = arith.constant 0 : i32
        %gt3A_35 = arith.cmpi sgt, %scan3A_34, %gt3A : i32
        %convert_element_type3A_36 = arith.extui %gt3A_35 : i1 to i32
        %cond3A_37 = arith.constant 0 : i32
        %cond3A_38 = arith.cmpi ne, %convert_element_type3A_36, %cond3A_37 : i32
        scf.if %cond3A_38 {
          %mul3A_45 = arith.constant 40 : i32
          %mul3A_46 = arith.muli %scan3A_34, %mul3A_45 : i32
          %add3A = arith.addi %mul3A_0, %mul3A_46 : i32
          "tpu.region"() ({
            %run_scoped3A = tpu.sem_alloc : memref<!tpu.dma_semaphore, #tpu.memory_space<semaphore_mem>>
            %dma_start3A_61 = arith.constant 0 : i32
            %dma_start3A_62 = tpu.memref_slice %arg4[%add3A, %dma_start3A_61] : memref<1280x125xi32, #tpu.memory_space<hbm>> -> memref<40x125xi32, #tpu.memory_space<hbm>>
            %dma_start3A_63 = arith.constant 0 : i32
            %dma_start3A_64 = tpu.memref_slice %arg4[%add3A, %dma_start3A_63] : memref<1280x125xi32, #tpu.memory_space<hbm>> -> memref<40x125xi32, #tpu.memory_space<hbm>>
            tpu.enqueue_dma source(%dma_start3A_64 : memref<40x125xi32, #tpu.memory_space<hbm>>) target(%arg8 : memref<40x125xi32, #tpu.memory_space<vmem>>) target_semaphore(%run_scoped3A : memref<!tpu.dma_semaphore, #tpu.memory_space<semaphore_mem>>)
            %dma_wait3A = arith.constant 0 : i32
            %dma_wait3A_65 = tpu.memref_slice %arg4[%add3A, %dma_wait3A] : memref<1280x125xi32, #tpu.memory_space<hbm>> -> memref<40x125xi32, #tpu.memory_space<hbm>>
            %dma_wait3A_66 = arith.constant 0 : i32
            %dma_wait3A_67 = tpu.memref_slice %arg4[%add3A, %dma_wait3A_66] : memref<1280x125xi32, #tpu.memory_space<hbm>> -> memref<40x125xi32, #tpu.memory_space<hbm>>
            tpu.wait_dma2 semaphore(%run_scoped3A : memref<!tpu.dma_semaphore, #tpu.memory_space<semaphore_mem>>) src(%dma_wait3A_67 : memref<40x125xi32, #tpu.memory_space<hbm>>) dst(%arg8 : memref<40x125xi32, #tpu.memory_space<vmem>>)
            tpu.yield
          }) : () -> ()
          %mul3A_47 = arith.constant 40 : i32
          %mul3A_48 = arith.muli %scan3A_34, %mul3A_47 : i32
          %add3A_49 = arith.addi %mul3A_0, %mul3A_48 : i32
          "tpu.region"() ({
            %run_scoped3A = tpu.sem_alloc : memref<!tpu.dma_semaphore, #tpu.memory_space<semaphore_mem>>
            %dma_start3A_61 = arith.constant 0 : i32
            %dma_start3A_62 = tpu.memref_slice %arg5[%add3A_49, %dma_start3A_61] : memref<1280x125xi32, #tpu.memory_space<hbm>> -> memref<40x125xi32, #tpu.memory_space<hbm>>
            %dma_start3A_63 = arith.constant 0 : i32
            %dma_start3A_64 = tpu.memref_slice %arg5[%add3A_49, %dma_start3A_63] : memref<1280x125xi32, #tpu.memory_space<hbm>> -> memref<40x125xi32, #tpu.memory_space<hbm>>
            tpu.enqueue_dma source(%dma_start3A_64 : memref<40x125xi32, #tpu.memory_space<hbm>>) target(%arg9 : memref<40x125xi32, #tpu.memory_space<vmem>>) target_semaphore(%run_scoped3A : memref<!tpu.dma_semaphore, #tpu.memory_space<semaphore_mem>>)
            %dma_wait3A = arith.constant 0 : i32
            %dma_wait3A_65 = tpu.memref_slice %arg5[%add3A_49, %dma_wait3A] : memref<1280x125xi32, #tpu.memory_space<hbm>> -> memref<40x125xi32, #tpu.memory_space<hbm>>
            %dma_wait3A_66 = arith.constant 0 : i32
            %dma_wait3A_67 = tpu.memref_slice %arg5[%add3A_49, %dma_wait3A_66] : memref<1280x125xi32, #tpu.memory_space<hbm>> -> memref<40x125xi32, #tpu.memory_space<hbm>>
            tpu.wait_dma2 semaphore(%run_scoped3A : memref<!tpu.dma_semaphore, #tpu.memory_space<semaphore_mem>>) src(%dma_wait3A_67 : memref<40x125xi32, #tpu.memory_space<hbm>>) dst(%arg9 : memref<40x125xi32, #tpu.memory_space<vmem>>)
            tpu.yield
          }) : () -> ()
          %dma_start3A = arith.constant 0 : i32
          %dma_start3A_50 = arith.constant 0 : i32
          %dma_start3A_51 = arith.constant 0 : i32
          %dma_start3A_52 = arith.constant 0 : i32
          %dma_start3A_53 = tpu.memref_slice %arg10[%dma_start3A_50, %dma_start3A_51, %dma_start3A_52] : memref<2x125x128xf32, #tpu.memory_space<vmem>> -> memref<1x125x128xf32, #tpu.memory_space<vmem>>
          %dma_start3A_54 = tpu.memref_squeeze %dma_start3A_53 : memref<1x125x128xf32, #tpu.memory_space<vmem>> -> memref<125x128xf32, #tpu.memory_space<vmem>>
          %dma_start3A_55 = arith.constant 0 : i32
          %dma_start3A_56 = tpu.memref_slice %arg8[%dma_start3A, %dma_start3A_55] : memref<40x125xi32, #tpu.memory_space<vmem>> -> memref<1x125xi32, #tpu.memory_space<vmem>>
          %dma_start3A_57 = tpu.memref_squeeze %dma_start3A_56 : memref<1x125xi32, #tpu.memory_space<vmem>> -> memref<125xi32, #tpu.memory_space<vmem>>
          %dma_start3A_58 = arith.constant 0 : i32
          %dma_start3A_59 = arith.constant 0 : i32
          %dma_start3A_60 = tpu.memref_slice %arg2[%dma_start3A_58, %dma_start3A_59] : memref<10000x128xf32, #tpu.memory_space<hbm>> -> memref<10000x128xf32, #tpu.memory_space<hbm>>
          tpu.enqueue_indirect_dma source(%dma_start3A_60 : memref<10000x128xf32, #tpu.memory_space<hbm>>) target(%dma_start3A_54 : memref<125x128xf32, #tpu.memory_space<vmem>>) offsets(%dma_start3A_57 : memref<125xi32, #tpu.memory_space<vmem>>) semaphore(%arg12 : memref<!tpu.dma_semaphore, #tpu.memory_space<semaphore_mem>>)
        } else {
        }
        %scan3A_39 = arith.constant 0 : i32
        %scan3A_40 = arith.constant 0 : i32
        %scan3A_41 = arith.constant 20 : i32
        %scan3A_42 = arith.addi %scan3A_40, %scan3A_41 : i32
        %scan3A_43 = arith.constant 1 : i32
        scf.for %scan3A_45 = %scan3A_40 to %scan3A_42 step %scan3A_43  : i32 {
          %mul3A_46 = arith.constant 2 : i32
          %mul3A_47 = arith.muli %mul3A_46, %scan3A_45 : i32
          %dma_wait3A = arith.constant 0 : i32
          %dma_wait3A_48 = arith.constant 0 : i32
          %dma_wait3A_49 = arith.constant 0 : i32
          %dma_wait3A_50 = tpu.memref_slice %arg10[%dma_wait3A, %dma_wait3A_48, %dma_wait3A_49] : memref<2x125x128xf32, #tpu.memory_space<vmem>> -> memref<1x125x128xf32, #tpu.memory_space<vmem>>
          %dma_wait3A_51 = tpu.memref_squeeze %dma_wait3A_50 : memref<1x125x128xf32, #tpu.memory_space<vmem>> -> memref<125x128xf32, #tpu.memory_space<vmem>>
          %dma_wait3A_52 = arith.constant 0 : i32
          %dma_wait3A_53 = tpu.memref_slice %arg8[%mul3A_47, %dma_wait3A_52] : memref<40x125xi32, #tpu.memory_space<vmem>> -> memref<1x125xi32, #tpu.memory_space<vmem>>
          %dma_wait3A_54 = tpu.memref_squeeze %dma_wait3A_53 : memref<1x125xi32, #tpu.memory_space<vmem>> -> memref<125xi32, #tpu.memory_space<vmem>>
          %dma_wait3A_55 = arith.constant 0 : i32
          %dma_wait3A_56 = arith.constant 0 : i32
          %dma_wait3A_57 = tpu.memref_slice %arg2[%dma_wait3A_55, %dma_wait3A_56] : memref<10000x128xf32, #tpu.memory_space<hbm>> -> memref<10000x128xf32, #tpu.memory_space<hbm>>
          tpu.wait_indirect_dma semaphore(%arg12 : memref<!tpu.dma_semaphore, #tpu.memory_space<semaphore_mem>>) src(%dma_wait3A_57 : memref<10000x128xf32, #tpu.memory_space<hbm>>) dst(%dma_wait3A_51 : memref<125x128xf32, #tpu.memory_space<vmem>>)
          %add3A = arith.constant 1 : i32
          %add3A_58 = arith.addi %mul3A_47, %add3A : i32
          %dma_start3A = arith.constant 1 : i32
          %dma_start3A_59 = arith.constant 0 : i32
          %dma_start3A_60 = arith.constant 0 : i32
          %dma_start3A_61 = tpu.memref_slice %arg10[%dma_start3A, %dma_start3A_59, %dma_start3A_60] : memref<2x125x128xf32, #tpu.memory_space<vmem>> -> memref<1x125x128xf32, #tpu.memory_space<vmem>>
          %dma_start3A_62 = tpu.memref_squeeze %dma_start3A_61 : memref<1x125x128xf32, #tpu.memory_space<vmem>> -> memref<125x128xf32, #tpu.memory_space<vmem>>
          %dma_start3A_63 = arith.constant 0 : i32
          %dma_start3A_64 = tpu.memref_slice %arg8[%add3A_58, %dma_start3A_63] : memref<40x125xi32, #tpu.memory_space<vmem>> -> memref<1x125xi32, #tpu.memory_space<vmem>>
          %dma_start3A_65 = tpu.memref_squeeze %dma_start3A_64 : memref<1x125xi32, #tpu.memory_space<vmem>> -> memref<125xi32, #tpu.memory_space<vmem>>
          %dma_start3A_66 = arith.constant 0 : i32
          %dma_start3A_67 = arith.constant 0 : i32
          %dma_start3A_68 = tpu.memref_slice %arg2[%dma_start3A_66, %dma_start3A_67] : memref<10000x128xf32, #tpu.memory_space<hbm>> -> memref<10000x128xf32, #tpu.memory_space<hbm>>
          tpu.enqueue_indirect_dma source(%dma_start3A_68 : memref<10000x128xf32, #tpu.memory_space<hbm>>) target(%dma_start3A_62 : memref<125x128xf32, #tpu.memory_space<vmem>>) offsets(%dma_start3A_65 : memref<125xi32, #tpu.memory_space<vmem>>) semaphore(%arg13 : memref<!tpu.dma_semaphore, #tpu.memory_space<semaphore_mem>>)
          %run_scoped3A = arith.constant 0 : i32
          "tpu.region"() ({
            %run_scoped3A_89 = tpu.sem_alloc : memref<!tpu.dma_semaphore, #tpu.memory_space<semaphore_mem>>
            %dma_start3A_90 = arith.constant 0 : i32
            %dma_start3A_91 = arith.constant 0 : i32
            %dma_start3A_92 = tpu.memref_slice %arg10[%run_scoped3A, %dma_start3A_90, %dma_start3A_91] : memref<2x125x128xf32, #tpu.memory_space<vmem>> -> memref<1x125x128xf32, #tpu.memory_space<vmem>>
            %dma_start3A_93 = tpu.memref_squeeze %dma_start3A_92 : memref<1x125x128xf32, #tpu.memory_space<vmem>> -> memref<125x128xf32, #tpu.memory_space<vmem>>
            %dma_start3A_94 = arith.constant 0 : i32
            %dma_start3A_95 = tpu.memref_slice %arg9[%mul3A_47, %dma_start3A_94] : memref<40x125xi32, #tpu.memory_space<vmem>> -> memref<1x125xi32, #tpu.memory_space<vmem>>
            %dma_start3A_96 = tpu.memref_squeeze %dma_start3A_95 : memref<1x125xi32, #tpu.memory_space<vmem>> -> memref<125xi32, #tpu.memory_space<vmem>>
            %dma_start3A_97 = arith.constant 0 : i32
            %dma_start3A_98 = arith.constant 0 : i32
            %dma_start3A_99 = tpu.memref_slice %arg11[%dma_start3A_97, %dma_start3A_98] : memref<10000x128xf32, #tpu.memory_space<vmem_shared>> -> memref<10000x128xf32, #tpu.memory_space<vmem_shared>>
            tpu.enqueue_indirect_dma source(%dma_start3A_93 : memref<125x128xf32, #tpu.memory_space<vmem>>) target(%dma_start3A_99 : memref<10000x128xf32, #tpu.memory_space<vmem_shared>>) offsets(%dma_start3A_96 : memref<125xi32, #tpu.memory_space<vmem>>) semaphore(%run_scoped3A_89 : memref<!tpu.dma_semaphore, #tpu.memory_space<semaphore_mem>>) {add = true}
            %dma_wait3A_100 = arith.constant 0 : i32
            %dma_wait3A_101 = arith.constant 0 : i32
            %dma_wait3A_102 = tpu.memref_slice %arg10[%run_scoped3A, %dma_wait3A_100, %dma_wait3A_101] : memref<2x125x128xf32, #tpu.memory_space<vmem>> -> memref<1x125x128xf32, #tpu.memory_space<vmem>>
            %dma_wait3A_103 = tpu.memref_squeeze %dma_wait3A_102 : memref<1x125x128xf32, #tpu.memory_space<vmem>> -> memref<125x128xf32, #tpu.memory_space<vmem>>
            %dma_wait3A_104 = arith.constant 0 : i32
            %dma_wait3A_105 = tpu.memref_slice %arg9[%mul3A_47, %dma_wait3A_104] : memref<40x125xi32, #tpu.memory_space<vmem>> -> memref<1x125xi32, #tpu.memory_space<vmem>>
            %dma_wait3A_106 = tpu.memref_squeeze %dma_wait3A_105 : memref<1x125xi32, #tpu.memory_space<vmem>> -> memref<125xi32, #tpu.memory_space<vmem>>
            %dma_wait3A_107 = arith.constant 0 : i32
            %dma_wait3A_108 = arith.constant 0 : i32
            %dma_wait3A_109 = tpu.memref_slice %arg11[%dma_wait3A_107, %dma_wait3A_108] : memref<10000x128xf32, #tpu.memory_space<vmem_shared>> -> memref<10000x128xf32, #tpu.memory_space<vmem_shared>>
            tpu.wait_indirect_dma semaphore(%run_scoped3A_89 : memref<!tpu.dma_semaphore, #tpu.memory_space<semaphore_mem>>) src(%dma_wait3A_103 : memref<125x128xf32, #tpu.memory_space<vmem>>) dst(%dma_wait3A_109 : memref<10000x128xf32, #tpu.memory_space<vmem_shared>>)
            tpu.yield
          }) : () -> ()
          %add3A_69 = arith.constant 1 : i32
          %add3A_70 = arith.addi %mul3A_47, %add3A_69 : i32
          %dma_wait3A_71 = arith.constant 1 : i32
          %dma_wait3A_72 = arith.constant 0 : i32
          %dma_wait3A_73 = arith.constant 0 : i32
          %dma_wait3A_74 = tpu.memref_slice %arg10[%dma_wait3A_71, %dma_wait3A_72, %dma_wait3A_73] : memref<2x125x128xf32, #tpu.memory_space<vmem>> -> memref<1x125x128xf32, #tpu.memory_space<vmem>>
          %dma_wait3A_75 = tpu.memref_squeeze %dma_wait3A_74 : memref<1x125x128xf32, #tpu.memory_space<vmem>> -> memref<125x128xf32, #tpu.memory_space<vmem>>
          %dma_wait3A_76 = arith.constant 0 : i32
          %dma_wait3A_77 = tpu.memref_slice %arg8[%add3A_70, %dma_wait3A_76] : memref<40x125xi32, #tpu.memory_space<vmem>> -> memref<1x125xi32, #tpu.memory_space<vmem>>
          %dma_wait3A_78 = tpu.memref_squeeze %dma_wait3A_77 : memref<1x125xi32, #tpu.memory_space<vmem>> -> memref<125xi32, #tpu.memory_space<vmem>>
          %dma_wait3A_79 = arith.constant 0 : i32
          %dma_wait3A_80 = arith.constant 0 : i32
          %dma_wait3A_81 = tpu.memref_slice %arg2[%dma_wait3A_79, %dma_wait3A_80] : memref<10000x128xf32, #tpu.memory_space<hbm>> -> memref<10000x128xf32, #tpu.memory_space<hbm>>
          tpu.wait_indirect_dma semaphore(%arg13 : memref<!tpu.dma_semaphore, #tpu.memory_space<semaphore_mem>>) src(%dma_wait3A_81 : memref<10000x128xf32, #tpu.memory_space<hbm>>) dst(%dma_wait3A_75 : memref<125x128xf32, #tpu.memory_space<vmem>>)
          %lt3A = arith.constant 19 : i32
          %lt3A_82 = arith.cmpi slt, %scan3A_45, %lt3A : i32
          %convert_element_type3A_83 = arith.extui %lt3A_82 : i1 to i32
          %cond3A_84 = arith.constant 0 : i32
          %cond3A_85 = arith.cmpi ne, %convert_element_type3A_83, %cond3A_84 : i32
          scf.if %cond3A_85 {
            %add3A_89 = arith.constant 2 : i32
            %add3A_90 = arith.addi %mul3A_47, %add3A_89 : i32
            %dma_start3A_91 = arith.constant 0 : i32
            %dma_start3A_92 = arith.constant 0 : i32
            %dma_start3A_93 = arith.constant 0 : i32
            %dma_start3A_94 = tpu.memref_slice %arg10[%dma_start3A_91, %dma_start3A_92, %dma_start3A_93] : memref<2x125x128xf32, #tpu.memory_space<vmem>> -> memref<1x125x128xf32, #tpu.memory_space<vmem>>
            %dma_start3A_95 = tpu.memref_squeeze %dma_start3A_94 : memref<1x125x128xf32, #tpu.memory_space<vmem>> -> memref<125x128xf32, #tpu.memory_space<vmem>>
            %dma_start3A_96 = arith.constant 0 : i32
            %dma_start3A_97 = tpu.memref_slice %arg8[%add3A_90, %dma_start3A_96] : memref<40x125xi32, #tpu.memory_space<vmem>> -> memref<1x125xi32, #tpu.memory_space<vmem>>
            %dma_start3A_98 = tpu.memref_squeeze %dma_start3A_97 : memref<1x125xi32, #tpu.memory_space<vmem>> -> memref<125xi32, #tpu.memory_space<vmem>>
            %dma_start3A_99 = arith.constant 0 : i32
            %dma_start3A_100 = arith.constant 0 : i32
            %dma_start3A_101 = tpu.memref_slice %arg2[%dma_start3A_99, %dma_start3A_100] : memref<10000x128xf32, #tpu.memory_space<hbm>> -> memref<10000x128xf32, #tpu.memory_space<hbm>>
            tpu.enqueue_indirect_dma source(%dma_start3A_101 : memref<10000x128xf32, #tpu.memory_space<hbm>>) target(%dma_start3A_95 : memref<125x128xf32, #tpu.memory_space<vmem>>) offsets(%dma_start3A_98 : memref<125xi32, #tpu.memory_space<vmem>>) semaphore(%arg12 : memref<!tpu.dma_semaphore, #tpu.memory_space<semaphore_mem>>)
          } else {
          }
          %add3A_86 = arith.constant 1 : i32
          %add3A_87 = arith.addi %mul3A_47, %add3A_86 : i32
          %run_scoped3A_88 = arith.constant 1 : i32
          "tpu.region"() ({
            %run_scoped3A_89 = tpu.sem_alloc : memref<!tpu.dma_semaphore, #tpu.memory_space<semaphore_mem>>
            %dma_start3A_90 = arith.constant 0 : i32
            %dma_start3A_91 = arith.constant 0 : i32
            %dma_start3A_92 = tpu.memref_slice %arg10[%run_scoped3A_88, %dma_start3A_90, %dma_start3A_91] : memref<2x125x128xf32, #tpu.memory_space<vmem>> -> memref<1x125x128xf32, #tpu.memory_space<vmem>>
            %dma_start3A_93 = tpu.memref_squeeze %dma_start3A_92 : memref<1x125x128xf32, #tpu.memory_space<vmem>> -> memref<125x128xf32, #tpu.memory_space<vmem>>
            %dma_start3A_94 = arith.constant 0 : i32
            %dma_start3A_95 = tpu.memref_slice %arg9[%add3A_87, %dma_start3A_94] : memref<40x125xi32, #tpu.memory_space<vmem>> -> memref<1x125xi32, #tpu.memory_space<vmem>>
            %dma_start3A_96 = tpu.memref_squeeze %dma_start3A_95 : memref<1x125xi32, #tpu.memory_space<vmem>> -> memref<125xi32, #tpu.memory_space<vmem>>
            %dma_start3A_97 = arith.constant 0 : i32
            %dma_start3A_98 = arith.constant 0 : i32
            %dma_start3A_99 = tpu.memref_slice %arg11[%dma_start3A_97, %dma_start3A_98] : memref<10000x128xf32, #tpu.memory_space<vmem_shared>> -> memref<10000x128xf32, #tpu.memory_space<vmem_shared>>
            tpu.enqueue_indirect_dma source(%dma_start3A_93 : memref<125x128xf32, #tpu.memory_space<vmem>>) target(%dma_start3A_99 : memref<10000x128xf32, #tpu.memory_space<vmem_shared>>) offsets(%dma_start3A_96 : memref<125xi32, #tpu.memory_space<vmem>>) semaphore(%run_scoped3A_89 : memref<!tpu.dma_semaphore, #tpu.memory_space<semaphore_mem>>) {add = true}
            %dma_wait3A_100 = arith.constant 0 : i32
            %dma_wait3A_101 = arith.constant 0 : i32
            %dma_wait3A_102 = tpu.memref_slice %arg10[%run_scoped3A_88, %dma_wait3A_100, %dma_wait3A_101] : memref<2x125x128xf32, #tpu.memory_space<vmem>> -> memref<1x125x128xf32, #tpu.memory_space<vmem>>
            %dma_wait3A_103 = tpu.memref_squeeze %dma_wait3A_102 : memref<1x125x128xf32, #tpu.memory_space<vmem>> -> memref<125x128xf32, #tpu.memory_space<vmem>>
            %dma_wait3A_104 = arith.constant 0 : i32
            %dma_wait3A_105 = tpu.memref_slice %arg9[%add3A_87, %dma_wait3A_104] : memref<40x125xi32, #tpu.memory_space<vmem>> -> memref<1x125xi32, #tpu.memory_space<vmem>>
            %dma_wait3A_106 = tpu.memref_squeeze %dma_wait3A_105 : memref<1x125xi32, #tpu.memory_space<vmem>> -> memref<125xi32, #tpu.memory_space<vmem>>
            %dma_wait3A_107 = arith.constant 0 : i32
            %dma_wait3A_108 = arith.constant 0 : i32
            %dma_wait3A_109 = tpu.memref_slice %arg11[%dma_wait3A_107, %dma_wait3A_108] : memref<10000x128xf32, #tpu.memory_space<vmem_shared>> -> memref<10000x128xf32, #tpu.memory_space<vmem_shared>>
            tpu.wait_indirect_dma semaphore(%run_scoped3A_89 : memref<!tpu.dma_semaphore, #tpu.memory_space<semaphore_mem>>) src(%dma_wait3A_103 : memref<125x128xf32, #tpu.memory_space<vmem>>) dst(%dma_wait3A_109 : memref<10000x128xf32, #tpu.memory_space<vmem_shared>>)
            tpu.yield
          }) : () -> ()
        }
        %scan3A_44 = arith.constant 20 : i32
      }
      %scan3A_33 = arith.constant 2 : i32
    } else {
    }
    %eq3A_13 = arith.constant 1 : i32
    %eq3A_14 = arith.cmpi eq, %arg0, %eq3A_13 : i32
    %convert_element_type3A_15 = arith.extui %eq3A_14 : i1 to i32
    %cond3A_16 = arith.constant 0 : i32
    %cond3A_17 = arith.cmpi ne, %convert_element_type3A_15, %cond3A_16 : i32
    scf.if %cond3A_17 {
      %scan3A = arith.constant 0 : i32
      %scan3A_29 = arith.constant 0 : i32
      %scan3A_30 = arith.constant 2 : i32
      %scan3A_31 = arith.addi %scan3A_29, %scan3A_30 : i32
      %scan3A_32 = arith.constant 1 : i32
      scf.for %scan3A_34 = %scan3A_29 to %scan3A_31 step %scan3A_32  : i32 {
        %gt3A = arith.constant 0 : i32
        %gt3A_35 = arith.cmpi sgt, %scan3A_34, %gt3A : i32
        %convert_element_type3A_36 = arith.extui %gt3A_35 : i1 to i32
        %cond3A_37 = arith.constant 0 : i32
        %cond3A_38 = arith.cmpi ne, %convert_element_type3A_36, %cond3A_37 : i32
        scf.if %cond3A_38 {
          %mul3A_45 = arith.constant 40 : i32
          %mul3A_46 = arith.muli %scan3A_34, %mul3A_45 : i32
          %add3A = arith.addi %mul3A_0, %mul3A_46 : i32
          "tpu.region"() ({
            %run_scoped3A = tpu.sem_alloc : memref<!tpu.dma_semaphore, #tpu.memory_space<semaphore_mem>>
            %dma_start3A_61 = arith.constant 0 : i32
            %dma_start3A_62 = tpu.memref_slice %arg4[%add3A, %dma_start3A_61] : memref<1280x125xi32, #tpu.memory_space<hbm>> -> memref<40x125xi32, #tpu.memory_space<hbm>>
            %dma_start3A_63 = arith.constant 0 : i32
            %dma_start3A_64 = tpu.memref_slice %arg4[%add3A, %dma_start3A_63] : memref<1280x125xi32, #tpu.memory_space<hbm>> -> memref<40x125xi32, #tpu.memory_space<hbm>>
            tpu.enqueue_dma source(%dma_start3A_64 : memref<40x125xi32, #tpu.memory_space<hbm>>) target(%arg8 : memref<40x125xi32, #tpu.memory_space<vmem>>) target_semaphore(%run_scoped3A : memref<!tpu.dma_semaphore, #tpu.memory_space<semaphore_mem>>)
            %dma_wait3A = arith.constant 0 : i32
            %dma_wait3A_65 = tpu.memref_slice %arg4[%add3A, %dma_wait3A] : memref<1280x125xi32, #tpu.memory_space<hbm>> -> memref<40x125xi32, #tpu.memory_space<hbm>>
            %dma_wait3A_66 = arith.constant 0 : i32
            %dma_wait3A_67 = tpu.memref_slice %arg4[%add3A, %dma_wait3A_66] : memref<1280x125xi32, #tpu.memory_space<hbm>> -> memref<40x125xi32, #tpu.memory_space<hbm>>
            tpu.wait_dma2 semaphore(%run_scoped3A : memref<!tpu.dma_semaphore, #tpu.memory_space<semaphore_mem>>) src(%dma_wait3A_67 : memref<40x125xi32, #tpu.memory_space<hbm>>) dst(%arg8 : memref<40x125xi32, #tpu.memory_space<vmem>>)
            tpu.yield
          }) : () -> ()
          %mul3A_47 = arith.constant 40 : i32
          %mul3A_48 = arith.muli %scan3A_34, %mul3A_47 : i32
          %add3A_49 = arith.addi %mul3A_0, %mul3A_48 : i32
          "tpu.region"() ({
            %run_scoped3A = tpu.sem_alloc : memref<!tpu.dma_semaphore, #tpu.memory_space<semaphore_mem>>
            %dma_start3A_61 = arith.constant 0 : i32
            %dma_start3A_62 = tpu.memref_slice %arg5[%add3A_49, %dma_start3A_61] : memref<1280x125xi32, #tpu.memory_space<hbm>> -> memref<40x125xi32, #tpu.memory_space<hbm>>
            %dma_start3A_63 = arith.constant 0 : i32
            %dma_start3A_64 = tpu.memref_slice %arg5[%add3A_49, %dma_start3A_63] : memref<1280x125xi32, #tpu.memory_space<hbm>> -> memref<40x125xi32, #tpu.memory_space<hbm>>
            tpu.enqueue_dma source(%dma_start3A_64 : memref<40x125xi32, #tpu.memory_space<hbm>>) target(%arg9 : memref<40x125xi32, #tpu.memory_space<vmem>>) target_semaphore(%run_scoped3A : memref<!tpu.dma_semaphore, #tpu.memory_space<semaphore_mem>>)
            %dma_wait3A = arith.constant 0 : i32
            %dma_wait3A_65 = tpu.memref_slice %arg5[%add3A_49, %dma_wait3A] : memref<1280x125xi32, #tpu.memory_space<hbm>> -> memref<40x125xi32, #tpu.memory_space<hbm>>
            %dma_wait3A_66 = arith.constant 0 : i32
            %dma_wait3A_67 = tpu.memref_slice %arg5[%add3A_49, %dma_wait3A_66] : memref<1280x125xi32, #tpu.memory_space<hbm>> -> memref<40x125xi32, #tpu.memory_space<hbm>>
            tpu.wait_dma2 semaphore(%run_scoped3A : memref<!tpu.dma_semaphore, #tpu.memory_space<semaphore_mem>>) src(%dma_wait3A_67 : memref<40x125xi32, #tpu.memory_space<hbm>>) dst(%arg9 : memref<40x125xi32, #tpu.memory_space<vmem>>)
            tpu.yield
          }) : () -> ()
          %dma_start3A = arith.constant 0 : i32
          %dma_start3A_50 = arith.constant 0 : i32
          %dma_start3A_51 = arith.constant 0 : i32
          %dma_start3A_52 = arith.constant 0 : i32
          %dma_start3A_53 = tpu.memref_slice %arg10[%dma_start3A_50, %dma_start3A_51, %dma_start3A_52] : memref<2x125x128xf32, #tpu.memory_space<vmem>> -> memref<1x125x128xf32, #tpu.memory_space<vmem>>
          %dma_start3A_54 = tpu.memref_squeeze %dma_start3A_53 : memref<1x125x128xf32, #tpu.memory_space<vmem>> -> memref<125x128xf32, #tpu.memory_space<vmem>>
          %dma_start3A_55 = arith.constant 0 : i32
          %dma_start3A_56 = tpu.memref_slice %arg8[%dma_start3A, %dma_start3A_55] : memref<40x125xi32, #tpu.memory_space<vmem>> -> memref<1x125xi32, #tpu.memory_space<vmem>>
          %dma_start3A_57 = tpu.memref_squeeze %dma_start3A_56 : memref<1x125xi32, #tpu.memory_space<vmem>> -> memref<125xi32, #tpu.memory_space<vmem>>
          %dma_start3A_58 = arith.constant 0 : i32
          %dma_start3A_59 = arith.constant 0 : i32
          %dma_start3A_60 = tpu.memref_slice %arg3[%dma_start3A_58, %dma_start3A_59] : memref<10000x128xf32, #tpu.memory_space<hbm>> -> memref<10000x128xf32, #tpu.memory_space<hbm>>
          tpu.enqueue_indirect_dma source(%dma_start3A_60 : memref<10000x128xf32, #tpu.memory_space<hbm>>) target(%dma_start3A_54 : memref<125x128xf32, #tpu.memory_space<vmem>>) offsets(%dma_start3A_57 : memref<125xi32, #tpu.memory_space<vmem>>) semaphore(%arg12 : memref<!tpu.dma_semaphore, #tpu.memory_space<semaphore_mem>>)
        } else {
        }
        %scan3A_39 = arith.constant 0 : i32
        %scan3A_40 = arith.constant 0 : i32
        %scan3A_41 = arith.constant 20 : i32
        %scan3A_42 = arith.addi %scan3A_40, %scan3A_41 : i32
        %scan3A_43 = arith.constant 1 : i32
        scf.for %scan3A_45 = %scan3A_40 to %scan3A_42 step %scan3A_43  : i32 {
          %mul3A_46 = arith.constant 2 : i32
          %mul3A_47 = arith.muli %mul3A_46, %scan3A_45 : i32
          %dma_wait3A = arith.constant 0 : i32
          %dma_wait3A_48 = arith.constant 0 : i32
          %dma_wait3A_49 = arith.constant 0 : i32
          %dma_wait3A_50 = tpu.memref_slice %arg10[%dma_wait3A, %dma_wait3A_48, %dma_wait3A_49] : memref<2x125x128xf32, #tpu.memory_space<vmem>> -> memref<1x125x128xf32, #tpu.memory_space<vmem>>
          %dma_wait3A_51 = tpu.memref_squeeze %dma_wait3A_50 : memref<1x125x128xf32, #tpu.memory_space<vmem>> -> memref<125x128xf32, #tpu.memory_space<vmem>>
          %dma_wait3A_52 = arith.constant 0 : i32
          %dma_wait3A_53 = tpu.memref_slice %arg8[%mul3A_47, %dma_wait3A_52] : memref<40x125xi32, #tpu.memory_space<vmem>> -> memref<1x125xi32, #tpu.memory_space<vmem>>
          %dma_wait3A_54 = tpu.memref_squeeze %dma_wait3A_53 : memref<1x125xi32, #tpu.memory_space<vmem>> -> memref<125xi32, #tpu.memory_space<vmem>>
          %dma_wait3A_55 = arith.constant 0 : i32
          %dma_wait3A_56 = arith.constant 0 : i32
          %dma_wait3A_57 = tpu.memref_slice %arg3[%dma_wait3A_55, %dma_wait3A_56] : memref<10000x128xf32, #tpu.memory_space<hbm>> -> memref<10000x128xf32, #tpu.memory_space<hbm>>
          tpu.wait_indirect_dma semaphore(%arg12 : memref<!tpu.dma_semaphore, #tpu.memory_space<semaphore_mem>>) src(%dma_wait3A_57 : memref<10000x128xf32, #tpu.memory_space<hbm>>) dst(%dma_wait3A_51 : memref<125x128xf32, #tpu.memory_space<vmem>>)
          %add3A = arith.constant 1 : i32
          %add3A_58 = arith.addi %mul3A_47, %add3A : i32
          %dma_start3A = arith.constant 1 : i32
          %dma_start3A_59 = arith.constant 0 : i32
          %dma_start3A_60 = arith.constant 0 : i32
          %dma_start3A_61 = tpu.memref_slice %arg10[%dma_start3A, %dma_start3A_59, %dma_start3A_60] : memref<2x125x128xf32, #tpu.memory_space<vmem>> -> memref<1x125x128xf32, #tpu.memory_space<vmem>>
          %dma_start3A_62 = tpu.memref_squeeze %dma_start3A_61 : memref<1x125x128xf32, #tpu.memory_space<vmem>> -> memref<125x128xf32, #tpu.memory_space<vmem>>
          %dma_start3A_63 = arith.constant 0 : i32
          %dma_start3A_64 = tpu.memref_slice %arg8[%add3A_58, %dma_start3A_63] : memref<40x125xi32, #tpu.memory_space<vmem>> -> memref<1x125xi32, #tpu.memory_space<vmem>>
          %dma_start3A_65 = tpu.memref_squeeze %dma_start3A_64 : memref<1x125xi32, #tpu.memory_space<vmem>> -> memref<125xi32, #tpu.memory_space<vmem>>
          %dma_start3A_66 = arith.constant 0 : i32
          %dma_start3A_67 = arith.constant 0 : i32
          %dma_start3A_68 = tpu.memref_slice %arg3[%dma_start3A_66, %dma_start3A_67] : memref<10000x128xf32, #tpu.memory_space<hbm>> -> memref<10000x128xf32, #tpu.memory_space<hbm>>
          tpu.enqueue_indirect_dma source(%dma_start3A_68 : memref<10000x128xf32, #tpu.memory_space<hbm>>) target(%dma_start3A_62 : memref<125x128xf32, #tpu.memory_space<vmem>>) offsets(%dma_start3A_65 : memref<125xi32, #tpu.memory_space<vmem>>) semaphore(%arg13 : memref<!tpu.dma_semaphore, #tpu.memory_space<semaphore_mem>>)
          %run_scoped3A = arith.constant 0 : i32
          "tpu.region"() ({
            %run_scoped3A_89 = tpu.sem_alloc : memref<!tpu.dma_semaphore, #tpu.memory_space<semaphore_mem>>
            %dma_start3A_90 = arith.constant 0 : i32
            %dma_start3A_91 = arith.constant 0 : i32
            %dma_start3A_92 = tpu.memref_slice %arg10[%run_scoped3A, %dma_start3A_90, %dma_start3A_91] : memref<2x125x128xf32, #tpu.memory_space<vmem>> -> memref<1x125x128xf32, #tpu.memory_space<vmem>>
            %dma_start3A_93 = tpu.memref_squeeze %dma_start3A_92 : memref<1x125x128xf32, #tpu.memory_space<vmem>> -> memref<125x128xf32, #tpu.memory_space<vmem>>
            %dma_start3A_94 = arith.constant 0 : i32
            %dma_start3A_95 = tpu.memref_slice %arg9[%mul3A_47, %dma_start3A_94] : memref<40x125xi32, #tpu.memory_space<vmem>> -> memref<1x125xi32, #tpu.memory_space<vmem>>
            %dma_start3A_96 = tpu.memref_squeeze %dma_start3A_95 : memref<1x125xi32, #tpu.memory_space<vmem>> -> memref<125xi32, #tpu.memory_space<vmem>>
            %dma_start3A_97 = arith.constant 0 : i32
            %dma_start3A_98 = arith.constant 0 : i32
            %dma_start3A_99 = tpu.memref_slice %arg11[%dma_start3A_97, %dma_start3A_98] : memref<10000x128xf32, #tpu.memory_space<vmem_shared>> -> memref<10000x128xf32, #tpu.memory_space<vmem_shared>>
            tpu.enqueue_indirect_dma source(%dma_start3A_93 : memref<125x128xf32, #tpu.memory_space<vmem>>) target(%dma_start3A_99 : memref<10000x128xf32, #tpu.memory_space<vmem_shared>>) offsets(%dma_start3A_96 : memref<125xi32, #tpu.memory_space<vmem>>) semaphore(%run_scoped3A_89 : memref<!tpu.dma_semaphore, #tpu.memory_space<semaphore_mem>>) {add = true}
            %dma_wait3A_100 = arith.constant 0 : i32
            %dma_wait3A_101 = arith.constant 0 : i32
            %dma_wait3A_102 = tpu.memref_slice %arg10[%run_scoped3A, %dma_wait3A_100, %dma_wait3A_101] : memref<2x125x128xf32, #tpu.memory_space<vmem>> -> memref<1x125x128xf32, #tpu.memory_space<vmem>>
            %dma_wait3A_103 = tpu.memref_squeeze %dma_wait3A_102 : memref<1x125x128xf32, #tpu.memory_space<vmem>> -> memref<125x128xf32, #tpu.memory_space<vmem>>
            %dma_wait3A_104 = arith.constant 0 : i32
            %dma_wait3A_105 = tpu.memref_slice %arg9[%mul3A_47, %dma_wait3A_104] : memref<40x125xi32, #tpu.memory_space<vmem>> -> memref<1x125xi32, #tpu.memory_space<vmem>>
            %dma_wait3A_106 = tpu.memref_squeeze %dma_wait3A_105 : memref<1x125xi32, #tpu.memory_space<vmem>> -> memref<125xi32, #tpu.memory_space<vmem>>
            %dma_wait3A_107 = arith.constant 0 : i32
            %dma_wait3A_108 = arith.constant 0 : i32
            %dma_wait3A_109 = tpu.memref_slice %arg11[%dma_wait3A_107, %dma_wait3A_108] : memref<10000x128xf32, #tpu.memory_space<vmem_shared>> -> memref<10000x128xf32, #tpu.memory_space<vmem_shared>>
            tpu.wait_indirect_dma semaphore(%run_scoped3A_89 : memref<!tpu.dma_semaphore, #tpu.memory_space<semaphore_mem>>) src(%dma_wait3A_103 : memref<125x128xf32, #tpu.memory_space<vmem>>) dst(%dma_wait3A_109 : memref<10000x128xf32, #tpu.memory_space<vmem_shared>>)
            tpu.yield
          }) : () -> ()
          %add3A_69 = arith.constant 1 : i32
          %add3A_70 = arith.addi %mul3A_47, %add3A_69 : i32
          %dma_wait3A_71 = arith.constant 1 : i32
          %dma_wait3A_72 = arith.constant 0 : i32
          %dma_wait3A_73 = arith.constant 0 : i32
          %dma_wait3A_74 = tpu.memref_slice %arg10[%dma_wait3A_71, %dma_wait3A_72, %dma_wait3A_73] : memref<2x125x128xf32, #tpu.memory_space<vmem>> -> memref<1x125x128xf32, #tpu.memory_space<vmem>>
          %dma_wait3A_75 = tpu.memref_squeeze %dma_wait3A_74 : memref<1x125x128xf32, #tpu.memory_space<vmem>> -> memref<125x128xf32, #tpu.memory_space<vmem>>
          %dma_wait3A_76 = arith.constant 0 : i32
          %dma_wait3A_77 = tpu.memref_slice %arg8[%add3A_70, %dma_wait3A_76] : memref<40x125xi32, #tpu.memory_space<vmem>> -> memref<1x125xi32, #tpu.memory_space<vmem>>
          %dma_wait3A_78 = tpu.memref_squeeze %dma_wait3A_77 : memref<1x125xi32, #tpu.memory_space<vmem>> -> memref<125xi32, #tpu.memory_space<vmem>>
          %dma_wait3A_79 = arith.constant 0 : i32
          %dma_wait3A_80 = arith.constant 0 : i32
          %dma_wait3A_81 = tpu.memref_slice %arg3[%dma_wait3A_79, %dma_wait3A_80] : memref<10000x128xf32, #tpu.memory_space<hbm>> -> memref<10000x128xf32, #tpu.memory_space<hbm>>
          tpu.wait_indirect_dma semaphore(%arg13 : memref<!tpu.dma_semaphore, #tpu.memory_space<semaphore_mem>>) src(%dma_wait3A_81 : memref<10000x128xf32, #tpu.memory_space<hbm>>) dst(%dma_wait3A_75 : memref<125x128xf32, #tpu.memory_space<vmem>>)
          %lt3A = arith.constant 19 : i32
          %lt3A_82 = arith.cmpi slt, %scan3A_45, %lt3A : i32
          %convert_element_type3A_83 = arith.extui %lt3A_82 : i1 to i32
          %cond3A_84 = arith.constant 0 : i32
          %cond3A_85 = arith.cmpi ne, %convert_element_type3A_83, %cond3A_84 : i32
          scf.if %cond3A_85 {
            %add3A_89 = arith.constant 2 : i32
            %add3A_90 = arith.addi %mul3A_47, %add3A_89 : i32
            %dma_start3A_91 = arith.constant 0 : i32
            %dma_start3A_92 = arith.constant 0 : i32
            %dma_start3A_93 = arith.constant 0 : i32
            %dma_start3A_94 = tpu.memref_slice %arg10[%dma_start3A_91, %dma_start3A_92, %dma_start3A_93] : memref<2x125x128xf32, #tpu.memory_space<vmem>> -> memref<1x125x128xf32, #tpu.memory_space<vmem>>
            %dma_start3A_95 = tpu.memref_squeeze %dma_start3A_94 : memref<1x125x128xf32, #tpu.memory_space<vmem>> -> memref<125x128xf32, #tpu.memory_space<vmem>>
            %dma_start3A_96 = arith.constant 0 : i32
            %dma_start3A_97 = tpu.memref_slice %arg8[%add3A_90, %dma_start3A_96] : memref<40x125xi32, #tpu.memory_space<vmem>> -> memref<1x125xi32, #tpu.memory_space<vmem>>
            %dma_start3A_98 = tpu.memref_squeeze %dma_start3A_97 : memref<1x125xi32, #tpu.memory_space<vmem>> -> memref<125xi32, #tpu.memory_space<vmem>>
            %dma_start3A_99 = arith.constant 0 : i32
            %dma_start3A_100 = arith.constant 0 : i32
            %dma_start3A_101 = tpu.memref_slice %arg3[%dma_start3A_99, %dma_start3A_100] : memref<10000x128xf32, #tpu.memory_space<hbm>> -> memref<10000x128xf32, #tpu.memory_space<hbm>>
            tpu.enqueue_indirect_dma source(%dma_start3A_101 : memref<10000x128xf32, #tpu.memory_space<hbm>>) target(%dma_start3A_95 : memref<125x128xf32, #tpu.memory_space<vmem>>) offsets(%dma_start3A_98 : memref<125xi32, #tpu.memory_space<vmem>>) semaphore(%arg12 : memref<!tpu.dma_semaphore, #tpu.memory_space<semaphore_mem>>)
          } else {
          }
          %add3A_86 = arith.constant 1 : i32
          %add3A_87 = arith.addi %mul3A_47, %add3A_86 : i32
          %run_scoped3A_88 = arith.constant 1 : i32
          "tpu.region"() ({
            %run_scoped3A_89 = tpu.sem_alloc : memref<!tpu.dma_semaphore, #tpu.memory_space<semaphore_mem>>
            %dma_start3A_90 = arith.constant 0 : i32
            %dma_start3A_91 = arith.constant 0 : i32
            %dma_start3A_92 = tpu.memref_slice %arg10[%run_scoped3A_88, %dma_start3A_90, %dma_start3A_91] : memref<2x125x128xf32, #tpu.memory_space<vmem>> -> memref<1x125x128xf32, #tpu.memory_space<vmem>>
            %dma_start3A_93 = tpu.memref_squeeze %dma_start3A_92 : memref<1x125x128xf32, #tpu.memory_space<vmem>> -> memref<125x128xf32, #tpu.memory_space<vmem>>
            %dma_start3A_94 = arith.constant 0 : i32
            %dma_start3A_95 = tpu.memref_slice %arg9[%add3A_87, %dma_start3A_94] : memref<40x125xi32, #tpu.memory_space<vmem>> -> memref<1x125xi32, #tpu.memory_space<vmem>>
            %dma_start3A_96 = tpu.memref_squeeze %dma_start3A_95 : memref<1x125xi32, #tpu.memory_space<vmem>> -> memref<125xi32, #tpu.memory_space<vmem>>
            %dma_start3A_97 = arith.constant 0 : i32
            %dma_start3A_98 = arith.constant 0 : i32
            %dma_start3A_99 = tpu.memref_slice %arg11[%dma_start3A_97, %dma_start3A_98] : memref<10000x128xf32, #tpu.memory_space<vmem_shared>> -> memref<10000x128xf32, #tpu.memory_space<vmem_shared>>
            tpu.enqueue_indirect_dma source(%dma_start3A_93 : memref<125x128xf32, #tpu.memory_space<vmem>>) target(%dma_start3A_99 : memref<10000x128xf32, #tpu.memory_space<vmem_shared>>) offsets(%dma_start3A_96 : memref<125xi32, #tpu.memory_space<vmem>>) semaphore(%run_scoped3A_89 : memref<!tpu.dma_semaphore, #tpu.memory_space<semaphore_mem>>) {add = true}
            %dma_wait3A_100 = arith.constant 0 : i32
            %dma_wait3A_101 = arith.constant 0 : i32
            %dma_wait3A_102 = tpu.memref_slice %arg10[%run_scoped3A_88, %dma_wait3A_100, %dma_wait3A_101] : memref<2x125x128xf32, #tpu.memory_space<vmem>> -> memref<1x125x128xf32, #tpu.memory_space<vmem>>
            %dma_wait3A_103 = tpu.memref_squeeze %dma_wait3A_102 : memref<1x125x128xf32, #tpu.memory_space<vmem>> -> memref<125x128xf32, #tpu.memory_space<vmem>>
            %dma_wait3A_104 = arith.constant 0 : i32
            %dma_wait3A_105 = tpu.memref_slice %arg9[%add3A_87, %dma_wait3A_104] : memref<40x125xi32, #tpu.memory_space<vmem>> -> memref<1x125xi32, #tpu.memory_space<vmem>>
            %dma_wait3A_106 = tpu.memref_squeeze %dma_wait3A_105 : memref<1x125xi32, #tpu.memory_space<vmem>> -> memref<125xi32, #tpu.memory_space<vmem>>
            %dma_wait3A_107 = arith.constant 0 : i32
            %dma_wait3A_108 = arith.constant 0 : i32
            %dma_wait3A_109 = tpu.memref_slice %arg11[%dma_wait3A_107, %dma_wait3A_108] : memref<10000x128xf32, #tpu.memory_space<vmem_shared>> -> memref<10000x128xf32, #tpu.memory_space<vmem_shared>>
            tpu.wait_indirect_dma semaphore(%run_scoped3A_89 : memref<!tpu.dma_semaphore, #tpu.memory_space<semaphore_mem>>) src(%dma_wait3A_103 : memref<125x128xf32, #tpu.memory_space<vmem>>) dst(%dma_wait3A_109 : memref<10000x128xf32, #tpu.memory_space<vmem_shared>>)
            tpu.yield
          }) : () -> ()
        }
        %scan3A_44 = arith.constant 20 : i32
      }
      %scan3A_33 = arith.constant 2 : i32
    } else {
    }
    %barrier3A_18 = arith.constant 0 : index
    tpu.barrier barrier_id(%barrier3A_18)
    %eq3A_19 = arith.constant 0 : i32
    %eq3A_20 = arith.cmpi eq, %arg0, %eq3A_19 : i32
    %convert_element_type3A_21 = arith.extui %eq3A_20 : i1 to i32
    %cond3A_22 = arith.constant 0 : i32
    %cond3A_23 = arith.cmpi ne, %convert_element_type3A_21, %cond3A_22 : i32
    scf.if %cond3A_23 {
      %mul3A_29 = arith.constant 624 : i32
      %mul3A_30 = arith.muli %arg1, %mul3A_29 : i32
      "tpu.region"() ({
        %run_scoped3A = tpu.sem_alloc : memref<!tpu.dma_semaphore, #tpu.memory_space<semaphore_mem>>
        %dma_start3A = arith.constant 0 : i32
        %dma_start3A_36 = tpu.memref_slice %arg6[%mul3A_30, %dma_start3A] : memref<10000x128xf32, #tpu.memory_space<hbm>> -> memref<624x128xf32, #tpu.memory_space<hbm>>
        %dma_start3A_37 = arith.constant 0 : i32
        %dma_start3A_38 = tpu.memref_slice %arg11[%mul3A_30, %dma_start3A_37] : memref<10000x128xf32, #tpu.memory_space<vmem_shared>> -> memref<624x128xf32, #tpu.memory_space<vmem_shared>>
        tpu.enqueue_dma source(%dma_start3A_38 : memref<624x128xf32, #tpu.memory_space<vmem_shared>>) target(%dma_start3A_36 : memref<624x128xf32, #tpu.memory_space<hbm>>) target_semaphore(%run_scoped3A : memref<!tpu.dma_semaphore, #tpu.memory_space<semaphore_mem>>)
        %dma_wait3A = arith.constant 0 : i32
        %dma_wait3A_39 = tpu.memref_slice %arg6[%mul3A_30, %dma_wait3A] : memref<10000x128xf32, #tpu.memory_space<hbm>> -> memref<624x128xf32, #tpu.memory_space<hbm>>
        %dma_wait3A_40 = arith.constant 0 : i32
        %dma_wait3A_41 = tpu.memref_slice %arg11[%mul3A_30, %dma_wait3A_40] : memref<10000x128xf32, #tpu.memory_space<vmem_shared>> -> memref<624x128xf32, #tpu.memory_space<vmem_shared>>
        tpu.wait_dma2 semaphore(%run_scoped3A : memref<!tpu.dma_semaphore, #tpu.memory_space<semaphore_mem>>) src(%dma_wait3A_41 : memref<624x128xf32, #tpu.memory_space<vmem_shared>>) dst(%dma_wait3A_39 : memref<624x128xf32, #tpu.memory_space<hbm>>)
        tpu.yield
      }) : () -> ()
      %eq3A_31 = arith.constant 15 : i32
      %eq3A_32 = arith.cmpi eq, %arg1, %eq3A_31 : i32
      %convert_element_type3A_33 = arith.extui %eq3A_32 : i1 to i32
      %cond3A_34 = arith.constant 0 : i32
      %cond3A_35 = arith.cmpi ne, %convert_element_type3A_33, %cond3A_34 : i32
      scf.if %cond3A_35 {
        "tpu.region"() ({
          %run_scoped3A = tpu.sem_alloc : memref<!tpu.dma_semaphore, #tpu.memory_space<semaphore_mem>>
          %dma_start3A = arith.constant 9984 : i32
          %dma_start3A_36 = arith.constant 0 : i32
          %dma_start3A_37 = tpu.memref_slice %arg6[%dma_start3A, %dma_start3A_36] : memref<10000x128xf32, #tpu.memory_space<hbm>> -> memref<16x128xf32, #tpu.memory_space<hbm>>
          %dma_start3A_38 = arith.constant 9984 : i32
          %dma_start3A_39 = arith.constant 0 : i32
          %dma_start3A_40 = tpu.memref_slice %arg11[%dma_start3A_38, %dma_start3A_39] : memref<10000x128xf32, #tpu.memory_space<vmem_shared>> -> memref<16x128xf32, #tpu.memory_space<vmem_shared>>
          tpu.enqueue_dma source(%dma_start3A_40 : memref<16x128xf32, #tpu.memory_space<vmem_shared>>) target(%dma_start3A_37 : memref<16x128xf32, #tpu.memory_space<hbm>>) target_semaphore(%run_scoped3A : memref<!tpu.dma_semaphore, #tpu.memory_space<semaphore_mem>>)
          %dma_wait3A = arith.constant 9984 : i32
          %dma_wait3A_41 = arith.constant 0 : i32
          %dma_wait3A_42 = tpu.memref_slice %arg6[%dma_wait3A, %dma_wait3A_41] : memref<10000x128xf32, #tpu.memory_space<hbm>> -> memref<16x128xf32, #tpu.memory_space<hbm>>
          %dma_wait3A_43 = arith.constant 9984 : i32
          %dma_wait3A_44 = arith.constant 0 : i32
          %dma_wait3A_45 = tpu.memref_slice %arg11[%dma_wait3A_43, %dma_wait3A_44] : memref<10000x128xf32, #tpu.memory_space<vmem_shared>> -> memref<16x128xf32, #tpu.memory_space<vmem_shared>>
          tpu.wait_dma2 semaphore(%run_scoped3A : memref<!tpu.dma_semaphore, #tpu.memory_space<semaphore_mem>>) src(%dma_wait3A_45 : memref<16x128xf32, #tpu.memory_space<vmem_shared>>) dst(%dma_wait3A_42 : memref<16x128xf32, #tpu.memory_space<hbm>>)
          tpu.yield
        }) : () -> ()
      } else {
      }
    } else {
    }
    %eq3A_24 = arith.constant 1 : i32
    %eq3A_25 = arith.cmpi eq, %arg0, %eq3A_24 : i32
    %convert_element_type3A_26 = arith.extui %eq3A_25 : i1 to i32
    %cond3A_27 = arith.constant 0 : i32
    %cond3A_28 = arith.cmpi ne, %convert_element_type3A_26, %cond3A_27 : i32
    scf.if %cond3A_28 {
      %mul3A_29 = arith.constant 624 : i32
      %mul3A_30 = arith.muli %arg1, %mul3A_29 : i32
      "tpu.region"() ({
        %run_scoped3A = tpu.sem_alloc : memref<!tpu.dma_semaphore, #tpu.memory_space<semaphore_mem>>
        %dma_start3A = arith.constant 0 : i32
        %dma_start3A_36 = tpu.memref_slice %arg7[%mul3A_30, %dma_start3A] : memref<10000x128xf32, #tpu.memory_space<hbm>> -> memref<624x128xf32, #tpu.memory_space<hbm>>
        %dma_start3A_37 = arith.constant 0 : i32
        %dma_start3A_38 = tpu.memref_slice %arg11[%mul3A_30, %dma_start3A_37] : memref<10000x128xf32, #tpu.memory_space<vmem_shared>> -> memref<624x128xf32, #tpu.memory_space<vmem_shared>>
        tpu.enqueue_dma source(%dma_start3A_38 : memref<624x128xf32, #tpu.memory_space<vmem_shared>>) target(%dma_start3A_36 : memref<624x128xf32, #tpu.memory_space<hbm>>) target_semaphore(%run_scoped3A : memref<!tpu.dma_semaphore, #tpu.memory_space<semaphore_mem>>)
        %dma_wait3A = arith.constant 0 : i32
        %dma_wait3A_39 = tpu.memref_slice %arg7[%mul3A_30, %dma_wait3A] : memref<10000x128xf32, #tpu.memory_space<hbm>> -> memref<624x128xf32, #tpu.memory_space<hbm>>
        %dma_wait3A_40 = arith.constant 0 : i32
        %dma_wait3A_41 = tpu.memref_slice %arg11[%mul3A_30, %dma_wait3A_40] : memref<10000x128xf32, #tpu.memory_space<vmem_shared>> -> memref<624x128xf32, #tpu.memory_space<vmem_shared>>
        tpu.wait_dma2 semaphore(%run_scoped3A : memref<!tpu.dma_semaphore, #tpu.memory_space<semaphore_mem>>) src(%dma_wait3A_41 : memref<624x128xf32, #tpu.memory_space<vmem_shared>>) dst(%dma_wait3A_39 : memref<624x128xf32, #tpu.memory_space<hbm>>)
        tpu.yield
      }) : () -> ()
      %eq3A_31 = arith.constant 15 : i32
      %eq3A_32 = arith.cmpi eq, %arg1, %eq3A_31 : i32
      %convert_element_type3A_33 = arith.extui %eq3A_32 : i1 to i32
      %cond3A_34 = arith.constant 0 : i32
      %cond3A_35 = arith.cmpi ne, %convert_element_type3A_33, %cond3A_34 : i32
      scf.if %cond3A_35 {
        "tpu.region"() ({
          %run_scoped3A = tpu.sem_alloc : memref<!tpu.dma_semaphore, #tpu.memory_space<semaphore_mem>>
          %dma_start3A = arith.constant 9984 : i32
          %dma_start3A_36 = arith.constant 0 : i32
          %dma_start3A_37 = tpu.memref_slice %arg7[%dma_start3A, %dma_start3A_36] : memref<10000x128xf32, #tpu.memory_space<hbm>> -> memref<16x128xf32, #tpu.memory_space<hbm>>
          %dma_start3A_38 = arith.constant 9984 : i32
          %dma_start3A_39 = arith.constant 0 : i32
          %dma_start3A_40 = tpu.memref_slice %arg11[%dma_start3A_38, %dma_start3A_39] : memref<10000x128xf32, #tpu.memory_space<vmem_shared>> -> memref<16x128xf32, #tpu.memory_space<vmem_shared>>
          tpu.enqueue_dma source(%dma_start3A_40 : memref<16x128xf32, #tpu.memory_space<vmem_shared>>) target(%dma_start3A_37 : memref<16x128xf32, #tpu.memory_space<hbm>>) target_semaphore(%run_scoped3A : memref<!tpu.dma_semaphore, #tpu.memory_space<semaphore_mem>>)
          %dma_wait3A = arith.constant 9984 : i32
          %dma_wait3A_41 = arith.constant 0 : i32
          %dma_wait3A_42 = tpu.memref_slice %arg7[%dma_wait3A, %dma_wait3A_41] : memref<10000x128xf32, #tpu.memory_space<hbm>> -> memref<16x128xf32, #tpu.memory_space<hbm>>
          %dma_wait3A_43 = arith.constant 9984 : i32
          %dma_wait3A_44 = arith.constant 0 : i32
          %dma_wait3A_45 = tpu.memref_slice %arg11[%dma_wait3A_43, %dma_wait3A_44] : memref<10000x128xf32, #tpu.memory_space<vmem_shared>> -> memref<16x128xf32, #tpu.memory_space<vmem_shared>>
          tpu.wait_dma2 semaphore(%run_scoped3A : memref<!tpu.dma_semaphore, #tpu.memory_space<semaphore_mem>>) src(%dma_wait3A_45 : memref<16x128xf32, #tpu.memory_space<vmem_shared>>) dst(%dma_wait3A_42 : memref<16x128xf32, #tpu.memory_space<hbm>>)
          tpu.yield
        }) : () -> ()
      } else {
      }
    } else {
    }
    return
  }
}

module attributes {stable_mosaic.version = 14 : i64} {
  func.func @_mm1_body(%arg0: i32, %arg1: memref<5000x256xf32, #tpu.memory_space<vmem>>, %arg2: memref<256x256xf32, #tpu.memory_space<vmem>>, %arg3: memref<5000x8xf32, #tpu.memory_space<vmem>>, %arg4: memref<5000x8xf32, #tpu.memory_space<vmem>>, %arg5: memref<5000x128xf32, #tpu.memory_space<vmem>>, %arg6: memref<5000x128xf32, #tpu.memory_space<vmem>>) attributes {dimension_semantics = [#tpu.dimension_semantics<arbitrary>], iteration_bounds = array<i64: 2>, scalar_prefetch = 0 : i64, scratch_operands = 0 : i64, tpu.core_type = #tpu.core_type<tc>, window_params = [{transform_indices = @transform_0, window_bounds = array<i64: 5000, 256>}, {pipeline_mode = #tpu.pipeline_mode<synchronous>, transform_indices = @transform_1, window_bounds = array<i64: 256, 256>}, {transform_indices = @transform_2, window_bounds = array<i64: 5000, 8>}, {transform_indices = @transform_3, window_bounds = array<i64: 5000, 8>}, {transform_indices = @transform_4, window_bounds = array<i64: 5000, 128>}, {transform_indices = @transform_5, window_bounds = array<i64: 5000, 128>}]} {
    %get3A = arith.constant 0 : index
    %get3A_0 = arith.constant 0 : index
    %get3A_1 = vector.load %arg3[%get3A, %get3A_0] : memref<5000x8xf32, #tpu.memory_space<vmem>>, vector<5000x1xf32>
    %get3A_2 = arith.constant 0 : index
    %get3A_3 = arith.constant 0 : index
    %get3A_4 = vector.load %arg4[%get3A_2, %get3A_3] : memref<5000x8xf32, #tpu.memory_space<vmem>>, vector<5000x1xf32>
    %add3A = arith.addf %get3A_1, %get3A_4 : vector<5000x1xf32>
    %add3A_5 = arith.constant 1.000000e+00 : f32
    %add3A_6 = vector.broadcast %add3A_5 : f32 to vector<5000x1xf32>
    %add3A_7 = arith.addf %add3A, %add3A_6 : vector<5000x1xf32>
    %rsqrt3A = math.rsqrt %add3A_7 : vector<5000x1xf32>
    %get3A_8 = arith.constant 0 : index
    %get3A_9 = arith.constant 0 : index
    %get3A_10 = vector.load %arg1[%get3A_8, %get3A_9] : memref<5000x256xf32, #tpu.memory_space<vmem>>, vector<5000x256xf32>
    %get3A_11 = arith.constant 0 : index
    %get3A_12 = arith.constant 0 : index
    %get3A_13 = vector.load %arg2[%get3A_11, %get3A_12] : memref<256x256xf32, #tpu.memory_space<vmem>>, vector<256x256xf32>
    %dot_general3A = arith.constant dense<0.000000e+00> : vector<5000x256xf32>
    %dot_general3A_14 = tpu.matmul %get3A_10, %get3A_13, %dot_general3A {dimension_numbers = #tpu.dot_dimension_numbers<[1], [0], [0], [1], [0, 0, 1, 1], [], []>, transpose_lhs_hint = false} : vector<5000x256xf32>, vector<256x256xf32>, vector<5000x256xf32> -> vector<5000x256xf32>
    %mul3A = vector.broadcast %rsqrt3A : vector<5000x1xf32> to vector<5000x256xf32>
    %mul3A_15 = arith.mulf %dot_general3A_14, %mul3A : vector<5000x256xf32>
    %slice3A = vector.extract_strided_slice %mul3A_15 {offsets = [0, 0], sizes = [5000, 128], strides = [1, 1]} : vector<5000x256xf32> to vector<5000x128xf32>
    %swap3A = arith.constant 0 : index
    %swap3A_16 = arith.constant 0 : index
    %swap3A_17 = vector.load %arg5[%swap3A, %swap3A_16] : memref<5000x128xf32, #tpu.memory_space<vmem>>, vector<5000x128xf32>
    tpu.vector_store %arg5[%swap3A, %swap3A_16], %slice3A {strides = array<i32>} : memref<5000x128xf32, #tpu.memory_space<vmem>>, vector<5000x128xf32>,
    %slice3A_18 = vector.extract_strided_slice %mul3A_15 {offsets = [0, 128], sizes = [5000, 128], strides = [1, 1]} : vector<5000x256xf32> to vector<5000x128xf32>
    %swap3A_19 = arith.constant 0 : index
    %swap3A_20 = arith.constant 0 : index
    %swap3A_21 = vector.load %arg6[%swap3A_19, %swap3A_20] : memref<5000x128xf32, #tpu.memory_space<vmem>>, vector<5000x128xf32>
    tpu.vector_store %arg6[%swap3A_19, %swap3A_20], %slice3A_18 {strides = array<i32>} : memref<5000x128xf32, #tpu.memory_space<vmem>>, vector<5000x128xf32>,
    return
  }
  func.func @transform_0(%arg0: i32) -> (i32, i32) {
    %c0_i32 = arith.constant 0 : i32
    %c0_i32_0 = arith.constant 0 : i32
    return %arg0, %c0_i32 : i32, i32
  }
  func.func @transform_1(%arg0: i32) -> (i32, i32) {
    %c0_i32 = arith.constant 0 : i32
    %c0_i32_0 = arith.constant 0 : i32
    %c0_i32_1 = arith.constant 0 : i32
    return %c0_i32, %c0_i32_0 : i32, i32
  }
  func.func @transform_2(%arg0: i32) -> (i32, i32) {
    %c0_i32 = arith.constant 0 : i32
    %c0_i32_0 = arith.constant 0 : i32
    return %arg0, %c0_i32 : i32, i32
  }
  func.func @transform_3(%arg0: i32) -> (i32, i32) {
    %c0_i32 = arith.constant 0 : i32
    %c0_i32_0 = arith.constant 0 : i32
    return %arg0, %c0_i32 : i32, i32
  }
  func.func @transform_4(%arg0: i32) -> (i32, i32) {
    %c0_i32 = arith.constant 0 : i32
    %c0_i32_0 = arith.constant 0 : i32
    return %arg0, %c0_i32 : i32, i32
  }
  func.func @transform_5(%arg0: i32) -> (i32, i32) {
    %c0_i32 = arith.constant 0 : i32
    %c0_i32_0 = arith.constant 0 : i32
    return %arg0, %c0_i32 : i32, i32
  }
}

module attributes {stable_mosaic.version = 14 : i64} {
  func.func @_mmn_body(%arg0: i32, %arg1: memref<5000x128xf32, #tpu.memory_space<vmem>>, %arg2: memref<5000x128xf32, #tpu.memory_space<vmem>>, %arg3: memref<5000x8xf32, #tpu.memory_space<vmem>>, %arg4: memref<5000x8xf32, #tpu.memory_space<vmem>>, %arg5: memref<1x256xf32, #tpu.memory_space<vmem>>, %arg6: memref<1x256xf32, #tpu.memory_space<vmem>>, %arg7: memref<1x256xf32, #tpu.memory_space<vmem>>, %arg8: memref<256x256xf32, #tpu.memory_space<vmem>>, %arg9: memref<5000x128xf32, #tpu.memory_space<vmem>>, %arg10: memref<5000x128xf32, #tpu.memory_space<vmem>>, %arg11: memref<8x256xf32, #tpu.memory_space<vmem>>) attributes {dimension_semantics = [#tpu.dimension_semantics<arbitrary>], iteration_bounds = array<i64: 4>, scalar_prefetch = 0 : i64, scratch_operands = 1 : i64, tpu.core_type = #tpu.core_type<tc>, window_params = [{transform_indices = @transform_0, window_bounds = array<i64: 5000, 128>}, {transform_indices = @transform_1, window_bounds = array<i64: 5000, 128>}, {transform_indices = @transform_2, window_bounds = array<i64: 5000, 8>}, {transform_indices = @transform_3, window_bounds = array<i64: 5000, 8>}, {pipeline_mode = #tpu.pipeline_mode<synchronous>, transform_indices = @transform_4, window_bounds = array<i64: 1, 256>}, {pipeline_mode = #tpu.pipeline_mode<synchronous>, transform_indices = @transform_5, window_bounds = array<i64: 1, 256>}, {pipeline_mode = #tpu.pipeline_mode<synchronous>, transform_indices = @transform_6, window_bounds = array<i64: 1, 256>}, {pipeline_mode = #tpu.pipeline_mode<synchronous>, transform_indices = @transform_7, window_bounds = array<i64: 256, 256>}, {transform_indices = @transform_8, window_bounds = array<i64: 5000, 128>}, {transform_indices = @transform_9, window_bounds = array<i64: 5000, 128>}]} {
    %get3A = arith.constant 0 : index
    %get3A_0 = arith.constant 0 : index
    %get3A_1 = vector.load %arg3[%get3A, %get3A_0] : memref<5000x8xf32, #tpu.memory_space<vmem>>, vector<5000x1xf32>
    %get3A_2 = arith.constant 0 : index
    %get3A_3 = arith.constant 0 : index
    %get3A_4 = vector.load %arg4[%get3A_2, %get3A_3] : memref<5000x8xf32, #tpu.memory_space<vmem>>, vector<5000x1xf32>
    %add3A = arith.addf %get3A_1, %get3A_4 : vector<5000x1xf32>
    %add3A_5 = arith.constant 1.000000e+00 : f32
    %add3A_6 = vector.broadcast %add3A_5 : f32 to vector<5000x1xf32>
    %add3A_7 = arith.addf %add3A, %add3A_6 : vector<5000x1xf32>
    %rsqrt3A = math.rsqrt %add3A_7 : vector<5000x1xf32>
    %get3A_8 = arith.constant 0 : index
    %get3A_9 = arith.constant 0 : index
    %get3A_10 = vector.load %arg1[%get3A_8, %get3A_9] : memref<5000x128xf32, #tpu.memory_space<vmem>>, vector<5000x128xf32>
    %get3A_11 = arith.constant 0 : index
    %get3A_12 = arith.constant 0 : index
    %get3A_13 = vector.load %arg2[%get3A_11, %get3A_12] : memref<5000x128xf32, #tpu.memory_space<vmem>>, vector<5000x128xf32>
    %concatenate3A = tpu.concatenate %get3A_10, %get3A_13 in 1 : vector<5000x128xf32>, vector<5000x128xf32> -> vector<5000x256xf32>
    %mul3A = vector.broadcast %rsqrt3A : vector<5000x1xf32> to vector<5000x256xf32>
    %mul3A_14 = arith.mulf %concatenate3A, %mul3A : vector<5000x256xf32>
    %get3A_15 = arith.constant 0 : index
    %get3A_16 = arith.constant 0 : index
    %get3A_17 = vector.load %arg5[%get3A_15, %get3A_16] : memref<1x256xf32, #tpu.memory_space<vmem>>, vector<1x256xf32>
    %add3A_18 = vector.broadcast %get3A_17 : vector<1x256xf32> to vector<5000x256xf32>
    %add3A_19 = arith.addf %mul3A_14, %add3A_18 : vector<5000x256xf32>
    %eq3A = arith.constant 0 : i32
    %eq3A_20 = arith.cmpi eq, %arg0, %eq3A : i32
    %convert_element_type3A = arith.extui %eq3A_20 : i1 to i32
    %cond3A = arith.constant 0 : i32
    %cond3A_21 = arith.cmpi ne, %convert_element_type3A, %cond3A : i32
    scf.if %cond3A_21 {
      %reduce_sum3A = arith.constant dense<0.000000e+00> : vector<256xf32>
      %reduce_sum3A_31 = vector.multi_reduction <add>, %add3A_19, %reduce_sum3A [0] : vector<5000x256xf32> to vector<256xf32>
      %broadcast_in_dim3A = vector.shape_cast %reduce_sum3A_31 : vector<256xf32> to vector<1x256xf32>
      %mul3A_32 = arith.mulf %add3A_19, %add3A_19 : vector<5000x256xf32>
      %reduce_sum3A_33 = arith.constant dense<0.000000e+00> : vector<256xf32>
      %reduce_sum3A_34 = vector.multi_reduction <add>, %mul3A_32, %reduce_sum3A_33 [0] : vector<5000x256xf32> to vector<256xf32>
      %broadcast_in_dim3A_35 = vector.shape_cast %reduce_sum3A_34 : vector<256xf32> to vector<1x256xf32>
      %broadcast_in_dim3A_36 = arith.constant 0.000000e+00 : f32
      %broadcast_in_dim3A_37 = vector.broadcast %broadcast_in_dim3A_36 : f32 to vector<6x256xf32>
      %concatenate3A_38 = tpu.concatenate %broadcast_in_dim3A, %broadcast_in_dim3A_35, %broadcast_in_dim3A_37 in 0 : vector<1x256xf32>, vector<1x256xf32>, vector<6x256xf32> -> vector<8x256xf32>
      %swap3A = arith.constant 0 : index
      %swap3A_39 = arith.constant 0 : index
      %swap3A_40 = vector.load %arg11[%swap3A, %swap3A_39] : memref<8x256xf32, #tpu.memory_space<vmem>>, vector<8x256xf32>
      tpu.vector_store %arg11[%swap3A, %swap3A_39], %concatenate3A_38 {strides = array<i32>} : memref<8x256xf32, #tpu.memory_space<vmem>>, vector<8x256xf32>,
    } else {
    }
    %gt3A = arith.constant 0 : i32
    %gt3A_22 = arith.cmpi sgt, %arg0, %gt3A : i32
    %lt3A = arith.constant 2 : i32
    %lt3A_23 = arith.cmpi slt, %arg0, %lt3A : i32
    %and3A = arith.andi %gt3A_22, %lt3A_23 : i1
    %convert_element_type3A_24 = arith.extui %and3A : i1 to i32
    %cond3A_25 = arith.constant 0 : i32
    %cond3A_26 = arith.cmpi ne, %convert_element_type3A_24, %cond3A_25 : i32
    scf.if %cond3A_26 {
      %get3A_31 = arith.constant 0 : index
      %get3A_32 = arith.constant 0 : index
      %get3A_33 = vector.load %arg11[%get3A_31, %get3A_32] : memref<8x256xf32, #tpu.memory_space<vmem>>, vector<8x256xf32>
      %reduce_sum3A = arith.constant dense<0.000000e+00> : vector<256xf32>
      %reduce_sum3A_34 = vector.multi_reduction <add>, %add3A_19, %reduce_sum3A [0] : vector<5000x256xf32> to vector<256xf32>
      %broadcast_in_dim3A = vector.shape_cast %reduce_sum3A_34 : vector<256xf32> to vector<1x256xf32>
      %mul3A_35 = arith.mulf %add3A_19, %add3A_19 : vector<5000x256xf32>
      %reduce_sum3A_36 = arith.constant dense<0.000000e+00> : vector<256xf32>
      %reduce_sum3A_37 = vector.multi_reduction <add>, %mul3A_35, %reduce_sum3A_36 [0] : vector<5000x256xf32> to vector<256xf32>
      %broadcast_in_dim3A_38 = vector.shape_cast %reduce_sum3A_37 : vector<256xf32> to vector<1x256xf32>
      %broadcast_in_dim3A_39 = arith.constant 0.000000e+00 : f32
      %broadcast_in_dim3A_40 = vector.broadcast %broadcast_in_dim3A_39 : f32 to vector<6x256xf32>
      %concatenate3A_41 = tpu.concatenate %broadcast_in_dim3A, %broadcast_in_dim3A_38, %broadcast_in_dim3A_40 in 0 : vector<1x256xf32>, vector<1x256xf32>, vector<6x256xf32> -> vector<8x256xf32>
      %add3A_42 = arith.addf %get3A_33, %concatenate3A_41 : vector<8x256xf32>
      %swap3A = arith.constant 0 : index
      %swap3A_43 = arith.constant 0 : index
      %swap3A_44 = vector.load %arg11[%swap3A, %swap3A_43] : memref<8x256xf32, #tpu.memory_space<vmem>>, vector<8x256xf32>
      tpu.vector_store %arg11[%swap3A, %swap3A_43], %add3A_42 {strides = array<i32>} : memref<8x256xf32, #tpu.memory_space<vmem>>, vector<8x256xf32>,
    } else {
    }
    %ge3A = arith.constant 2 : i32
    %ge3A_27 = arith.cmpi sge, %arg0, %ge3A : i32
    %convert_element_type3A_28 = arith.extui %ge3A_27 : i1 to i32
    %cond3A_29 = arith.constant 0 : i32
    %cond3A_30 = arith.cmpi ne, %convert_element_type3A_28, %cond3A_29 : i32
    scf.if %cond3A_30 {
      %get3A_31 = arith.constant 0 : index
      %get3A_32 = arith.constant 0 : index
      %get3A_33 = vector.load %arg11[%get3A_31, %get3A_32] : memref<8x256xf32, #tpu.memory_space<vmem>>, vector<8x256xf32>
      %slice3A = vector.extract_strided_slice %get3A_33 {offsets = [0, 0], sizes = [1, 256], strides = [1, 1]} : vector<8x256xf32> to vector<1x256xf32>
      %mul3A_34 = arith.constant 9.99999974E-5 : f32
      %mul3A_35 = vector.broadcast %mul3A_34 : f32 to vector<1x256xf32>
      %mul3A_36 = arith.mulf %slice3A, %mul3A_35 : vector<1x256xf32>
      %slice3A_37 = vector.extract_strided_slice %get3A_33 {offsets = [1, 0], sizes = [1, 256], strides = [1, 1]} : vector<8x256xf32> to vector<1x256xf32>
      %mul3A_38 = arith.constant 9.99999974E-5 : f32
      %mul3A_39 = vector.broadcast %mul3A_38 : f32 to vector<1x256xf32>
      %mul3A_40 = arith.mulf %slice3A_37, %mul3A_39 : vector<1x256xf32>
      %mul3A_41 = arith.mulf %mul3A_36, %mul3A_36 : vector<1x256xf32>
      %sub3A = arith.subf %mul3A_40, %mul3A_41 : vector<1x256xf32>
      %get3A_42 = arith.constant 0 : index
      %get3A_43 = arith.constant 0 : index
      %get3A_44 = vector.load %arg6[%get3A_42, %get3A_43] : memref<1x256xf32, #tpu.memory_space<vmem>>, vector<1x256xf32>
      %sub3A_45 = vector.broadcast %mul3A_36 : vector<1x256xf32> to vector<5000x256xf32>
      %sub3A_46 = arith.subf %add3A_19, %sub3A_45 : vector<5000x256xf32>
      %mul3A_47 = vector.broadcast %get3A_44 : vector<1x256xf32> to vector<5000x256xf32>
      %mul3A_48 = arith.mulf %mul3A_47, %sub3A_46 : vector<5000x256xf32>
      %add3A_49 = arith.constant 9.99999974E-6 : f32
      %add3A_50 = vector.broadcast %add3A_49 : f32 to vector<1x256xf32>
      %add3A_51 = arith.addf %sub3A, %add3A_50 : vector<1x256xf32>
      %rsqrt3A_52 = math.rsqrt %add3A_51 : vector<1x256xf32>
      %mul3A_53 = vector.broadcast %rsqrt3A_52 : vector<1x256xf32> to vector<5000x256xf32>
      %mul3A_54 = arith.mulf %mul3A_48, %mul3A_53 : vector<5000x256xf32>
      %get3A_55 = arith.constant 0 : index
      %get3A_56 = arith.constant 0 : index
      %get3A_57 = vector.load %arg7[%get3A_55, %get3A_56] : memref<1x256xf32, #tpu.memory_space<vmem>>, vector<1x256xf32>
      %add3A_58 = vector.broadcast %get3A_57 : vector<1x256xf32> to vector<5000x256xf32>
      %add3A_59 = arith.addf %mul3A_54, %add3A_58 : vector<5000x256xf32>
      %max3A = arith.constant 0.000000e+00 : f32
      %max3A_60 = vector.broadcast %max3A : f32 to vector<5000x256xf32>
      %max3A_61 = arith.maximumf %add3A_59, %max3A_60 : vector<5000x256xf32>
      %get3A_62 = arith.constant 0 : index
      %get3A_63 = arith.constant 0 : index
      %get3A_64 = vector.load %arg8[%get3A_62, %get3A_63] : memref<256x256xf32, #tpu.memory_space<vmem>>, vector<256x256xf32>
      %dot_general3A = arith.constant dense<0.000000e+00> : vector<5000x256xf32>
      %dot_general3A_65 = tpu.matmul %max3A_61, %get3A_64, %dot_general3A {dimension_numbers = #tpu.dot_dimension_numbers<[1], [0], [0], [1], [0, 0, 1, 1], [], []>, transpose_lhs_hint = false} : vector<5000x256xf32>, vector<256x256xf32>, vector<5000x256xf32> -> vector<5000x256xf32>
      %mul3A_66 = vector.broadcast %rsqrt3A : vector<5000x1xf32> to vector<5000x256xf32>
      %mul3A_67 = arith.mulf %dot_general3A_65, %mul3A_66 : vector<5000x256xf32>
      %slice3A_68 = vector.extract_strided_slice %mul3A_67 {offsets = [0, 0], sizes = [5000, 128], strides = [1, 1]} : vector<5000x256xf32> to vector<5000x128xf32>
      %swap3A = arith.constant 0 : index
      %swap3A_69 = arith.constant 0 : index
      %swap3A_70 = vector.load %arg9[%swap3A, %swap3A_69] : memref<5000x128xf32, #tpu.memory_space<vmem>>, vector<5000x128xf32>
      tpu.vector_store %arg9[%swap3A, %swap3A_69], %slice3A_68 {strides = array<i32>} : memref<5000x128xf32, #tpu.memory_space<vmem>>, vector<5000x128xf32>,
      %slice3A_71 = vector.extract_strided_slice %mul3A_67 {offsets = [0, 128], sizes = [5000, 128], strides = [1, 1]} : vector<5000x256xf32> to vector<5000x128xf32>
      %swap3A_72 = arith.constant 0 : index
      %swap3A_73 = arith.constant 0 : index
      %swap3A_74 = vector.load %arg10[%swap3A_72, %swap3A_73] : memref<5000x128xf32, #tpu.memory_space<vmem>>, vector<5000x128xf32>
      tpu.vector_store %arg10[%swap3A_72, %swap3A_73], %slice3A_71 {strides = array<i32>} : memref<5000x128xf32, #tpu.memory_space<vmem>>, vector<5000x128xf32>,
    } else {
    }
    return
  }
  func.func @transform_0(%arg0: i32) -> (i32, i32) {
    %jit3A = arith.constant 2 : i32
    %eq3A = arith.constant 0 : i32
    %eq3A_0 = arith.cmpi eq, %jit3A, %eq3A : i32
    %jit3A_1 = arith.constant 1 : i32
    %select_n3A = arith.select %eq3A_0, %jit3A_1, %jit3A : i32
    %rem3A = arith.remsi %arg0, %select_n3A : i32
    %ne3A = arith.constant 0 : i32
    %ne3A_2 = arith.cmpi ne, %rem3A, %ne3A : i32
    %lt3A = arith.constant 0 : i32
    %lt3A_3 = arith.cmpi slt, %rem3A, %lt3A : i32
    %lt3A_4 = arith.constant 0 : i32
    %lt3A_5 = arith.cmpi slt, %select_n3A, %lt3A_4 : i32
    %ne3A_6 = arith.xori %lt3A_3, %lt3A_5 : i1
    %and3A = arith.andi %ne3A_6, %ne3A_2 : i1
    %add3A = arith.addi %rem3A, %select_n3A : i32
    %select_n3A_7 = arith.select %and3A, %add3A, %rem3A : i32
    %c0_i32 = arith.constant 0 : i32
    %c0_i32_8 = arith.constant 0 : i32
    return %select_n3A_7, %c0_i32 : i32, i32
  }
  func.func @transform_1(%arg0: i32) -> (i32, i32) {
    %jit3A = arith.constant 2 : i32
    %eq3A = arith.constant 0 : i32
    %eq3A_0 = arith.cmpi eq, %jit3A, %eq3A : i32
    %jit3A_1 = arith.constant 1 : i32
    %select_n3A = arith.select %eq3A_0, %jit3A_1, %jit3A : i32
    %rem3A = arith.remsi %arg0, %select_n3A : i32
    %ne3A = arith.constant 0 : i32
    %ne3A_2 = arith.cmpi ne, %rem3A, %ne3A : i32
    %lt3A = arith.constant 0 : i32
    %lt3A_3 = arith.cmpi slt, %rem3A, %lt3A : i32
    %lt3A_4 = arith.constant 0 : i32
    %lt3A_5 = arith.cmpi slt, %select_n3A, %lt3A_4 : i32
    %ne3A_6 = arith.xori %lt3A_3, %lt3A_5 : i1
    %and3A = arith.andi %ne3A_6, %ne3A_2 : i1
    %add3A = arith.addi %rem3A, %select_n3A : i32
    %select_n3A_7 = arith.select %and3A, %add3A, %rem3A : i32
    %c0_i32 = arith.constant 0 : i32
    %c0_i32_8 = arith.constant 0 : i32
    return %select_n3A_7, %c0_i32 : i32, i32
  }
  func.func @transform_2(%arg0: i32) -> (i32, i32) {
    %jit3A = arith.constant 2 : i32
    %eq3A = arith.constant 0 : i32
    %eq3A_0 = arith.cmpi eq, %jit3A, %eq3A : i32
    %jit3A_1 = arith.constant 1 : i32
    %select_n3A = arith.select %eq3A_0, %jit3A_1, %jit3A : i32
    %rem3A = arith.remsi %arg0, %select_n3A : i32
    %ne3A = arith.constant 0 : i32
    %ne3A_2 = arith.cmpi ne, %rem3A, %ne3A : i32
    %lt3A = arith.constant 0 : i32
    %lt3A_3 = arith.cmpi slt, %rem3A, %lt3A : i32
    %lt3A_4 = arith.constant 0 : i32
    %lt3A_5 = arith.cmpi slt, %select_n3A, %lt3A_4 : i32
    %ne3A_6 = arith.xori %lt3A_3, %lt3A_5 : i1
    %and3A = arith.andi %ne3A_6, %ne3A_2 : i1
    %add3A = arith.addi %rem3A, %select_n3A : i32
    %select_n3A_7 = arith.select %and3A, %add3A, %rem3A : i32
    %c0_i32 = arith.constant 0 : i32
    %c0_i32_8 = arith.constant 0 : i32
    return %select_n3A_7, %c0_i32 : i32, i32
  }
  func.func @transform_3(%arg0: i32) -> (i32, i32) {
    %jit3A = arith.constant 2 : i32
    %eq3A = arith.constant 0 : i32
    %eq3A_0 = arith.cmpi eq, %jit3A, %eq3A : i32
    %jit3A_1 = arith.constant 1 : i32
    %select_n3A = arith.select %eq3A_0, %jit3A_1, %jit3A : i32
    %rem3A = arith.remsi %arg0, %select_n3A : i32
    %ne3A = arith.constant 0 : i32
    %ne3A_2 = arith.cmpi ne, %rem3A, %ne3A : i32
    %lt3A = arith.constant 0 : i32
    %lt3A_3 = arith.cmpi slt, %rem3A, %lt3A : i32
    %lt3A_4 = arith.constant 0 : i32
    %lt3A_5 = arith.cmpi slt, %select_n3A, %lt3A_4 : i32
    %ne3A_6 = arith.xori %lt3A_3, %lt3A_5 : i1
    %and3A = arith.andi %ne3A_6, %ne3A_2 : i1
    %add3A = arith.addi %rem3A, %select_n3A : i32
    %select_n3A_7 = arith.select %and3A, %add3A, %rem3A : i32
    %c0_i32 = arith.constant 0 : i32
    %c0_i32_8 = arith.constant 0 : i32
    return %select_n3A_7, %c0_i32 : i32, i32
  }
  func.func @transform_4(%arg0: i32) -> (i32, i32) {
    %c0_i32 = arith.constant 0 : i32
    %c0_i32_0 = arith.constant 0 : i32
    %c0_i32_1 = arith.constant 0 : i32
    return %c0_i32, %c0_i32_0 : i32, i32
  }
  func.func @transform_5(%arg0: i32) -> (i32, i32) {
    %c0_i32 = arith.constant 0 : i32
    %c0_i32_0 = arith.constant 0 : i32
    %c0_i32_1 = arith.constant 0 : i32
    return %c0_i32, %c0_i32_0 : i32, i32
  }
  func.func @transform_6(%arg0: i32) -> (i32, i32) {
    %c0_i32 = arith.constant 0 : i32
    %c0_i32_0 = arith.constant 0 : i32
    %c0_i32_1 = arith.constant 0 : i32
    return %c0_i32, %c0_i32_0 : i32, i32
  }
  func.func @transform_7(%arg0: i32) -> (i32, i32) {
    %c0_i32 = arith.constant 0 : i32
    %c0_i32_0 = arith.constant 0 : i32
    %c0_i32_1 = arith.constant 0 : i32
    return %c0_i32, %c0_i32_0 : i32, i32
  }
  func.func @transform_8(%arg0: i32) -> (i32, i32) {
    %jit3A = arith.constant 2 : i32
    %eq3A = arith.constant 0 : i32
    %eq3A_0 = arith.cmpi eq, %jit3A, %eq3A : i32
    %jit3A_1 = arith.constant 1 : i32
    %select_n3A = arith.select %eq3A_0, %jit3A_1, %jit3A : i32
    %rem3A = arith.remsi %arg0, %select_n3A : i32
    %ne3A = arith.constant 0 : i32
    %ne3A_2 = arith.cmpi ne, %rem3A, %ne3A : i32
    %lt3A = arith.constant 0 : i32
    %lt3A_3 = arith.cmpi slt, %rem3A, %lt3A : i32
    %lt3A_4 = arith.constant 0 : i32
    %lt3A_5 = arith.cmpi slt, %select_n3A, %lt3A_4 : i32
    %ne3A_6 = arith.xori %lt3A_3, %lt3A_5 : i1
    %and3A = arith.andi %ne3A_6, %ne3A_2 : i1
    %add3A = arith.addi %rem3A, %select_n3A : i32
    %select_n3A_7 = arith.select %and3A, %add3A, %rem3A : i32
    %c0_i32 = arith.constant 0 : i32
    %c0_i32_8 = arith.constant 0 : i32
    return %select_n3A_7, %c0_i32 : i32, i32
  }
  func.func @transform_9(%arg0: i32) -> (i32, i32) {
    %jit3A = arith.constant 2 : i32
    %eq3A = arith.constant 0 : i32
    %eq3A_0 = arith.cmpi eq, %jit3A, %eq3A : i32
    %jit3A_1 = arith.constant 1 : i32
    %select_n3A = arith.select %eq3A_0, %jit3A_1, %jit3A : i32
    %rem3A = arith.remsi %arg0, %select_n3A : i32
    %ne3A = arith.constant 0 : i32
    %ne3A_2 = arith.cmpi ne, %rem3A, %ne3A : i32
    %lt3A = arith.constant 0 : i32
    %lt3A_3 = arith.cmpi slt, %rem3A, %lt3A : i32
    %lt3A_4 = arith.constant 0 : i32
    %lt3A_5 = arith.cmpi slt, %select_n3A, %lt3A_4 : i32
    %ne3A_6 = arith.xori %lt3A_3, %lt3A_5 : i1
    %and3A = arith.andi %ne3A_6, %ne3A_2 : i1
    %add3A = arith.addi %rem3A, %select_n3A : i32
    %select_n3A_7 = arith.select %and3A, %add3A, %rem3A : i32
    %c0_i32 = arith.constant 0 : i32
    %c0_i32_8 = arith.constant 0 : i32
    return %select_n3A_7, %c0_i32 : i32, i32
  }
}

module attributes {stable_mosaic.version = 14 : i64} {
  func.func @_head_body(%arg0: i32, %arg1: memref<5000x128xf32, #tpu.memory_space<vmem>>, %arg2: memref<5000x128xf32, #tpu.memory_space<vmem>>, %arg3: memref<5000x8xf32, #tpu.memory_space<vmem>>, %arg4: memref<5000x8xf32, #tpu.memory_space<vmem>>, %arg5: memref<1x256xf32, #tpu.memory_space<vmem>>, %arg6: memref<1x256xf32, #tpu.memory_space<vmem>>, %arg7: memref<1x256xf32, #tpu.memory_space<vmem>>, %arg8: memref<1x1x5000xi32, #tpu.memory_space<vmem>>, %arg9: memref<256x256xf32, #tpu.memory_space<vmem>>, %arg10: memref<1x256xf32, #tpu.memory_space<vmem>>, %arg11: memref<256x1xf32, #tpu.memory_space<vmem>>, %arg12: memref<1x1xf32, #tpu.memory_space<vmem>>, %arg13: memref<64x1xf32, #tpu.memory_space<vmem>>, %arg14: memref<8x256xf32, #tpu.memory_space<vmem>>, %arg15: memref<64x256xf32, #tpu.memory_space<vmem>>, %arg16: memref<64x8xf32, #tpu.memory_space<vmem>>) attributes {dimension_semantics = [#tpu.dimension_semantics<arbitrary>], iteration_bounds = array<i64: 4>, scalar_prefetch = 0 : i64, scratch_operands = 3 : i64, tpu.core_type = #tpu.core_type<tc>, window_params = [{transform_indices = @transform_0, window_bounds = array<i64: 5000, 128>}, {transform_indices = @transform_1, window_bounds = array<i64: 5000, 128>}, {transform_indices = @transform_2, window_bounds = array<i64: 5000, 8>}, {transform_indices = @transform_3, window_bounds = array<i64: 5000, 8>}, {pipeline_mode = #tpu.pipeline_mode<synchronous>, transform_indices = @transform_4, window_bounds = array<i64: 1, 256>}, {pipeline_mode = #tpu.pipeline_mode<synchronous>, transform_indices = @transform_5, window_bounds = array<i64: 1, 256>}, {pipeline_mode = #tpu.pipeline_mode<synchronous>, transform_indices = @transform_6, window_bounds = array<i64: 1, 256>}, {transform_indices = @transform_7, window_bounds = array<i64: 1, 1, 5000>}, {pipeline_mode = #tpu.pipeline_mode<synchronous>, transform_indices = @transform_8, window_bounds = array<i64: 256, 256>}, {pipeline_mode = #tpu.pipeline_mode<synchronous>, transform_indices = @transform_9, window_bounds = array<i64: 1, 256>}, {pipeline_mode = #tpu.pipeline_mode<synchronous>, transform_indices = @transform_10, window_bounds = array<i64: 256, 1>}, {pipeline_mode = #tpu.pipeline_mode<synchronous>, transform_indices = @transform_11, window_bounds = array<i64: 1, 1>}, {pipeline_mode = #tpu.pipeline_mode<synchronous>, transform_indices = @transform_12, window_bounds = array<i64: 64, 1>}]} {
    %get3A = arith.constant 0 : index
    %get3A_0 = arith.constant 0 : index
    %get3A_1 = vector.load %arg3[%get3A, %get3A_0] : memref<5000x8xf32, #tpu.memory_space<vmem>>, vector<5000x1xf32>
    %get3A_2 = arith.constant 0 : index
    %get3A_3 = arith.constant 0 : index
    %get3A_4 = vector.load %arg4[%get3A_2, %get3A_3] : memref<5000x8xf32, #tpu.memory_space<vmem>>, vector<5000x1xf32>
    %add3A = arith.addf %get3A_1, %get3A_4 : vector<5000x1xf32>
    %add3A_5 = arith.constant 1.000000e+00 : f32
    %add3A_6 = vector.broadcast %add3A_5 : f32 to vector<5000x1xf32>
    %add3A_7 = arith.addf %add3A, %add3A_6 : vector<5000x1xf32>
    %rsqrt3A = math.rsqrt %add3A_7 : vector<5000x1xf32>
    %get3A_8 = arith.constant 0 : index
    %get3A_9 = arith.constant 0 : index
    %get3A_10 = vector.load %arg1[%get3A_8, %get3A_9] : memref<5000x128xf32, #tpu.memory_space<vmem>>, vector<5000x128xf32>
    %get3A_11 = arith.constant 0 : index
    %get3A_12 = arith.constant 0 : index
    %get3A_13 = vector.load %arg2[%get3A_11, %get3A_12] : memref<5000x128xf32, #tpu.memory_space<vmem>>, vector<5000x128xf32>
    %concatenate3A = tpu.concatenate %get3A_10, %get3A_13 in 1 : vector<5000x128xf32>, vector<5000x128xf32> -> vector<5000x256xf32>
    %mul3A = vector.broadcast %rsqrt3A : vector<5000x1xf32> to vector<5000x256xf32>
    %mul3A_14 = arith.mulf %concatenate3A, %mul3A : vector<5000x256xf32>
    %get3A_15 = arith.constant 0 : index
    %get3A_16 = arith.constant 0 : index
    %get3A_17 = vector.load %arg5[%get3A_15, %get3A_16] : memref<1x256xf32, #tpu.memory_space<vmem>>, vector<1x256xf32>
    %add3A_18 = vector.broadcast %get3A_17 : vector<1x256xf32> to vector<5000x256xf32>
    %add3A_19 = arith.addf %mul3A_14, %add3A_18 : vector<5000x256xf32>
    %eq3A = arith.constant 0 : i32
    %eq3A_20 = arith.cmpi eq, %arg0, %eq3A : i32
    %convert_element_type3A = arith.extui %eq3A_20 : i1 to i32
    %cond3A = arith.constant 0 : i32
    %cond3A_21 = arith.cmpi ne, %convert_element_type3A, %cond3A : i32
    scf.if %cond3A_21 {
      %reduce_sum3A = arith.constant dense<0.000000e+00> : vector<256xf32>
      %reduce_sum3A_31 = vector.multi_reduction <add>, %add3A_19, %reduce_sum3A [0] : vector<5000x256xf32> to vector<256xf32>
      %broadcast_in_dim3A = vector.shape_cast %reduce_sum3A_31 : vector<256xf32> to vector<1x256xf32>
      %mul3A_32 = arith.mulf %add3A_19, %add3A_19 : vector<5000x256xf32>
      %reduce_sum3A_33 = arith.constant dense<0.000000e+00> : vector<256xf32>
      %reduce_sum3A_34 = vector.multi_reduction <add>, %mul3A_32, %reduce_sum3A_33 [0] : vector<5000x256xf32> to vector<256xf32>
      %broadcast_in_dim3A_35 = vector.shape_cast %reduce_sum3A_34 : vector<256xf32> to vector<1x256xf32>
      %broadcast_in_dim3A_36 = arith.constant 0.000000e+00 : f32
      %broadcast_in_dim3A_37 = vector.broadcast %broadcast_in_dim3A_36 : f32 to vector<6x256xf32>
      %concatenate3A_38 = tpu.concatenate %broadcast_in_dim3A, %broadcast_in_dim3A_35, %broadcast_in_dim3A_37 in 0 : vector<1x256xf32>, vector<1x256xf32>, vector<6x256xf32> -> vector<8x256xf32>
      %swap3A = arith.constant 0 : index
      %swap3A_39 = arith.constant 0 : index
      %swap3A_40 = vector.load %arg14[%swap3A, %swap3A_39] : memref<8x256xf32, #tpu.memory_space<vmem>>, vector<8x256xf32>
      tpu.vector_store %arg14[%swap3A, %swap3A_39], %concatenate3A_38 {strides = array<i32>} : memref<8x256xf32, #tpu.memory_space<vmem>>, vector<8x256xf32>,
    } else {
    }
    %gt3A = arith.constant 0 : i32
    %gt3A_22 = arith.cmpi sgt, %arg0, %gt3A : i32
    %lt3A = arith.constant 2 : i32
    %lt3A_23 = arith.cmpi slt, %arg0, %lt3A : i32
    %and3A = arith.andi %gt3A_22, %lt3A_23 : i1
    %convert_element_type3A_24 = arith.extui %and3A : i1 to i32
    %cond3A_25 = arith.constant 0 : i32
    %cond3A_26 = arith.cmpi ne, %convert_element_type3A_24, %cond3A_25 : i32
    scf.if %cond3A_26 {
      %get3A_31 = arith.constant 0 : index
      %get3A_32 = arith.constant 0 : index
      %get3A_33 = vector.load %arg14[%get3A_31, %get3A_32] : memref<8x256xf32, #tpu.memory_space<vmem>>, vector<8x256xf32>
      %reduce_sum3A = arith.constant dense<0.000000e+00> : vector<256xf32>
      %reduce_sum3A_34 = vector.multi_reduction <add>, %add3A_19, %reduce_sum3A [0] : vector<5000x256xf32> to vector<256xf32>
      %broadcast_in_dim3A = vector.shape_cast %reduce_sum3A_34 : vector<256xf32> to vector<1x256xf32>
      %mul3A_35 = arith.mulf %add3A_19, %add3A_19 : vector<5000x256xf32>
      %reduce_sum3A_36 = arith.constant dense<0.000000e+00> : vector<256xf32>
      %reduce_sum3A_37 = vector.multi_reduction <add>, %mul3A_35, %reduce_sum3A_36 [0] : vector<5000x256xf32> to vector<256xf32>
      %broadcast_in_dim3A_38 = vector.shape_cast %reduce_sum3A_37 : vector<256xf32> to vector<1x256xf32>
      %broadcast_in_dim3A_39 = arith.constant 0.000000e+00 : f32
      %broadcast_in_dim3A_40 = vector.broadcast %broadcast_in_dim3A_39 : f32 to vector<6x256xf32>
      %concatenate3A_41 = tpu.concatenate %broadcast_in_dim3A, %broadcast_in_dim3A_38, %broadcast_in_dim3A_40 in 0 : vector<1x256xf32>, vector<1x256xf32>, vector<6x256xf32> -> vector<8x256xf32>
      %add3A_42 = arith.addf %get3A_33, %concatenate3A_41 : vector<8x256xf32>
      %swap3A = arith.constant 0 : index
      %swap3A_43 = arith.constant 0 : index
      %swap3A_44 = vector.load %arg14[%swap3A, %swap3A_43] : memref<8x256xf32, #tpu.memory_space<vmem>>, vector<8x256xf32>
      tpu.vector_store %arg14[%swap3A, %swap3A_43], %add3A_42 {strides = array<i32>} : memref<8x256xf32, #tpu.memory_space<vmem>>, vector<8x256xf32>,
    } else {
    }
    %ge3A = arith.constant 2 : i32
    %ge3A_27 = arith.cmpi sge, %arg0, %ge3A : i32
    %convert_element_type3A_28 = arith.extui %ge3A_27 : i1 to i32
    %cond3A_29 = arith.constant 0 : i32
    %cond3A_30 = arith.cmpi ne, %convert_element_type3A_28, %cond3A_29 : i32
    scf.if %cond3A_30 {
      %get3A_31 = arith.constant 0 : index
      %get3A_32 = arith.constant 0 : index
      %get3A_33 = vector.load %arg14[%get3A_31, %get3A_32] : memref<8x256xf32, #tpu.memory_space<vmem>>, vector<8x256xf32>
      %slice3A = vector.extract_strided_slice %get3A_33 {offsets = [0, 0], sizes = [1, 256], strides = [1, 1]} : vector<8x256xf32> to vector<1x256xf32>
      %mul3A_34 = arith.constant 9.99999974E-5 : f32
      %mul3A_35 = vector.broadcast %mul3A_34 : f32 to vector<1x256xf32>
      %mul3A_36 = arith.mulf %slice3A, %mul3A_35 : vector<1x256xf32>
      %slice3A_37 = vector.extract_strided_slice %get3A_33 {offsets = [1, 0], sizes = [1, 256], strides = [1, 1]} : vector<8x256xf32> to vector<1x256xf32>
      %mul3A_38 = arith.constant 9.99999974E-5 : f32
      %mul3A_39 = vector.broadcast %mul3A_38 : f32 to vector<1x256xf32>
      %mul3A_40 = arith.mulf %slice3A_37, %mul3A_39 : vector<1x256xf32>
      %mul3A_41 = arith.mulf %mul3A_36, %mul3A_36 : vector<1x256xf32>
      %sub3A = arith.subf %mul3A_40, %mul3A_41 : vector<1x256xf32>
      %get3A_42 = arith.constant 0 : index
      %get3A_43 = arith.constant 0 : index
      %get3A_44 = vector.load %arg6[%get3A_42, %get3A_43] : memref<1x256xf32, #tpu.memory_space<vmem>>, vector<1x256xf32>
      %sub3A_45 = vector.broadcast %mul3A_36 : vector<1x256xf32> to vector<5000x256xf32>
      %sub3A_46 = arith.subf %add3A_19, %sub3A_45 : vector<5000x256xf32>
      %mul3A_47 = vector.broadcast %get3A_44 : vector<1x256xf32> to vector<5000x256xf32>
      %mul3A_48 = arith.mulf %mul3A_47, %sub3A_46 : vector<5000x256xf32>
      %add3A_49 = arith.constant 9.99999974E-6 : f32
      %add3A_50 = vector.broadcast %add3A_49 : f32 to vector<1x256xf32>
      %add3A_51 = arith.addf %sub3A, %add3A_50 : vector<1x256xf32>
      %rsqrt3A_52 = math.rsqrt %add3A_51 : vector<1x256xf32>
      %mul3A_53 = vector.broadcast %rsqrt3A_52 : vector<1x256xf32> to vector<5000x256xf32>
      %mul3A_54 = arith.mulf %mul3A_48, %mul3A_53 : vector<5000x256xf32>
      %get3A_55 = arith.constant 0 : index
      %get3A_56 = arith.constant 0 : index
      %get3A_57 = vector.load %arg7[%get3A_55, %get3A_56] : memref<1x256xf32, #tpu.memory_space<vmem>>, vector<1x256xf32>
      %add3A_58 = vector.broadcast %get3A_57 : vector<1x256xf32> to vector<5000x256xf32>
      %add3A_59 = arith.addf %mul3A_54, %add3A_58 : vector<5000x256xf32>
      %max3A = arith.constant 0.000000e+00 : f32
      %max3A_60 = vector.broadcast %max3A : f32 to vector<5000x256xf32>
      %max3A_61 = arith.maximumf %add3A_59, %max3A_60 : vector<5000x256xf32>
      %get3A_62 = arith.constant 0 : index
      %get3A_63 = arith.constant 0 : index
      %get3A_64 = arith.constant 0 : index
      %get3A_65 = vector.load %arg8[%get3A_62, %get3A_63, %get3A_64] : memref<1x1x5000xi32, #tpu.memory_space<vmem>>, vector<1x1x5000xi32>
      %squeeze3A = vector.shape_cast %get3A_65 : vector<1x1x5000xi32> to vector<1x5000xi32>
      %broadcast_in_dim3A = vector.shape_cast %squeeze3A : vector<1x5000xi32> to vector<1x5000xi32>
      %broadcast_in_dim3A_66 = vector.broadcast %broadcast_in_dim3A : vector<1x5000xi32> to vector<64x5000xi32>
      %iota3A = tpu.iota {dimensions = array<i32: 0>} : vector<64x5000xi32>
      %eq3A_67 = arith.cmpi eq, %broadcast_in_dim3A_66, %iota3A : vector<64x5000xi32>
      %convert_element_type3A_68 = arith.extui %eq3A_67 : vector<64x5000xi1> to vector<64x5000xi32>
      %convert_element_type3A_69 = arith.sitofp %convert_element_type3A_68 : vector<64x5000xi32> to vector<64x5000xf32>
      %dot_general3A = arith.constant dense<0.000000e+00> : vector<64x256xf32>
      %dot_general3A_70 = tpu.matmul %convert_element_type3A_69, %max3A_61, %dot_general3A {dimension_numbers = #tpu.dot_dimension_numbers<[1], [0], [0], [1], [0, 0, 1, 1], [], []>, transpose_lhs_hint = false} : vector<64x5000xf32>, vector<5000x256xf32>, vector<64x256xf32> -> vector<64x256xf32>
      %reduce_sum3A = arith.constant dense<0.000000e+00> : vector<64xf32>
      %reduce_sum3A_71 = vector.multi_reduction <add>, %convert_element_type3A_69, %reduce_sum3A [1] : vector<64x5000xf32> to vector<64xf32>
      %broadcast_in_dim3A_72 = vector.shape_cast %reduce_sum3A_71 : vector<64xf32> to vector<64x1xf32>
      %broadcast_in_dim3A_73 = vector.shape_cast %broadcast_in_dim3A_72 : vector<64x1xf32> to vector<64x1xf32>
      %broadcast_in_dim3A_74 = vector.broadcast %broadcast_in_dim3A_73 : vector<64x1xf32> to vector<64x8xf32>
      %eq3A_75 = arith.constant 2 : i32
      %eq3A_76 = arith.cmpi eq, %arg0, %eq3A_75 : i32
      %convert_element_type3A_77 = arith.extui %eq3A_76 : i1 to i32
      %cond3A_78 = arith.constant 0 : i32
      %cond3A_79 = arith.cmpi ne, %convert_element_type3A_77, %cond3A_78 : i32
      scf.if %cond3A_79 {
        %swap3A = arith.constant 0 : index
        %swap3A_90 = arith.constant 0 : index
        %swap3A_91 = vector.load %arg15[%swap3A, %swap3A_90] : memref<64x256xf32, #tpu.memory_space<vmem>>, vector<64x256xf32>
        tpu.vector_store %arg15[%swap3A, %swap3A_90], %dot_general3A_70 {strides = array<i32>} : memref<64x256xf32, #tpu.memory_space<vmem>>, vector<64x256xf32>,
        %swap3A_92 = arith.constant 0 : index
        %swap3A_93 = arith.constant 0 : index
        %swap3A_94 = vector.load %arg16[%swap3A_92, %swap3A_93] : memref<64x8xf32, #tpu.memory_space<vmem>>, vector<64x8xf32>
        tpu.vector_store %arg16[%swap3A_92, %swap3A_93], %broadcast_in_dim3A_74 {strides = array<i32>} : memref<64x8xf32, #tpu.memory_space<vmem>>, vector<64x8xf32>,
      } else {
      }
      %gt3A_80 = arith.constant 2 : i32
      %gt3A_81 = arith.cmpi sgt, %arg0, %gt3A_80 : i32
      %convert_element_type3A_82 = arith.extui %gt3A_81 : i1 to i32
      %cond3A_83 = arith.constant 0 : i32
      %cond3A_84 = arith.cmpi ne, %convert_element_type3A_82, %cond3A_83 : i32
      scf.if %cond3A_84 {
        %get3A_90 = arith.constant 0 : index
        %get3A_91 = arith.constant 0 : index
        %get3A_92 = vector.load %arg15[%get3A_90, %get3A_91] : memref<64x256xf32, #tpu.memory_space<vmem>>, vector<64x256xf32>
        %add3A_93 = arith.addf %get3A_92, %dot_general3A_70 : vector<64x256xf32>
        %swap3A = arith.constant 0 : index
        %swap3A_94 = arith.constant 0 : index
        %swap3A_95 = vector.load %arg15[%swap3A, %swap3A_94] : memref<64x256xf32, #tpu.memory_space<vmem>>, vector<64x256xf32>
        tpu.vector_store %arg15[%swap3A, %swap3A_94], %add3A_93 {strides = array<i32>} : memref<64x256xf32, #tpu.memory_space<vmem>>, vector<64x256xf32>,
        %get3A_96 = arith.constant 0 : index
        %get3A_97 = arith.constant 0 : index
        %get3A_98 = vector.load %arg16[%get3A_96, %get3A_97] : memref<64x8xf32, #tpu.memory_space<vmem>>, vector<64x8xf32>
        %add3A_99 = arith.addf %get3A_98, %broadcast_in_dim3A_74 : vector<64x8xf32>
        %swap3A_100 = arith.constant 0 : index
        %swap3A_101 = arith.constant 0 : index
        %swap3A_102 = vector.load %arg16[%swap3A_100, %swap3A_101] : memref<64x8xf32, #tpu.memory_space<vmem>>, vector<64x8xf32>
        tpu.vector_store %arg16[%swap3A_100, %swap3A_101], %add3A_99 {strides = array<i32>} : memref<64x8xf32, #tpu.memory_space<vmem>>, vector<64x8xf32>,
      } else {
      }
      %eq3A_85 = arith.constant 3 : i32
      %eq3A_86 = arith.cmpi eq, %arg0, %eq3A_85 : i32
      %convert_element_type3A_87 = arith.extui %eq3A_86 : i1 to i32
      %cond3A_88 = arith.constant 0 : i32
      %cond3A_89 = arith.cmpi ne, %convert_element_type3A_87, %cond3A_88 : i32
      scf.if %cond3A_89 {
        %get3A_90 = arith.constant 0 : index
        %get3A_91 = arith.constant 0 : index
        %get3A_92 = vector.load %arg15[%get3A_90, %get3A_91] : memref<64x256xf32, #tpu.memory_space<vmem>>, vector<64x256xf32>
        %get3A_93 = arith.constant 0 : index
        %get3A_94 = arith.constant 0 : index
        %get3A_95 = vector.load %arg16[%get3A_93, %get3A_94] : memref<64x8xf32, #tpu.memory_space<vmem>>, vector<64x1xf32>
        %max3A_96 = arith.constant 1.000000e+00 : f32
        %max3A_97 = vector.broadcast %max3A_96 : f32 to vector<64x1xf32>
        %max3A_98 = arith.maximumf %get3A_95, %max3A_97 : vector<64x1xf32>
        %div3A = vector.broadcast %max3A_98 : vector<64x1xf32> to vector<64x256xf32>
        %div3A_99 = arith.divf %get3A_92, %div3A : vector<64x256xf32>
        %get3A_100 = arith.constant 0 : index
        %get3A_101 = arith.constant 0 : index
        %get3A_102 = vector.load %arg9[%get3A_100, %get3A_101] : memref<256x256xf32, #tpu.memory_space<vmem>>, vector<256x256xf32>
        %dot_general3A_103 = arith.constant dense<0.000000e+00> : vector<64x256xf32>
        %dot_general3A_104 = tpu.matmul %div3A_99, %get3A_102, %dot_general3A_103 {dimension_numbers = #tpu.dot_dimension_numbers<[1], [0], [0], [1], [0, 0, 1, 1], [], []>, transpose_lhs_hint = false} : vector<64x256xf32>, vector<256x256xf32>, vector<64x256xf32> -> vector<64x256xf32>
        %get3A_105 = arith.constant 0 : index
        %get3A_106 = arith.constant 0 : index
        %get3A_107 = vector.load %arg10[%get3A_105, %get3A_106] : memref<1x256xf32, #tpu.memory_space<vmem>>, vector<1x256xf32>
        %add3A_108 = vector.broadcast %get3A_107 : vector<1x256xf32> to vector<64x256xf32>
        %add3A_109 = arith.addf %dot_general3A_104, %add3A_108 : vector<64x256xf32>
        %max3A_110 = arith.constant 0.000000e+00 : f32
        %max3A_111 = vector.broadcast %max3A_110 : f32 to vector<64x256xf32>
        %max3A_112 = arith.maximumf %add3A_109, %max3A_111 : vector<64x256xf32>
        %get3A_113 = arith.constant 0 : index
        %get3A_114 = arith.constant 0 : index
        %get3A_115 = vector.load %arg11[%get3A_113, %get3A_114] : memref<256x1xf32, #tpu.memory_space<vmem>>, vector<256x1xf32>
        %dot_general3A_116 = arith.constant dense<0.000000e+00> : vector<64x1xf32>
        %dot_general3A_117 = tpu.matmul %max3A_112, %get3A_115, %dot_general3A_116 {dimension_numbers = #tpu.dot_dimension_numbers<[1], [0], [0], [1], [0, 0, 1, 1], [], []>, transpose_lhs_hint = false} : vector<64x256xf32>, vector<256x1xf32>, vector<64x1xf32> -> vector<64x1xf32>
        %get3A_118 = arith.constant 0 : index
        %get3A_119 = arith.constant 0 : index
        %get3A_120 = vector.load %arg12[%get3A_118, %get3A_119] : memref<1x1xf32, #tpu.memory_space<vmem>>, vector<1x1xf32>
        %add3A_121 = vector.broadcast %get3A_120 : vector<1x1xf32> to vector<64x1xf32>
        %add3A_122 = arith.addf %dot_general3A_117, %add3A_121 : vector<64x1xf32>
        %swap3A = arith.constant 0 : index
        %swap3A_123 = arith.constant 0 : index
        %swap3A_124 = vector.load %arg13[%swap3A, %swap3A_123] : memref<64x1xf32, #tpu.memory_space<vmem>>, vector<64x1xf32>
        tpu.vector_store %arg13[%swap3A, %swap3A_123], %add3A_122 {strides = array<i32>} : memref<64x1xf32, #tpu.memory_space<vmem>>, vector<64x1xf32>,
      } else {
      }
    } else {
    }
    return
  }
  func.func @transform_0(%arg0: i32) -> (i32, i32) {
    %jit3A = arith.constant 2 : i32
    %eq3A = arith.constant 0 : i32
    %eq3A_0 = arith.cmpi eq, %jit3A, %eq3A : i32
    %jit3A_1 = arith.constant 1 : i32
    %select_n3A = arith.select %eq3A_0, %jit3A_1, %jit3A : i32
    %rem3A = arith.remsi %arg0, %select_n3A : i32
    %ne3A = arith.constant 0 : i32
    %ne3A_2 = arith.cmpi ne, %rem3A, %ne3A : i32
    %lt3A = arith.constant 0 : i32
    %lt3A_3 = arith.cmpi slt, %rem3A, %lt3A : i32
    %lt3A_4 = arith.constant 0 : i32
    %lt3A_5 = arith.cmpi slt, %select_n3A, %lt3A_4 : i32
    %ne3A_6 = arith.xori %lt3A_3, %lt3A_5 : i1
    %and3A = arith.andi %ne3A_6, %ne3A_2 : i1
    %add3A = arith.addi %rem3A, %select_n3A : i32
    %select_n3A_7 = arith.select %and3A, %add3A, %rem3A : i32
    %c0_i32 = arith.constant 0 : i32
    %c0_i32_8 = arith.constant 0 : i32
    return %select_n3A_7, %c0_i32 : i32, i32
  }
  func.func @transform_1(%arg0: i32) -> (i32, i32) {
    %jit3A = arith.constant 2 : i32
    %eq3A = arith.constant 0 : i32
    %eq3A_0 = arith.cmpi eq, %jit3A, %eq3A : i32
    %jit3A_1 = arith.constant 1 : i32
    %select_n3A = arith.select %eq3A_0, %jit3A_1, %jit3A : i32
    %rem3A = arith.remsi %arg0, %select_n3A : i32
    %ne3A = arith.constant 0 : i32
    %ne3A_2 = arith.cmpi ne, %rem3A, %ne3A : i32
    %lt3A = arith.constant 0 : i32
    %lt3A_3 = arith.cmpi slt, %rem3A, %lt3A : i32
    %lt3A_4 = arith.constant 0 : i32
    %lt3A_5 = arith.cmpi slt, %select_n3A, %lt3A_4 : i32
    %ne3A_6 = arith.xori %lt3A_3, %lt3A_5 : i1
    %and3A = arith.andi %ne3A_6, %ne3A_2 : i1
    %add3A = arith.addi %rem3A, %select_n3A : i32
    %select_n3A_7 = arith.select %and3A, %add3A, %rem3A : i32
    %c0_i32 = arith.constant 0 : i32
    %c0_i32_8 = arith.constant 0 : i32
    return %select_n3A_7, %c0_i32 : i32, i32
  }
  func.func @transform_2(%arg0: i32) -> (i32, i32) {
    %jit3A = arith.constant 2 : i32
    %eq3A = arith.constant 0 : i32
    %eq3A_0 = arith.cmpi eq, %jit3A, %eq3A : i32
    %jit3A_1 = arith.constant 1 : i32
    %select_n3A = arith.select %eq3A_0, %jit3A_1, %jit3A : i32
    %rem3A = arith.remsi %arg0, %select_n3A : i32
    %ne3A = arith.constant 0 : i32
    %ne3A_2 = arith.cmpi ne, %rem3A, %ne3A : i32
    %lt3A = arith.constant 0 : i32
    %lt3A_3 = arith.cmpi slt, %rem3A, %lt3A : i32
    %lt3A_4 = arith.constant 0 : i32
    %lt3A_5 = arith.cmpi slt, %select_n3A, %lt3A_4 : i32
    %ne3A_6 = arith.xori %lt3A_3, %lt3A_5 : i1
    %and3A = arith.andi %ne3A_6, %ne3A_2 : i1
    %add3A = arith.addi %rem3A, %select_n3A : i32
    %select_n3A_7 = arith.select %and3A, %add3A, %rem3A : i32
    %c0_i32 = arith.constant 0 : i32
    %c0_i32_8 = arith.constant 0 : i32
    return %select_n3A_7, %c0_i32 : i32, i32
  }
  func.func @transform_3(%arg0: i32) -> (i32, i32) {
    %jit3A = arith.constant 2 : i32
    %eq3A = arith.constant 0 : i32
    %eq3A_0 = arith.cmpi eq, %jit3A, %eq3A : i32
    %jit3A_1 = arith.constant 1 : i32
    %select_n3A = arith.select %eq3A_0, %jit3A_1, %jit3A : i32
    %rem3A = arith.remsi %arg0, %select_n3A : i32
    %ne3A = arith.constant 0 : i32
    %ne3A_2 = arith.cmpi ne, %rem3A, %ne3A : i32
    %lt3A = arith.constant 0 : i32
    %lt3A_3 = arith.cmpi slt, %rem3A, %lt3A : i32
    %lt3A_4 = arith.constant 0 : i32
    %lt3A_5 = arith.cmpi slt, %select_n3A, %lt3A_4 : i32
    %ne3A_6 = arith.xori %lt3A_3, %lt3A_5 : i1
    %and3A = arith.andi %ne3A_6, %ne3A_2 : i1
    %add3A = arith.addi %rem3A, %select_n3A : i32
    %select_n3A_7 = arith.select %and3A, %add3A, %rem3A : i32
    %c0_i32 = arith.constant 0 : i32
    %c0_i32_8 = arith.constant 0 : i32
    return %select_n3A_7, %c0_i32 : i32, i32
  }
  func.func @transform_4(%arg0: i32) -> (i32, i32) {
    %c0_i32 = arith.constant 0 : i32
    %c0_i32_0 = arith.constant 0 : i32
    %c0_i32_1 = arith.constant 0 : i32
    return %c0_i32, %c0_i32_0 : i32, i32
  }
  func.func @transform_5(%arg0: i32) -> (i32, i32) {
    %c0_i32 = arith.constant 0 : i32
    %c0_i32_0 = arith.constant 0 : i32
    %c0_i32_1 = arith.constant 0 : i32
    return %c0_i32, %c0_i32_0 : i32, i32
  }
  func.func @transform_6(%arg0: i32) -> (i32, i32) {
    %c0_i32 = arith.constant 0 : i32
    %c0_i32_0 = arith.constant 0 : i32
    %c0_i32_1 = arith.constant 0 : i32
    return %c0_i32, %c0_i32_0 : i32, i32
  }
  func.func @transform_7(%arg0: i32) -> (i32, i32, i32) {
    %jit3A = arith.constant 2 : i32
    %eq3A = arith.constant 0 : i32
    %eq3A_0 = arith.cmpi eq, %jit3A, %eq3A : i32
    %jit3A_1 = arith.constant 1 : i32
    %select_n3A = arith.select %eq3A_0, %jit3A_1, %jit3A : i32
    %rem3A = arith.remsi %arg0, %select_n3A : i32
    %ne3A = arith.constant 0 : i32
    %ne3A_2 = arith.cmpi ne, %rem3A, %ne3A : i32
    %lt3A = arith.constant 0 : i32
    %lt3A_3 = arith.cmpi slt, %rem3A, %lt3A : i32
    %lt3A_4 = arith.constant 0 : i32
    %lt3A_5 = arith.cmpi slt, %select_n3A, %lt3A_4 : i32
    %ne3A_6 = arith.xori %lt3A_3, %lt3A_5 : i1
    %and3A = arith.andi %ne3A_6, %ne3A_2 : i1
    %add3A = arith.addi %rem3A, %select_n3A : i32
    %select_n3A_7 = arith.select %and3A, %add3A, %rem3A : i32
    %c0_i32 = arith.constant 0 : i32
    %c0_i32_8 = arith.constant 0 : i32
    %c0_i32_9 = arith.constant 0 : i32
    return %select_n3A_7, %c0_i32, %c0_i32_8 : i32, i32, i32
  }
  func.func @transform_8(%arg0: i32) -> (i32, i32) {
    %c0_i32 = arith.constant 0 : i32
    %c0_i32_0 = arith.constant 0 : i32
    %c0_i32_1 = arith.constant 0 : i32
    return %c0_i32, %c0_i32_0 : i32, i32
  }
  func.func @transform_9(%arg0: i32) -> (i32, i32) {
    %c0_i32 = arith.constant 0 : i32
    %c0_i32_0 = arith.constant 0 : i32
    %c0_i32_1 = arith.constant 0 : i32
    return %c0_i32, %c0_i32_0 : i32, i32
  }
  func.func @transform_10(%arg0: i32) -> (i32, i32) {
    %c0_i32 = arith.constant 0 : i32
    %c0_i32_0 = arith.constant 0 : i32
    %c0_i32_1 = arith.constant 0 : i32
    return %c0_i32, %c0_i32_0 : i32, i32
  }
  func.func @transform_11(%arg0: i32) -> (i32, i32) {
    %c0_i32 = arith.constant 0 : i32
    %c0_i32_0 = arith.constant 0 : i32
    %c0_i32_1 = arith.constant 0 : i32
    return %c0_i32, %c0_i32_0 : i32, i32
  }
  func.func @transform_12(%arg0: i32) -> (i32, i32) {
    %c0_i32 = arith.constant 0 : i32
    %c0_i32_0 = arith.constant 0 : i32
    %c0_i32_1 = arith.constant 0 : i32
    return %c0_i32, %c0_i32_0 : i32, i32
  }
}

</mosaic_0001>

<sc_bundles>
// kernel: kernel.10.cloned.1.call-start
scs
__scs_entry_jumppad:
0x0: {  	(pc) =	sbr.rel $0x88, $3  }
0x1: {  	(tag) =	ssettag $0x0;
	lr =	simm.s32 $0x1  }
0x2: {  	[smem:$0x3F8E] =	sst lr;
	_ =	strace $0xD0000000  }
0x3: {  	_ = 	snop  }
0x4: {  	_ = 	snop  }
0x5: {  	_ = 	snop  }
0x6: {  	_ = 	snop  }
0x7: {  	_ = 	snop  }
__scs_overlays_trampoline_lowered:
0x8: {  	[smem:$0x3F9D] =	sst s0  }
0x9: {  	[smem:$0x3F9E] =	sst s1  }
0xa: {  	[smem:$0x3F9F] =	sst s2  }
0xb: {  	[smem:$0x3FA0] =	sst s3  }
0xc: {  	[smem:$0x3FA1] =	sst s4  }
0xd: {  	[smem:$0x3FA2] =	sst s5  }
0xe: {  	[smem:$0x3FA3] =	sst s6  }
0xf: {  	[smem:$0x3FA4] =	sst s7  }
0x10: {  	[smem:$0x3FA5] =	sst s8  }
0x11: {  	[smem:$0x3FA6] =	sst s9;
	s0 =	simm.s32 @!p0 $0x0  }
0x12: {  	s1 =	sld [smem:$0x3F8C];
	s0 =	simm.s32 @p0 $0x1  }
0x13: {  	[smem:$0x3FA7] =	sst s0;
	s0 =	simm.s32 @!p1 $0x0  }
0x14: {  	s2 =	sld [smem:$0x3F8B];
	s0 =	simm.s32 @p1 $0x1  }
0x15: {  	[smem:$0x3FA8] =	sst s0;
	s0 =	simm.s32 @!p2 $0x0  }
0x16: {  	s3 =	sld [smem:$0x3FDB];
	s0 =	simm.s32 @p2 $0x1  }
0x17: {  	s4 =	simm.s32 $0x1BF5;
	[smem:$0x3FAA] =	sst s0  }
0x18: {  	s0 =	sld [smem:$0x3F8D];
	_ =	swait.ge [sflag:s4], $0x0  }
0x19: {  	s7 =	sld [smem:$0x3F8E]  }
0x1a: {  	s8 =	sadd.s32 $0xFFFFE003, lr  }
0x1b: {  	s9 =	sadd.s32 $0xFFFFFEF7, lr;
	s5 =	simm.s32 $0xFFFFFFFF;
	p2 =	slt.u32 s8, $0xFFFFF086  }
0x1c: {  	p1 =	slt.u32 s9, $0xF7A;
	s5 =	simm.s32 @!p2 $0x0  }
0x1d: {  	s5 =	simm.s32 @p1 $0x1;
	p0 =	seq.s32 s7, s2  }
0x1e: {  	s7 =	smul.u32 @!p0 $0xF7A, s2;
	p2 =	seq.s32 @!p0 s5, $0x0  }
0x1f: {  	s9 =	smul.u32 $0xF7A, s1;
	s8 =	simm.s32 @!p0 $0x1BF5;
	p2 =	por !p2, p0  }
0x20: {  	[sflag:s8] =	ssyncset.s32 @!p0 $0xFFFFF086;
	s6 =	sadd.s32 @!p0 s3, s7;
	s7 =	simm.s32 @!p0 $0x108  }
0x21: {  	s3 =	sadd.s32 s3, s9;
	s6 =	sadd.s32 @!p0 $0x88, s6;
	s7 =	simm.s32 @p2 $0x1082  }
0x22: {  	[simem:s7], [sflag:s8] =	dma.local @!p0 [hbm:s6], $0xF7A  }
0x23: {  	s9 =	sor.u32 $0xD0000000, s2;
	s6 =	simm.s32 $0x108;
	_ =	swait.ge @!p0 [sflag:s8], $0x0  }
0x24: {  	s3 =	sadd.s32 $0x88, s3;
	s6 =	simm.s32 @!p1 $0x1082;
	[sflag:s4] =	ssyncset.s32 $0xFFFFF086  }
0x25: {  	[simem:s6], [sflag:s4] =	dma.local [hbm:s3], $0xF7A  }
0x26: {  	[smem:$0x3F8E] =	sst s1;
	(tag) =	ssettag s2;
	_ =	strace s9  }
0x27: {  	s1 =	sld [smem:$0x3F9E]  }
0x28: {  	s2 =	sld [smem:$0x3F9F]  }
0x29: {  	s4 =	sld [smem:$0x3FA1]  }
0x2a: {  	p0 =	seq.s32 s5, $0x0;
	s5 =	sld [smem:$0x3FA2]  }
0x2b: {  	s6 =	sld [smem:$0x3FA3]  }
0x2c: {  	s7 =	sld [smem:$0x3FA4]  }
0x2d: {  	s3 =	simm.s32 $0x108;
	s8 =	sld [smem:$0x3FA5]  }
0x2e: {  	s3 =	simm.s32 @!p0 $0x1082;
	s9 =	sld [smem:$0x3FA6]  }
0x2f: {  	lr =	sadd.s32 s0, s3;
	s0 =	sld [smem:$0x3F9D]  }
0x30: {  	s3 =	sld [smem:$0x3FA0]  }
0x31: {  	[smem:$0x3FA9] =	sst s10  }
0x32: {  	s10 =	sld [smem:$0x3FA7];
	_ =	sdelay $0x3  }
0x33: {  	p0 =	seq.s32 s10, $0x1;
	s10 =	sld [smem:$0x3FA9];
	_ =	sdelay $0x3  }
0x34: {  	[smem:$0x3FA9] =	sst s10  }
0x35: {  	s10 =	sld [smem:$0x3FA8];
	_ =	sdelay $0x3  }
0x36: {  	p1 =	seq.s32 s10, $0x1;
	s10 =	sld [smem:$0x3FA9];
	_ =	sdelay $0x3  }
0x37: {  	[smem:$0x3FA9] =	sst s10  }
0x38: {  	s10 =	sld [smem:$0x3FAA]  }
0x39: {  	_ = 	snop;
	(pc) =	sbr.ind lr, $3  }
0x3a: {  	_ = 	snop  }
0x3b: {  	_ = 	snop  }
0x3c: {  	p2 =	seq.s32 s10, $0x1;
	s10 =	sld [smem:$0x3FA9]  }
0x3d: {  	_ =	shalt  }
0x3e: {  	_ =	shalt  }
0x3f: {  	_ =	shalt  }
0x40: {  	_ =	shalt  }
0x41: {  	_ =	shalt  }
0x42: {  	_ =	shalt  }
0x43: {  	_ =	shalt  }
0x44: {  	_ =	shalt  }
0x45: {  	_ =	shalt  }
0x46: {  	_ =	shalt  }
0x47: {  	_ =	shalt  }
0x48: {  	_ =	shalt  }
0x49: {  	_ =	shalt  }
0x4a: {  	_ =	shalt  }
0x4b: {  	_ =	shalt  }
0x4c: {  	_ =	shalt  }
0x4d: {  	_ =	shalt  }
0x4e: {  	_ =	shalt  }
0x4f: {  	_ =	shalt  }
0x50: {  	_ =	shalt  }
0x51: {  	_ =	shalt  }
0x52: {  	_ =	shalt  }
0x53: {  	_ =	shalt  }
0x54: {  	_ =	shalt  }
0x55: {  	_ =	shalt  }
0x56: {  	_ =	shalt  }
0x57: {  	_ =	shalt  }
0x58: {  	_ =	shalt  }
0x59: {  	_ =	shalt  }
0x5a: {  	_ =	shalt  }
0x5b: {  	_ =	shalt  }
0x5c: {  	_ =	shalt  }
0x5d: {  	_ =	shalt  }
0x5e: {  	_ =	shalt  }
0x5f: {  	_ =	shalt  }
0x60: {  	_ =	shalt  }
0x61: {  	_ =	shalt  }
0x62: {  	_ =	shalt  }
0x63: {  	_ =	shalt  }
0x64: {  	_ =	shalt  }
0x65: {  	_ =	shalt  }
0x66: {  	_ =	shalt  }
0x67: {  	_ =	shalt  }
0x68: {  	_ =	shalt  }
0x69: {  	_ =	shalt  }
0x6a: {  	_ =	shalt  }
0x6b: {  	_ =	shalt  }
0x6c: {  	_ =	shalt  }
0x6d: {  	_ =	shalt  }
0x6e: {  	_ =	shalt  }
0x6f: {  	_ =	shalt  }
0x70: {  	_ =	shalt  }
0x71: {  	_ =	shalt  }
0x72: {  	_ =	shalt  }
0x73: {  	_ =	shalt  }
0x74: {  	_ =	shalt  }
0x75: {  	_ =	shalt  }
0x76: {  	_ =	shalt  }
0x77: {  	_ =	shalt  }
0x78: {  	_ =	shalt  }
0x79: {  	_ =	shalt  }
0x7a: {  	_ =	shalt  }
0x7b: {  	_ =	shalt  }
0x7c: {  	_ =	shalt  }
0x7d: {  	_ =	shalt  }
0x7e: {  	_ =	shalt  }
0x7f: {  	_ =	shalt  }
0x80: {  	_ =	shalt  }
0x81: {  	_ =	shalt  }
0x82: {  	_ =	shalt  }
0x83: {  	_ =	shalt  }
0x84: {  	_ =	shalt  }
0x85: {  	_ =	shalt  }
0x86: {  	_ =	shalt  }
0x87: {  	_ =	shalt  }
.Lfunc_end0:
.L_simem_size_0:
called_computation_lowered:
.L_overlay_start_0:
0x88: {  	s2 =	sld [smem:$0x3FD9]  }
0x89: {  	s3 =	sld [smem:$0x3FFE];
	_ =	sdelay $0x1  }
0x8a: {  	s1 =	srdreg.scid  }
0x8b: {  	s0 =	sand.u32 $0x1, s1  }
0x8c: {  	s16 =	sshll.u32 s0, $0xA;
	s2 =	sadd.s32 s3, s2  }
0x8d: {  	s2 =	sadd.s32 s2, s16  }
0x8e: {  	[smem:$0x3FB5] =	sst s2  }
0x8f: {  	_ = 	snop  }
0x90: {  	(tm) =	ssettm $0x1  }
0x91: {  	s17 =	sld [smem:$0x3FFB];
	_ =	sdelay $0x3  }
0x92: {  	_ =	strace s17  }
0x93: {  	s2 =	sld [smem:$0x3FFC];
	_ =	sdelay $0x3  }
0x94: {  	_ =	strace s2  }
0x95: {  	s2 =	sld [smem:$0x3FFD];
	_ =	sdelay $0x3  }
0x96: {  	_ =	strace s2  }
0x97: {  	_ =	strace $0x8FFFFFFF  }
0x98: {  	s18 =	sld [smem:$0x3FDB];
	_ =	sdelay $0x1  }
0x99: {  	s19 =	simm.s32 $_scs_section_size  }
0x9a: {  	s4 =	simm.s32 $_size__tile_overlayer_lowered;
	s5 =	simm.s32 $_tile_overlayer_lowered  }
0x9b: {  	s22 =	simm.s32 $0x1BFF;
	s21 =	sshll.u32 s5, $0x1;
	s2 =	sadd.s32 s19, s18  }
0x9c: {  	s6 =	simm.s32 $0x0;
	s20 =	sshll.u32 s4, $0x1;
	s4 =	sadd.s32 s21, s2  }
0x9d: {  	[timem:s6], [sflag:s22] =	dma.local [hbm:s4], s20  }
0x9e: {  	_ =	swait.ge [sflag:s22], s20  }
0x9f: {  	s3 =	ssub.s32 $0x0, s20;
	[sflag:s22] =	ssyncset.done $0x0  }
0xa0: {  	[sflag:s22] =	ssyncadd.s32 s3;
	_ =	sdelay $0x1  }
0xa1: {  	s23 =	simm.s32 $0x1B8B  }
0xa2: {  	_ =	swait.ge [sflag:s23], $0x1  }
0xa3: {  	[sflag:s23] =	ssyncset.done $0x0  }
0xa4: {  	s25 =	simm.s32 $0x1B8E;
	s24 =	sld [smem:$0x3FFE];
	[sflag:s23] =	ssyncadd.s32 $0xFFFFFFFF  }
0xa5: {  	s26 =	simm.s32 $execute0_lowered;
	[smem:$0x3FD2] =	sst s25  }
0xa6: {  	s4 =	sshll.u32 s26, $0x1;
	_ =	strace $0x80000046;
	[dreg:$0x1] =	wrdreg $0xFFFFFFFF  }
0xa7: {  	s28 =	simm.s32 $_size_execute0_lowered;
	s2 =	sadd.s32 s2, s4;
	[dreg:$0x0] =	wrdreg $0x0  }
0xa8: {  	s4 =	sshll.u32 s28, $0x1;
	[dreg:$0x2] =	wrdreg s2  }
0xa9: {  	[dreg:$0x3] =	wrdreg s4  }
0xaa: {  	[dreg:$0x4] =	wrdreg $0xC0  }
0xab: {  	_ =	task [dreg:s6], $0x5FFFF  }
0xac: {  	[dreg:$0x1] =	wrdreg $0xFFFFFFFF  }
0xad: {  	[dreg:$0x0] =	wrdreg $0x60  }
0xae: {  	[dreg:$0x2] =	wrdreg s24  }
0xaf: {  	[dreg:$0x3] =	wrdreg $0x54000  }
0xb0: {  	[dreg:$0x4] =	wrdreg $0x9  }
0xb1: {  	_ =	task.clear_ibuf [dreg:s6], $0x5FFFF;
	_ =	strace $0x90000046  }
0xb2: {  	s29 =	simm.s32 $0x9;
	_ =	strace $0x80000048  }
0xb3: {  	_ =	swait.ge [sflag:s29], $0x1  }
0xb4: {  	[sflag:s29] =	ssyncadd.s32 $0xFFFFFFFF  }
0xb5: {  	_ =	strace $0x90000048  }
0xb6: {  	_ =	sfence  }
0xb7: {  	s30 =	sld [smem:$0x0];
	_ =	sdelay $0x2  }
0xb8: {  	s31 =	sshll.u32 s1, $0xD;
	s1 =	sshrl.u32 s1, $0x2  }
0xb9: {  	s3 =	sand.u32 $0x4000, s31;
	s1 =	sadd.s32 s1, s30  }
0xba: {  	s0 =	sor.u32 s3, s0;
	s1 =	sshll.u32 s1, $0x11  }
0xbb: {  	s0 =	sor.u32 s1, s0  }
0xbc: {  	s0 =	sadd.s32 $0x8F2B, s0  }
0xbd: {  	[sflag:s0] =	ssyncadd.remote.s32 $0x1  }
0xbe: {  	_ =	sfence.sel $0xFFFF  }
0xbf: {  	[dreg:$0x0] =	wrdreg $0xFFFFFFFF;
	(pc) =	sbr.abs _section_cstart, $3  }
0xc0: {  	[dreg:$0x1] =	wrdreg $0xFFFFFFFF  }
0xc1: {  	_ =	task.clear_ibuf [dreg:s6], $0x2FFFF;
	_ =	strace $0x9FFFFFFF  }
0xc2: {  	(tm) =	ssettm $0x7FFFFFFF  }
0xc3: {  	_ =	shalt  }
tec
execute0_lowered:
.L_overlay_start_1:
0x0: {  	(tag) =	ssettag $0x1  }
0x1: {  	s1 =	srdreg.scid;
	s9 =	rddreg [dreg:$0x0]  }
0x2: {  	s0 =	stileid.u32;
	s2 =	rddreg [dreg:$0x1];
	s3 =	simm.s32 $0x0  }
0x3: {  	s15 =	simm.s32 $0x1;
	s17 =	simm.s32 $0x1400;
	s18 =	simm.s32 $0x7D  }
0x4: {  	s20 =	simm.s32 $0x0;
	s11 =	sand.u32 $0x1, s1;
	s1 =	rddreg [dreg:$0x2]  }
0x5: {  	s29 =	sshll.u32 s0, $0x1;
	[smem:$0x7FF] =	sst s3;
	s12 =	smul.u32 $0x2700, s0  }
0x6: {  	s8 =	smul.u32 $0x4E000, s0;
	s5 =	sadd.s32 $0x33400, s9;
	s6 =	sadd.s32 $0x5A600, s9  }
0x7: {  	s31 =	sshll.u32 s0, $0x6;
	s19 =	sadd.s32 $0x138000, s2;
	p1 =	sne.s32 s0, $0xF  }
0x8: {  	p2 =	seq.s32 s0, $0xF;
	s4 =	sor.u32 s11, s29;
	_ =	strace $0x80000047  }
0x9: {  	s13 =	ssub.s32 $0x2, s11;
	p0 =	seq.s32 s11, $0x1;
	s16 =	sshrl.u32 @!p1 s19, $0x3  }
0xa: {  	s19 =	sshrl.u32 s19, $0x3;
	s4 =	smul.u32 $0x280, s4;
	s7 =	sadd.s32 s12, s9  }
.Ltmp0:
0xb: {  	s14 =	sshrl.u32 s13, $0x1;
	s8 =	sshrl.u32 s8, $0x2;
	(pc) =	sbr.rel .LBB2_1-.Ltmp0, $4  }
0xc: {  	s11 =	sadd.s32 s5, s12;
	s12 =	sadd.s32 s6, s12;
	s13 =	ssub.s32 s13, s14  }
0xd: {  	s30 =	sadd.s32 s8, s2;
	s7 =	sadd.s32 $0xBA00, s7;
	s8 =	sor.u32 $0x1C01, s31  }
0xe: {  	s10 =	sadd.s32 s4, s9;
	s4 =	sadd.s32 $0x32C00, s9;
	s9 =	sadd.s32 $0x32A00, s9  }
0xf: {  	s13 =	smax.u32 s13, $0x1;
	s14 =	sshrl.u32 s30, $0x3;
	s10 =	sadd.s32 $0x6A00, s10  }
.LBB2_6:
0x10: {  	s21 =	sadd.s32 $0x27000, s21  }
0x11: {  	[hbm:s21], [sflag:s8] =	dma.local [spmem:s19], $0x100  }
0x12: {  	_ =	swait.ge [sflag:s15], $0x100  }
0x13: {  	[sflag:s15] =	ssyncset.done $0x0  }
0x14: {  	[sflag:s15] =	ssyncadd.s32 $0xFFFFFF00  }
.LBB2_7:
0x15: {  	s20 =	sadd.s32 $0x1, s20  }
0x16: {  	p3 =	sne.s32 s20, s13  }
.Ltmp1:
0x17: {  	_ = 	snop;
	(pc) =	sbr.rel @!p3 .LBB2_8-.Ltmp1, $1  }
0x18: {  	_ =	sdelay $0x3  }
.LBB2_1:
0x19: {  	[spmem:s14], [sflag:s8] =	dma.local [hbm:s7], $0x2700  }
0x1a: {  	_ =	swait.ge [sflag:s15], $0x2700  }
0x1b: {  	[sflag:s15] =	ssyncset.done $0x0  }
0x1c: {  	s21 =	simm.s32 @!p1 $0x1;
	[sflag:s15] =	ssyncadd.s32 $0xFFFFD900  }
0x1d: {  	[spmem:s16], [sflag:s8] =	dma.local @!p1 [hbm:s9], $0x100  }
0x1e: {  	_ =	swait.ge @!p1 [sflag:s21], $0x100  }
0x1f: {  	[sflag:s21] =	ssyncset.done @!p1 $0x0  }
0x20: {  	[sflag:s21] =	ssyncadd.s32 @!p1 $0xFFFFFF00  }
0x21: {  	[tilespmem:s17], [sflag:$0x1] =	stream.linear.gather [hbm4b:s4+s3], $0x3E80, $0x38;
	[tilespmem:$0x18C80] =	vst v63  }
0x22: {  	_ =	swait.ge [sflag:s15], $0x3E80  }
0x23: {  	[sflag:s15] =	ssyncset.done $0x0  }
0x24: {  	[sflag:s15] =	ssyncadd.s32 $0xFFFFC180  }
0x25: {  	[tilespmem:s3], [sflag:$0x1] =	stream.linear.gather [hbm4b:s10+s3], $0x1400, $0x38;
	[tilespmem:$0x18C80] =	vst v63  }
0x26: {  	_ =	swait.ge [sflag:s15], $0x1400  }
0x27: {  	[sflag:s15] =	ssyncset.done $0x0  }
0x28: {  	[sflag:s15] =	ssyncadd.s32 $0xFFFFEC00  }
0x29: {  	s31 =	simm.s32 $0x0;
	[bflag:$0x0] =	sbarrier.arrive $0xFFFF  }
0x2a: {  	[spmem:s2] =	stream.indirect.scatter.add.f32 [tilespmem:s17], [sflag:$0x1], $0x80, s31, s18, $0xb8;
	[tilespmem:$0x18C80] =	vst v63  }
0x2b: {  	_ =	swait.ge [sflag:s15], $0x3E80  }
0x2c: {  	s21 =	simm.s32 $0x200;
	[sflag:s15] =	ssyncset.done $0x0  }
.LBB2_2:
0x2d: {  	s22 =	sshra.s32 s21, $0x2;
	[sflag:s15] =	ssyncadd.s32 $0xFFFFC180;
	p3 =	sne.s32 s21, $0x4E00  }
0x2e: {  	[spmem:s2] =	stream.indirect.scatter.add.f32 [tilespmem:s17], [sflag:$0x1], $0x80, s22, s18, $0xb8;
	[tilespmem:$0x18C80] =	vst v63  }
.Ltmp2:
0x2f: {  	_ = 	snop;
	(pc) =	sbr.rel @p3 .LBB2_2-.Ltmp2, $4  }
0x30: {  	_ = 	snop  }
0x31: {  	s21 =	sadd.s32 $0x200, s21  }
0x32: {  	_ =	swait.ge [sflag:s15], $0x3E80  }
0x33: {  	[sflag:s15] =	ssyncset.done $0x0  }
.Ltmp3:
0x34: {  	(pc) =	sbr.rel @!p0 .LBB2_4-.Ltmp3, $3  }
0x35: {  	_ = 	snop  }
0x36: {  	[sflag:s15] =	ssyncadd.s32 $0xFFFFC180  }
0x37: {  	[bflag:$0x0] =	sbarrier.arrive $0xFFFF;
	_ =	sdelay $0x1  }
0x38: {  	[hbm:s12], [sflag:s8] =	dma.local [spmem:s14], $0x2700  }
.Ltmp4:
0x39: {  	_ = 	snop;
	(pc) =	sbr.rel @p1 .LBB2_7-.Ltmp4, $4  }
.Ltmp5:
0x3a: {  	_ = 	snop;
	(pc) =	sbr.rel @!p1 .LBB2_6-.Ltmp5, $4  }
0x3b: {  	_ =	swait.ge [sflag:s15], $0x2700  }
0x3c: {  	[sflag:s15] =	ssyncset.done $0x0  }
0x3d: {  	s21 =	smov.u32 s6;
	[sflag:s15] =	ssyncadd.s32 $0xFFFFD900  }
0x3e: {  	_ = 	snop  }
.LBB2_4:
0x3f: {  	[hbm:s11], [sflag:s8] =	dma.local [spmem:s14], $0x2700  }
.Ltmp6:
0x40: {  	_ = 	snop;
	(pc) =	sbr.rel @p2 .LBB2_6-.Ltmp6, $4  }
.Ltmp7:
0x41: {  	_ = 	snop;
	(pc) =	sbr.rel @!p2 .LBB2_7-.Ltmp7, $4  }
0x42: {  	_ =	swait.ge [sflag:s15], $0x2700  }
0x43: {  	[sflag:s15] =	ssyncset.done $0x0  }
0x44: {  	s21 =	smov.u32 s5;
	[sflag:s15] =	ssyncadd.s32 $0xFFFFD900  }
0x45: {  	_ = 	snop  }
.LBB2_8:
0x46: {  	_ =	sfence.sel $0x180000  }
0x47: {  	[bflag:$0x0] =	sbarrier.arrive $0xFFFF  }
0x48: {  	p0 =	sne.s32 s0, $0x0;
	_ =	strace $0x90000047  }
0x49: {  	s0 =	sadd.s32 @!p0 $0x100000, s1;
	[bflag:$0x2] =	sbarrier.arrive $0xFFFF  }
0x4a: {  	[sflag:s0] =	ssyncadd.tile.s32 @!p0 $0x1;
	_ =	shalt  }
.Lfunc_end2:
_tile_overlayer_lowered:
.L_overlay_start_2:
0x4b: {  	(tag) =	ssettag $0x2  }
0x4c: {  	s0 =	rddreg [dreg:$0x0];
	s2 =	stileid.u32  }
0x4d: {  	s1 =	rddreg [dreg:$0x1];
	p0 =	sne.s32 s2, $0x0  }
0x4e: {  	s3 =	rddreg [dreg:$0x2];
	[bflag:$0x3] =	sbarrier.arrive $0xFFFF;
	s2 =	simm.s32 @!p0 $0x1C01  }
0x4f: {  	[timem:s3], [sflag:s2] =	dma.local @!p0 [hbm:s0], s1  }
0x50: {  	s0 =	simm.s32 @!p0 $0x1  }
0x51: {  	_ =	swait.ge @!p0 [sflag:s0], s1  }
0x52: {  	s1 =	ssub.s32 @!p0 $0x0, s1;
	[sflag:s0] =	ssyncset.done @!p0 $0x0  }
0x53: {  	[sflag:s0] =	ssyncadd.s32 @!p0 s1  }
0x54: {  	[bflag:$0x3] =	sbarrier.arrive $0xFFFF  }
0x55: {  	_ =	shalt  }

// kernel: kernel.13.cloned.1.call-start
scs
__scs_entry_jumppad:
0x0: {  	(pc) =	sbr.rel $0x88, $3  }
0x1: {  	(tag) =	ssettag $0x0;
	lr =	simm.s32 $0x1  }
0x2: {  	[smem:$0x3F8E] =	sst lr;
	_ =	strace $0xD0000000  }
0x3: {  	_ = 	snop  }
0x4: {  	_ = 	snop  }
0x5: {  	_ = 	snop  }
0x6: {  	_ = 	snop  }
0x7: {  	_ = 	snop  }
__scs_overlays_trampoline_lowered:
0x8: {  	[smem:$0x3F9D] =	sst s0  }
0x9: {  	[smem:$0x3F9E] =	sst s1  }
0xa: {  	[smem:$0x3F9F] =	sst s2  }
0xb: {  	[smem:$0x3FA0] =	sst s3  }
0xc: {  	[smem:$0x3FA1] =	sst s4  }
0xd: {  	[smem:$0x3FA2] =	sst s5  }
0xe: {  	[smem:$0x3FA3] =	sst s6  }
0xf: {  	[smem:$0x3FA4] =	sst s7  }
0x10: {  	[smem:$0x3FA5] =	sst s8  }
0x11: {  	[smem:$0x3FA6] =	sst s9;
	s0 =	simm.s32 @!p0 $0x0  }
0x12: {  	s1 =	sld [smem:$0x3F8C];
	s0 =	simm.s32 @p0 $0x1  }
0x13: {  	[smem:$0x3FA7] =	sst s0;
	s0 =	simm.s32 @!p1 $0x0  }
0x14: {  	s2 =	sld [smem:$0x3F8B];
	s0 =	simm.s32 @p1 $0x1  }
0x15: {  	[smem:$0x3FA8] =	sst s0;
	s0 =	simm.s32 @!p2 $0x0  }
0x16: {  	s3 =	sld [smem:$0x3FDB];
	s0 =	simm.s32 @p2 $0x1  }
0x17: {  	s4 =	simm.s32 $0x1BF5;
	[smem:$0x3FAA] =	sst s0  }
0x18: {  	s0 =	sld [smem:$0x3F8D];
	_ =	swait.ge [sflag:s4], $0x0  }
0x19: {  	s7 =	sld [smem:$0x3F8E]  }
0x1a: {  	s8 =	sadd.s32 $0xFFFFE003, lr  }
0x1b: {  	s9 =	sadd.s32 $0xFFFFFEF7, lr;
	s5 =	simm.s32 $0xFFFFFFFF;
	p2 =	slt.u32 s8, $0xFFFFF086  }
0x1c: {  	p1 =	slt.u32 s9, $0xF7A;
	s5 =	simm.s32 @!p2 $0x0  }
0x1d: {  	s5 =	simm.s32 @p1 $0x1;
	p0 =	seq.s32 s7, s2  }
0x1e: {  	s7 =	smul.u32 @!p0 $0xF7A, s2;
	p2 =	seq.s32 @!p0 s5, $0x0  }
0x1f: {  	s9 =	smul.u32 $0xF7A, s1;
	s8 =	simm.s32 @!p0 $0x1BF5;
	p2 =	por !p2, p0  }
0x20: {  	[sflag:s8] =	ssyncset.s32 @!p0 $0xFFFFF086;
	s6 =	sadd.s32 @!p0 s3, s7;
	s7 =	simm.s32 @!p0 $0x108  }
0x21: {  	s3 =	sadd.s32 s3, s9;
	s6 =	sadd.s32 @!p0 $0x88, s6;
	s7 =	simm.s32 @p2 $0x1082  }
0x22: {  	[simem:s7], [sflag:s8] =	dma.local @!p0 [hbm:s6], $0xF7A  }
0x23: {  	s9 =	sor.u32 $0xD0000000, s2;
	s6 =	simm.s32 $0x108;
	_ =	swait.ge @!p0 [sflag:s8], $0x0  }
0x24: {  	s3 =	sadd.s32 $0x88, s3;
	s6 =	simm.s32 @!p1 $0x1082;
	[sflag:s4] =	ssyncset.s32 $0xFFFFF086  }
0x25: {  	[simem:s6], [sflag:s4] =	dma.local [hbm:s3], $0xF7A  }
0x26: {  	[smem:$0x3F8E] =	sst s1;
	(tag) =	ssettag s2;
	_ =	strace s9  }
0x27: {  	s1 =	sld [smem:$0x3F9E]  }
0x28: {  	s2 =	sld [smem:$0x3F9F]  }
0x29: {  	s4 =	sld [smem:$0x3FA1]  }
0x2a: {  	p0 =	seq.s32 s5, $0x0;
	s5 =	sld [smem:$0x3FA2]  }
0x2b: {  	s6 =	sld [smem:$0x3FA3]  }
0x2c: {  	s7 =	sld [smem:$0x3FA4]  }
0x2d: {  	s3 =	simm.s32 $0x108;
	s8 =	sld [smem:$0x3FA5]  }
0x2e: {  	s3 =	simm.s32 @!p0 $0x1082;
	s9 =	sld [smem:$0x3FA6]  }
0x2f: {  	lr =	sadd.s32 s0, s3;
	s0 =	sld [smem:$0x3F9D]  }
0x30: {  	s3 =	sld [smem:$0x3FA0]  }
0x31: {  	[smem:$0x3FA9] =	sst s10  }
0x32: {  	s10 =	sld [smem:$0x3FA7];
	_ =	sdelay $0x3  }
0x33: {  	p0 =	seq.s32 s10, $0x1;
	s10 =	sld [smem:$0x3FA9];
	_ =	sdelay $0x3  }
0x34: {  	[smem:$0x3FA9] =	sst s10  }
0x35: {  	s10 =	sld [smem:$0x3FA8];
	_ =	sdelay $0x3  }
0x36: {  	p1 =	seq.s32 s10, $0x1;
	s10 =	sld [smem:$0x3FA9];
	_ =	sdelay $0x3  }
0x37: {  	[smem:$0x3FA9] =	sst s10  }
0x38: {  	s10 =	sld [smem:$0x3FAA]  }
0x39: {  	_ = 	snop;
	(pc) =	sbr.ind lr, $3  }
0x3a: {  	_ = 	snop  }
0x3b: {  	_ = 	snop  }
0x3c: {  	p2 =	seq.s32 s10, $0x1;
	s10 =	sld [smem:$0x3FA9]  }
0x3d: {  	_ =	shalt  }
0x3e: {  	_ =	shalt  }
0x3f: {  	_ =	shalt  }
0x40: {  	_ =	shalt  }
0x41: {  	_ =	shalt  }
0x42: {  	_ =	shalt  }
0x43: {  	_ =	shalt  }
0x44: {  	_ =	shalt  }
0x45: {  	_ =	shalt  }
0x46: {  	_ =	shalt  }
0x47: {  	_ =	shalt  }
0x48: {  	_ =	shalt  }
0x49: {  	_ =	shalt  }
0x4a: {  	_ =	shalt  }
0x4b: {  	_ =	shalt  }
0x4c: {  	_ =	shalt  }
0x4d: {  	_ =	shalt  }
0x4e: {  	_ =	shalt  }
0x4f: {  	_ =	shalt  }
0x50: {  	_ =	shalt  }
0x51: {  	_ =	shalt  }
0x52: {  	_ =	shalt  }
0x53: {  	_ =	shalt  }
0x54: {  	_ =	shalt  }
0x55: {  	_ =	shalt  }
0x56: {  	_ =	shalt  }
0x57: {  	_ =	shalt  }
0x58: {  	_ =	shalt  }
0x59: {  	_ =	shalt  }
0x5a: {  	_ =	shalt  }
0x5b: {  	_ =	shalt  }
0x5c: {  	_ =	shalt  }
0x5d: {  	_ =	shalt  }
0x5e: {  	_ =	shalt  }
0x5f: {  	_ =	shalt  }
0x60: {  	_ =	shalt  }
0x61: {  	_ =	shalt  }
0x62: {  	_ =	shalt  }
0x63: {  	_ =	shalt  }
0x64: {  	_ =	shalt  }
0x65: {  	_ =	shalt  }
0x66: {  	_ =	shalt  }
0x67: {  	_ =	shalt  }
0x68: {  	_ =	shalt  }
0x69: {  	_ =	shalt  }
0x6a: {  	_ =	shalt  }
0x6b: {  	_ =	shalt  }
0x6c: {  	_ =	shalt  }
0x6d: {  	_ =	shalt  }
0x6e: {  	_ =	shalt  }
0x6f: {  	_ =	shalt  }
0x70: {  	_ =	shalt  }
0x71: {  	_ =	shalt  }
0x72: {  	_ =	shalt  }
0x73: {  	_ =	shalt  }
0x74: {  	_ =	shalt  }
0x75: {  	_ =	shalt  }
0x76: {  	_ =	shalt  }
0x77: {  	_ =	shalt  }
0x78: {  	_ =	shalt  }
0x79: {  	_ =	shalt  }
0x7a: {  	_ =	shalt  }
0x7b: {  	_ =	shalt  }
0x7c: {  	_ =	shalt  }
0x7d: {  	_ =	shalt  }
0x7e: {  	_ =	shalt  }
0x7f: {  	_ =	shalt  }
0x80: {  	_ =	shalt  }
0x81: {  	_ =	shalt  }
0x82: {  	_ =	shalt  }
0x83: {  	_ =	shalt  }
0x84: {  	_ =	shalt  }
0x85: {  	_ =	shalt  }
0x86: {  	_ =	shalt  }
0x87: {  	_ =	shalt  }
.Lfunc_end0:
.L_simem_size_0:
called_computation.1_lowered:
.L_overlay_start_0:
0x88: {  	s2 =	sld [smem:$0x3FD9]  }
0x89: {  	s3 =	sld [smem:$0x3FFE];
	_ =	sdelay $0x1  }
0x8a: {  	s1 =	srdreg.scid  }
0x8b: {  	s0 =	sand.u32 $0x1, s1  }
0x8c: {  	s16 =	sshll.u32 s0, $0xA;
	s2 =	sadd.s32 s3, s2  }
0x8d: {  	s2 =	sadd.s32 s2, s16  }
0x8e: {  	[smem:$0x3FB5] =	sst s2  }
0x8f: {  	_ = 	snop  }
0x90: {  	(tm) =	ssettm $0x1  }
0x91: {  	s17 =	sld [smem:$0x3FFB];
	_ =	sdelay $0x3  }
0x92: {  	_ =	strace s17  }
0x93: {  	s2 =	sld [smem:$0x3FFC];
	_ =	sdelay $0x3  }
0x94: {  	_ =	strace s2  }
0x95: {  	s2 =	sld [smem:$0x3FFD];
	_ =	sdelay $0x3  }
0x96: {  	_ =	strace s2  }
0x97: {  	_ =	strace $0x8FFFFFFF  }
0x98: {  	s18 =	sld [smem:$0x3FDB];
	_ =	sdelay $0x1  }
0x99: {  	s19 =	simm.s32 $_scs_section_size  }
0x9a: {  	s4 =	simm.s32 $_size__tile_overlayer_lowered;
	s5 =	simm.s32 $_tile_overlayer_lowered  }
0x9b: {  	s22 =	simm.s32 $0x1BFF;
	s21 =	sshll.u32 s5, $0x1;
	s2 =	sadd.s32 s19, s18  }
0x9c: {  	s6 =	simm.s32 $0x0;
	s20 =	sshll.u32 s4, $0x1;
	s4 =	sadd.s32 s21, s2  }
0x9d: {  	[timem:s6], [sflag:s22] =	dma.local [hbm:s4], s20  }
0x9e: {  	_ =	swait.ge [sflag:s22], s20  }
0x9f: {  	s3 =	ssub.s32 $0x0, s20;
	[sflag:s22] =	ssyncset.done $0x0  }
0xa0: {  	[sflag:s22] =	ssyncadd.s32 s3;
	_ =	sdelay $0x1  }
0xa1: {  	s23 =	simm.s32 $0x1B8B  }
0xa2: {  	_ =	swait.ge [sflag:s23], $0x1  }
0xa3: {  	[sflag:s23] =	ssyncset.done $0x0  }
0xa4: {  	s25 =	simm.s32 $0x1B8E;
	s24 =	sld [smem:$0x3FFE];
	[sflag:s23] =	ssyncadd.s32 $0xFFFFFFFF  }
0xa5: {  	s26 =	simm.s32 $execute0_lowered;
	[smem:$0x3FD2] =	sst s25  }
0xa6: {  	s4 =	sshll.u32 s26, $0x1;
	_ =	strace $0x80000049;
	[dreg:$0x1] =	wrdreg $0xFFFFFFFF  }
0xa7: {  	s28 =	simm.s32 $_size_execute0_lowered;
	s2 =	sadd.s32 s2, s4;
	[dreg:$0x0] =	wrdreg $0x0  }
0xa8: {  	s4 =	sshll.u32 s28, $0x1;
	[dreg:$0x2] =	wrdreg s2  }
0xa9: {  	[dreg:$0x3] =	wrdreg s4  }
0xaa: {  	[dreg:$0x4] =	wrdreg $0xC0  }
0xab: {  	_ =	task [dreg:s6], $0x5FFFF  }
0xac: {  	[dreg:$0x1] =	wrdreg $0xFFFFFFFF  }
0xad: {  	[dreg:$0x0] =	wrdreg $0x60  }
0xae: {  	[dreg:$0x2] =	wrdreg s24  }
0xaf: {  	[dreg:$0x3] =	wrdreg $0xA8000  }
0xb0: {  	[dreg:$0x4] =	wrdreg $0x9  }
0xb1: {  	_ =	task.clear_ibuf [dreg:s6], $0x5FFFF;
	_ =	strace $0x90000049  }
0xb2: {  	s29 =	simm.s32 $0x9;
	_ =	strace $0x8000004B  }
0xb3: {  	_ =	swait.ge [sflag:s29], $0x1  }
0xb4: {  	[sflag:s29] =	ssyncadd.s32 $0xFFFFFFFF  }
0xb5: {  	_ =	strace $0x9000004B  }
0xb6: {  	_ =	sfence  }
0xb7: {  	s30 =	sld [smem:$0x0];
	_ =	sdelay $0x2  }
0xb8: {  	s31 =	sshll.u32 s1, $0xD;
	s1 =	sshrl.u32 s1, $0x2  }
0xb9: {  	s3 =	sand.u32 $0x4000, s31;
	s1 =	sadd.s32 s1, s30  }
0xba: {  	s0 =	sor.u32 s3, s0;
	s1 =	sshll.u32 s1, $0x11  }
0xbb: {  	s0 =	sor.u32 s1, s0  }
0xbc: {  	s0 =	sadd.s32 $0x8F2B, s0  }
0xbd: {  	[sflag:s0] =	ssyncadd.remote.s32 $0x1  }
0xbe: {  	_ =	sfence.sel $0xFFFF  }
0xbf: {  	[dreg:$0x0] =	wrdreg $0xFFFFFFFF;
	(pc) =	sbr.abs _section_cstart, $3  }
0xc0: {  	[dreg:$0x1] =	wrdreg $0xFFFFFFFF  }
0xc1: {  	_ =	task.clear_ibuf [dreg:s6], $0x2FFFF;
	_ =	strace $0x9FFFFFFF  }
0xc2: {  	(tm) =	ssettm $0x7FFFFFFF  }
0xc3: {  	_ =	shalt  }
tec
execute0_lowered:
.L_overlay_start_1:
0x0: {  	(tag) =	ssettag $0x1  }
0x1: {  	s0 =	rddreg [dreg:$0x0]  }
0x2: {  	s1 =	rddreg [dreg:$0x1];
	s2 =	simm.s32 $0x0  }
0x3: {  	s6 =	srdreg.scid;
	s3 =	stileid.u32;
	s21 =	simm.s32 $0x3  }
0x4: {  	s28 =	simm.s32 $0x2;
	s29 =	simm.s32 $0x1380;
	s30 =	simm.s32 $0x2700  }
0x5: {  	s31 =	simm.s32 $0x2780;
	[smem:$0x7FF] =	sst s2;
	s4 =	sadd.s32 $0xBA00, s0  }
0x6: {  	s5 =	sadd.s32 $0x86800, s0;
	s11 =	sadd.s32 $0x81800, s0;
	s9 =	smul.u32 $0x500, s3  }
0x7: {  	s13 =	sand.u32 $0x1, s6;
	s14 =	sadd.s32 $0x6A00, s0;
	s10 =	smul.u32 $0x4E000, s3  }
0x8: {  	s6 =	sadd.s32 $0xADA00, s0;
	s15 =	smul.u32 $0x2700, s3;
	s7 =	sadd.s32 $0xD4C00, s0  }
0x9: {  	s22 =	smul.u32 $0x2800, s3;
	s17 =	sadd.s32 $0xAD800, s0;
	s0 =	sadd.s32 $0x32A00, s0  }
0xa: {  	p1 =	sne.s32 s3, $0xF;
	_ =	strace $0x8000004A;
	[dreg:$0x4] =	wrdreg s17  }
0xb: {  	p2 =	seq.s32 s3, $0xF;
	s8 =	ssub.s32 $0x2, s13;
	[dreg:$0x6] =	wrdreg s0  }
0xc: {  	p0 =	sne.s32 s13, $0x0;
	s0 =	simm.s32 $0x0;
	s12 =	sshrl.u32 s8, $0x1  }
0xd: {  	s10 =	sshrl.u32 s10, $0x2;
	s16 =	sadd.s32 s5, s15;
	s23 =	sshrl.u32 s22, $0x3  }
0xe: {  	s25 =	sadd.s32 s4, s15;
	s26 =	sadd.s32 s7, s15;
	s19 =	sadd.s32 s6, s15  }
0xf: {  	s22 =	simm.s32 $0x1400;
	s20 =	ssub.s32 s8, s12;
	s8 =	sadd.s32 s11, s9  }
.Ltmp0:
0x10: {  	s9 =	sadd.s32 s14, s9;
	[dreg:$0x3] =	wrdreg s16;
	(pc) =	sbr.rel .LBB2_1-.Ltmp0, $4  }
0x11: {  	s10 =	sadd.s32 s10, s1;
	s12 =	sadd.s32 $0x138000, s1;
	[dreg:$0x5] =	wrdreg s25  }
0x12: {  	s24 =	sadd.s32 $0x280, s23;
	[dreg:$0x7] =	wrdreg s26;
	s23 =	simm.s32 $0x7D  }
0x13: {  	s25 =	simm.s32 $0x1;
	s26 =	simm.s32 $0x6800;
	s16 =	sadd.s32 s11, s24  }
0x14: {  	s17 =	sadd.s32 s14, s24;
	s20 =	smax.u32 s20, $0x1;
	s24 =	simm.s32 $0x2800  }
.LBB2_12:
0x15: {  	s13 =	sadd.s32 $0x27000, s13;
	s14 =	sshrl.u32 s12, $0x3  }
0x16: {  	[hbm:s13], [sflag:s11] =	dma.local [spmem:s14], $0x100  }
0x17: {  	_ =	swait.ge [sflag:s21], $0x100  }
0x18: {  	[sflag:s21] =	ssyncset.done $0x0  }
0x19: {  	[sflag:s21] =	ssyncadd.s32 $0xFFFFFF00  }
.LBB2_13:
0x1a: {  	s0 =	sadd.s32 $0x1, s0  }
0x1b: {  	p3 =	sne.s32 s0, s20  }
.Ltmp1:
0x1c: {  	_ = 	snop;
	(pc) =	sbr.rel @!p3 .LBB2_14-.Ltmp1, $1  }
0x1d: {  	_ =	sdelay $0x3  }
.LBB2_1:
0x1e: {  	[tilespmem:s2], [sflag:$0x3] =	stream.linear.gather [hbm4b:s8+s2], $0x1400, $0x38;
	[tilespmem:$0x1E080] =	vst v63  }
0x1f: {  	_ =	swait.ge [sflag:s21], $0x1400  }
0x20: {  	[sflag:s21] =	ssyncset.done $0x0  }
.Ltmp2:
0x21: {  	[sflag:s21] =	ssyncadd.s32 $0xFFFFEC00;
	(pc) =	sbr.rel @p0 .LBB2_7-.Ltmp2, $4  }
0x22: {  	[tilespmem:s22], [sflag:$0x3] =	stream.linear.gather [hbm4b:s9+s2], $0x1400, $0x38;
	[tilespmem:$0x1E080] =	vst v63  }
0x23: {  	_ =	swait.ge [sflag:s21], $0x1400  }
0x24: {  	s15 =	sshll.u32 s3, $0x6;
	s13 =	sshrl.u32 s10, $0x3;
	[sflag:s21] =	ssyncset.done $0x0  }
0x25: {  	s14 =	sshrl.u32 @!p1 s12, $0x3;
	s11 =	sor.u32 $0x1C03, s15;
	[sflag:s21] =	ssyncadd.s32 $0xFFFFEC00  }
0x26: {  	[tilespmem:s24], [sflag:$0x1] =	stream.indirect.gather [hbm4b:s4+s23], $0x80, s2, s23, $0xb8;
	[tilespmem:$0x1E080] =	vst v63  }
0x27: {  	s11 =	sor.u32 $0x1C03, s15;
	s18 =	rddreg [dreg:$0x5]  }
0x28: {  	[spmem:s13], [sflag:s11] =	dma.local [hbm:s18], $0x2700  }
0x29: {  	_ =	swait.ge [sflag:s21], $0x2700  }
0x2a: {  	[sflag:s21] =	ssyncset.done $0x0  }
0x2b: {  	s15 =	rddreg [dreg:$0x6];
	[sflag:s21] =	ssyncadd.s32 $0xFFFFD900  }
0x2c: {  	[spmem:s14], [sflag:s11] =	dma.local @!p1 [hbm:s15], $0x100  }
0x2d: {  	s14 =	simm.s32 @!p1 $0x3  }
0x2e: {  	_ =	swait.ge @!p1 [sflag:s14], $0x100  }
0x2f: {  	[sflag:s14] =	ssyncset.done @!p1 $0x0  }
0x30: {  	[sflag:s14] =	ssyncadd.s32 @!p1 $0xFFFFFF00  }
0x31: {  	[bflag:$0x0] =	sbarrier.arrive $0xFFFF  }
0x32: {  	_ =	swait.ge [sflag:s25], $0x3E80  }
0x33: {  	[sflag:s25] =	ssyncset.done $0x0  }
0x34: {  	s15 =	simm.s32 $0x80;
	[sflag:s25] =	ssyncadd.s32 $0xFFFFC180  }
0x35: {  	[tilespmem:s26], [sflag:$0x2] =	stream.indirect.gather [hbm4b:s4+s23], $0x80, s15, s23, $0xb8;
	[tilespmem:$0x1E080] =	vst v63  }
0x36: {  	s18 =	simm.s32 $0x1400  }
0x37: {  	[spmem:s1] =	stream.indirect.scatter.add.f32 [tilespmem:s24], [sflag:$0x3], $0x80, s18, s23, $0xb8;
	[tilespmem:$0x1E080] =	vst v63  }
0x38: {  	_ =	swait.ge [sflag:s21], $0x3E80  }
0x39: {  	[sflag:s21] =	ssyncset.done $0x0  }
0x3a: {  	[sflag:s21] =	ssyncadd.s32 $0xFFFFC180  }
0x3b: {  	_ =	swait.ge [sflag:s28], $0x3E80  }
0x3c: {  	[sflag:s28] =	ssyncset.done $0x0  }
0x3d: {  	s15 =	simm.s32 $0x100;
	[sflag:s28] =	ssyncadd.s32 $0xFFFFC180  }
0x3e: {  	[tilespmem:s24], [sflag:$0x1] =	stream.indirect.gather [hbm4b:s4+s23], $0x80, s15, s23, $0xb8;
	[tilespmem:$0x1E080] =	vst v63  }
0x3f: {  	s18 =	simm.s32 $0x1480  }
0x40: {  	[spmem:s1] =	stream.indirect.scatter.add.f32 [tilespmem:s26], [sflag:$0x3], $0x80, s18, s23, $0xb8;
	[tilespmem:$0x1E080] =	vst v63  }
0x41: {  	_ =	swait.ge [sflag:s21], $0x3E80  }
0x42: {  	s14 =	simm.s32 $0x400;
	[sflag:s21] =	ssyncset.done $0x0  }
.LBB2_3:
0x43: {  	p3 =	sne.s32 s14, $0x4800  }
0x44: {  	[sflag:s21] =	ssyncadd.s32 $0xFFFFC180;
	s15 =	smov.u32 s14;
	s14 =	sadd.s32 $0x400, s14  }
0x45: {  	_ = 	snop  }
0x46: {  	_ =	swait.ge [sflag:s25], $0x3E80  }
0x47: {  	s15 =	sshra.s32 s15, $0x2;
	[sflag:s25] =	ssyncset.done $0x0  }
0x48: {  	s18 =	sadd.s32 $0x80, s15;
	[sflag:s25] =	ssyncadd.s32 $0xFFFFC180  }
0x49: {  	[tilespmem:s26], [sflag:$0x2] =	stream.indirect.gather [hbm4b:s4+s23], $0x80, s18, s23, $0xb8;
	[tilespmem:$0x1E080] =	vst v63  }
0x4a: {  	s18 =	sadd.s32 $0x1400, s15  }
0x4b: {  	[spmem:s1] =	stream.indirect.scatter.add.f32 [tilespmem:s24], [sflag:$0x3], $0x80, s18, s23, $0xb8;
	[tilespmem:$0x1E080] =	vst v63  }
0x4c: {  	_ =	swait.ge [sflag:s21], $0x3E80  }
0x4d: {  	[sflag:s21] =	ssyncset.done $0x0  }
0x4e: {  	[sflag:s21] =	ssyncadd.s32 $0xFFFFC180  }
0x4f: {  	_ =	swait.ge [sflag:s28], $0x3E80  }
0x50: {  	[sflag:s28] =	ssyncset.done $0x0  }
0x51: {  	s18 =	sadd.s32 $0x100, s15;
	[sflag:s28] =	ssyncadd.s32 $0xFFFFC180  }
0x52: {  	[tilespmem:s24], [sflag:$0x1] =	stream.indirect.gather [hbm4b:s4+s23], $0x80, s18, s23, $0xb8;
	[tilespmem:$0x1E080] =	vst v63  }
.Ltmp3:
0x53: {  	_ = 	snop;
	(pc) =	sbr.rel @p3 .LBB2_3-.Ltmp3, $4  }
0x54: {  	s15 =	sadd.s32 $0x1480, s15  }
0x55: {  	[spmem:s1] =	stream.indirect.scatter.add.f32 [tilespmem:s26], [sflag:$0x3], $0x80, s15, s23, $0xb8;
	[tilespmem:$0x1E080] =	vst v63  }
0x56: {  	_ =	swait.ge [sflag:s21], $0x3E80  }
0x57: {  	[sflag:s21] =	ssyncset.done $0x0  }
0x58: {  	[sflag:s21] =	ssyncadd.s32 $0xFFFFC180  }
0x59: {  	_ =	swait.ge [sflag:s25], $0x3E80  }
0x5a: {  	[sflag:s25] =	ssyncset.done $0x0  }
0x5b: {  	[sflag:s25] =	ssyncadd.s32 $0xFFFFC180  }
0x5c: {  	[tilespmem:s26], [sflag:$0x2] =	stream.indirect.gather [hbm4b:s4+s23], $0x80, s29, s23, $0xb8;
	[tilespmem:$0x1E080] =	vst v63  }
0x5d: {  	_ = 	snop  }
0x5e: {  	[spmem:s1] =	stream.indirect.scatter.add.f32 [tilespmem:s24], [sflag:$0x3], $0x80, s30, s23, $0xb8;
	[tilespmem:$0x1E080] =	vst v63  }
0x5f: {  	_ =	swait.ge [sflag:s21], $0x3E80  }
0x60: {  	[sflag:s21] =	ssyncset.done $0x0  }
0x61: {  	[sflag:s21] =	ssyncadd.s32 $0xFFFFC180  }
0x62: {  	_ =	swait.ge [sflag:s28], $0x3E80  }
0x63: {  	[sflag:s28] =	ssyncset.done $0x0  }
0x64: {  	[sflag:s28] =	ssyncadd.s32 $0xFFFFC180  }
0x65: {  	[spmem:s1] =	stream.indirect.scatter.add.f32 [tilespmem:s26], [sflag:$0x3], $0x80, s31, s23, $0xb8;
	[tilespmem:$0x1E080] =	vst v63  }
0x66: {  	_ =	swait.ge [sflag:s21], $0x3E80  }
0x67: {  	[sflag:s21] =	ssyncset.done $0x0  }
0x68: {  	s14 =	simm.s32 $0x0;
	[sflag:s21] =	ssyncadd.s32 $0xFFFFC180  }
0x69: {  	[tilespmem:s14], [sflag:$0x3] =	stream.linear.gather [hbm4b:s16+s14], $0x1400, $0x38;
	[tilespmem:$0x1E080] =	vst v63  }
0x6a: {  	_ =	swait.ge [sflag:s21], $0x1400  }
0x6b: {  	[sflag:s21] =	ssyncset.done $0x0  }
0x6c: {  	[sflag:s21] =	ssyncadd.s32 $0xFFFFEC00  }
0x6d: {  	[tilespmem:s22], [sflag:$0x3] =	stream.linear.gather [hbm4b:s17+s14], $0x1400, $0x38;
	[tilespmem:$0x1E080] =	vst v63  }
0x6e: {  	_ =	swait.ge [sflag:s21], $0x1400  }
0x6f: {  	[sflag:s21] =	ssyncset.done $0x0  }
0x70: {  	[sflag:s21] =	ssyncadd.s32 $0xFFFFEC00  }
0x71: {  	[tilespmem:s24], [sflag:$0x1] =	stream.indirect.gather [hbm4b:s4+s23], $0x80, s14, s23, $0xb8;
	[tilespmem:$0x1E080] =	vst v63  }
0x72: {  	_ =	swait.ge [sflag:s25], $0x3E80  }
0x73: {  	[sflag:s25] =	ssyncset.done $0x0  }
0x74: {  	s15 =	simm.s32 $0x80;
	[sflag:s25] =	ssyncadd.s32 $0xFFFFC180  }
0x75: {  	[tilespmem:s26], [sflag:$0x2] =	stream.indirect.gather [hbm4b:s4+s23], $0x80, s15, s23, $0xb8;
	[tilespmem:$0x1E080] =	vst v63  }
0x76: {  	s18 =	simm.s32 $0x1400  }
0x77: {  	[spmem:s1] =	stream.indirect.scatter.add.f32 [tilespmem:s24], [sflag:$0x3], $0x80, s18, s23, $0xb8;
	[tilespmem:$0x1E080] =	vst v63  }
0x78: {  	_ =	swait.ge [sflag:s21], $0x3E80  }
0x79: {  	[sflag:s21] =	ssyncset.done $0x0  }
0x7a: {  	[sflag:s21] =	ssyncadd.s32 $0xFFFFC180  }
0x7b: {  	_ =	swait.ge [sflag:s28], $0x3E80  }
0x7c: {  	[sflag:s28] =	ssyncset.done $0x0  }
0x7d: {  	s15 =	simm.s32 $0x100;
	[sflag:s28] =	ssyncadd.s32 $0xFFFFC180  }
0x7e: {  	[tilespmem:s24], [sflag:$0x1] =	stream.indirect.gather [hbm4b:s4+s23], $0x80, s15, s23, $0xb8;
	[tilespmem:$0x1E080] =	vst v63  }
0x7f: {  	s18 =	simm.s32 $0x1480  }
0x80: {  	[spmem:s1] =	stream.indirect.scatter.add.f32 [tilespmem:s26], [sflag:$0x3], $0x80, s18, s23, $0xb8;
	[tilespmem:$0x1E080] =	vst v63  }
0x81: {  	_ =	swait.ge [sflag:s21], $0x3E80  }
0x82: {  	s14 =	simm.s32 $0x400;
	[sflag:s21] =	ssyncset.done $0x0  }
.LBB2_5:
0x83: {  	p3 =	sne.s32 s14, $0x4800  }
0x84: {  	[sflag:s21] =	ssyncadd.s32 $0xFFFFC180;
	s15 =	smov.u32 s14;
	s14 =	sadd.s32 $0x400, s14  }
0x85: {  	_ = 	snop  }
0x86: {  	_ =	swait.ge [sflag:s25], $0x3E80  }
0x87: {  	s15 =	sshra.s32 s15, $0x2;
	[sflag:s25] =	ssyncset.done $0x0  }
0x88: {  	s18 =	sadd.s32 $0x80, s15;
	[sflag:s25] =	ssyncadd.s32 $0xFFFFC180  }
0x89: {  	[tilespmem:s26], [sflag:$0x2] =	stream.indirect.gather [hbm4b:s4+s23], $0x80, s18, s23, $0xb8;
	[tilespmem:$0x1E080] =	vst v63  }
0x8a: {  	s18 =	sadd.s32 $0x1400, s15  }
0x8b: {  	[spmem:s1] =	stream.indirect.scatter.add.f32 [tilespmem:s24], [sflag:$0x3], $0x80, s18, s23, $0xb8;
	[tilespmem:$0x1E080] =	vst v63  }
0x8c: {  	_ =	swait.ge [sflag:s21], $0x3E80  }
0x8d: {  	[sflag:s21] =	ssyncset.done $0x0  }
0x8e: {  	[sflag:s21] =	ssyncadd.s32 $0xFFFFC180  }
0x8f: {  	_ =	swait.ge [sflag:s28], $0x3E80  }
0x90: {  	[sflag:s28] =	ssyncset.done $0x0  }
0x91: {  	s18 =	sadd.s32 $0x100, s15;
	[sflag:s28] =	ssyncadd.s32 $0xFFFFC180  }
0x92: {  	[tilespmem:s24], [sflag:$0x1] =	stream.indirect.gather [hbm4b:s4+s23], $0x80, s18, s23, $0xb8;
	[tilespmem:$0x1E080] =	vst v63  }
.Ltmp4:
0x93: {  	_ = 	snop;
	(pc) =	sbr.rel @p3 .LBB2_5-.Ltmp4, $4  }
0x94: {  	s15 =	sadd.s32 $0x1480, s15  }
0x95: {  	[spmem:s1] =	stream.indirect.scatter.add.f32 [tilespmem:s26], [sflag:$0x3], $0x80, s15, s23, $0xb8;
	[tilespmem:$0x1E080] =	vst v63  }
0x96: {  	_ =	swait.ge [sflag:s21], $0x3E80  }
0x97: {  	[sflag:s21] =	ssyncset.done $0x0  }
0x98: {  	[sflag:s21] =	ssyncadd.s32 $0xFFFFC180  }
0x99: {  	_ =	swait.ge [sflag:s25], $0x3E80  }
0x9a: {  	[sflag:s25] =	ssyncset.done $0x0  }
0x9b: {  	[sflag:s25] =	ssyncadd.s32 $0xFFFFC180  }
0x9c: {  	[tilespmem:s26], [sflag:$0x2] =	stream.indirect.gather [hbm4b:s4+s23], $0x80, s29, s23, $0xb8;
	[tilespmem:$0x1E080] =	vst v63  }
0x9d: {  	_ = 	snop  }
0x9e: {  	[spmem:s1] =	stream.indirect.scatter.add.f32 [tilespmem:s24], [sflag:$0x3], $0x80, s30, s23, $0xb8;
	[tilespmem:$0x1E080] =	vst v63  }
0x9f: {  	_ =	swait.ge [sflag:s21], $0x3E80  }
0xa0: {  	[sflag:s21] =	ssyncset.done $0x0  }
0xa1: {  	[sflag:s21] =	ssyncadd.s32 $0xFFFFC180  }
0xa2: {  	_ =	swait.ge [sflag:s28], $0x3E80  }
0xa3: {  	[sflag:s28] =	ssyncset.done $0x0  }
0xa4: {  	[sflag:s28] =	ssyncadd.s32 $0xFFFFC180  }
0xa5: {  	[spmem:s1] =	stream.indirect.scatter.add.f32 [tilespmem:s26], [sflag:$0x3], $0x80, s31, s23, $0xb8;
	[tilespmem:$0x1E080] =	vst v63  }
0xa6: {  	_ =	swait.ge [sflag:s21], $0x3E80  }
0xa7: {  	[sflag:s21] =	ssyncset.done $0x0  }
0xa8: {  	[sflag:s21] =	ssyncadd.s32 $0xFFFFC180  }
0xa9: {  	[bflag:$0x0] =	sbarrier.arrive $0xFFFF  }
0xaa: {  	[hbm:s19], [sflag:s11] =	dma.local [spmem:s13], $0x2700  }
.Ltmp5:
0xab: {  	_ = 	snop;
	(pc) =	sbr.rel @p2 .LBB2_12-.Ltmp5, $4  }
.Ltmp6:
0xac: {  	_ = 	snop;
	(pc) =	sbr.rel @!p2 .LBB2_13-.Ltmp6, $4  }
0xad: {  	_ =	swait.ge [sflag:s21], $0x2700  }
0xae: {  	[sflag:s21] =	ssyncset.done $0x0  }
0xaf: {  	s13 =	smov.u32 s6;
	[sflag:s21] =	ssyncadd.s32 $0xFFFFD900  }
0xb0: {  	_ = 	snop  }
.LBB2_7:
0xb1: {  	[tilespmem:s24], [sflag:$0x1] =	stream.indirect.gather [hbm4b:s5+s23], $0x80, s2, s23, $0xb8;
	[tilespmem:$0x1E080] =	vst v63  }
0xb2: {  	s15 =	rddreg [dreg:$0x3]  }
0xb3: {  	[spmem:s13], [sflag:s11] =	dma.local [hbm:s15], $0x2700  }
0xb4: {  	_ =	swait.ge [sflag:s21], $0x2700  }
0xb5: {  	[sflag:s21] =	ssyncset.done $0x0  }
0xb6: {  	s15 =	rddreg [dreg:$0x4];
	[sflag:s21] =	ssyncadd.s32 $0xFFFFD900  }
0xb7: {  	[spmem:s14], [sflag:s11] =	dma.local @!p1 [hbm:s15], $0x100  }
0xb8: {  	s14 =	simm.s32 @!p1 $0x3  }
0xb9: {  	_ =	swait.ge @!p1 [sflag:s14], $0x100  }
0xba: {  	[sflag:s14] =	ssyncset.done @!p1 $0x0  }
0xbb: {  	[sflag:s14] =	ssyncadd.s32 @!p1 $0xFFFFFF00  }
0xbc: {  	[bflag:$0x0] =	sbarrier.arrive $0xFFFF  }
0xbd: {  	_ =	swait.ge [sflag:s25], $0x3E80  }
0xbe: {  	[sflag:s25] =	ssyncset.done $0x0  }
0xbf: {  	s15 =	simm.s32 $0x80;
	[sflag:s25] =	ssyncadd.s32 $0xFFFFC180  }
0xc0: {  	[tilespmem:s26], [sflag:$0x2] =	stream.indirect.gather [hbm4b:s5+s23], $0x80, s15, s23, $0xb8;
	[tilespmem:$0x1E080] =	vst v63  }
0xc1: {  	s18 =	simm.s32 $0x1400  }
0xc2: {  	[spmem:s1] =	stream.indirect.scatter.add.f32 [tilespmem:s24], [sflag:$0x3], $0x80, s18, s23, $0xb8;
	[tilespmem:$0x1E080] =	vst v63  }
0xc3: {  	_ =	swait.ge [sflag:s21], $0x3E80  }
0xc4: {  	[sflag:s21] =	ssyncset.done $0x0  }
0xc5: {  	[sflag:s21] =	ssyncadd.s32 $0xFFFFC180  }
0xc6: {  	_ =	swait.ge [sflag:s28], $0x3E80  }
0xc7: {  	[sflag:s28] =	ssyncset.done $0x0  }
0xc8: {  	s15 =	simm.s32 $0x100;
	[sflag:s28] =	ssyncadd.s32 $0xFFFFC180  }
0xc9: {  	[tilespmem:s24], [sflag:$0x1] =	stream.indirect.gather [hbm4b:s5+s23], $0x80, s15, s23, $0xb8;
	[tilespmem:$0x1E080] =	vst v63  }
0xca: {  	s18 =	simm.s32 $0x1480  }
0xcb: {  	[spmem:s1] =	stream.indirect.scatter.add.f32 [tilespmem:s26], [sflag:$0x3], $0x80, s18, s23, $0xb8;
	[tilespmem:$0x1E080] =	vst v63  }
0xcc: {  	_ =	swait.ge [sflag:s21], $0x3E80  }
0xcd: {  	s14 =	simm.s32 $0x400;
	[sflag:s21] =	ssyncset.done $0x0  }
.LBB2_8:
0xce: {  	p3 =	sne.s32 s14, $0x4800  }
0xcf: {  	[sflag:s21] =	ssyncadd.s32 $0xFFFFC180;
	s15 =	smov.u32 s14;
	s14 =	sadd.s32 $0x400, s14  }
0xd0: {  	_ = 	snop  }
0xd1: {  	_ =	swait.ge [sflag:s25], $0x3E80  }
0xd2: {  	s15 =	sshra.s32 s15, $0x2;
	[sflag:s25] =	ssyncset.done $0x0  }
0xd3: {  	s18 =	sadd.s32 $0x80, s15;
	[sflag:s25] =	ssyncadd.s32 $0xFFFFC180  }
0xd4: {  	[tilespmem:s26], [sflag:$0x2] =	stream.indirect.gather [hbm4b:s5+s23], $0x80, s18, s23, $0xb8;
	[tilespmem:$0x1E080] =	vst v63  }
0xd5: {  	s18 =	sadd.s32 $0x1400, s15  }
0xd6: {  	[spmem:s1] =	stream.indirect.scatter.add.f32 [tilespmem:s24], [sflag:$0x3], $0x80, s18, s23, $0xb8;
	[tilespmem:$0x1E080] =	vst v63  }
0xd7: {  	_ =	swait.ge [sflag:s21], $0x3E80  }
0xd8: {  	[sflag:s21] =	ssyncset.done $0x0  }
0xd9: {  	[sflag:s21] =	ssyncadd.s32 $0xFFFFC180  }
0xda: {  	_ =	swait.ge [sflag:s28], $0x3E80  }
0xdb: {  	[sflag:s28] =	ssyncset.done $0x0  }
0xdc: {  	s18 =	sadd.s32 $0x100, s15;
	[sflag:s28] =	ssyncadd.s32 $0xFFFFC180  }
0xdd: {  	[tilespmem:s24], [sflag:$0x1] =	stream.indirect.gather [hbm4b:s5+s23], $0x80, s18, s23, $0xb8;
	[tilespmem:$0x1E080] =	vst v63  }
.Ltmp7:
0xde: {  	_ = 	snop;
	(pc) =	sbr.rel @p3 .LBB2_8-.Ltmp7, $4  }
0xdf: {  	s15 =	sadd.s32 $0x1480, s15  }
0xe0: {  	[spmem:s1] =	stream.indirect.scatter.add.f32 [tilespmem:s26], [sflag:$0x3], $0x80, s15, s23, $0xb8;
	[tilespmem:$0x1E080] =	vst v63  }
0xe1: {  	_ =	swait.ge [sflag:s21], $0x3E80  }
0xe2: {  	[sflag:s21] =	ssyncset.done $0x0  }
0xe3: {  	[sflag:s21] =	ssyncadd.s32 $0xFFFFC180  }
0xe4: {  	_ =	swait.ge [sflag:s25], $0x3E80  }
0xe5: {  	[sflag:s25] =	ssyncset.done $0x0  }
0xe6: {  	[sflag:s25] =	ssyncadd.s32 $0xFFFFC180  }
0xe7: {  	[tilespmem:s26], [sflag:$0x2] =	stream.indirect.gather [hbm4b:s5+s23], $0x80, s29, s23, $0xb8;
	[tilespmem:$0x1E080] =	vst v63  }
0xe8: {  	_ = 	snop  }
0xe9: {  	[spmem:s1] =	stream.indirect.scatter.add.f32 [tilespmem:s24], [sflag:$0x3], $0x80, s30, s23, $0xb8;
	[tilespmem:$0x1E080] =	vst v63  }
0xea: {  	_ =	swait.ge [sflag:s21], $0x3E80  }
0xeb: {  	[sflag:s21] =	ssyncset.done $0x0  }
0xec: {  	[sflag:s21] =	ssyncadd.s32 $0xFFFFC180  }
0xed: {  	_ =	swait.ge [sflag:s28], $0x3E80  }
0xee: {  	[sflag:s28] =	ssyncset.done $0x0  }
0xef: {  	[sflag:s28] =	ssyncadd.s32 $0xFFFFC180  }
0xf0: {  	[spmem:s1] =	stream.indirect.scatter.add.f32 [tilespmem:s26], [sflag:$0x3], $0x80, s31, s23, $0xb8;
	[tilespmem:$0x1E080] =	vst v63  }
0xf1: {  	_ =	swait.ge [sflag:s21], $0x3E80  }
0xf2: {  	[sflag:s21] =	ssyncset.done $0x0  }
0xf3: {  	s14 =	simm.s32 $0x0;
	[sflag:s21] =	ssyncadd.s32 $0xFFFFC180  }
0xf4: {  	[tilespmem:s14], [sflag:$0x3] =	stream.linear.gather [hbm4b:s16+s14], $0x1400, $0x38;
	[tilespmem:$0x1E080] =	vst v63  }
0xf5: {  	_ =	swait.ge [sflag:s21], $0x1400  }
0xf6: {  	[sflag:s21] =	ssyncset.done $0x0  }
0xf7: {  	[sflag:s21] =	ssyncadd.s32 $0xFFFFEC00  }
0xf8: {  	[tilespmem:s22], [sflag:$0x3] =	stream.linear.gather [hbm4b:s17+s14], $0x1400, $0x38;
	[tilespmem:$0x1E080] =	vst v63  }
0xf9: {  	_ =	swait.ge [sflag:s21], $0x1400  }
0xfa: {  	[sflag:s21] =	ssyncset.done $0x0  }
0xfb: {  	[sflag:s21] =	ssyncadd.s32 $0xFFFFEC00  }
0xfc: {  	[tilespmem:s24], [sflag:$0x1] =	stream.indirect.gather [hbm4b:s5+s23], $0x80, s14, s23, $0xb8;
	[tilespmem:$0x1E080] =	vst v63  }
0xfd: {  	_ =	swait.ge [sflag:s25], $0x3E80  }
0xfe: {  	[sflag:s25] =	ssyncset.done $0x0  }
0xff: {  	s15 =	simm.s32 $0x80;
	[sflag:s25] =	ssyncadd.s32 $0xFFFFC180  }
0x100: {  	[tilespmem:s26], [sflag:$0x2] =	stream.indirect.gather [hbm4b:s5+s23], $0x80, s15, s23, $0xb8;
	[tilespmem:$0x1E080] =	vst v63  }
0x101: {  	s18 =	simm.s32 $0x1400  }
0x102: {  	[spmem:s1] =	stream.indirect.scatter.add.f32 [tilespmem:s24], [sflag:$0x3], $0x80, s18, s23, $0xb8;
	[tilespmem:$0x1E080] =	vst v63  }
0x103: {  	_ =	swait.ge [sflag:s21], $0x3E80  }
0x104: {  	[sflag:s21] =	ssyncset.done $0x0  }
0x105: {  	[sflag:s21] =	ssyncadd.s32 $0xFFFFC180  }
0x106: {  	_ =	swait.ge [sflag:s28], $0x3E80  }
0x107: {  	[sflag:s28] =	ssyncset.done $0x0  }
0x108: {  	s15 =	simm.s32 $0x100;
	[sflag:s28] =	ssyncadd.s32 $0xFFFFC180  }
0x109: {  	[tilespmem:s24], [sflag:$0x1] =	stream.indirect.gather [hbm4b:s5+s23], $0x80, s15, s23, $0xb8;
	[tilespmem:$0x1E080] =	vst v63  }
0x10a: {  	s18 =	simm.s32 $0x1480  }
0x10b: {  	[spmem:s1] =	stream.indirect.scatter.add.f32 [tilespmem:s26], [sflag:$0x3], $0x80, s18, s23, $0xb8;
	[tilespmem:$0x1E080] =	vst v63  }
0x10c: {  	_ =	swait.ge [sflag:s21], $0x3E80  }
0x10d: {  	s14 =	simm.s32 $0x400;
	[sflag:s21] =	ssyncset.done $0x0  }
.LBB2_10:
0x10e: {  	p3 =	sne.s32 s14, $0x4800  }
0x10f: {  	[sflag:s21] =	ssyncadd.s32 $0xFFFFC180;
	s15 =	smov.u32 s14;
	s14 =	sadd.s32 $0x400, s14  }
0x110: {  	_ = 	snop  }
0x111: {  	_ =	swait.ge [sflag:s25], $0x3E80  }
0x112: {  	s15 =	sshra.s32 s15, $0x2;
	[sflag:s25] =	ssyncset.done $0x0  }
0x113: {  	s18 =	sadd.s32 $0x80, s15;
	[sflag:s25] =	ssyncadd.s32 $0xFFFFC180  }
0x114: {  	[tilespmem:s26], [sflag:$0x2] =	stream.indirect.gather [hbm4b:s5+s23], $0x80, s18, s23, $0xb8;
	[tilespmem:$0x1E080] =	vst v63  }
0x115: {  	s18 =	sadd.s32 $0x1400, s15  }
0x116: {  	[spmem:s1] =	stream.indirect.scatter.add.f32 [tilespmem:s24], [sflag:$0x3], $0x80, s18, s23, $0xb8;
	[tilespmem:$0x1E080] =	vst v63  }
0x117: {  	_ =	swait.ge [sflag:s21], $0x3E80  }
0x118: {  	[sflag:s21] =	ssyncset.done $0x0  }
0x119: {  	[sflag:s21] =	ssyncadd.s32 $0xFFFFC180  }
0x11a: {  	_ =	swait.ge [sflag:s28], $0x3E80  }
0x11b: {  	[sflag:s28] =	ssyncset.done $0x0  }
0x11c: {  	s18 =	sadd.s32 $0x100, s15;
	[sflag:s28] =	ssyncadd.s32 $0xFFFFC180  }
0x11d: {  	[tilespmem:s24], [sflag:$0x1] =	stream.indirect.gather [hbm4b:s5+s23], $0x80, s18, s23, $0xb8;
	[tilespmem:$0x1E080] =	vst v63  }
.Ltmp8:
0x11e: {  	_ = 	snop;
	(pc) =	sbr.rel @p3 .LBB2_10-.Ltmp8, $4  }
0x11f: {  	s15 =	sadd.s32 $0x1480, s15  }
0x120: {  	[spmem:s1] =	stream.indirect.scatter.add.f32 [tilespmem:s26], [sflag:$0x3], $0x80, s15, s23, $0xb8;
	[tilespmem:$0x1E080] =	vst v63  }
0x121: {  	_ =	swait.ge [sflag:s21], $0x3E80  }
0x122: {  	[sflag:s21] =	ssyncset.done $0x0  }
0x123: {  	[sflag:s21] =	ssyncadd.s32 $0xFFFFC180  }
0x124: {  	_ =	swait.ge [sflag:s25], $0x3E80  }
0x125: {  	[sflag:s25] =	ssyncset.done $0x0  }
0x126: {  	[sflag:s25] =	ssyncadd.s32 $0xFFFFC180  }
0x127: {  	[tilespmem:s26], [sflag:$0x2] =	stream.indirect.gather [hbm4b:s5+s23], $0x80, s29, s23, $0xb8;
	[tilespmem:$0x1E080] =	vst v63  }
0x128: {  	_ = 	snop  }
0x129: {  	[spmem:s1] =	stream.indirect.scatter.add.f32 [tilespmem:s24], [sflag:$0x3], $0x80, s30, s23, $0xb8;
	[tilespmem:$0x1E080] =	vst v63  }
0x12a: {  	_ =	swait.ge [sflag:s21], $0x3E80  }
0x12b: {  	[sflag:s21] =	ssyncset.done $0x0  }
0x12c: {  	[sflag:s21] =	ssyncadd.s32 $0xFFFFC180  }
0x12d: {  	_ =	swait.ge [sflag:s28], $0x3E80  }
0x12e: {  	[sflag:s28] =	ssyncset.done $0x0  }
0x12f: {  	[sflag:s28] =	ssyncadd.s32 $0xFFFFC180  }
0x130: {  	[spmem:s1] =	stream.indirect.scatter.add.f32 [tilespmem:s26], [sflag:$0x3], $0x80, s31, s23, $0xb8;
	[tilespmem:$0x1E080] =	vst v63  }
0x131: {  	_ =	swait.ge [sflag:s21], $0x3E80  }
0x132: {  	[sflag:s21] =	ssyncset.done $0x0  }
0x133: {  	[sflag:s21] =	ssyncadd.s32 $0xFFFFC180  }
0x134: {  	[bflag:$0x0] =	sbarrier.arrive $0xFFFF  }
0x135: {  	s14 =	rddreg [dreg:$0x7]  }
0x136: {  	[hbm:s14], [sflag:s11] =	dma.local [spmem:s13], $0x2700  }
.Ltmp9:
0x137: {  	_ = 	snop;
	(pc) =	sbr.rel @p1 .LBB2_13-.Ltmp9, $4  }
.Ltmp10:
0x138: {  	_ = 	snop;
	(pc) =	sbr.rel @!p1 .LBB2_12-.Ltmp10, $4  }
0x139: {  	_ =	swait.ge [sflag:s21], $0x2700  }
0x13a: {  	[sflag:s21] =	ssyncset.done $0x0  }
0x13b: {  	s13 =	smov.u32 s7;
	[sflag:s21] =	ssyncadd.s32 $0xFFFFD900  }
0x13c: {  	_ = 	snop  }
.LBB2_14:
0x13d: {  	_ =	sfence.sel $0x180000  }
0x13e: {  	[bflag:$0x0] =	sbarrier.arrive $0xFFFF  }
0x13f: {  	_ =	strace $0x9000004A  }
0x140: {  	[bflag:$0x2] =	sbarrier.arrive $0xFFFF  }
0x141: {  	p0 =	sne.s32 s3, $0x0;
	s0 =	rddreg [dreg:$0x2]  }
0x142: {  	s0 =	sadd.s32 @!p0 $0x100000, s0  }
0x143: {  	[sflag:s0] =	ssyncadd.tile.s32 @!p0 $0x1;
	_ =	shalt  }
.Lfunc_end2:
_tile_overlayer_lowered:
.L_overlay_start_2:
0x144: {  	(tag) =	ssettag $0x2  }
0x145: {  	s0 =	rddreg [dreg:$0x0];
	s2 =	stileid.u32  }
0x146: {  	s1 =	rddreg [dreg:$0x1];
	p0 =	sne.s32 s2, $0x0  }
0x147: {  	s3 =	rddreg [dreg:$0x2];
	[bflag:$0x3] =	sbarrier.arrive $0xFFFF;
	s2 =	simm.s32 @!p0 $0x1C03  }
0x148: {  	[timem:s3], [sflag:s2] =	dma.local @!p0 [hbm:s0], s1  }
0x149: {  	s0 =	simm.s32 @!p0 $0x3  }
0x14a: {  	_ =	swait.ge @!p0 [sflag:s0], s1  }
0x14b: {  	s1 =	ssub.s32 @!p0 $0x0, s1;
	[sflag:s0] =	ssyncset.done @!p0 $0x0  }
0x14c: {  	[sflag:s0] =	ssyncadd.s32 @!p0 s1  }
0x14d: {  	[bflag:$0x3] =	sbarrier.arrive $0xFFFF  }
0x14e: {  	_ =	shalt  }

// kernel: kernel.16.cloned.1.call-start
scs
__scs_entry_jumppad:
0x0: {  	(pc) =	sbr.rel $0x88, $3  }
0x1: {  	(tag) =	ssettag $0x0;
	lr =	simm.s32 $0x1  }
0x2: {  	[smem:$0x3F8E] =	sst lr;
	_ =	strace $0xD0000000  }
0x3: {  	_ = 	snop  }
0x4: {  	_ = 	snop  }
0x5: {  	_ = 	snop  }
0x6: {  	_ = 	snop  }
0x7: {  	_ = 	snop  }
__scs_overlays_trampoline_lowered:
0x8: {  	[smem:$0x3F9D] =	sst s0  }
0x9: {  	[smem:$0x3F9E] =	sst s1  }
0xa: {  	[smem:$0x3F9F] =	sst s2  }
0xb: {  	[smem:$0x3FA0] =	sst s3  }
0xc: {  	[smem:$0x3FA1] =	sst s4  }
0xd: {  	[smem:$0x3FA2] =	sst s5  }
0xe: {  	[smem:$0x3FA3] =	sst s6  }
0xf: {  	[smem:$0x3FA4] =	sst s7  }
0x10: {  	[smem:$0x3FA5] =	sst s8  }
0x11: {  	[smem:$0x3FA6] =	sst s9;
	s0 =	simm.s32 @!p0 $0x0  }
0x12: {  	s1 =	sld [smem:$0x3F8C];
	s0 =	simm.s32 @p0 $0x1  }
0x13: {  	[smem:$0x3FA7] =	sst s0;
	s0 =	simm.s32 @!p1 $0x0  }
0x14: {  	s2 =	sld [smem:$0x3F8B];
	s0 =	simm.s32 @p1 $0x1  }
0x15: {  	[smem:$0x3FA8] =	sst s0;
	s0 =	simm.s32 @!p2 $0x0  }
0x16: {  	s3 =	sld [smem:$0x3FDB];
	s0 =	simm.s32 @p2 $0x1  }
0x17: {  	s4 =	simm.s32 $0x1BF5;
	[smem:$0x3FAA] =	sst s0  }
0x18: {  	s0 =	sld [smem:$0x3F8D];
	_ =	swait.ge [sflag:s4], $0x0  }
0x19: {  	s7 =	sld [smem:$0x3F8E]  }
0x1a: {  	s8 =	sadd.s32 $0xFFFFE003, lr  }
0x1b: {  	s9 =	sadd.s32 $0xFFFFFEF7, lr;
	s5 =	simm.s32 $0xFFFFFFFF;
	p2 =	slt.u32 s8, $0xFFFFF086  }
0x1c: {  	p1 =	slt.u32 s9, $0xF7A;
	s5 =	simm.s32 @!p2 $0x0  }
0x1d: {  	s5 =	simm.s32 @p1 $0x1;
	p0 =	seq.s32 s7, s2  }
0x1e: {  	s7 =	smul.u32 @!p0 $0xF7A, s2;
	p2 =	seq.s32 @!p0 s5, $0x0  }
0x1f: {  	s9 =	smul.u32 $0xF7A, s1;
	s8 =	simm.s32 @!p0 $0x1BF5;
	p2 =	por !p2, p0  }
0x20: {  	[sflag:s8] =	ssyncset.s32 @!p0 $0xFFFFF086;
	s6 =	sadd.s32 @!p0 s3, s7;
	s7 =	simm.s32 @!p0 $0x108  }
0x21: {  	s3 =	sadd.s32 s3, s9;
	s6 =	sadd.s32 @!p0 $0x88, s6;
	s7 =	simm.s32 @p2 $0x1082  }
0x22: {  	[simem:s7], [sflag:s8] =	dma.local @!p0 [hbm:s6], $0xF7A  }
0x23: {  	s9 =	sor.u32 $0xD0000000, s2;
	s6 =	simm.s32 $0x108;
	_ =	swait.ge @!p0 [sflag:s8], $0x0  }
0x24: {  	s3 =	sadd.s32 $0x88, s3;
	s6 =	simm.s32 @!p1 $0x1082;
	[sflag:s4] =	ssyncset.s32 $0xFFFFF086  }
0x25: {  	[simem:s6], [sflag:s4] =	dma.local [hbm:s3], $0xF7A  }
0x26: {  	[smem:$0x3F8E] =	sst s1;
	(tag) =	ssettag s2;
	_ =	strace s9  }
0x27: {  	s1 =	sld [smem:$0x3F9E]  }
0x28: {  	s2 =	sld [smem:$0x3F9F]  }
0x29: {  	s4 =	sld [smem:$0x3FA1]  }
0x2a: {  	p0 =	seq.s32 s5, $0x0;
	s5 =	sld [smem:$0x3FA2]  }
0x2b: {  	s6 =	sld [smem:$0x3FA3]  }
0x2c: {  	s7 =	sld [smem:$0x3FA4]  }
0x2d: {  	s3 =	simm.s32 $0x108;
	s8 =	sld [smem:$0x3FA5]  }
0x2e: {  	s3 =	simm.s32 @!p0 $0x1082;
	s9 =	sld [smem:$0x3FA6]  }
0x2f: {  	lr =	sadd.s32 s0, s3;
	s0 =	sld [smem:$0x3F9D]  }
0x30: {  	s3 =	sld [smem:$0x3FA0]  }
0x31: {  	[smem:$0x3FA9] =	sst s10  }
0x32: {  	s10 =	sld [smem:$0x3FA7];
	_ =	sdelay $0x3  }
0x33: {  	p0 =	seq.s32 s10, $0x1;
	s10 =	sld [smem:$0x3FA9];
	_ =	sdelay $0x3  }
0x34: {  	[smem:$0x3FA9] =	sst s10  }
0x35: {  	s10 =	sld [smem:$0x3FA8];
	_ =	sdelay $0x3  }
0x36: {  	p1 =	seq.s32 s10, $0x1;
	s10 =	sld [smem:$0x3FA9];
	_ =	sdelay $0x3  }
0x37: {  	[smem:$0x3FA9] =	sst s10  }
0x38: {  	s10 =	sld [smem:$0x3FAA]  }
0x39: {  	_ = 	snop;
	(pc) =	sbr.ind lr, $3  }
0x3a: {  	_ = 	snop  }
0x3b: {  	_ = 	snop  }
0x3c: {  	p2 =	seq.s32 s10, $0x1;
	s10 =	sld [smem:$0x3FA9]  }
0x3d: {  	_ =	shalt  }
0x3e: {  	_ =	shalt  }
0x3f: {  	_ =	shalt  }
0x40: {  	_ =	shalt  }
0x41: {  	_ =	shalt  }
0x42: {  	_ =	shalt  }
0x43: {  	_ =	shalt  }
0x44: {  	_ =	shalt  }
0x45: {  	_ =	shalt  }
0x46: {  	_ =	shalt  }
0x47: {  	_ =	shalt  }
0x48: {  	_ =	shalt  }
0x49: {  	_ =	shalt  }
0x4a: {  	_ =	shalt  }
0x4b: {  	_ =	shalt  }
0x4c: {  	_ =	shalt  }
0x4d: {  	_ =	shalt  }
0x4e: {  	_ =	shalt  }
0x4f: {  	_ =	shalt  }
0x50: {  	_ =	shalt  }
0x51: {  	_ =	shalt  }
0x52: {  	_ =	shalt  }
0x53: {  	_ =	shalt  }
0x54: {  	_ =	shalt  }
0x55: {  	_ =	shalt  }
0x56: {  	_ =	shalt  }
0x57: {  	_ =	shalt  }
0x58: {  	_ =	shalt  }
0x59: {  	_ =	shalt  }
0x5a: {  	_ =	shalt  }
0x5b: {  	_ =	shalt  }
0x5c: {  	_ =	shalt  }
0x5d: {  	_ =	shalt  }
0x5e: {  	_ =	shalt  }
0x5f: {  	_ =	shalt  }
0x60: {  	_ =	shalt  }
0x61: {  	_ =	shalt  }
0x62: {  	_ =	shalt  }
0x63: {  	_ =	shalt  }
0x64: {  	_ =	shalt  }
0x65: {  	_ =	shalt  }
0x66: {  	_ =	shalt  }
0x67: {  	_ =	shalt  }
0x68: {  	_ =	shalt  }
0x69: {  	_ =	shalt  }
0x6a: {  	_ =	shalt  }
0x6b: {  	_ =	shalt  }
0x6c: {  	_ =	shalt  }
0x6d: {  	_ =	shalt  }
0x6e: {  	_ =	shalt  }
0x6f: {  	_ =	shalt  }
0x70: {  	_ =	shalt  }
0x71: {  	_ =	shalt  }
0x72: {  	_ =	shalt  }
0x73: {  	_ =	shalt  }
0x74: {  	_ =	shalt  }
0x75: {  	_ =	shalt  }
0x76: {  	_ =	shalt  }
0x77: {  	_ =	shalt  }
0x78: {  	_ =	shalt  }
0x79: {  	_ =	shalt  }
0x7a: {  	_ =	shalt  }
0x7b: {  	_ =	shalt  }
0x7c: {  	_ =	shalt  }
0x7d: {  	_ =	shalt  }
0x7e: {  	_ =	shalt  }
0x7f: {  	_ =	shalt  }
0x80: {  	_ =	shalt  }
0x81: {  	_ =	shalt  }
0x82: {  	_ =	shalt  }
0x83: {  	_ =	shalt  }
0x84: {  	_ =	shalt  }
0x85: {  	_ =	shalt  }
0x86: {  	_ =	shalt  }
0x87: {  	_ =	shalt  }
.Lfunc_end0:
.L_simem_size_0:
called_computation.2_lowered:
.L_overlay_start_0:
0x88: {  	s2 =	sld [smem:$0x3FD9]  }
0x89: {  	s3 =	sld [smem:$0x3FFE];
	_ =	sdelay $0x1  }
0x8a: {  	s1 =	srdreg.scid  }
0x8b: {  	s0 =	sand.u32 $0x1, s1  }
0x8c: {  	s16 =	sshll.u32 s0, $0xA;
	s2 =	sadd.s32 s3, s2  }
0x8d: {  	s2 =	sadd.s32 s2, s16  }
0x8e: {  	[smem:$0x3FB5] =	sst s2  }
0x8f: {  	_ = 	snop  }
0x90: {  	(tm) =	ssettm $0x1  }
0x91: {  	s17 =	sld [smem:$0x3FFB];
	_ =	sdelay $0x3  }
0x92: {  	_ =	strace s17  }
0x93: {  	s2 =	sld [smem:$0x3FFC];
	_ =	sdelay $0x3  }
0x94: {  	_ =	strace s2  }
0x95: {  	s2 =	sld [smem:$0x3FFD];
	_ =	sdelay $0x3  }
0x96: {  	_ =	strace s2  }
0x97: {  	_ =	strace $0x8FFFFFFF  }
0x98: {  	s18 =	sld [smem:$0x3FDB];
	_ =	sdelay $0x1  }
0x99: {  	s19 =	simm.s32 $_scs_section_size  }
0x9a: {  	s4 =	simm.s32 $_size__tile_overlayer_lowered;
	s5 =	simm.s32 $_tile_overlayer_lowered  }
0x9b: {  	s22 =	simm.s32 $0x1BFF;
	s21 =	sshll.u32 s5, $0x1;
	s2 =	sadd.s32 s19, s18  }
0x9c: {  	s6 =	simm.s32 $0x0;
	s20 =	sshll.u32 s4, $0x1;
	s4 =	sadd.s32 s21, s2  }
0x9d: {  	[timem:s6], [sflag:s22] =	dma.local [hbm:s4], s20  }
0x9e: {  	_ =	swait.ge [sflag:s22], s20  }
0x9f: {  	s3 =	ssub.s32 $0x0, s20;
	[sflag:s22] =	ssyncset.done $0x0  }
0xa0: {  	[sflag:s22] =	ssyncadd.s32 s3;
	_ =	sdelay $0x1  }
0xa1: {  	s23 =	simm.s32 $0x1B8B  }
0xa2: {  	_ =	swait.ge [sflag:s23], $0x1  }
0xa3: {  	[sflag:s23] =	ssyncset.done $0x0  }
0xa4: {  	s25 =	simm.s32 $0x1B8E;
	s24 =	sld [smem:$0x3FFE];
	[sflag:s23] =	ssyncadd.s32 $0xFFFFFFFF  }
0xa5: {  	s26 =	simm.s32 $execute0_lowered;
	[smem:$0x3FD2] =	sst s25  }
0xa6: {  	s4 =	sshll.u32 s26, $0x1;
	_ =	strace $0x8000004C;
	[dreg:$0x1] =	wrdreg $0xFFFFFFFF  }
0xa7: {  	s28 =	simm.s32 $_size_execute0_lowered;
	s2 =	sadd.s32 s2, s4;
	[dreg:$0x0] =	wrdreg $0x0  }
0xa8: {  	s4 =	sshll.u32 s28, $0x1;
	[dreg:$0x2] =	wrdreg s2  }
0xa9: {  	[dreg:$0x3] =	wrdreg s4  }
0xaa: {  	[dreg:$0x4] =	wrdreg $0xC0  }
0xab: {  	_ =	task [dreg:s6], $0x5FFFF  }
0xac: {  	[dreg:$0x1] =	wrdreg $0xFFFFFFFF  }
0xad: {  	[dreg:$0x0] =	wrdreg $0x60  }
0xae: {  	[dreg:$0x2] =	wrdreg s24  }
0xaf: {  	[dreg:$0x3] =	wrdreg $0xA8000  }
0xb0: {  	[dreg:$0x4] =	wrdreg $0x9  }
0xb1: {  	_ =	task.clear_ibuf [dreg:s6], $0x5FFFF;
	_ =	strace $0x9000004C  }
0xb2: {  	s29 =	simm.s32 $0x9;
	_ =	strace $0x8000004E  }
0xb3: {  	_ =	swait.ge [sflag:s29], $0x1  }
0xb4: {  	[sflag:s29] =	ssyncadd.s32 $0xFFFFFFFF  }
0xb5: {  	_ =	strace $0x9000004E  }
0xb6: {  	_ =	sfence  }
0xb7: {  	s30 =	sld [smem:$0x0];
	_ =	sdelay $0x2  }
0xb8: {  	s31 =	sshll.u32 s1, $0xD;
	s1 =	sshrl.u32 s1, $0x2  }
0xb9: {  	s3 =	sand.u32 $0x4000, s31;
	s1 =	sadd.s32 s1, s30  }
0xba: {  	s0 =	sor.u32 s3, s0;
	s1 =	sshll.u32 s1, $0x11  }
0xbb: {  	s0 =	sor.u32 s1, s0  }
0xbc: {  	s0 =	sadd.s32 $0x8F2B, s0  }
0xbd: {  	[sflag:s0] =	ssyncadd.remote.s32 $0x1  }
0xbe: {  	_ =	sfence.sel $0xFFFF  }
0xbf: {  	[dreg:$0x0] =	wrdreg $0xFFFFFFFF;
	(pc) =	sbr.abs _section_cstart, $3  }
0xc0: {  	[dreg:$0x1] =	wrdreg $0xFFFFFFFF  }
0xc1: {  	_ =	task.clear_ibuf [dreg:s6], $0x2FFFF;
	_ =	strace $0x9FFFFFFF  }
0xc2: {  	(tm) =	ssettm $0x7FFFFFFF  }
0xc3: {  	_ =	shalt  }
tec
execute0_lowered:
.L_overlay_start_1:
0x0: {  	(tag) =	ssettag $0x1  }
0x1: {  	s0 =	rddreg [dreg:$0x0]  }
0x2: {  	s1 =	rddreg [dreg:$0x1];
	s2 =	simm.s32 $0x0  }
0x3: {  	s6 =	srdreg.scid;
	s3 =	stileid.u32;
	s21 =	simm.s32 $0x3  }
0x4: {  	s28 =	simm.s32 $0x2;
	s29 =	simm.s32 $0x1380;
	s30 =	simm.s32 $0x2700  }
0x5: {  	s31 =	simm.s32 $0x2780;
	[smem:$0x7FF] =	sst s2;
	s4 =	sadd.s32 $0xBA00, s0  }
0x6: {  	s5 =	sadd.s32 $0x86800, s0;
	s11 =	sadd.s32 $0x81800, s0;
	s9 =	smul.u32 $0x500, s3  }
0x7: {  	s13 =	sand.u32 $0x1, s6;
	s14 =	sadd.s32 $0x6A00, s0;
	s10 =	smul.u32 $0x4E000, s3  }
0x8: {  	s6 =	sadd.s32 $0xADA00, s0;
	s15 =	smul.u32 $0x2700, s3;
	s7 =	sadd.s32 $0xD4C00, s0  }
0x9: {  	s22 =	smul.u32 $0x2800, s3;
	s17 =	sadd.s32 $0xAD800, s0;
	s0 =	sadd.s32 $0x32A00, s0  }
0xa: {  	p1 =	sne.s32 s3, $0xF;
	_ =	strace $0x8000004D;
	[dreg:$0x4] =	wrdreg s17  }
0xb: {  	p2 =	seq.s32 s3, $0xF;
	s8 =	ssub.s32 $0x2, s13;
	[dreg:$0x6] =	wrdreg s0  }
0xc: {  	p0 =	sne.s32 s13, $0x0;
	s0 =	simm.s32 $0x0;
	s12 =	sshrl.u32 s8, $0x1  }
0xd: {  	s10 =	sshrl.u32 s10, $0x2;
	s16 =	sadd.s32 s5, s15;
	s23 =	sshrl.u32 s22, $0x3  }
0xe: {  	s25 =	sadd.s32 s4, s15;
	s26 =	sadd.s32 s7, s15;
	s19 =	sadd.s32 s6, s15  }
0xf: {  	s22 =	simm.s32 $0x1400;
	s20 =	ssub.s32 s8, s12;
	s8 =	sadd.s32 s11, s9  }
.Ltmp0:
0x10: {  	s9 =	sadd.s32 s14, s9;
	[dreg:$0x3] =	wrdreg s16;
	(pc) =	sbr.rel .LBB2_1-.Ltmp0, $4  }
0x11: {  	s10 =	sadd.s32 s10, s1;
	s12 =	sadd.s32 $0x138000, s1;
	[dreg:$0x5] =	wrdreg s25  }
0x12: {  	s24 =	sadd.s32 $0x280, s23;
	[dreg:$0x7] =	wrdreg s26;
	s23 =	simm.s32 $0x7D  }
0x13: {  	s25 =	simm.s32 $0x1;
	s26 =	simm.s32 $0x6800;
	s16 =	sadd.s32 s11, s24  }
0x14: {  	s17 =	sadd.s32 s14, s24;
	s20 =	smax.u32 s20, $0x1;
	s24 =	simm.s32 $0x2800  }
.LBB2_12:
0x15: {  	s13 =	sadd.s32 $0x27000, s13;
	s14 =	sshrl.u32 s12, $0x3  }
0x16: {  	[hbm:s13], [sflag:s11] =	dma.local [spmem:s14], $0x100  }
0x17: {  	_ =	swait.ge [sflag:s21], $0x100  }
0x18: {  	[sflag:s21] =	ssyncset.done $0x0  }
0x19: {  	[sflag:s21] =	ssyncadd.s32 $0xFFFFFF00  }
.LBB2_13:
0x1a: {  	s0 =	sadd.s32 $0x1, s0  }
0x1b: {  	p3 =	sne.s32 s0, s20  }
.Ltmp1:
0x1c: {  	_ = 	snop;
	(pc) =	sbr.rel @!p3 .LBB2_14-.Ltmp1, $1  }
0x1d: {  	_ =	sdelay $0x3  }
.LBB2_1:
0x1e: {  	[tilespmem:s2], [sflag:$0x3] =	stream.linear.gather [hbm4b:s8+s2], $0x1400, $0x38;
	[tilespmem:$0x1E080] =	vst v63  }
0x1f: {  	_ =	swait.ge [sflag:s21], $0x1400  }
0x20: {  	[sflag:s21] =	ssyncset.done $0x0  }
.Ltmp2:
0x21: {  	[sflag:s21] =	ssyncadd.s32 $0xFFFFEC00;
	(pc) =	sbr.rel @p0 .LBB2_7-.Ltmp2, $4  }
0x22: {  	[tilespmem:s22], [sflag:$0x3] =	stream.linear.gather [hbm4b:s9+s2], $0x1400, $0x38;
	[tilespmem:$0x1E080] =	vst v63  }
0x23: {  	_ =	swait.ge [sflag:s21], $0x1400  }
0x24: {  	s15 =	sshll.u32 s3, $0x6;
	s13 =	sshrl.u32 s10, $0x3;
	[sflag:s21] =	ssyncset.done $0x0  }
0x25: {  	s14 =	sshrl.u32 @!p1 s12, $0x3;
	s11 =	sor.u32 $0x1C03, s15;
	[sflag:s21] =	ssyncadd.s32 $0xFFFFEC00  }
0x26: {  	[tilespmem:s24], [sflag:$0x1] =	stream.indirect.gather [hbm4b:s4+s23], $0x80, s2, s23, $0xb8;
	[tilespmem:$0x1E080] =	vst v63  }
0x27: {  	s11 =	sor.u32 $0x1C03, s15;
	s18 =	rddreg [dreg:$0x5]  }
0x28: {  	[spmem:s13], [sflag:s11] =	dma.local [hbm:s18], $0x2700  }
0x29: {  	_ =	swait.ge [sflag:s21], $0x2700  }
0x2a: {  	[sflag:s21] =	ssyncset.done $0x0  }
0x2b: {  	s15 =	rddreg [dreg:$0x6];
	[sflag:s21] =	ssyncadd.s32 $0xFFFFD900  }
0x2c: {  	[spmem:s14], [sflag:s11] =	dma.local @!p1 [hbm:s15], $0x100  }
0x2d: {  	s14 =	simm.s32 @!p1 $0x3  }
0x2e: {  	_ =	swait.ge @!p1 [sflag:s14], $0x100  }
0x2f: {  	[sflag:s14] =	ssyncset.done @!p1 $0x0  }
0x30: {  	[sflag:s14] =	ssyncadd.s32 @!p1 $0xFFFFFF00  }
0x31: {  	[bflag:$0x0] =	sbarrier.arrive $0xFFFF  }
0x32: {  	_ =	swait.ge [sflag:s25], $0x3E80  }
0x33: {  	[sflag:s25] =	ssyncset.done $0x0  }
0x34: {  	s15 =	simm.s32 $0x80;
	[sflag:s25] =	ssyncadd.s32 $0xFFFFC180  }
0x35: {  	[tilespmem:s26], [sflag:$0x2] =	stream.indirect.gather [hbm4b:s4+s23], $0x80, s15, s23, $0xb8;
	[tilespmem:$0x1E080] =	vst v63  }
0x36: {  	s18 =	simm.s32 $0x1400  }
0x37: {  	[spmem:s1] =	stream.indirect.scatter.add.f32 [tilespmem:s24], [sflag:$0x3], $0x80, s18, s23, $0xb8;
	[tilespmem:$0x1E080] =	vst v63  }
0x38: {  	_ =	swait.ge [sflag:s21], $0x3E80  }
0x39: {  	[sflag:s21] =	ssyncset.done $0x0  }
0x3a: {  	[sflag:s21] =	ssyncadd.s32 $0xFFFFC180  }
0x3b: {  	_ =	swait.ge [sflag:s28], $0x3E80  }
0x3c: {  	[sflag:s28] =	ssyncset.done $0x0  }
0x3d: {  	s15 =	simm.s32 $0x100;
	[sflag:s28] =	ssyncadd.s32 $0xFFFFC180  }
0x3e: {  	[tilespmem:s24], [sflag:$0x1] =	stream.indirect.gather [hbm4b:s4+s23], $0x80, s15, s23, $0xb8;
	[tilespmem:$0x1E080] =	vst v63  }
0x3f: {  	s18 =	simm.s32 $0x1480  }
0x40: {  	[spmem:s1] =	stream.indirect.scatter.add.f32 [tilespmem:s26], [sflag:$0x3], $0x80, s18, s23, $0xb8;
	[tilespmem:$0x1E080] =	vst v63  }
0x41: {  	_ =	swait.ge [sflag:s21], $0x3E80  }
0x42: {  	s14 =	simm.s32 $0x400;
	[sflag:s21] =	ssyncset.done $0x0  }
.LBB2_3:
0x43: {  	p3 =	sne.s32 s14, $0x4800  }
0x44: {  	[sflag:s21] =	ssyncadd.s32 $0xFFFFC180;
	s15 =	smov.u32 s14;
	s14 =	sadd.s32 $0x400, s14  }
0x45: {  	_ = 	snop  }
0x46: {  	_ =	swait.ge [sflag:s25], $0x3E80  }
0x47: {  	s15 =	sshra.s32 s15, $0x2;
	[sflag:s25] =	ssyncset.done $0x0  }
0x48: {  	s18 =	sadd.s32 $0x80, s15;
	[sflag:s25] =	ssyncadd.s32 $0xFFFFC180  }
0x49: {  	[tilespmem:s26], [sflag:$0x2] =	stream.indirect.gather [hbm4b:s4+s23], $0x80, s18, s23, $0xb8;
	[tilespmem:$0x1E080] =	vst v63  }
0x4a: {  	s18 =	sadd.s32 $0x1400, s15  }
0x4b: {  	[spmem:s1] =	stream.indirect.scatter.add.f32 [tilespmem:s24], [sflag:$0x3], $0x80, s18, s23, $0xb8;
	[tilespmem:$0x1E080] =	vst v63  }
0x4c: {  	_ =	swait.ge [sflag:s21], $0x3E80  }
0x4d: {  	[sflag:s21] =	ssyncset.done $0x0  }
0x4e: {  	[sflag:s21] =	ssyncadd.s32 $0xFFFFC180  }
0x4f: {  	_ =	swait.ge [sflag:s28], $0x3E80  }
0x50: {  	[sflag:s28] =	ssyncset.done $0x0  }
0x51: {  	s18 =	sadd.s32 $0x100, s15;
	[sflag:s28] =	ssyncadd.s32 $0xFFFFC180  }
0x52: {  	[tilespmem:s24], [sflag:$0x1] =	stream.indirect.gather [hbm4b:s4+s23], $0x80, s18, s23, $0xb8;
	[tilespmem:$0x1E080] =	vst v63  }
.Ltmp3:
0x53: {  	_ = 	snop;
	(pc) =	sbr.rel @p3 .LBB2_3-.Ltmp3, $4  }
0x54: {  	s15 =	sadd.s32 $0x1480, s15  }
0x55: {  	[spmem:s1] =	stream.indirect.scatter.add.f32 [tilespmem:s26], [sflag:$0x3], $0x80, s15, s23, $0xb8;
	[tilespmem:$0x1E080] =	vst v63  }
0x56: {  	_ =	swait.ge [sflag:s21], $0x3E80  }
0x57: {  	[sflag:s21] =	ssyncset.done $0x0  }
0x58: {  	[sflag:s21] =	ssyncadd.s32 $0xFFFFC180  }
0x59: {  	_ =	swait.ge [sflag:s25], $0x3E80  }
0x5a: {  	[sflag:s25] =	ssyncset.done $0x0  }
0x5b: {  	[sflag:s25] =	ssyncadd.s32 $0xFFFFC180  }
0x5c: {  	[tilespmem:s26], [sflag:$0x2] =	stream.indirect.gather [hbm4b:s4+s23], $0x80, s29, s23, $0xb8;
	[tilespmem:$0x1E080] =	vst v63  }
0x5d: {  	_ = 	snop  }
0x5e: {  	[spmem:s1] =	stream.indirect.scatter.add.f32 [tilespmem:s24], [sflag:$0x3], $0x80, s30, s23, $0xb8;
	[tilespmem:$0x1E080] =	vst v63  }
0x5f: {  	_ =	swait.ge [sflag:s21], $0x3E80  }
0x60: {  	[sflag:s21] =	ssyncset.done $0x0  }
0x61: {  	[sflag:s21] =	ssyncadd.s32 $0xFFFFC180  }
0x62: {  	_ =	swait.ge [sflag:s28], $0x3E80  }
0x63: {  	[sflag:s28] =	ssyncset.done $0x0  }
0x64: {  	[sflag:s28] =	ssyncadd.s32 $0xFFFFC180  }
0x65: {  	[spmem:s1] =	stream.indirect.scatter.add.f32 [tilespmem:s26], [sflag:$0x3], $0x80, s31, s23, $0xb8;
	[tilespmem:$0x1E080] =	vst v63  }
0x66: {  	_ =	swait.ge [sflag:s21], $0x3E80  }
0x67: {  	[sflag:s21] =	ssyncset.done $0x0  }
0x68: {  	s14 =	simm.s32 $0x0;
	[sflag:s21] =	ssyncadd.s32 $0xFFFFC180  }
0x69: {  	[tilespmem:s14], [sflag:$0x3] =	stream.linear.gather [hbm4b:s16+s14], $0x1400, $0x38;
	[tilespmem:$0x1E080] =	vst v63  }
0x6a: {  	_ =	swait.ge [sflag:s21], $0x1400  }
0x6b: {  	[sflag:s21] =	ssyncset.done $0x0  }
0x6c: {  	[sflag:s21] =	ssyncadd.s32 $0xFFFFEC00  }
0x6d: {  	[tilespmem:s22], [sflag:$0x3] =	stream.linear.gather [hbm4b:s17+s14], $0x1400, $0x38;
	[tilespmem:$0x1E080] =	vst v63  }
0x6e: {  	_ =	swait.ge [sflag:s21], $0x1400  }
0x6f: {  	[sflag:s21] =	ssyncset.done $0x0  }
0x70: {  	[sflag:s21] =	ssyncadd.s32 $0xFFFFEC00  }
0x71: {  	[tilespmem:s24], [sflag:$0x1] =	stream.indirect.gather [hbm4b:s4+s23], $0x80, s14, s23, $0xb8;
	[tilespmem:$0x1E080] =	vst v63  }
0x72: {  	_ =	swait.ge [sflag:s25], $0x3E80  }
0x73: {  	[sflag:s25] =	ssyncset.done $0x0  }
0x74: {  	s15 =	simm.s32 $0x80;
	[sflag:s25] =	ssyncadd.s32 $0xFFFFC180  }
0x75: {  	[tilespmem:s26], [sflag:$0x2] =	stream.indirect.gather [hbm4b:s4+s23], $0x80, s15, s23, $0xb8;
	[tilespmem:$0x1E080] =	vst v63  }
0x76: {  	s18 =	simm.s32 $0x1400  }
0x77: {  	[spmem:s1] =	stream.indirect.scatter.add.f32 [tilespmem:s24], [sflag:$0x3], $0x80, s18, s23, $0xb8;
	[tilespmem:$0x1E080] =	vst v63  }
0x78: {  	_ =	swait.ge [sflag:s21], $0x3E80  }
0x79: {  	[sflag:s21] =	ssyncset.done $0x0  }
0x7a: {  	[sflag:s21] =	ssyncadd.s32 $0xFFFFC180  }
0x7b: {  	_ =	swait.ge [sflag:s28], $0x3E80  }
0x7c: {  	[sflag:s28] =	ssyncset.done $0x0  }
0x7d: {  	s15 =	simm.s32 $0x100;
	[sflag:s28] =	ssyncadd.s32 $0xFFFFC180  }
0x7e: {  	[tilespmem:s24], [sflag:$0x1] =	stream.indirect.gather [hbm4b:s4+s23], $0x80, s15, s23, $0xb8;
	[tilespmem:$0x1E080] =	vst v63  }
0x7f: {  	s18 =	simm.s32 $0x1480  }
0x80: {  	[spmem:s1] =	stream.indirect.scatter.add.f32 [tilespmem:s26], [sflag:$0x3], $0x80, s18, s23, $0xb8;
	[tilespmem:$0x1E080] =	vst v63  }
0x81: {  	_ =	swait.ge [sflag:s21], $0x3E80  }
0x82: {  	s14 =	simm.s32 $0x400;
	[sflag:s21] =	ssyncset.done $0x0  }
.LBB2_5:
0x83: {  	p3 =	sne.s32 s14, $0x4800  }
0x84: {  	[sflag:s21] =	ssyncadd.s32 $0xFFFFC180;
	s15 =	smov.u32 s14;
	s14 =	sadd.s32 $0x400, s14  }
0x85: {  	_ = 	snop  }
0x86: {  	_ =	swait.ge [sflag:s25], $0x3E80  }
0x87: {  	s15 =	sshra.s32 s15, $0x2;
	[sflag:s25] =	ssyncset.done $0x0  }
0x88: {  	s18 =	sadd.s32 $0x80, s15;
	[sflag:s25] =	ssyncadd.s32 $0xFFFFC180  }
0x89: {  	[tilespmem:s26], [sflag:$0x2] =	stream.indirect.gather [hbm4b:s4+s23], $0x80, s18, s23, $0xb8;
	[tilespmem:$0x1E080] =	vst v63  }
0x8a: {  	s18 =	sadd.s32 $0x1400, s15  }
0x8b: {  	[spmem:s1] =	stream.indirect.scatter.add.f32 [tilespmem:s24], [sflag:$0x3], $0x80, s18, s23, $0xb8;
	[tilespmem:$0x1E080] =	vst v63  }
0x8c: {  	_ =	swait.ge [sflag:s21], $0x3E80  }
0x8d: {  	[sflag:s21] =	ssyncset.done $0x0  }
0x8e: {  	[sflag:s21] =	ssyncadd.s32 $0xFFFFC180  }
0x8f: {  	_ =	swait.ge [sflag:s28], $0x3E80  }
0x90: {  	[sflag:s28] =	ssyncset.done $0x0  }
0x91: {  	s18 =	sadd.s32 $0x100, s15;
	[sflag:s28] =	ssyncadd.s32 $0xFFFFC180  }
0x92: {  	[tilespmem:s24], [sflag:$0x1] =	stream.indirect.gather [hbm4b:s4+s23], $0x80, s18, s23, $0xb8;
	[tilespmem:$0x1E080] =	vst v63  }
.Ltmp4:
0x93: {  	_ = 	snop;
	(pc) =	sbr.rel @p3 .LBB2_5-.Ltmp4, $4  }
0x94: {  	s15 =	sadd.s32 $0x1480, s15  }
0x95: {  	[spmem:s1] =	stream.indirect.scatter.add.f32 [tilespmem:s26], [sflag:$0x3], $0x80, s15, s23, $0xb8;
	[tilespmem:$0x1E080] =	vst v63  }
0x96: {  	_ =	swait.ge [sflag:s21], $0x3E80  }
0x97: {  	[sflag:s21] =	ssyncset.done $0x0  }
0x98: {  	[sflag:s21] =	ssyncadd.s32 $0xFFFFC180  }
0x99: {  	_ =	swait.ge [sflag:s25], $0x3E80  }
0x9a: {  	[sflag:s25] =	ssyncset.done $0x0  }
0x9b: {  	[sflag:s25] =	ssyncadd.s32 $0xFFFFC180  }
0x9c: {  	[tilespmem:s26], [sflag:$0x2] =	stream.indirect.gather [hbm4b:s4+s23], $0x80, s29, s23, $0xb8;
	[tilespmem:$0x1E080] =	vst v63  }
0x9d: {  	_ = 	snop  }
0x9e: {  	[spmem:s1] =	stream.indirect.scatter.add.f32 [tilespmem:s24], [sflag:$0x3], $0x80, s30, s23, $0xb8;
	[tilespmem:$0x1E080] =	vst v63  }
0x9f: {  	_ =	swait.ge [sflag:s21], $0x3E80  }
0xa0: {  	[sflag:s21] =	ssyncset.done $0x0  }
0xa1: {  	[sflag:s21] =	ssyncadd.s32 $0xFFFFC180  }
0xa2: {  	_ =	swait.ge [sflag:s28], $0x3E80  }
0xa3: {  	[sflag:s28] =	ssyncset.done $0x0  }
0xa4: {  	[sflag:s28] =	ssyncadd.s32 $0xFFFFC180  }
0xa5: {  	[spmem:s1] =	stream.indirect.scatter.add.f32 [tilespmem:s26], [sflag:$0x3], $0x80, s31, s23, $0xb8;
	[tilespmem:$0x1E080] =	vst v63  }
0xa6: {  	_ =	swait.ge [sflag:s21], $0x3E80  }
0xa7: {  	[sflag:s21] =	ssyncset.done $0x0  }
0xa8: {  	[sflag:s21] =	ssyncadd.s32 $0xFFFFC180  }
0xa9: {  	[bflag:$0x0] =	sbarrier.arrive $0xFFFF  }
0xaa: {  	[hbm:s19], [sflag:s11] =	dma.local [spmem:s13], $0x2700  }
.Ltmp5:
0xab: {  	_ = 	snop;
	(pc) =	sbr.rel @p2 .LBB2_12-.Ltmp5, $4  }
.Ltmp6:
0xac: {  	_ = 	snop;
	(pc) =	sbr.rel @!p2 .LBB2_13-.Ltmp6, $4  }
0xad: {  	_ =	swait.ge [sflag:s21], $0x2700  }
0xae: {  	[sflag:s21] =	ssyncset.done $0x0  }
0xaf: {  	s13 =	smov.u32 s6;
	[sflag:s21] =	ssyncadd.s32 $0xFFFFD900  }
0xb0: {  	_ = 	snop  }
.LBB2_7:
0xb1: {  	[tilespmem:s24], [sflag:$0x1] =	stream.indirect.gather [hbm4b:s5+s23], $0x80, s2, s23, $0xb8;
	[tilespmem:$0x1E080] =	vst v63  }
0xb2: {  	s15 =	rddreg [dreg:$0x3]  }
0xb3: {  	[spmem:s13], [sflag:s11] =	dma.local [hbm:s15], $0x2700  }
0xb4: {  	_ =	swait.ge [sflag:s21], $0x2700  }
0xb5: {  	[sflag:s21] =	ssyncset.done $0x0  }
0xb6: {  	s15 =	rddreg [dreg:$0x4];
	[sflag:s21] =	ssyncadd.s32 $0xFFFFD900  }
0xb7: {  	[spmem:s14], [sflag:s11] =	dma.local @!p1 [hbm:s15], $0x100  }
0xb8: {  	s14 =	simm.s32 @!p1 $0x3  }
0xb9: {  	_ =	swait.ge @!p1 [sflag:s14], $0x100  }
0xba: {  	[sflag:s14] =	ssyncset.done @!p1 $0x0  }
0xbb: {  	[sflag:s14] =	ssyncadd.s32 @!p1 $0xFFFFFF00  }
0xbc: {  	[bflag:$0x0] =	sbarrier.arrive $0xFFFF  }
0xbd: {  	_ =	swait.ge [sflag:s25], $0x3E80  }
0xbe: {  	[sflag:s25] =	ssyncset.done $0x0  }
0xbf: {  	s15 =	simm.s32 $0x80;
	[sflag:s25] =	ssyncadd.s32 $0xFFFFC180  }
0xc0: {  	[tilespmem:s26], [sflag:$0x2] =	stream.indirect.gather [hbm4b:s5+s23], $0x80, s15, s23, $0xb8;
	[tilespmem:$0x1E080] =	vst v63  }
0xc1: {  	s18 =	simm.s32 $0x1400  }
0xc2: {  	[spmem:s1] =	stream.indirect.scatter.add.f32 [tilespmem:s24], [sflag:$0x3], $0x80, s18, s23, $0xb8;
	[tilespmem:$0x1E080] =	vst v63  }
0xc3: {  	_ =	swait.ge [sflag:s21], $0x3E80  }
0xc4: {  	[sflag:s21] =	ssyncset.done $0x0  }
0xc5: {  	[sflag:s21] =	ssyncadd.s32 $0xFFFFC180  }
0xc6: {  	_ =	swait.ge [sflag:s28], $0x3E80  }
0xc7: {  	[sflag:s28] =	ssyncset.done $0x0  }
0xc8: {  	s15 =	simm.s32 $0x100;
	[sflag:s28] =	ssyncadd.s32 $0xFFFFC180  }
0xc9: {  	[tilespmem:s24], [sflag:$0x1] =	stream.indirect.gather [hbm4b:s5+s23], $0x80, s15, s23, $0xb8;
	[tilespmem:$0x1E080] =	vst v63  }
0xca: {  	s18 =	simm.s32 $0x1480  }
0xcb: {  	[spmem:s1] =	stream.indirect.scatter.add.f32 [tilespmem:s26], [sflag:$0x3], $0x80, s18, s23, $0xb8;
	[tilespmem:$0x1E080] =	vst v63  }
0xcc: {  	_ =	swait.ge [sflag:s21], $0x3E80  }
0xcd: {  	s14 =	simm.s32 $0x400;
	[sflag:s21] =	ssyncset.done $0x0  }
.LBB2_8:
0xce: {  	p3 =	sne.s32 s14, $0x4800  }
0xcf: {  	[sflag:s21] =	ssyncadd.s32 $0xFFFFC180;
	s15 =	smov.u32 s14;
	s14 =	sadd.s32 $0x400, s14  }
0xd0: {  	_ = 	snop  }
0xd1: {  	_ =	swait.ge [sflag:s25], $0x3E80  }
0xd2: {  	s15 =	sshra.s32 s15, $0x2;
	[sflag:s25] =	ssyncset.done $0x0  }
0xd3: {  	s18 =	sadd.s32 $0x80, s15;
	[sflag:s25] =	ssyncadd.s32 $0xFFFFC180  }
0xd4: {  	[tilespmem:s26], [sflag:$0x2] =	stream.indirect.gather [hbm4b:s5+s23], $0x80, s18, s23, $0xb8;
	[tilespmem:$0x1E080] =	vst v63  }
0xd5: {  	s18 =	sadd.s32 $0x1400, s15  }
0xd6: {  	[spmem:s1] =	stream.indirect.scatter.add.f32 [tilespmem:s24], [sflag:$0x3], $0x80, s18, s23, $0xb8;
	[tilespmem:$0x1E080] =	vst v63  }
0xd7: {  	_ =	swait.ge [sflag:s21], $0x3E80  }
0xd8: {  	[sflag:s21] =	ssyncset.done $0x0  }
0xd9: {  	[sflag:s21] =	ssyncadd.s32 $0xFFFFC180  }
0xda: {  	_ =	swait.ge [sflag:s28], $0x3E80  }
0xdb: {  	[sflag:s28] =	ssyncset.done $0x0  }
0xdc: {  	s18 =	sadd.s32 $0x100, s15;
	[sflag:s28] =	ssyncadd.s32 $0xFFFFC180  }
0xdd: {  	[tilespmem:s24], [sflag:$0x1] =	stream.indirect.gather [hbm4b:s5+s23], $0x80, s18, s23, $0xb8;
	[tilespmem:$0x1E080] =	vst v63  }
.Ltmp7:
0xde: {  	_ = 	snop;
	(pc) =	sbr.rel @p3 .LBB2_8-.Ltmp7, $4  }
0xdf: {  	s15 =	sadd.s32 $0x1480, s15  }
0xe0: {  	[spmem:s1] =	stream.indirect.scatter.add.f32 [tilespmem:s26], [sflag:$0x3], $0x80, s15, s23, $0xb8;
	[tilespmem:$0x1E080] =	vst v63  }
0xe1: {  	_ =	swait.ge [sflag:s21], $0x3E80  }
0xe2: {  	[sflag:s21] =	ssyncset.done $0x0  }
0xe3: {  	[sflag:s21] =	ssyncadd.s32 $0xFFFFC180  }
0xe4: {  	_ =	swait.ge [sflag:s25], $0x3E80  }
0xe5: {  	[sflag:s25] =	ssyncset.done $0x0  }
0xe6: {  	[sflag:s25] =	ssyncadd.s32 $0xFFFFC180  }
0xe7: {  	[tilespmem:s26], [sflag:$0x2] =	stream.indirect.gather [hbm4b:s5+s23], $0x80, s29, s23, $0xb8;
	[tilespmem:$0x1E080] =	vst v63  }
0xe8: {  	_ = 	snop  }
0xe9: {  	[spmem:s1] =	stream.indirect.scatter.add.f32 [tilespmem:s24], [sflag:$0x3], $0x80, s30, s23, $0xb8;
	[tilespmem:$0x1E080] =	vst v63  }
0xea: {  	_ =	swait.ge [sflag:s21], $0x3E80  }
0xeb: {  	[sflag:s21] =	ssyncset.done $0x0  }
0xec: {  	[sflag:s21] =	ssyncadd.s32 $0xFFFFC180  }
0xed: {  	_ =	swait.ge [sflag:s28], $0x3E80  }
0xee: {  	[sflag:s28] =	ssyncset.done $0x0  }
0xef: {  	[sflag:s28] =	ssyncadd.s32 $0xFFFFC180  }
0xf0: {  	[spmem:s1] =	stream.indirect.scatter.add.f32 [tilespmem:s26], [sflag:$0x3], $0x80, s31, s23, $0xb8;
	[tilespmem:$0x1E080] =	vst v63  }
0xf1: {  	_ =	swait.ge [sflag:s21], $0x3E80  }
0xf2: {  	[sflag:s21] =	ssyncset.done $0x0  }
0xf3: {  	s14 =	simm.s32 $0x0;
	[sflag:s21] =	ssyncadd.s32 $0xFFFFC180  }
0xf4: {  	[tilespmem:s14], [sflag:$0x3] =	stream.linear.gather [hbm4b:s16+s14], $0x1400, $0x38;
	[tilespmem:$0x1E080] =	vst v63  }
0xf5: {  	_ =	swait.ge [sflag:s21], $0x1400  }
0xf6: {  	[sflag:s21] =	ssyncset.done $0x0  }
0xf7: {  	[sflag:s21] =	ssyncadd.s32 $0xFFFFEC00  }
0xf8: {  	[tilespmem:s22], [sflag:$0x3] =	stream.linear.gather [hbm4b:s17+s14], $0x1400, $0x38;
	[tilespmem:$0x1E080] =	vst v63  }
0xf9: {  	_ =	swait.ge [sflag:s21], $0x1400  }
0xfa: {  	[sflag:s21] =	ssyncset.done $0x0  }
0xfb: {  	[sflag:s21] =	ssyncadd.s32 $0xFFFFEC00  }
0xfc: {  	[tilespmem:s24], [sflag:$0x1] =	stream.indirect.gather [hbm4b:s5+s23], $0x80, s14, s23, $0xb8;
	[tilespmem:$0x1E080] =	vst v63  }
0xfd: {  	_ =	swait.ge [sflag:s25], $0x3E80  }
0xfe: {  	[sflag:s25] =	ssyncset.done $0x0  }
0xff: {  	s15 =	simm.s32 $0x80;
	[sflag:s25] =	ssyncadd.s32 $0xFFFFC180  }
0x100: {  	[tilespmem:s26], [sflag:$0x2] =	stream.indirect.gather [hbm4b:s5+s23], $0x80, s15, s23, $0xb8;
	[tilespmem:$0x1E080] =	vst v63  }
0x101: {  	s18 =	simm.s32 $0x1400  }
0x102: {  	[spmem:s1] =	stream.indirect.scatter.add.f32 [tilespmem:s24], [sflag:$0x3], $0x80, s18, s23, $0xb8;
	[tilespmem:$0x1E080] =	vst v63  }
0x103: {  	_ =	swait.ge [sflag:s21], $0x3E80  }
0x104: {  	[sflag:s21] =	ssyncset.done $0x0  }
0x105: {  	[sflag:s21] =	ssyncadd.s32 $0xFFFFC180  }
0x106: {  	_ =	swait.ge [sflag:s28], $0x3E80  }
0x107: {  	[sflag:s28] =	ssyncset.done $0x0  }
0x108: {  	s15 =	simm.s32 $0x100;
	[sflag:s28] =	ssyncadd.s32 $0xFFFFC180  }
0x109: {  	[tilespmem:s24], [sflag:$0x1] =	stream.indirect.gather [hbm4b:s5+s23], $0x80, s15, s23, $0xb8;
	[tilespmem:$0x1E080] =	vst v63  }
0x10a: {  	s18 =	simm.s32 $0x1480  }
0x10b: {  	[spmem:s1] =	stream.indirect.scatter.add.f32 [tilespmem:s26], [sflag:$0x3], $0x80, s18, s23, $0xb8;
	[tilespmem:$0x1E080] =	vst v63  }
0x10c: {  	_ =	swait.ge [sflag:s21], $0x3E80  }
0x10d: {  	s14 =	simm.s32 $0x400;
	[sflag:s21] =	ssyncset.done $0x0  }
.LBB2_10:
0x10e: {  	p3 =	sne.s32 s14, $0x4800  }
0x10f: {  	[sflag:s21] =	ssyncadd.s32 $0xFFFFC180;
	s15 =	smov.u32 s14;
	s14 =	sadd.s32 $0x400, s14  }
0x110: {  	_ = 	snop  }
0x111: {  	_ =	swait.ge [sflag:s25], $0x3E80  }
0x112: {  	s15 =	sshra.s32 s15, $0x2;
	[sflag:s25] =	ssyncset.done $0x0  }
0x113: {  	s18 =	sadd.s32 $0x80, s15;
	[sflag:s25] =	ssyncadd.s32 $0xFFFFC180  }
0x114: {  	[tilespmem:s26], [sflag:$0x2] =	stream.indirect.gather [hbm4b:s5+s23], $0x80, s18, s23, $0xb8;
	[tilespmem:$0x1E080] =	vst v63  }
0x115: {  	s18 =	sadd.s32 $0x1400, s15  }
0x116: {  	[spmem:s1] =	stream.indirect.scatter.add.f32 [tilespmem:s24], [sflag:$0x3], $0x80, s18, s23, $0xb8;
	[tilespmem:$0x1E080] =	vst v63  }
0x117: {  	_ =	swait.ge [sflag:s21], $0x3E80  }
0x118: {  	[sflag:s21] =	ssyncset.done $0x0  }
0x119: {  	[sflag:s21] =	ssyncadd.s32 $0xFFFFC180  }
0x11a: {  	_ =	swait.ge [sflag:s28], $0x3E80  }
0x11b: {  	[sflag:s28] =	ssyncset.done $0x0  }
0x11c: {  	s18 =	sadd.s32 $0x100, s15;
	[sflag:s28] =	ssyncadd.s32 $0xFFFFC180  }
0x11d: {  	[tilespmem:s24], [sflag:$0x1] =	stream.indirect.gather [hbm4b:s5+s23], $0x80, s18, s23, $0xb8;
	[tilespmem:$0x1E080] =	vst v63  }
.Ltmp8:
0x11e: {  	_ = 	snop;
	(pc) =	sbr.rel @p3 .LBB2_10-.Ltmp8, $4  }
0x11f: {  	s15 =	sadd.s32 $0x1480, s15  }
0x120: {  	[spmem:s1] =	stream.indirect.scatter.add.f32 [tilespmem:s26], [sflag:$0x3], $0x80, s15, s23, $0xb8;
	[tilespmem:$0x1E080] =	vst v63  }
0x121: {  	_ =	swait.ge [sflag:s21], $0x3E80  }
0x122: {  	[sflag:s21] =	ssyncset.done $0x0  }
0x123: {  	[sflag:s21] =	ssyncadd.s32 $0xFFFFC180  }
0x124: {  	_ =	swait.ge [sflag:s25], $0x3E80  }
0x125: {  	[sflag:s25] =	ssyncset.done $0x0  }
0x126: {  	[sflag:s25] =	ssyncadd.s32 $0xFFFFC180  }
0x127: {  	[tilespmem:s26], [sflag:$0x2] =	stream.indirect.gather [hbm4b:s5+s23], $0x80, s29, s23, $0xb8;
	[tilespmem:$0x1E080] =	vst v63  }
0x128: {  	_ = 	snop  }
0x129: {  	[spmem:s1] =	stream.indirect.scatter.add.f32 [tilespmem:s24], [sflag:$0x3], $0x80, s30, s23, $0xb8;
	[tilespmem:$0x1E080] =	vst v63  }
0x12a: {  	_ =	swait.ge [sflag:s21], $0x3E80  }
0x12b: {  	[sflag:s21] =	ssyncset.done $0x0  }
0x12c: {  	[sflag:s21] =	ssyncadd.s32 $0xFFFFC180  }
0x12d: {  	_ =	swait.ge [sflag:s28], $0x3E80  }
0x12e: {  	[sflag:s28] =	ssyncset.done $0x0  }
0x12f: {  	[sflag:s28] =	ssyncadd.s32 $0xFFFFC180  }
0x130: {  	[spmem:s1] =	stream.indirect.scatter.add.f32 [tilespmem:s26], [sflag:$0x3], $0x80, s31, s23, $0xb8;
	[tilespmem:$0x1E080] =	vst v63  }
0x131: {  	_ =	swait.ge [sflag:s21], $0x3E80  }
0x132: {  	[sflag:s21] =	ssyncset.done $0x0  }
0x133: {  	[sflag:s21] =	ssyncadd.s32 $0xFFFFC180  }
0x134: {  	[bflag:$0x0] =	sbarrier.arrive $0xFFFF  }
0x135: {  	s14 =	rddreg [dreg:$0x7]  }
0x136: {  	[hbm:s14], [sflag:s11] =	dma.local [spmem:s13], $0x2700  }
.Ltmp9:
0x137: {  	_ = 	snop;
	(pc) =	sbr.rel @p1 .LBB2_13-.Ltmp9, $4  }
.Ltmp10:
0x138: {  	_ = 	snop;
	(pc) =	sbr.rel @!p1 .LBB2_12-.Ltmp10, $4  }
0x139: {  	_ =	swait.ge [sflag:s21], $0x2700  }
0x13a: {  	[sflag:s21] =	ssyncset.done $0x0  }
0x13b: {  	s13 =	smov.u32 s7;
	[sflag:s21] =	ssyncadd.s32 $0xFFFFD900  }
0x13c: {  	_ = 	snop  }
.LBB2_14:
0x13d: {  	_ =	sfence.sel $0x180000  }
0x13e: {  	[bflag:$0x0] =	sbarrier.arrive $0xFFFF  }
0x13f: {  	_ =	strace $0x9000004D  }
0x140: {  	[bflag:$0x2] =	sbarrier.arrive $0xFFFF  }
0x141: {  	p0 =	sne.s32 s3, $0x0;
	s0 =	rddreg [dreg:$0x2]  }
0x142: {  	s0 =	sadd.s32 @!p0 $0x100000, s0  }
0x143: {  	[sflag:s0] =	ssyncadd.tile.s32 @!p0 $0x1;
	_ =	shalt  }
.Lfunc_end2:
_tile_overlayer_lowered:
.L_overlay_start_2:
0x144: {  	(tag) =	ssettag $0x2  }
0x145: {  	s0 =	rddreg [dreg:$0x0];
	s2 =	stileid.u32  }
0x146: {  	s1 =	rddreg [dreg:$0x1];
	p0 =	sne.s32 s2, $0x0  }
0x147: {  	s3 =	rddreg [dreg:$0x2];
	[bflag:$0x3] =	sbarrier.arrive $0xFFFF;
	s2 =	simm.s32 @!p0 $0x1C03  }
0x148: {  	[timem:s3], [sflag:s2] =	dma.local @!p0 [hbm:s0], s1  }
0x149: {  	s0 =	simm.s32 @!p0 $0x3  }
0x14a: {  	_ =	swait.ge @!p0 [sflag:s0], s1  }
0x14b: {  	s1 =	ssub.s32 @!p0 $0x0, s1;
	[sflag:s0] =	ssyncset.done @!p0 $0x0  }
0x14c: {  	[sflag:s0] =	ssyncadd.s32 @!p0 s1  }
0x14d: {  	[bflag:$0x3] =	sbarrier.arrive $0xFFFF  }
0x14e: {  	_ =	shalt  }

// kernel: kernel.19.cloned.1.call-start
scs
__scs_entry_jumppad:
0x0: {  	(pc) =	sbr.rel $0x88, $3  }
0x1: {  	(tag) =	ssettag $0x0;
	lr =	simm.s32 $0x1  }
0x2: {  	[smem:$0x3F8E] =	sst lr;
	_ =	strace $0xD0000000  }
0x3: {  	_ = 	snop  }
0x4: {  	_ = 	snop  }
0x5: {  	_ = 	snop  }
0x6: {  	_ = 	snop  }
0x7: {  	_ = 	snop  }
__scs_overlays_trampoline_lowered:
0x8: {  	[smem:$0x3F9D] =	sst s0  }
0x9: {  	[smem:$0x3F9E] =	sst s1  }
0xa: {  	[smem:$0x3F9F] =	sst s2  }
0xb: {  	[smem:$0x3FA0] =	sst s3  }
0xc: {  	[smem:$0x3FA1] =	sst s4  }
0xd: {  	[smem:$0x3FA2] =	sst s5  }
0xe: {  	[smem:$0x3FA3] =	sst s6  }
0xf: {  	[smem:$0x3FA4] =	sst s7  }
0x10: {  	[smem:$0x3FA5] =	sst s8  }
0x11: {  	[smem:$0x3FA6] =	sst s9;
	s0 =	simm.s32 @!p0 $0x0  }
0x12: {  	s1 =	sld [smem:$0x3F8C];
	s0 =	simm.s32 @p0 $0x1  }
0x13: {  	[smem:$0x3FA7] =	sst s0;
	s0 =	simm.s32 @!p1 $0x0  }
0x14: {  	s2 =	sld [smem:$0x3F8B];
	s0 =	simm.s32 @p1 $0x1  }
0x15: {  	[smem:$0x3FA8] =	sst s0;
	s0 =	simm.s32 @!p2 $0x0  }
0x16: {  	s3 =	sld [smem:$0x3FDB];
	s0 =	simm.s32 @p2 $0x1  }
0x17: {  	s4 =	simm.s32 $0x1BF5;
	[smem:$0x3FAA] =	sst s0  }
0x18: {  	s0 =	sld [smem:$0x3F8D];
	_ =	swait.ge [sflag:s4], $0x0  }
0x19: {  	s7 =	sld [smem:$0x3F8E]  }
0x1a: {  	s8 =	sadd.s32 $0xFFFFE003, lr  }
0x1b: {  	s9 =	sadd.s32 $0xFFFFFEF7, lr;
	s5 =	simm.s32 $0xFFFFFFFF;
	p2 =	slt.u32 s8, $0xFFFFF086  }
0x1c: {  	p1 =	slt.u32 s9, $0xF7A;
	s5 =	simm.s32 @!p2 $0x0  }
0x1d: {  	s5 =	simm.s32 @p1 $0x1;
	p0 =	seq.s32 s7, s2  }
0x1e: {  	s7 =	smul.u32 @!p0 $0xF7A, s2;
	p2 =	seq.s32 @!p0 s5, $0x0  }
0x1f: {  	s9 =	smul.u32 $0xF7A, s1;
	s8 =	simm.s32 @!p0 $0x1BF5;
	p2 =	por !p2, p0  }
0x20: {  	[sflag:s8] =	ssyncset.s32 @!p0 $0xFFFFF086;
	s6 =	sadd.s32 @!p0 s3, s7;
	s7 =	simm.s32 @!p0 $0x108  }
0x21: {  	s3 =	sadd.s32 s3, s9;
	s6 =	sadd.s32 @!p0 $0x88, s6;
	s7 =	simm.s32 @p2 $0x1082  }
0x22: {  	[simem:s7], [sflag:s8] =	dma.local @!p0 [hbm:s6], $0xF7A  }
0x23: {  	s9 =	sor.u32 $0xD0000000, s2;
	s6 =	simm.s32 $0x108;
	_ =	swait.ge @!p0 [sflag:s8], $0x0  }
0x24: {  	s3 =	sadd.s32 $0x88, s3;
	s6 =	simm.s32 @!p1 $0x1082;
	[sflag:s4] =	ssyncset.s32 $0xFFFFF086  }
0x25: {  	[simem:s6], [sflag:s4] =	dma.local [hbm:s3], $0xF7A  }
0x26: {  	[smem:$0x3F8E] =	sst s1;
	(tag) =	ssettag s2;
	_ =	strace s9  }
0x27: {  	s1 =	sld [smem:$0x3F9E]  }
0x28: {  	s2 =	sld [smem:$0x3F9F]  }
0x29: {  	s4 =	sld [smem:$0x3FA1]  }
0x2a: {  	p0 =	seq.s32 s5, $0x0;
	s5 =	sld [smem:$0x3FA2]  }
0x2b: {  	s6 =	sld [smem:$0x3FA3]  }
0x2c: {  	s7 =	sld [smem:$0x3FA4]  }
0x2d: {  	s3 =	simm.s32 $0x108;
	s8 =	sld [smem:$0x3FA5]  }
0x2e: {  	s3 =	simm.s32 @!p0 $0x1082;
	s9 =	sld [smem:$0x3FA6]  }
0x2f: {  	lr =	sadd.s32 s0, s3;
	s0 =	sld [smem:$0x3F9D]  }
0x30: {  	s3 =	sld [smem:$0x3FA0]  }
0x31: {  	[smem:$0x3FA9] =	sst s10  }
0x32: {  	s10 =	sld [smem:$0x3FA7];
	_ =	sdelay $0x3  }
0x33: {  	p0 =	seq.s32 s10, $0x1;
	s10 =	sld [smem:$0x3FA9];
	_ =	sdelay $0x3  }
0x34: {  	[smem:$0x3FA9] =	sst s10  }
0x35: {  	s10 =	sld [smem:$0x3FA8];
	_ =	sdelay $0x3  }
0x36: {  	p1 =	seq.s32 s10, $0x1;
	s10 =	sld [smem:$0x3FA9];
	_ =	sdelay $0x3  }
0x37: {  	[smem:$0x3FA9] =	sst s10  }
0x38: {  	s10 =	sld [smem:$0x3FAA]  }
0x39: {  	_ = 	snop;
	(pc) =	sbr.ind lr, $3  }
0x3a: {  	_ = 	snop  }
0x3b: {  	_ = 	snop  }
0x3c: {  	p2 =	seq.s32 s10, $0x1;
	s10 =	sld [smem:$0x3FA9]  }
0x3d: {  	_ =	shalt  }
0x3e: {  	_ =	shalt  }
0x3f: {  	_ =	shalt  }
0x40: {  	_ =	shalt  }
0x41: {  	_ =	shalt  }
0x42: {  	_ =	shalt  }
0x43: {  	_ =	shalt  }
0x44: {  	_ =	shalt  }
0x45: {  	_ =	shalt  }
0x46: {  	_ =	shalt  }
0x47: {  	_ =	shalt  }
0x48: {  	_ =	shalt  }
0x49: {  	_ =	shalt  }
0x4a: {  	_ =	shalt  }
0x4b: {  	_ =	shalt  }
0x4c: {  	_ =	shalt  }
0x4d: {  	_ =	shalt  }
0x4e: {  	_ =	shalt  }
0x4f: {  	_ =	shalt  }
0x50: {  	_ =	shalt  }
0x51: {  	_ =	shalt  }
0x52: {  	_ =	shalt  }
0x53: {  	_ =	shalt  }
0x54: {  	_ =	shalt  }
0x55: {  	_ =	shalt  }
0x56: {  	_ =	shalt  }
0x57: {  	_ =	shalt  }
0x58: {  	_ =	shalt  }
0x59: {  	_ =	shalt  }
0x5a: {  	_ =	shalt  }
0x5b: {  	_ =	shalt  }
0x5c: {  	_ =	shalt  }
0x5d: {  	_ =	shalt  }
0x5e: {  	_ =	shalt  }
0x5f: {  	_ =	shalt  }
0x60: {  	_ =	shalt  }
0x61: {  	_ =	shalt  }
0x62: {  	_ =	shalt  }
0x63: {  	_ =	shalt  }
0x64: {  	_ =	shalt  }
0x65: {  	_ =	shalt  }
0x66: {  	_ =	shalt  }
0x67: {  	_ =	shalt  }
0x68: {  	_ =	shalt  }
0x69: {  	_ =	shalt  }
0x6a: {  	_ =	shalt  }
0x6b: {  	_ =	shalt  }
0x6c: {  	_ =	shalt  }
0x6d: {  	_ =	shalt  }
0x6e: {  	_ =	shalt  }
0x6f: {  	_ =	shalt  }
0x70: {  	_ =	shalt  }
0x71: {  	_ =	shalt  }
0x72: {  	_ =	shalt  }
0x73: {  	_ =	shalt  }
0x74: {  	_ =	shalt  }
0x75: {  	_ =	shalt  }
0x76: {  	_ =	shalt  }
0x77: {  	_ =	shalt  }
0x78: {  	_ =	shalt  }
0x79: {  	_ =	shalt  }
0x7a: {  	_ =	shalt  }
0x7b: {  	_ =	shalt  }
0x7c: {  	_ =	shalt  }
0x7d: {  	_ =	shalt  }
0x7e: {  	_ =	shalt  }
0x7f: {  	_ =	shalt  }
0x80: {  	_ =	shalt  }
0x81: {  	_ =	shalt  }
0x82: {  	_ =	shalt  }
0x83: {  	_ =	shalt  }
0x84: {  	_ =	shalt  }
0x85: {  	_ =	shalt  }
0x86: {  	_ =	shalt  }
0x87: {  	_ =	shalt  }
.Lfunc_end0:
.L_simem_size_0:
called_computation.3_lowered:
.L_overlay_start_0:
0x88: {  	s2 =	sld [smem:$0x3FD9]  }
0x89: {  	s3 =	sld [smem:$0x3FFE];
	_ =	sdelay $0x1  }
0x8a: {  	s1 =	srdreg.scid  }
0x8b: {  	s0 =	sand.u32 $0x1, s1  }
0x8c: {  	s16 =	sshll.u32 s0, $0xA;
	s2 =	sadd.s32 s3, s2  }
0x8d: {  	s2 =	sadd.s32 s2, s16  }
0x8e: {  	[smem:$0x3FB5] =	sst s2  }
0x8f: {  	_ = 	snop  }
0x90: {  	(tm) =	ssettm $0x1  }
0x91: {  	s17 =	sld [smem:$0x3FFB];
	_ =	sdelay $0x3  }
0x92: {  	_ =	strace s17  }
0x93: {  	s2 =	sld [smem:$0x3FFC];
	_ =	sdelay $0x3  }
0x94: {  	_ =	strace s2  }
0x95: {  	s2 =	sld [smem:$0x3FFD];
	_ =	sdelay $0x3  }
0x96: {  	_ =	strace s2  }
0x97: {  	_ =	strace $0x8FFFFFFF  }
0x98: {  	s18 =	sld [smem:$0x3FDB];
	_ =	sdelay $0x1  }
0x99: {  	s19 =	simm.s32 $_scs_section_size  }
0x9a: {  	s4 =	simm.s32 $_size__tile_overlayer_lowered;
	s5 =	simm.s32 $_tile_overlayer_lowered  }
0x9b: {  	s22 =	simm.s32 $0x1BFF;
	s21 =	sshll.u32 s5, $0x1;
	s2 =	sadd.s32 s19, s18  }
0x9c: {  	s6 =	simm.s32 $0x0;
	s20 =	sshll.u32 s4, $0x1;
	s4 =	sadd.s32 s21, s2  }
0x9d: {  	[timem:s6], [sflag:s22] =	dma.local [hbm:s4], s20  }
0x9e: {  	_ =	swait.ge [sflag:s22], s20  }
0x9f: {  	s3 =	ssub.s32 $0x0, s20;
	[sflag:s22] =	ssyncset.done $0x0  }
0xa0: {  	[sflag:s22] =	ssyncadd.s32 s3;
	_ =	sdelay $0x1  }
0xa1: {  	s23 =	simm.s32 $0x1B8B  }
0xa2: {  	_ =	swait.ge [sflag:s23], $0x1  }
0xa3: {  	[sflag:s23] =	ssyncset.done $0x0  }
0xa4: {  	s25 =	simm.s32 $0x1B8E;
	s24 =	sld [smem:$0x3FFE];
	[sflag:s23] =	ssyncadd.s32 $0xFFFFFFFF  }
0xa5: {  	s26 =	simm.s32 $execute0_lowered;
	[smem:$0x3FD2] =	sst s25  }
0xa6: {  	s4 =	sshll.u32 s26, $0x1;
	_ =	strace $0x8000004F;
	[dreg:$0x1] =	wrdreg $0xFFFFFFFF  }
0xa7: {  	s28 =	simm.s32 $_size_execute0_lowered;
	s2 =	sadd.s32 s2, s4;
	[dreg:$0x0] =	wrdreg $0x0  }
0xa8: {  	s4 =	sshll.u32 s28, $0x1;
	[dreg:$0x2] =	wrdreg s2  }
0xa9: {  	[dreg:$0x3] =	wrdreg s4  }
0xaa: {  	[dreg:$0x4] =	wrdreg $0xC0  }
0xab: {  	_ =	task [dreg:s6], $0x5FFFF  }
0xac: {  	[dreg:$0x1] =	wrdreg $0xFFFFFFFF  }
0xad: {  	[dreg:$0x0] =	wrdreg $0x60  }
0xae: {  	[dreg:$0x2] =	wrdreg s24  }
0xaf: {  	[dreg:$0x3] =	wrdreg $0xA8000  }
0xb0: {  	[dreg:$0x4] =	wrdreg $0x9  }
0xb1: {  	_ =	task.clear_ibuf [dreg:s6], $0x5FFFF;
	_ =	strace $0x9000004F  }
0xb2: {  	s29 =	simm.s32 $0x9;
	_ =	strace $0x80000051  }
0xb3: {  	_ =	swait.ge [sflag:s29], $0x1  }
0xb4: {  	[sflag:s29] =	ssyncadd.s32 $0xFFFFFFFF  }
0xb5: {  	_ =	strace $0x90000051  }
0xb6: {  	_ =	sfence  }
0xb7: {  	s30 =	sld [smem:$0x0];
	_ =	sdelay $0x2  }
0xb8: {  	s31 =	sshll.u32 s1, $0xD;
	s1 =	sshrl.u32 s1, $0x2  }
0xb9: {  	s3 =	sand.u32 $0x4000, s31;
	s1 =	sadd.s32 s1, s30  }
0xba: {  	s0 =	sor.u32 s3, s0;
	s1 =	sshll.u32 s1, $0x11  }
0xbb: {  	s0 =	sor.u32 s1, s0  }
0xbc: {  	s0 =	sadd.s32 $0x8F2B, s0  }
0xbd: {  	[sflag:s0] =	ssyncadd.remote.s32 $0x1  }
0xbe: {  	_ =	sfence.sel $0xFFFF  }
0xbf: {  	[dreg:$0x0] =	wrdreg $0xFFFFFFFF;
	(pc) =	sbr.abs _section_cstart, $3  }
0xc0: {  	[dreg:$0x1] =	wrdreg $0xFFFFFFFF  }
0xc1: {  	_ =	task.clear_ibuf [dreg:s6], $0x2FFFF;
	_ =	strace $0x9FFFFFFF  }
0xc2: {  	(tm) =	ssettm $0x7FFFFFFF  }
0xc3: {  	_ =	shalt  }
tec
execute0_lowered:
.L_overlay_start_1:
0x0: {  	(tag) =	ssettag $0x1  }
0x1: {  	s0 =	rddreg [dreg:$0x0]  }
0x2: {  	s1 =	rddreg [dreg:$0x1];
	s2 =	simm.s32 $0x0  }
0x3: {  	s6 =	srdreg.scid;
	s3 =	stileid.u32;
	s21 =	simm.s32 $0x3  }
0x4: {  	s28 =	simm.s32 $0x2;
	s29 =	simm.s32 $0x1380;
	s30 =	simm.s32 $0x2700  }
0x5: {  	s31 =	simm.s32 $0x2780;
	[smem:$0x7FF] =	sst s2;
	s4 =	sadd.s32 $0xBA00, s0  }
0x6: {  	s5 =	sadd.s32 $0x86800, s0;
	s11 =	sadd.s32 $0x81800, s0;
	s9 =	smul.u32 $0x500, s3  }
0x7: {  	s13 =	sand.u32 $0x1, s6;
	s14 =	sadd.s32 $0x6A00, s0;
	s10 =	smul.u32 $0x4E000, s3  }
0x8: {  	s6 =	sadd.s32 $0xADA00, s0;
	s15 =	smul.u32 $0x2700, s3;
	s7 =	sadd.s32 $0xD4C00, s0  }
0x9: {  	s22 =	smul.u32 $0x2800, s3;
	s17 =	sadd.s32 $0xAD800, s0;
	s0 =	sadd.s32 $0x32A00, s0  }
0xa: {  	p1 =	sne.s32 s3, $0xF;
	_ =	strace $0x80000050;
	[dreg:$0x4] =	wrdreg s17  }
0xb: {  	p2 =	seq.s32 s3, $0xF;
	s8 =	ssub.s32 $0x2, s13;
	[dreg:$0x6] =	wrdreg s0  }
0xc: {  	p0 =	sne.s32 s13, $0x0;
	s0 =	simm.s32 $0x0;
	s12 =	sshrl.u32 s8, $0x1  }
0xd: {  	s10 =	sshrl.u32 s10, $0x2;
	s16 =	sadd.s32 s5, s15;
	s23 =	sshrl.u32 s22, $0x3  }
0xe: {  	s25 =	sadd.s32 s4, s15;
	s26 =	sadd.s32 s7, s15;
	s19 =	sadd.s32 s6, s15  }
0xf: {  	s22 =	simm.s32 $0x1400;
	s20 =	ssub.s32 s8, s12;
	s8 =	sadd.s32 s11, s9  }
.Ltmp0:
0x10: {  	s9 =	sadd.s32 s14, s9;
	[dreg:$0x3] =	wrdreg s16;
	(pc) =	sbr.rel .LBB2_1-.Ltmp0, $4  }
0x11: {  	s10 =	sadd.s32 s10, s1;
	s12 =	sadd.s32 $0x138000, s1;
	[dreg:$0x5] =	wrdreg s25  }
0x12: {  	s24 =	sadd.s32 $0x280, s23;
	[dreg:$0x7] =	wrdreg s26;
	s23 =	simm.s32 $0x7D  }
0x13: {  	s25 =	simm.s32 $0x1;
	s26 =	simm.s32 $0x6800;
	s16 =	sadd.s32 s11, s24  }
0x14: {  	s17 =	sadd.s32 s14, s24;
	s20 =	smax.u32 s20, $0x1;
	s24 =	simm.s32 $0x2800  }
.LBB2_12:
0x15: {  	s13 =	sadd.s32 $0x27000, s13;
	s14 =	sshrl.u32 s12, $0x3  }
0x16: {  	[hbm:s13], [sflag:s11] =	dma.local [spmem:s14], $0x100  }
0x17: {  	_ =	swait.ge [sflag:s21], $0x100  }
0x18: {  	[sflag:s21] =	ssyncset.done $0x0  }
0x19: {  	[sflag:s21] =	ssyncadd.s32 $0xFFFFFF00  }
.LBB2_13:
0x1a: {  	s0 =	sadd.s32 $0x1, s0  }
0x1b: {  	p3 =	sne.s32 s0, s20  }
.Ltmp1:
0x1c: {  	_ = 	snop;
	(pc) =	sbr.rel @!p3 .LBB2_14-.Ltmp1, $1  }
0x1d: {  	_ =	sdelay $0x3  }
.LBB2_1:
0x1e: {  	[tilespmem:s2], [sflag:$0x3] =	stream.linear.gather [hbm4b:s8+s2], $0x1400, $0x38;
	[tilespmem:$0x1E080] =	vst v63  }
0x1f: {  	_ =	swait.ge [sflag:s21], $0x1400  }
0x20: {  	[sflag:s21] =	ssyncset.done $0x0  }
.Ltmp2:
0x21: {  	[sflag:s21] =	ssyncadd.s32 $0xFFFFEC00;
	(pc) =	sbr.rel @p0 .LBB2_7-.Ltmp2, $4  }
0x22: {  	[tilespmem:s22], [sflag:$0x3] =	stream.linear.gather [hbm4b:s9+s2], $0x1400, $0x38;
	[tilespmem:$0x1E080] =	vst v63  }
0x23: {  	_ =	swait.ge [sflag:s21], $0x1400  }
0x24: {  	s15 =	sshll.u32 s3, $0x6;
	s13 =	sshrl.u32 s10, $0x3;
	[sflag:s21] =	ssyncset.done $0x0  }
0x25: {  	s14 =	sshrl.u32 @!p1 s12, $0x3;
	s11 =	sor.u32 $0x1C03, s15;
	[sflag:s21] =	ssyncadd.s32 $0xFFFFEC00  }
0x26: {  	[tilespmem:s24], [sflag:$0x1] =	stream.indirect.gather [hbm4b:s4+s23], $0x80, s2, s23, $0xb8;
	[tilespmem:$0x1E080] =	vst v63  }
0x27: {  	s11 =	sor.u32 $0x1C03, s15;
	s18 =	rddreg [dreg:$0x5]  }
0x28: {  	[spmem:s13], [sflag:s11] =	dma.local [hbm:s18], $0x2700  }
0x29: {  	_ =	swait.ge [sflag:s21], $0x2700  }
0x2a: {  	[sflag:s21] =	ssyncset.done $0x0  }
0x2b: {  	s15 =	rddreg [dreg:$0x6];
	[sflag:s21] =	ssyncadd.s32 $0xFFFFD900  }
0x2c: {  	[spmem:s14], [sflag:s11] =	dma.local @!p1 [hbm:s15], $0x100  }
0x2d: {  	s14 =	simm.s32 @!p1 $0x3  }
0x2e: {  	_ =	swait.ge @!p1 [sflag:s14], $0x100  }
0x2f: {  	[sflag:s14] =	ssyncset.done @!p1 $0x0  }
0x30: {  	[sflag:s14] =	ssyncadd.s32 @!p1 $0xFFFFFF00  }
0x31: {  	[bflag:$0x0] =	sbarrier.arrive $0xFFFF  }
0x32: {  	_ =	swait.ge [sflag:s25], $0x3E80  }
0x33: {  	[sflag:s25] =	ssyncset.done $0x0  }
0x34: {  	s15 =	simm.s32 $0x80;
	[sflag:s25] =	ssyncadd.s32 $0xFFFFC180  }
0x35: {  	[tilespmem:s26], [sflag:$0x2] =	stream.indirect.gather [hbm4b:s4+s23], $0x80, s15, s23, $0xb8;
	[tilespmem:$0x1E080] =	vst v63  }
0x36: {  	s18 =	simm.s32 $0x1400  }
0x37: {  	[spmem:s1] =	stream.indirect.scatter.add.f32 [tilespmem:s24], [sflag:$0x3], $0x80, s18, s23, $0xb8;
	[tilespmem:$0x1E080] =	vst v63  }
0x38: {  	_ =	swait.ge [sflag:s21], $0x3E80  }
0x39: {  	[sflag:s21] =	ssyncset.done $0x0  }
0x3a: {  	[sflag:s21] =	ssyncadd.s32 $0xFFFFC180  }
0x3b: {  	_ =	swait.ge [sflag:s28], $0x3E80  }
0x3c: {  	[sflag:s28] =	ssyncset.done $0x0  }
0x3d: {  	s15 =	simm.s32 $0x100;
	[sflag:s28] =	ssyncadd.s32 $0xFFFFC180  }
0x3e: {  	[tilespmem:s24], [sflag:$0x1] =	stream.indirect.gather [hbm4b:s4+s23], $0x80, s15, s23, $0xb8;
	[tilespmem:$0x1E080] =	vst v63  }
0x3f: {  	s18 =	simm.s32 $0x1480  }
0x40: {  	[spmem:s1] =	stream.indirect.scatter.add.f32 [tilespmem:s26], [sflag:$0x3], $0x80, s18, s23, $0xb8;
	[tilespmem:$0x1E080] =	vst v63  }
0x41: {  	_ =	swait.ge [sflag:s21], $0x3E80  }
0x42: {  	s14 =	simm.s32 $0x400;
	[sflag:s21] =	ssyncset.done $0x0  }
.LBB2_3:
0x43: {  	p3 =	sne.s32 s14, $0x4800  }
0x44: {  	[sflag:s21] =	ssyncadd.s32 $0xFFFFC180;
	s15 =	smov.u32 s14;
	s14 =	sadd.s32 $0x400, s14  }
0x45: {  	_ = 	snop  }
0x46: {  	_ =	swait.ge [sflag:s25], $0x3E80  }
0x47: {  	s15 =	sshra.s32 s15, $0x2;
	[sflag:s25] =	ssyncset.done $0x0  }
0x48: {  	s18 =	sadd.s32 $0x80, s15;
	[sflag:s25] =	ssyncadd.s32 $0xFFFFC180  }
0x49: {  	[tilespmem:s26], [sflag:$0x2] =	stream.indirect.gather [hbm4b:s4+s23], $0x80, s18, s23, $0xb8;
	[tilespmem:$0x1E080] =	vst v63  }
0x4a: {  	s18 =	sadd.s32 $0x1400, s15  }
0x4b: {  	[spmem:s1] =	stream.indirect.scatter.add.f32 [tilespmem:s24], [sflag:$0x3], $0x80, s18, s23, $0xb8;
	[tilespmem:$0x1E080] =	vst v63  }
0x4c: {  	_ =	swait.ge [sflag:s21], $0x3E80  }
0x4d: {  	[sflag:s21] =	ssyncset.done $0x0  }
0x4e: {  	[sflag:s21] =	ssyncadd.s32 $0xFFFFC180  }
0x4f: {  	_ =	swait.ge [sflag:s28], $0x3E80  }
0x50: {  	[sflag:s28] =	ssyncset.done $0x0  }
0x51: {  	s18 =	sadd.s32 $0x100, s15;
	[sflag:s28] =	ssyncadd.s32 $0xFFFFC180  }
0x52: {  	[tilespmem:s24], [sflag:$0x1] =	stream.indirect.gather [hbm4b:s4+s23], $0x80, s18, s23, $0xb8;
	[tilespmem:$0x1E080] =	vst v63  }
.Ltmp3:
0x53: {  	_ = 	snop;
	(pc) =	sbr.rel @p3 .LBB2_3-.Ltmp3, $4  }
0x54: {  	s15 =	sadd.s32 $0x1480, s15  }
0x55: {  	[spmem:s1] =	stream.indirect.scatter.add.f32 [tilespmem:s26], [sflag:$0x3], $0x80, s15, s23, $0xb8;
	[tilespmem:$0x1E080] =	vst v63  }
0x56: {  	_ =	swait.ge [sflag:s21], $0x3E80  }
0x57: {  	[sflag:s21] =	ssyncset.done $0x0  }
0x58: {  	[sflag:s21] =	ssyncadd.s32 $0xFFFFC180  }
0x59: {  	_ =	swait.ge [sflag:s25], $0x3E80  }
0x5a: {  	[sflag:s25] =	ssyncset.done $0x0  }
0x5b: {  	[sflag:s25] =	ssyncadd.s32 $0xFFFFC180  }
0x5c: {  	[tilespmem:s26], [sflag:$0x2] =	stream.indirect.gather [hbm4b:s4+s23], $0x80, s29, s23, $0xb8;
	[tilespmem:$0x1E080] =	vst v63  }
0x5d: {  	_ = 	snop  }
0x5e: {  	[spmem:s1] =	stream.indirect.scatter.add.f32 [tilespmem:s24], [sflag:$0x3], $0x80, s30, s23, $0xb8;
	[tilespmem:$0x1E080] =	vst v63  }
0x5f: {  	_ =	swait.ge [sflag:s21], $0x3E80  }
0x60: {  	[sflag:s21] =	ssyncset.done $0x0  }
0x61: {  	[sflag:s21] =	ssyncadd.s32 $0xFFFFC180  }
0x62: {  	_ =	swait.ge [sflag:s28], $0x3E80  }
0x63: {  	[sflag:s28] =	ssyncset.done $0x0  }
0x64: {  	[sflag:s28] =	ssyncadd.s32 $0xFFFFC180  }
0x65: {  	[spmem:s1] =	stream.indirect.scatter.add.f32 [tilespmem:s26], [sflag:$0x3], $0x80, s31, s23, $0xb8;
	[tilespmem:$0x1E080] =	vst v63  }
0x66: {  	_ =	swait.ge [sflag:s21], $0x3E80  }
0x67: {  	[sflag:s21] =	ssyncset.done $0x0  }
0x68: {  	s14 =	simm.s32 $0x0;
	[sflag:s21] =	ssyncadd.s32 $0xFFFFC180  }
0x69: {  	[tilespmem:s14], [sflag:$0x3] =	stream.linear.gather [hbm4b:s16+s14], $0x1400, $0x38;
	[tilespmem:$0x1E080] =	vst v63  }
0x6a: {  	_ =	swait.ge [sflag:s21], $0x1400  }
0x6b: {  	[sflag:s21] =	ssyncset.done $0x0  }
0x6c: {  	[sflag:s21] =	ssyncadd.s32 $0xFFFFEC00  }
0x6d: {  	[tilespmem:s22], [sflag:$0x3] =	stream.linear.gather [hbm4b:s17+s14], $0x1400, $0x38;
	[tilespmem:$0x1E080] =	vst v63  }
0x6e: {  	_ =	swait.ge [sflag:s21], $0x1400  }
0x6f: {  	[sflag:s21] =	ssyncset.done $0x0  }
0x70: {  	[sflag:s21] =	ssyncadd.s32 $0xFFFFEC00  }
0x71: {  	[tilespmem:s24], [sflag:$0x1] =	stream.indirect.gather [hbm4b:s4+s23], $0x80, s14, s23, $0xb8;
	[tilespmem:$0x1E080] =	vst v63  }
0x72: {  	_ =	swait.ge [sflag:s25], $0x3E80  }
0x73: {  	[sflag:s25] =	ssyncset.done $0x0  }
0x74: {  	s15 =	simm.s32 $0x80;
	[sflag:s25] =	ssyncadd.s32 $0xFFFFC180  }
0x75: {  	[tilespmem:s26], [sflag:$0x2] =	stream.indirect.gather [hbm4b:s4+s23], $0x80, s15, s23, $0xb8;
	[tilespmem:$0x1E080] =	vst v63  }
0x76: {  	s18 =	simm.s32 $0x1400  }
0x77: {  	[spmem:s1] =	stream.indirect.scatter.add.f32 [tilespmem:s24], [sflag:$0x3], $0x80, s18, s23, $0xb8;
	[tilespmem:$0x1E080] =	vst v63  }
0x78: {  	_ =	swait.ge [sflag:s21], $0x3E80  }
0x79: {  	[sflag:s21] =	ssyncset.done $0x0  }
0x7a: {  	[sflag:s21] =	ssyncadd.s32 $0xFFFFC180  }
0x7b: {  	_ =	swait.ge [sflag:s28], $0x3E80  }
0x7c: {  	[sflag:s28] =	ssyncset.done $0x0  }
0x7d: {  	s15 =	simm.s32 $0x100;
	[sflag:s28] =	ssyncadd.s32 $0xFFFFC180  }
0x7e: {  	[tilespmem:s24], [sflag:$0x1] =	stream.indirect.gather [hbm4b:s4+s23], $0x80, s15, s23, $0xb8;
	[tilespmem:$0x1E080] =	vst v63  }
0x7f: {  	s18 =	simm.s32 $0x1480  }
0x80: {  	[spmem:s1] =	stream.indirect.scatter.add.f32 [tilespmem:s26], [sflag:$0x3], $0x80, s18, s23, $0xb8;
	[tilespmem:$0x1E080] =	vst v63  }
0x81: {  	_ =	swait.ge [sflag:s21], $0x3E80  }
0x82: {  	s14 =	simm.s32 $0x400;
	[sflag:s21] =	ssyncset.done $0x0  }
.LBB2_5:
0x83: {  	p3 =	sne.s32 s14, $0x4800  }
0x84: {  	[sflag:s21] =	ssyncadd.s32 $0xFFFFC180;
	s15 =	smov.u32 s14;
	s14 =	sadd.s32 $0x400, s14  }
0x85: {  	_ = 	snop  }
0x86: {  	_ =	swait.ge [sflag:s25], $0x3E80  }
0x87: {  	s15 =	sshra.s32 s15, $0x2;
	[sflag:s25] =	ssyncset.done $0x0  }
0x88: {  	s18 =	sadd.s32 $0x80, s15;
	[sflag:s25] =	ssyncadd.s32 $0xFFFFC180  }
0x89: {  	[tilespmem:s26], [sflag:$0x2] =	stream.indirect.gather [hbm4b:s4+s23], $0x80, s18, s23, $0xb8;
	[tilespmem:$0x1E080] =	vst v63  }
0x8a: {  	s18 =	sadd.s32 $0x1400, s15  }
0x8b: {  	[spmem:s1] =	stream.indirect.scatter.add.f32 [tilespmem:s24], [sflag:$0x3], $0x80, s18, s23, $0xb8;
	[tilespmem:$0x1E080] =	vst v63  }
0x8c: {  	_ =	swait.ge [sflag:s21], $0x3E80  }
0x8d: {  	[sflag:s21] =	ssyncset.done $0x0  }
0x8e: {  	[sflag:s21] =	ssyncadd.s32 $0xFFFFC180  }
0x8f: {  	_ =	swait.ge [sflag:s28], $0x3E80  }
0x90: {  	[sflag:s28] =	ssyncset.done $0x0  }
0x91: {  	s18 =	sadd.s32 $0x100, s15;
	[sflag:s28] =	ssyncadd.s32 $0xFFFFC180  }
0x92: {  	[tilespmem:s24], [sflag:$0x1] =	stream.indirect.gather [hbm4b:s4+s23], $0x80, s18, s23, $0xb8;
	[tilespmem:$0x1E080] =	vst v63  }
.Ltmp4:
0x93: {  	_ = 	snop;
	(pc) =	sbr.rel @p3 .LBB2_5-.Ltmp4, $4  }
0x94: {  	s15 =	sadd.s32 $0x1480, s15  }
0x95: {  	[spmem:s1] =	stream.indirect.scatter.add.f32 [tilespmem:s26], [sflag:$0x3], $0x80, s15, s23, $0xb8;
	[tilespmem:$0x1E080] =	vst v63  }
0x96: {  	_ =	swait.ge [sflag:s21], $0x3E80  }
0x97: {  	[sflag:s21] =	ssyncset.done $0x0  }
0x98: {  	[sflag:s21] =	ssyncadd.s32 $0xFFFFC180  }
0x99: {  	_ =	swait.ge [sflag:s25], $0x3E80  }
0x9a: {  	[sflag:s25] =	ssyncset.done $0x0  }
0x9b: {  	[sflag:s25] =	ssyncadd.s32 $0xFFFFC180  }
0x9c: {  	[tilespmem:s26], [sflag:$0x2] =	stream.indirect.gather [hbm4b:s4+s23], $0x80, s29, s23, $0xb8;
	[tilespmem:$0x1E080] =	vst v63  }
0x9d: {  	_ = 	snop  }
0x9e: {  	[spmem:s1] =	stream.indirect.scatter.add.f32 [tilespmem:s24], [sflag:$0x3], $0x80, s30, s23, $0xb8;
	[tilespmem:$0x1E080] =	vst v63  }
0x9f: {  	_ =	swait.ge [sflag:s21], $0x3E80  }
0xa0: {  	[sflag:s21] =	ssyncset.done $0x0  }
0xa1: {  	[sflag:s21] =	ssyncadd.s32 $0xFFFFC180  }
0xa2: {  	_ =	swait.ge [sflag:s28], $0x3E80  }
0xa3: {  	[sflag:s28] =	ssyncset.done $0x0  }
0xa4: {  	[sflag:s28] =	ssyncadd.s32 $0xFFFFC180  }
0xa5: {  	[spmem:s1] =	stream.indirect.scatter.add.f32 [tilespmem:s26], [sflag:$0x3], $0x80, s31, s23, $0xb8;
	[tilespmem:$0x1E080] =	vst v63  }
0xa6: {  	_ =	swait.ge [sflag:s21], $0x3E80  }
0xa7: {  	[sflag:s21] =	ssyncset.done $0x0  }
0xa8: {  	[sflag:s21] =	ssyncadd.s32 $0xFFFFC180  }
0xa9: {  	[bflag:$0x0] =	sbarrier.arrive $0xFFFF  }
0xaa: {  	[hbm:s19], [sflag:s11] =	dma.local [spmem:s13], $0x2700  }
.Ltmp5:
0xab: {  	_ = 	snop;
	(pc) =	sbr.rel @p2 .LBB2_12-.Ltmp5, $4  }
.Ltmp6:
0xac: {  	_ = 	snop;
	(pc) =	sbr.rel @!p2 .LBB2_13-.Ltmp6, $4  }
0xad: {  	_ =	swait.ge [sflag:s21], $0x2700  }
0xae: {  	[sflag:s21] =	ssyncset.done $0x0  }
0xaf: {  	s13 =	smov.u32 s6;
	[sflag:s21] =	ssyncadd.s32 $0xFFFFD900  }
0xb0: {  	_ = 	snop  }
.LBB2_7:
0xb1: {  	[tilespmem:s24], [sflag:$0x1] =	stream.indirect.gather [hbm4b:s5+s23], $0x80, s2, s23, $0xb8;
	[tilespmem:$0x1E080] =	vst v63  }
0xb2: {  	s15 =	rddreg [dreg:$0x3]  }
0xb3: {  	[spmem:s13], [sflag:s11] =	dma.local [hbm:s15], $0x2700  }
0xb4: {  	_ =	swait.ge [sflag:s21], $0x2700  }
0xb5: {  	[sflag:s21] =	ssyncset.done $0x0  }
0xb6: {  	s15 =	rddreg [dreg:$0x4];
	[sflag:s21] =	ssyncadd.s32 $0xFFFFD900  }
0xb7: {  	[spmem:s14], [sflag:s11] =	dma.local @!p1 [hbm:s15], $0x100  }
0xb8: {  	s14 =	simm.s32 @!p1 $0x3  }
0xb9: {  	_ =	swait.ge @!p1 [sflag:s14], $0x100  }
0xba: {  	[sflag:s14] =	ssyncset.done @!p1 $0x0  }
0xbb: {  	[sflag:s14] =	ssyncadd.s32 @!p1 $0xFFFFFF00  }
0xbc: {  	[bflag:$0x0] =	sbarrier.arrive $0xFFFF  }
0xbd: {  	_ =	swait.ge [sflag:s25], $0x3E80  }
0xbe: {  	[sflag:s25] =	ssyncset.done $0x0  }
0xbf: {  	s15 =	simm.s32 $0x80;
	[sflag:s25] =	ssyncadd.s32 $0xFFFFC180  }
0xc0: {  	[tilespmem:s26], [sflag:$0x2] =	stream.indirect.gather [hbm4b:s5+s23], $0x80, s15, s23, $0xb8;
	[tilespmem:$0x1E080] =	vst v63  }
0xc1: {  	s18 =	simm.s32 $0x1400  }
0xc2: {  	[spmem:s1] =	stream.indirect.scatter.add.f32 [tilespmem:s24], [sflag:$0x3], $0x80, s18, s23, $0xb8;
	[tilespmem:$0x1E080] =	vst v63  }
0xc3: {  	_ =	swait.ge [sflag:s21], $0x3E80  }
0xc4: {  	[sflag:s21] =	ssyncset.done $0x0  }
0xc5: {  	[sflag:s21] =	ssyncadd.s32 $0xFFFFC180  }
0xc6: {  	_ =	swait.ge [sflag:s28], $0x3E80  }
0xc7: {  	[sflag:s28] =	ssyncset.done $0x0  }
0xc8: {  	s15 =	simm.s32 $0x100;
	[sflag:s28] =	ssyncadd.s32 $0xFFFFC180  }
0xc9: {  	[tilespmem:s24], [sflag:$0x1] =	stream.indirect.gather [hbm4b:s5+s23], $0x80, s15, s23, $0xb8;
	[tilespmem:$0x1E080] =	vst v63  }
0xca: {  	s18 =	simm.s32 $0x1480  }
0xcb: {  	[spmem:s1] =	stream.indirect.scatter.add.f32 [tilespmem:s26], [sflag:$0x3], $0x80, s18, s23, $0xb8;
	[tilespmem:$0x1E080] =	vst v63  }
0xcc: {  	_ =	swait.ge [sflag:s21], $0x3E80  }
0xcd: {  	s14 =	simm.s32 $0x400;
	[sflag:s21] =	ssyncset.done $0x0  }
.LBB2_8:
0xce: {  	p3 =	sne.s32 s14, $0x4800  }
0xcf: {  	[sflag:s21] =	ssyncadd.s32 $0xFFFFC180;
	s15 =	smov.u32 s14;
	s14 =	sadd.s32 $0x400, s14  }
0xd0: {  	_ = 	snop  }
0xd1: {  	_ =	swait.ge [sflag:s25], $0x3E80  }
0xd2: {  	s15 =	sshra.s32 s15, $0x2;
	[sflag:s25] =	ssyncset.done $0x0  }
0xd3: {  	s18 =	sadd.s32 $0x80, s15;
	[sflag:s25] =	ssyncadd.s32 $0xFFFFC180  }
0xd4: {  	[tilespmem:s26], [sflag:$0x2] =	stream.indirect.gather [hbm4b:s5+s23], $0x80, s18, s23, $0xb8;
	[tilespmem:$0x1E080] =	vst v63  }
0xd5: {  	s18 =	sadd.s32 $0x1400, s15  }
0xd6: {  	[spmem:s1] =	stream.indirect.scatter.add.f32 [tilespmem:s24], [sflag:$0x3], $0x80, s18, s23, $0xb8;
	[tilespmem:$0x1E080] =	vst v63  }
0xd7: {  	_ =	swait.ge [sflag:s21], $0x3E80  }
0xd8: {  	[sflag:s21] =	ssyncset.done $0x0  }
0xd9: {  	[sflag:s21] =	ssyncadd.s32 $0xFFFFC180  }
0xda: {  	_ =	swait.ge [sflag:s28], $0x3E80  }
0xdb: {  	[sflag:s28] =	ssyncset.done $0x0  }
0xdc: {  	s18 =	sadd.s32 $0x100, s15;
	[sflag:s28] =	ssyncadd.s32 $0xFFFFC180  }
0xdd: {  	[tilespmem:s24], [sflag:$0x1] =	stream.indirect.gather [hbm4b:s5+s23], $0x80, s18, s23, $0xb8;
	[tilespmem:$0x1E080] =	vst v63  }
.Ltmp7:
0xde: {  	_ = 	snop;
	(pc) =	sbr.rel @p3 .LBB2_8-.Ltmp7, $4  }
0xdf: {  	s15 =	sadd.s32 $0x1480, s15  }
0xe0: {  	[spmem:s1] =	stream.indirect.scatter.add.f32 [tilespmem:s26], [sflag:$0x3], $0x80, s15, s23, $0xb8;
	[tilespmem:$0x1E080] =	vst v63  }
0xe1: {  	_ =	swait.ge [sflag:s21], $0x3E80  }
0xe2: {  	[sflag:s21] =	ssyncset.done $0x0  }
0xe3: {  	[sflag:s21] =	ssyncadd.s32 $0xFFFFC180  }
0xe4: {  	_ =	swait.ge [sflag:s25], $0x3E80  }
0xe5: {  	[sflag:s25] =	ssyncset.done $0x0  }
0xe6: {  	[sflag:s25] =	ssyncadd.s32 $0xFFFFC180  }
0xe7: {  	[tilespmem:s26], [sflag:$0x2] =	stream.indirect.gather [hbm4b:s5+s23], $0x80, s29, s23, $0xb8;
	[tilespmem:$0x1E080] =	vst v63  }
0xe8: {  	_ = 	snop  }
0xe9: {  	[spmem:s1] =	stream.indirect.scatter.add.f32 [tilespmem:s24], [sflag:$0x3], $0x80, s30, s23, $0xb8;
	[tilespmem:$0x1E080] =	vst v63  }
0xea: {  	_ =	swait.ge [sflag:s21], $0x3E80  }
0xeb: {  	[sflag:s21] =	ssyncset.done $0x0  }
0xec: {  	[sflag:s21] =	ssyncadd.s32 $0xFFFFC180  }
0xed: {  	_ =	swait.ge [sflag:s28], $0x3E80  }
0xee: {  	[sflag:s28] =	ssyncset.done $0x0  }
0xef: {  	[sflag:s28] =	ssyncadd.s32 $0xFFFFC180  }
0xf0: {  	[spmem:s1] =	stream.indirect.scatter.add.f32 [tilespmem:s26], [sflag:$0x3], $0x80, s31, s23, $0xb8;
	[tilespmem:$0x1E080] =	vst v63  }
0xf1: {  	_ =	swait.ge [sflag:s21], $0x3E80  }
0xf2: {  	[sflag:s21] =	ssyncset.done $0x0  }
0xf3: {  	s14 =	simm.s32 $0x0;
	[sflag:s21] =	ssyncadd.s32 $0xFFFFC180  }
0xf4: {  	[tilespmem:s14], [sflag:$0x3] =	stream.linear.gather [hbm4b:s16+s14], $0x1400, $0x38;
	[tilespmem:$0x1E080] =	vst v63  }
0xf5: {  	_ =	swait.ge [sflag:s21], $0x1400  }
0xf6: {  	[sflag:s21] =	ssyncset.done $0x0  }
0xf7: {  	[sflag:s21] =	ssyncadd.s32 $0xFFFFEC00  }
0xf8: {  	[tilespmem:s22], [sflag:$0x3] =	stream.linear.gather [hbm4b:s17+s14], $0x1400, $0x38;
	[tilespmem:$0x1E080] =	vst v63  }
0xf9: {  	_ =	swait.ge [sflag:s21], $0x1400  }
0xfa: {  	[sflag:s21] =	ssyncset.done $0x0  }
0xfb: {  	[sflag:s21] =	ssyncadd.s32 $0xFFFFEC00  }
0xfc: {  	[tilespmem:s24], [sflag:$0x1] =	stream.indirect.gather [hbm4b:s5+s23], $0x80, s14, s23, $0xb8;
	[tilespmem:$0x1E080] =	vst v63  }
0xfd: {  	_ =	swait.ge [sflag:s25], $0x3E80  }
0xfe: {  	[sflag:s25] =	ssyncset.done $0x0  }
0xff: {  	s15 =	simm.s32 $0x80;
	[sflag:s25] =	ssyncadd.s32 $0xFFFFC180  }
0x100: {  	[tilespmem:s26], [sflag:$0x2] =	stream.indirect.gather [hbm4b:s5+s23], $0x80, s15, s23, $0xb8;
	[tilespmem:$0x1E080] =	vst v63  }
0x101: {  	s18 =	simm.s32 $0x1400  }
0x102: {  	[spmem:s1] =	stream.indirect.scatter.add.f32 [tilespmem:s24], [sflag:$0x3], $0x80, s18, s23, $0xb8;
	[tilespmem:$0x1E080] =	vst v63  }
0x103: {  	_ =	swait.ge [sflag:s21], $0x3E80  }
0x104: {  	[sflag:s21] =	ssyncset.done $0x0  }
0x105: {  	[sflag:s21] =	ssyncadd.s32 $0xFFFFC180  }
0x106: {  	_ =	swait.ge [sflag:s28], $0x3E80  }
0x107: {  	[sflag:s28] =	ssyncset.done $0x0  }
0x108: {  	s15 =	simm.s32 $0x100;
	[sflag:s28] =	ssyncadd.s32 $0xFFFFC180  }
0x109: {  	[tilespmem:s24], [sflag:$0x1] =	stream.indirect.gather [hbm4b:s5+s23], $0x80, s15, s23, $0xb8;
	[tilespmem:$0x1E080] =	vst v63  }
0x10a: {  	s18 =	simm.s32 $0x1480  }
0x10b: {  	[spmem:s1] =	stream.indirect.scatter.add.f32 [tilespmem:s26], [sflag:$0x3], $0x80, s18, s23, $0xb8;
	[tilespmem:$0x1E080] =	vst v63  }
0x10c: {  	_ =	swait.ge [sflag:s21], $0x3E80  }
0x10d: {  	s14 =	simm.s32 $0x400;
	[sflag:s21] =	ssyncset.done $0x0  }
.LBB2_10:
0x10e: {  	p3 =	sne.s32 s14, $0x4800  }
0x10f: {  	[sflag:s21] =	ssyncadd.s32 $0xFFFFC180;
	s15 =	smov.u32 s14;
	s14 =	sadd.s32 $0x400, s14  }
0x110: {  	_ = 	snop  }
0x111: {  	_ =	swait.ge [sflag:s25], $0x3E80  }
0x112: {  	s15 =	sshra.s32 s15, $0x2;
	[sflag:s25] =	ssyncset.done $0x0  }
0x113: {  	s18 =	sadd.s32 $0x80, s15;
	[sflag:s25] =	ssyncadd.s32 $0xFFFFC180  }
0x114: {  	[tilespmem:s26], [sflag:$0x2] =	stream.indirect.gather [hbm4b:s5+s23], $0x80, s18, s23, $0xb8;
	[tilespmem:$0x1E080] =	vst v63  }
0x115: {  	s18 =	sadd.s32 $0x1400, s15  }
0x116: {  	[spmem:s1] =	stream.indirect.scatter.add.f32 [tilespmem:s24], [sflag:$0x3], $0x80, s18, s23, $0xb8;
	[tilespmem:$0x1E080] =	vst v63  }
0x117: {  	_ =	swait.ge [sflag:s21], $0x3E80  }
0x118: {  	[sflag:s21] =	ssyncset.done $0x0  }
0x119: {  	[sflag:s21] =	ssyncadd.s32 $0xFFFFC180  }
0x11a: {  	_ =	swait.ge [sflag:s28], $0x3E80  }
0x11b: {  	[sflag:s28] =	ssyncset.done $0x0  }
0x11c: {  	s18 =	sadd.s32 $0x100, s15;
	[sflag:s28] =	ssyncadd.s32 $0xFFFFC180  }
0x11d: {  	[tilespmem:s24], [sflag:$0x1] =	stream.indirect.gather [hbm4b:s5+s23], $0x80, s18, s23, $0xb8;
	[tilespmem:$0x1E080] =	vst v63  }
.Ltmp8:
0x11e: {  	_ = 	snop;
	(pc) =	sbr.rel @p3 .LBB2_10-.Ltmp8, $4  }
0x11f: {  	s15 =	sadd.s32 $0x1480, s15  }
0x120: {  	[spmem:s1] =	stream.indirect.scatter.add.f32 [tilespmem:s26], [sflag:$0x3], $0x80, s15, s23, $0xb8;
	[tilespmem:$0x1E080] =	vst v63  }
0x121: {  	_ =	swait.ge [sflag:s21], $0x3E80  }
0x122: {  	[sflag:s21] =	ssyncset.done $0x0  }
0x123: {  	[sflag:s21] =	ssyncadd.s32 $0xFFFFC180  }
0x124: {  	_ =	swait.ge [sflag:s25], $0x3E80  }
0x125: {  	[sflag:s25] =	ssyncset.done $0x0  }
0x126: {  	[sflag:s25] =	ssyncadd.s32 $0xFFFFC180  }
0x127: {  	[tilespmem:s26], [sflag:$0x2] =	stream.indirect.gather [hbm4b:s5+s23], $0x80, s29, s23, $0xb8;
	[tilespmem:$0x1E080] =	vst v63  }
0x128: {  	_ = 	snop  }
0x129: {  	[spmem:s1] =	stream.indirect.scatter.add.f32 [tilespmem:s24], [sflag:$0x3], $0x80, s30, s23, $0xb8;
	[tilespmem:$0x1E080] =	vst v63  }
0x12a: {  	_ =	swait.ge [sflag:s21], $0x3E80  }
0x12b: {  	[sflag:s21] =	ssyncset.done $0x0  }
0x12c: {  	[sflag:s21] =	ssyncadd.s32 $0xFFFFC180  }
0x12d: {  	_ =	swait.ge [sflag:s28], $0x3E80  }
0x12e: {  	[sflag:s28] =	ssyncset.done $0x0  }
0x12f: {  	[sflag:s28] =	ssyncadd.s32 $0xFFFFC180  }
0x130: {  	[spmem:s1] =	stream.indirect.scatter.add.f32 [tilespmem:s26], [sflag:$0x3], $0x80, s31, s23, $0xb8;
	[tilespmem:$0x1E080] =	vst v63  }
0x131: {  	_ =	swait.ge [sflag:s21], $0x3E80  }
0x132: {  	[sflag:s21] =	ssyncset.done $0x0  }
0x133: {  	[sflag:s21] =	ssyncadd.s32 $0xFFFFC180  }
0x134: {  	[bflag:$0x0] =	sbarrier.arrive $0xFFFF  }
0x135: {  	s14 =	rddreg [dreg:$0x7]  }
0x136: {  	[hbm:s14], [sflag:s11] =	dma.local [spmem:s13], $0x2700  }
.Ltmp9:
0x137: {  	_ = 	snop;
	(pc) =	sbr.rel @p1 .LBB2_13-.Ltmp9, $4  }
.Ltmp10:
0x138: {  	_ = 	snop;
	(pc) =	sbr.rel @!p1 .LBB2_12-.Ltmp10, $4  }
0x139: {  	_ =	swait.ge [sflag:s21], $0x2700  }
0x13a: {  	[sflag:s21] =	ssyncset.done $0x0  }
0x13b: {  	s13 =	smov.u32 s7;
	[sflag:s21] =	ssyncadd.s32 $0xFFFFD900  }
0x13c: {  	_ = 	snop  }
.LBB2_14:
0x13d: {  	_ =	sfence.sel $0x180000  }
0x13e: {  	[bflag:$0x0] =	sbarrier.arrive $0xFFFF  }
0x13f: {  	_ =	strace $0x90000050  }
0x140: {  	[bflag:$0x2] =	sbarrier.arrive $0xFFFF  }
0x141: {  	p0 =	sne.s32 s3, $0x0;
	s0 =	rddreg [dreg:$0x2]  }
0x142: {  	s0 =	sadd.s32 @!p0 $0x100000, s0  }
0x143: {  	[sflag:s0] =	ssyncadd.tile.s32 @!p0 $0x1;
	_ =	shalt  }
.Lfunc_end2:
_tile_overlayer_lowered:
.L_overlay_start_2:
0x144: {  	(tag) =	ssettag $0x2  }
0x145: {  	s0 =	rddreg [dreg:$0x0];
	s2 =	stileid.u32  }
0x146: {  	s1 =	rddreg [dreg:$0x1];
	p0 =	sne.s32 s2, $0x0  }
0x147: {  	s3 =	rddreg [dreg:$0x2];
	[bflag:$0x3] =	sbarrier.arrive $0xFFFF;
	s2 =	simm.s32 @!p0 $0x1C03  }
0x148: {  	[timem:s3], [sflag:s2] =	dma.local @!p0 [hbm:s0], s1  }
0x149: {  	s0 =	simm.s32 @!p0 $0x3  }
0x14a: {  	_ =	swait.ge @!p0 [sflag:s0], s1  }
0x14b: {  	s1 =	ssub.s32 @!p0 $0x0, s1;
	[sflag:s0] =	ssyncset.done @!p0 $0x0  }
0x14c: {  	[sflag:s0] =	ssyncadd.s32 @!p0 s1  }
0x14d: {  	[bflag:$0x3] =	sbarrier.arrive $0xFFFF  }
0x14e: {  	_ =	shalt  }

</sc_bundles>
